<compile_context>
chip_gen: v7x
topology: tpu7x:2x2x1
jax: 0.10.2.dev20260603
libtpu: 0.0.44.dev20260713+nightly
codegen_flags: <defaults>
</compile_context>

<pallas_src>
import jax
import jax.numpy as jnp
from jax import lax
from jax.experimental import pallas as pl
from jax.experimental.pallas import tpu as pltpu
from jax.experimental.pallas import tpu_sc as plsc

_N = 10000
_E = 320000
_G = 64
_H = 128
_OUT = 128

_NC = 2
_NS = 16
_NW = _NC * _NS
_CH = 128
_NCHUNK = _E // _CH
_NP = 10112
_RB = 128
_NBLK = _NP // _RB
_SEGL = 10112


def _seg_sum_body(x_hbm, edge_hbm, zero_hbm, out_hbm,
                  src_v0, src_v1, dst_v0, dst_v1, rows_v0, rows_v1, zbuf, acc,
                  gsem0, gsem1, ssem0, ssem1, dsem0, dsem1):
    cid = lax.axis_index("c")
    sid = lax.axis_index("s")
    wid = sid * _NC + cid
    srcs = (src_v0, src_v1)
    dsts = (dst_v0, dst_v1)
    rows = (rows_v0, rows_v1)
    gsems = (gsem0, gsem1)
    ssems = (ssem0, ssem1)
    dsems = (dsem0, dsem1)

    nb = (_NBLK - sid + _NS - 1) // _NS
    pltpu.sync_copy(zero_hbm.at[pl.ds(0, _RB)], zbuf)

    def init_step(k, carry):
        base = (sid + k * _NS) * _RB
        pltpu.sync_copy(zbuf, acc.at[pl.ds(base, _RB)])
        return carry

    lax.fori_loop(0, nb, init_step, 0)
    plsc.subcore_barrier()

    nt = (_NCHUNK - wid + _NW - 1) // _NW

    def cbase(t):
        return (wid + t * _NW) * _CH

    for b in range(2):
        pltpu.async_copy(edge_hbm.at[1, pl.ds(cbase(b), _CH)], dsts[b],
                         dsems[b])
        pltpu.async_copy(edge_hbm.at[0, pl.ds(cbase(b), _CH)], srcs[b],
                         ssems[b])
    pltpu.make_async_copy(edge_hbm.at[0, pl.ds(cbase(0), _CH)], srcs[0],
                          ssems[0]).wait()
    pltpu.async_copy(x_hbm.at[srcs[0]], rows[0], gsems[0])

    def pair(j, carry):
        for b in range(2):
            t = 2 * j + b

            @pl.when(t < nt)
            def _step():
                @pl.when(t + 1 < nt)
                def _issue_next():
                    pltpu.make_async_copy(
                        edge_hbm.at[0, pl.ds(cbase(t + 1), _CH)],
                        srcs[1 - b], ssems[1 - b]).wait()
                    pltpu.async_copy(x_hbm.at[srcs[1 - b]], rows[1 - b],
                                     gsems[1 - b])

                pltpu.make_async_copy(x_hbm.at[srcs[b]], rows[b],
                                      gsems[b]).wait()
                pltpu.make_async_copy(edge_hbm.at[1, pl.ds(cbase(t), _CH)],
                                      dsts[b], dsems[b]).wait()
                pltpu.sync_copy(rows[b], acc.at[dsts[b]], add=True)

                @pl.when(t + 2 < nt)
                def _prefetch():
                    pltpu.async_copy(edge_hbm.at[1, pl.ds(cbase(t + 2), _CH)],
                                     dsts[b], dsems[b])
                    pltpu.async_copy(edge_hbm.at[0, pl.ds(cbase(t + 2), _CH)],
                                     srcs[b], ssems[b])
        return carry

    lax.fori_loop(0, (nt + 1) // 2, pair, 0)
    plsc.subcore_barrier()

    def wb_step(k, carry):
        base = (sid + k * _NS) * _RB
        pltpu.sync_copy(acc.at[pl.ds(base, _RB)], zbuf)
        pltpu.sync_copy(zbuf, out_hbm.at[cid, pl.ds(base, _RB)])
        return carry

    lax.fori_loop(0, nb, wb_step, 0)


def _make_seg_sum():
    mesh = plsc.VectorSubcoreMesh(core_axis_name="c", subcore_axis_name="s")
    return pl.kernel(
        _seg_sum_body,
        out_type=jax.ShapeDtypeStruct((_NC, _NP, _H), jnp.float32),
        mesh=mesh,
        scratch_types=[
            pltpu.VMEM((_CH,), jnp.int32),
            pltpu.VMEM((_CH,), jnp.int32),
            pltpu.VMEM((_CH,), jnp.int32),
            pltpu.VMEM((_CH,), jnp.int32),
            pltpu.VMEM((_CH, _H), jnp.float32),
            pltpu.VMEM((_CH, _H), jnp.float32),
            pltpu.VMEM((_RB, _H), jnp.float32),
            pltpu.VMEM_SHARED((_NP, _H), jnp.float32),
            pltpu.SemaphoreType.DMA,
            pltpu.SemaphoreType.DMA,
            pltpu.SemaphoreType.DMA,
            pltpu.SemaphoreType.DMA,
            pltpu.SemaphoreType.DMA,
            pltpu.SemaphoreType.DMA,
        ],
        name="sc_seg_sum",
    )


def _compact_body(edge_hbm, km_hbm, pad0_hbm, padn_hbm,
                  csrc_hbm, cdst_hbm, ccnt_hbm,
                  src_v0, src_v1, dst_v0, dst_v1, km_v, csrc_v, cdst_v, cnt_v,
                  ssem0, ssem1, dsem0, dsem1):
    cid = lax.axis_index("c")
    sid = lax.axis_index("s")
    wid = sid * _NC + cid
    srcs = (src_v0, src_v1)
    dsts = (dst_v0, dst_v1)
    ssems = (ssem0, ssem1)
    dsems = (dsem0, dsem1)

    pltpu.sync_copy(km_hbm, km_v)
    pltpu.sync_copy(pad0_hbm, csrc_v)
    pltpu.sync_copy(padn_hbm, cdst_v)

    nt = (_NCHUNK - wid + _NW - 1) // _NW

    def cbase(t):
        return (wid + t * _NW) * _CH

    for b in range(2):
        pltpu.async_copy(edge_hbm.at[0, pl.ds(cbase(b), _CH)], srcs[b],
                         ssems[b])
        pltpu.async_copy(edge_hbm.at[1, pl.ds(cbase(b), _CH)], dsts[b],
                         dsems[b])

    def chunk(t, b, cur):
        pltpu.make_async_copy(edge_hbm.at[0, pl.ds(cbase(t), _CH)],
                              srcs[b], ssems[b]).wait()
        pltpu.make_async_copy(edge_hbm.at[1, pl.ds(cbase(t), _CH)],
                              dsts[b], dsems[b]).wait()
        for k in range(_CH // 16):
            sv = srcs[b][pl.ds(k * 16, 16)]
            dv = dsts[b][pl.ds(k * 16, 16)]
            ks = plsc.load_gather(km_v, [sv])
            kd = plsc.load_gather(km_v, [dv])
            m = (ks * kd) > 0.0
            plsc.store_compressed(csrc_v.at[pl.ds(cur, 16)], sv, mask=m)
            plsc.store_compressed(cdst_v.at[pl.ds(cur, 16)], dv, mask=m)
            cur = cur + plsc.all_reduce_population_count(m)[0]

        @pl.when(t + 2 < nt)
        def _prefetch():
            pltpu.async_copy(edge_hbm.at[0, pl.ds(cbase(t + 2), _CH)],
                             srcs[b], ssems[b])
            pltpu.async_copy(edge_hbm.at[1, pl.ds(cbase(t + 2), _CH)],
                             dsts[b], dsems[b])
        return cur

    def pair(j, cur):
        for b in range(2):
            cur = chunk(2 * j + b, b, cur)
        return cur

    cur = lax.fori_loop(0, 39, pair, jnp.int32(0))
    cur = lax.cond(78 < nt, lambda c: chunk(78, 0, c), lambda c: c, cur)

    for k in range(8):
        cnt_v[pl.ds(k * 16, 16)] = jnp.full((16,), cur, jnp.int32)
    pltpu.sync_copy(csrc_v, csrc_hbm.at[wid])
    pltpu.sync_copy(cdst_v, cdst_hbm.at[wid])
    pltpu.sync_copy(cnt_v, ccnt_hbm.at[wid])


def _make_compact():
    mesh = plsc.VectorSubcoreMesh(core_axis_name="c", subcore_axis_name="s")
    return pl.kernel(
        _compact_body,
        out_type=(jax.ShapeDtypeStruct((_NW, _SEGL), jnp.int32),
                  jax.ShapeDtypeStruct((_NW, _SEGL), jnp.int32),
                  jax.ShapeDtypeStruct((_NW, 128), jnp.int32)),
        mesh=mesh,
        scratch_types=[
            pltpu.VMEM((_CH,), jnp.int32),
            pltpu.VMEM((_CH,), jnp.int32),
            pltpu.VMEM((_CH,), jnp.int32),
            pltpu.VMEM((_CH,), jnp.int32),
            pltpu.VMEM((_N,), jnp.float32),
            pltpu.VMEM((_SEGL,), jnp.int32),
            pltpu.VMEM((_SEGL,), jnp.int32),
            pltpu.VMEM((128,), jnp.int32),
            pltpu.SemaphoreType.DMA,
            pltpu.SemaphoreType.DMA,
            pltpu.SemaphoreType.DMA,
            pltpu.SemaphoreType.DMA,
        ],
        compiler_params=pltpu.CompilerParams(needs_layout_passes=False),
        name="sc_compact",
    )


def _seg_sum_c_body(x_hbm, csrc_hbm, cdst_hbm, ccnt_hbm, zero_hbm, out_hbm,
                    src_v0, src_v1, dst_v0, dst_v1, rows_v0, rows_v1, cnt_v,
                    zbuf, acc, gsem0, gsem1, ssem0, ssem1, dsem0, dsem1):
    cid = lax.axis_index("c")
    sid = lax.axis_index("s")
    wid = sid * _NC + cid
    srcs = (src_v0, src_v1)
    dsts = (dst_v0, dst_v1)
    rows = (rows_v0, rows_v1)
    gsems = (gsem0, gsem1)
    ssems = (ssem0, ssem1)
    dsems = (dsem0, dsem1)

    nb = (_NBLK - sid + _NS - 1) // _NS
    pltpu.sync_copy(zero_hbm.at[pl.ds(0, _RB)], zbuf)

    def init_step(k, carry):
        base = (sid + k * _NS) * _RB
        pltpu.sync_copy(zbuf, acc.at[pl.ds(base, _RB)])
        return carry

    lax.fori_loop(0, nb, init_step, 0)
    pltpu.sync_copy(ccnt_hbm.at[wid], cnt_v)
    plsc.subcore_barrier()

    cnt = cnt_v[...][0]
    nt = (cnt + _CH - 1) // _CH

    for b in range(2):
        @pl.when(b < nt)
        def _pro():
            pltpu.async_copy(cdst_hbm.at[wid, pl.ds(b * _CH, _CH)], dsts[b],
                             dsems[b])
            pltpu.async_copy(csrc_hbm.at[wid, pl.ds(b * _CH, _CH)], srcs[b],
                             ssems[b])

    @pl.when(0 < nt)
    def _pro_g():
        pltpu.make_async_copy(csrc_hbm.at[wid, pl.ds(0, _CH)], srcs[0],
                              ssems[0]).wait()
        pltpu.async_copy(x_hbm.at[srcs[0]], rows[0], gsems[0])

    def pair(j, carry):
        for b in range(2):
            t = 2 * j + b

            @pl.when(t < nt)
            def _step():
                @pl.when(t + 1 < nt)
                def _issue_next():
                    pltpu.make_async_copy(
                        csrc_hbm.at[wid, pl.ds((t + 1) * _CH, _CH)],
                        srcs[1 - b], ssems[1 - b]).wait()
                    pltpu.async_copy(x_hbm.at[srcs[1 - b]], rows[1 - b],
                                     gsems[1 - b])

                pltpu.make_async_copy(x_hbm.at[srcs[b]], rows[b],
                                      gsems[b]).wait()
                pltpu.make_async_copy(cdst_hbm.at[wid, pl.ds(t * _CH, _CH)],
                                      dsts[b], dsems[b]).wait()
                pltpu.sync_copy(rows[b], acc.at[dsts[b]], add=True)

                @pl.when(t + 2 < nt)
                def _prefetch():
                    pltpu.async_copy(
                        cdst_hbm.at[wid, pl.ds((t + 2) * _CH, _CH)],
                        dsts[b], dsems[b])
                    pltpu.async_copy(
                        csrc_hbm.at[wid, pl.ds((t + 2) * _CH, _CH)],
                        srcs[b], ssems[b])
        return carry

    lax.fori_loop(0, (nt + 1) // 2, pair, 0)
    plsc.subcore_barrier()

    def wb_step(k, carry):
        base = (sid + k * _NS) * _RB
        pltpu.sync_copy(acc.at[pl.ds(base, _RB)], zbuf)
        pltpu.sync_copy(zbuf, out_hbm.at[cid, pl.ds(base, _RB)])
        return carry

    lax.fori_loop(0, nb, wb_step, 0)


def _make_seg_sum_c():
    mesh = plsc.VectorSubcoreMesh(core_axis_name="c", subcore_axis_name="s")
    return pl.kernel(
        _seg_sum_c_body,
        out_type=jax.ShapeDtypeStruct((_NC, _NP, _H), jnp.float32),
        mesh=mesh,
        scratch_types=[
            pltpu.VMEM((_CH,), jnp.int32),
            pltpu.VMEM((_CH,), jnp.int32),
            pltpu.VMEM((_CH,), jnp.int32),
            pltpu.VMEM((_CH,), jnp.int32),
            pltpu.VMEM((_CH, _H), jnp.float32),
            pltpu.VMEM((_CH, _H), jnp.float32),
            pltpu.VMEM((128,), jnp.int32),
            pltpu.VMEM((_RB, _H), jnp.float32),
            pltpu.VMEM_SHARED((_NP, _H), jnp.float32),
            pltpu.SemaphoreType.DMA,
            pltpu.SemaphoreType.DMA,
            pltpu.SemaphoreType.DMA,
            pltpu.SemaphoreType.DMA,
            pltpu.SemaphoreType.DMA,
            pltpu.SemaphoreType.DMA,
        ],
        name="sc_seg_sum_c",
    )


def _deg_body(edge_hbm, zero_hbm, out_hbm,
              dst_v0, dst_v1, deg_v, dsem0, dsem1):
    cid = lax.axis_index("c")
    sid = lax.axis_index("s")
    wid = sid * _NC + cid
    dsts = (dst_v0, dst_v1)
    dsems = (dsem0, dsem1)

    pltpu.sync_copy(zero_hbm, deg_v)

    nt = (_NCHUNK - wid + _NW - 1) // _NW

    def cbase(t):
        return (wid + t * _NW) * _CH

    for b in range(2):
        pltpu.async_copy(edge_hbm.at[1, pl.ds(cbase(b), _CH)], dsts[b],
                         dsems[b])

    ones = jnp.ones((16,), jnp.float32)

    def pair(j, carry):
        for b in range(2):
            t = 2 * j + b

            @pl.when(t < nt)
            def _step():
                pltpu.make_async_copy(edge_hbm.at[1, pl.ds(cbase(t), _CH)],
                                      dsts[b], dsems[b]).wait()
                for k in range(_CH // 16):
                    iv = dsts[b][pl.ds(k * 16, 16)]
                    plsc.addupdate_scatter(deg_v, [iv], ones)

                @pl.when(t + 2 < nt)
                def _prefetch():
                    pltpu.async_copy(edge_hbm.at[1, pl.ds(cbase(t + 2), _CH)],
                                     dsts[b], dsems[b])
        return carry

    lax.fori_loop(0, (nt + 1) // 2, pair, 0)
    pltpu.sync_copy(deg_v, out_hbm.at[wid])


def _make_deg():
    mesh = plsc.VectorSubcoreMesh(core_axis_name="c", subcore_axis_name="s")
    return pl.kernel(
        _deg_body,
        out_type=jax.ShapeDtypeStruct((_NW, _NP), jnp.float32),
        mesh=mesh,
        scratch_types=[
            pltpu.VMEM((_CH,), jnp.int32),
            pltpu.VMEM((_CH,), jnp.int32),
            pltpu.VMEM((_NP,), jnp.float32),
            pltpu.SemaphoreType.DMA,
            pltpu.SemaphoreType.DMA,
        ],
        compiler_params=pltpu.CompilerParams(needs_layout_passes=False),
        name="sc_deg",
    )


def _relu(x):
    return jnp.maximum(x, 0.0)


def _mm(a, b):
    return jax.lax.dot_general(a, b, (((1,), (0,)), ((), ())),
                               preferred_element_type=jnp.float32)


def _outer(a, b):
    return jax.lax.dot_general(a, b, (((0,), (0,)), ((), ())),
                               preferred_element_type=jnp.float32)


def _onehot_from_batch(batch_1n):
    gidr = lax.broadcasted_iota(jnp.int32, (_G, 1), 0)
    cmp = (batch_1n == gidr).astype(jnp.float32)
    cnt_g1 = jnp.sum(cmp, axis=1, keepdims=True)
    cnt = jnp.transpose(cnt_g1)
    ii = lax.broadcasted_iota(jnp.int32, (_G, _G), 0)
    jj = lax.broadcasted_iota(jnp.int32, (_G, _G), 1)
    ltri = (ii <= jj).astype(jnp.float32)
    cum = _mm(cnt, ltri)
    off = cum - cnt
    ni = lax.broadcasted_iota(jnp.int32, (_N, 1), 0).astype(jnp.float32)
    onehot = jnp.logical_and(ni >= off, ni < cum)
    return onehot, cnt


def _tc1_body(degp_ref, w1a_ref, b1a_ref, w1b_ref, b1b_ref, x1_ref):
    degs = jnp.sum(degp_ref[...], axis=0, keepdims=True)
    t = degs[:, :_N] + 1.0
    h = _relu(_outer(t, w1a_ref[...]) + b1a_ref[...])
    x1_ref[...] = _relu(_mm(h, w1b_ref[...]) + b1b_ref[...])


def _tc2_body(x1_ref, p_ref, wp_ref,
              w2a_ref, b2a_ref, w2b_ref, b2b_ref, y_ref, s_ref):
    h0 = x1_ref[...] + p_ref[0, :_N] + p_ref[1, :_N]
    h1 = _relu(_mm(h0, w2a_ref[...]) + b2a_ref[...])
    x2 = _relu(_mm(h1, w2b_ref[...]) + b2b_ref[...])
    s = jnp.sum(x2, axis=1, keepdims=True)
    s_ref[...] = s
    wp = wp_ref[0, 0]
    score = jnp.tanh(s * (wp / jnp.abs(wp)))
    y_ref[...] = x2 * score


def _tcsel_body(s_ref, batch_ref, wp_ref, km_ref):
    wp = wp_ref[0, 0]
    score = jnp.tanh(s_ref[...] * (wp / jnp.abs(wp)))

    onehot, cnt = _onehot_from_batch(batch_ref[...])
    kk = jnp.ceil(0.5 * cnt)

    gidf = lax.broadcasted_iota(jnp.int32, (1, _G), 1).astype(jnp.float32)
    onef = onehot.astype(jnp.float32)
    gids = jnp.sum(onef * gidf, axis=1, keepdims=True)
    key = gids * 4.0 - score
    b = jax.lax.bitcast_convert_type(key, jnp.uint32)
    neg = (b >> jnp.uint32(31)) > jnp.uint32(0)
    u = jnp.where(neg, ~b, b | jnp.uint32(0x80000000))
    v = ~u

    iota256 = lax.broadcasted_iota(jnp.int32, (1, 256), 1).astype(jnp.float32)
    bi = lax.broadcasted_iota(jnp.int32, (256, 256), 0)
    ci = lax.broadcasted_iota(jnp.int32, (256, 256), 1)
    ut = (bi >= ci).astype(jnp.float32)

    def radix_pass(byte_f, match, gt, r):
        bmat = (byte_f == iota256).astype(jnp.float32) * match
        hist = jax.lax.dot_general(onef, bmat, (((0,), (0,)), ((), ())),
                                   preferred_element_type=jnp.float32)
        suf = _mm(hist, ut)
        sel = (suf >= r).astype(jnp.float32)
        c = jnp.sum(sel, axis=1, keepdims=True) - 1.0
        oh_c = (iota256 == c).astype(jnp.float32)
        s_c = jnp.sum(suf * oh_c, axis=1, keepdims=True)
        h_c = jnp.sum(hist * oh_c, axis=1, keepdims=True)
        r_next = r - (s_c - h_c)
        c_node = _mm(onef, c)
        gt_next = jnp.maximum(gt, match * (byte_f > c_node))
        match_next = match * (byte_f == c_node).astype(jnp.float32)
        return match_next, gt_next, r_next

    kk_g1 = jnp.transpose(kk)
    match = jnp.ones((_N, 1), jnp.float32)
    gt = jnp.zeros((_N, 1), jnp.float32)
    r = kk_g1
    for p in range(4):
        byte_f = ((v >> jnp.uint32(24 - 8 * p)) & jnp.uint32(0xFF)
                  ).astype(jnp.float32)
        match, gt, r = radix_pass(byte_f, match, gt, r)

    idx = lax.broadcasted_iota(jnp.uint32, (_N, 1), 0)
    w = jnp.uint32(_N) - idx
    gtw = jnp.zeros((_N, 1), jnp.float32)
    for p in range(2):
        byte_f = ((w >> jnp.uint32(8 - 8 * p)) & jnp.uint32(0xFF)
                  ).astype(jnp.float32)
        match, gtw, r = radix_pass(byte_f, match, gtw, r)

    km_ref[...] = jnp.minimum(gt + gtw + match, 1.0)


def _tc3_body(xm_ref, p_ref, km_ref, wa_ref, ba_ref, wb_ref, bb_ref, o_ref):
    h0 = xm_ref[...] * km_ref[...] + p_ref[0, :_N] + p_ref[1, :_N]
    h1 = _relu(_mm(h0, wa_ref[...]) + ba_ref[...])
    o_ref[...] = _relu(_mm(h1, wb_ref[...]) + bb_ref[...]) * km_ref[...]


def _tc4_body(xm_ref, p_ref, km_ref, batch_ref,
              w4a_ref, b4a_ref, w4b_ref, b4b_ref,
              wd1_ref, bd1_ref, wd2_ref, bd2_ref, out_ref):
    h0 = xm_ref[...] + p_ref[0, :_N] + p_ref[1, :_N]
    h1 = _relu(_mm(h0, w4a_ref[...]) + b4a_ref[...])
    x4 = _relu(_mm(h1, w4b_ref[...]) + b4b_ref[...]) * km_ref[...]
    onehot, _ = _onehot_from_batch(batch_ref[...])
    pooled = jax.lax.dot_general(onehot.astype(jnp.float32), x4,
                                 (((0,), (0,)), ((), ())),
                                 preferred_element_type=jnp.float32)
    hh = _relu(_mm(pooled, wd1_ref[...]) + bd1_ref[...])
    out_ref[...] = _mm(hh, wd2_ref[...]) + bd2_ref[...]


def _tc_call(body, out_shape, *args):
    return pl.pallas_call(
        body, out_shape=out_shape, name=body.__name__,
        compiler_params=pltpu.CompilerParams(
            vmem_limit_bytes=100 * 1024 * 1024))(*args)


def kernel(edge_index, batch, W1a, b1a, W1b, b1b, W2a, b2a, W2b, b2b,
           W3a, b3a, W3b, b3b, W4a, b4a, W4b, b4b, Wd1, bd1, Wd2, bd2,
           w_pool):
    batch1n = batch.reshape(1, _N)
    zeros_h = jnp.zeros((_N, _H), jnp.float32)
    zeros_np = jnp.zeros((_NP,), jnp.float32)
    pad0 = jnp.zeros((_SEGL,), jnp.int32)
    padn = jnp.full((_SEGL,), _N, jnp.int32)

    deg_sum = _make_deg()
    seg_sum = _make_seg_sum()
    compact = _make_compact()
    seg_sum_c = _make_seg_sum_c()

    b1a2, b1b2 = b1a.reshape(1, _H), b1b.reshape(1, _H)
    b2a2, b2b2 = b2a.reshape(1, _H), b2b.reshape(1, _H)
    b3a2, b3b2 = b3a.reshape(1, _H), b3b.reshape(1, _H)
    b4a2, b4b2 = b4a.reshape(1, _H), b4b.reshape(1, _H)
    bd12, bd22 = bd1.reshape(1, _H), bd2.reshape(1, _OUT)

    degp = deg_sum(edge_index, zeros_np)
    x1 = _tc_call(_tc1_body, jax.ShapeDtypeStruct((_N, _H), jnp.float32),
                  degp, W1a, b1a2, W1b, b1b2)

    p2 = seg_sum(x1, edge_index, zeros_h)
    y, s = _tc_call(
        _tc2_body,
        (jax.ShapeDtypeStruct((_N, _H), jnp.float32),
         jax.ShapeDtypeStruct((_N, 1), jnp.float32)),
        x1, p2, w_pool, W2a, b2a2, W2b, b2b2)
    km = _tc_call(_tcsel_body, jax.ShapeDtypeStruct((_N, 1), jnp.float32),
                  s, batch1n, w_pool)

    csrc, cdst, ccnt = compact(edge_index, km.reshape(_N), pad0, padn)
    p3 = seg_sum_c(y, csrc, cdst, ccnt, zeros_h)
    x3m = _tc_call(_tc3_body, jax.ShapeDtypeStruct((_N, _H), jnp.float32),
                   y, p3, km, W3a, b3a2, W3b, b3b2)

    p4 = seg_sum_c(x3m, csrc, cdst, ccnt, zeros_h)
    out = _tc_call(_tc4_body, jax.ShapeDtypeStruct((_G, _OUT), jnp.float32),
                   x3m, p4, km, batch1n, W4a, b4a2, W4b, b4b2,
                   Wd1, bd12, Wd2, bd22)
    return out

# --- scband reference (transcript-rebuilt; emitter-appended) ---
"""Pipeline reference for scband-ginand-pool-84146999263700 (READ-ONLY COPY).

The authoritative reference and input builder live on the scoring server;
editing this copy changes nothing except your own understanding.
"""

import jax, jax.numpy as jnp
import numpy as np

N = 10000
E = 320000
G = 64
H = 128
OUT = 128


def setup_inputs(seed: int = 0) -> dict:
    key = jax.random.key(seed)
    ks = jax.random.split(key, 30)
    inp = {}
    inp["edge_index"] = jax.random.randint(ks[0], (2, E), 0, N, dtype=jnp.int32)
    inp["batch"] = jnp.sort(jax.random.randint(ks[1], (N,), 0, G, dtype=jnp.int32))
    def lin(k, i, o):
        k1, k2 = jax.random.split(k)
        W = jax.random.normal(k1, (i, o), jnp.float32) * 0.05
        b = jax.random.normal(k2, (o,), jnp.float32) * 0.05
        return W, b
    names = [("W1a", "b1a", 1, H), ("W1b", "b1b", H, H), ("W2a", "b2a", H, H), ("W2b", "b2b", H, H), ("W3a", "b3a", H, H), ("W3b", "b3b", H, H), ("W4a", "b4a", H, H), ("W4b", "b4b", H, H), ("Wd1", "bd1", H, H), ("Wd2", "bd2", H, OUT)]
    for idx, (wn, bn, i, o) in enumerate(names):
        W, b = lin(ks[2 + idx], i, o)
        inp[wn] = W
        inp[bn] = b
    inp["w_pool"] = jax.random.normal(ks[20], (1, 1), jnp.float32) * 0.1
    return inp


def _mlp(x, Wa, ba, Wb, bb):
    h = jax.nn.relu(x @ Wa + ba)
    return jax.nn.relu(h @ Wb + bb)


def _gin(x, src, dst, ew, Wa, ba, Wb, bb):
    # GINConv (eps=0): out = mlp(x + sum_{j in N(i)} x_j)
    msg = x[src]
    if ew is not None:
        msg = msg * ew[:, None]
    agg = jax.ops.segment_sum(msg, dst, num_segments=x.shape[0])
    return _mlp(x + agg, Wa, ba, Wb, bb)


def reference(edge_index, batch, W1a, b1a, W1b, b1b, W2a, b2a, W2b, b2b, W3a, b3a, W3b, b3b, W4a, b4a, W4b, b4b, Wd1, bd1, Wd2, bd2, w_pool):
    n = batch.shape[0]
    src, dst = edge_index[0], edge_index[1]
    x = jnp.ones((n, 1), jnp.float32)
    x = _gin(x, src, dst, None, W1a, b1a, W1b, b1b)
    x = _gin(x, src, dst, None, W2a, b2a, W2b, b2b)
    # TopKPooling(in_channels=1, ratio=0.5): weight [1,1] broadcasts over hidden dim
    score = jnp.tanh(jnp.sum(x * w_pool, axis=-1) / jnp.linalg.norm(w_pool))
    counts = jax.ops.segment_sum(jnp.ones(n, jnp.float32), batch, num_segments=G)
    kk = jnp.ceil(0.5 * counts)
    # lexsort: graph id ascending, score descending (score in (-1,1) so spacing 4 is safe)
    sort_key = batch.astype(jnp.float32) * 4.0 - score
    order = jnp.argsort(sort_key)
    b_sorted = batch[order]
    offsets = jnp.concatenate([jnp.zeros(1, jnp.float32), jnp.cumsum(counts)])[:-1]
    rank = jnp.arange(n, dtype=jnp.float32) - offsets[b_sorted]
    keep_sorted = rank < kk[b_sorted]
    keep = jnp.zeros(n, dtype=bool).at[order].set(keep_sorted)
    km = keep.astype(jnp.float32)
    # equivalent to node compaction: scale kept nodes by score, zero dropped nodes,
    # mask edges touching dropped nodes, and mask dropped nodes before global pool
    x = x * score[:, None] * km[:, None]
    ew = km[src] * km[dst]
    x = _gin(x, src, dst, ew, W3a, b3a, W3b, b3b)
    x = _gin(x, src, dst, ew, W4a, b4a, W4b, b4b)
    x = x * km[:, None]
    pooled = jax.ops.segment_sum(x, batch, num_segments=G)
    out = jax.nn.relu(pooled @ Wd1 + bd1) @ Wd2 + bd2
    return out

if __name__ == "__main__":
    import jax
    _d = setup_inputs()
    print(jax.jit(kernel)(*tuple(_d.values())))

</pallas_src>

<mosaic_0001>
#map = affine_map<(d0, d1) -> (0, 0)>
#map1 = affine_map<(d0, d1) -> (0, 0, 0)>
module attributes {stable_mosaic.version = 14 : i64} {
  func.func @sc_seg_sum(%arg0: i32, %arg1: i32, %arg2: memref<10000x128xf32, #tpu.memory_space<hbm>>, %arg3: memref<2x320000xi32, #tpu.memory_space<hbm>>, %arg4: memref<10000x128xf32, #tpu.memory_space<hbm>>, %arg5: memref<2x10112x128xf32, #tpu.memory_space<hbm>>, %arg6: memref<128xi32, #tpu.memory_space<vmem>>, %arg7: memref<128xi32, #tpu.memory_space<vmem>>, %arg8: memref<128xi32, #tpu.memory_space<vmem>>, %arg9: memref<128xi32, #tpu.memory_space<vmem>>, %arg10: memref<128x128xf32, #tpu.memory_space<vmem>>, %arg11: memref<128x128xf32, #tpu.memory_space<vmem>>, %arg12: memref<128x128xf32, #tpu.memory_space<vmem>>, %arg13: memref<10112x128xf32, #tpu.memory_space<vmem_shared>>, %arg14: memref<!tpu.dma_semaphore, #tpu.memory_space<semaphore_mem>>, %arg15: memref<!tpu.dma_semaphore, #tpu.memory_space<semaphore_mem>>, %arg16: memref<!tpu.dma_semaphore, #tpu.memory_space<semaphore_mem>>, %arg17: memref<!tpu.dma_semaphore, #tpu.memory_space<semaphore_mem>>, %arg18: memref<!tpu.dma_semaphore, #tpu.memory_space<semaphore_mem>>, %arg19: memref<!tpu.dma_semaphore, #tpu.memory_space<semaphore_mem>>) attributes {dimension_semantics = [#tpu.dimension_semantics<core_parallel>, #tpu.dimension_semantics<subcore_parallel>], iteration_bounds = array<i64: 2, 16>, scalar_prefetch = 0 : i64, scratch_operands = 14 : i64, tpu.core_type = #tpu.core_type<sc_vector_subcore>, window_params = [{transform_indices = #map}, {transform_indices = #map}, {transform_indices = #map}, {transform_indices = #map1}]} {
    %mul3A = arith.constant 2 : i32
    %mul3A_0 = arith.muli %arg1, %mul3A : i32
    %add3A = arith.addi %mul3A_0, %arg0 : i32
    %sub3A = arith.constant 79 : i32
    %sub3A_1 = arith.subi %sub3A, %arg1 : i32
    %add3A_2 = arith.constant 16 : i32
    %add3A_3 = arith.addi %sub3A_1, %add3A_2 : i32
    %sub3A_4 = arith.constant 1 : i32
    %sub3A_5 = arith.subi %add3A_3, %sub3A_4 : i32
    %jit3A = arith.constant 16 : i32
    %div3A = arith.divsi %sub3A_5, %jit3A : i32
    %sign3A = arith.constant 0 : i32
    %sign3A_6 = arith.cmpi sgt, %sub3A_5, %sign3A : i32
    %sign3A_7 = arith.extui %sign3A_6 : i1 to i32
    %sign3A_8 = arith.constant 0 : i32
    %sign3A_9 = arith.cmpi slt, %sub3A_5, %sign3A_8 : i32
    %sign3A_10 = arith.extui %sign3A_9 : i1 to i32
    %sign3A_11 = arith.subi %sign3A_7, %sign3A_10 : i32
    %sign3A_12 = arith.constant 0 : i32
    %sign3A_13 = arith.cmpi sgt, %jit3A, %sign3A_12 : i32
    %sign3A_14 = arith.extui %sign3A_13 : i1 to i32
    %sign3A_15 = arith.constant 0 : i32
    %sign3A_16 = arith.cmpi slt, %jit3A, %sign3A_15 : i32
    %sign3A_17 = arith.extui %sign3A_16 : i1 to i32
    %sign3A_18 = arith.subi %sign3A_14, %sign3A_17 : i32
    %ne3A = arith.cmpi ne, %sign3A_11, %sign3A_18 : i32
    %rem3A = arith.remsi %sub3A_5, %jit3A : i32
    %ne3A_19 = arith.constant 0 : i32
    %ne3A_20 = arith.cmpi ne, %rem3A, %ne3A_19 : i32
    %and3A = arith.andi %ne3A, %ne3A_20 : i1
    %sub3A_21 = arith.constant 1 : i32
    %sub3A_22 = arith.subi %div3A, %sub3A_21 : i32
    %select_n3A = arith.select %and3A, %sub3A_22, %div3A : i32
    "tpu.region"() ({
      %run_scoped3A = tpu.sem_alloc : memref<!tpu.dma_semaphore, #tpu.memory_space<semaphore_mem>>
      %dma_start3A_155 = arith.constant 0 : i32
      %dma_start3A_156 = arith.constant 0 : i32
      %dma_start3A_157 = tpu.memref_slice %arg4[%dma_start3A_155, %dma_start3A_156] : memref<10000x128xf32, #tpu.memory_space<hbm>> -> memref<128x128xf32, #tpu.memory_space<hbm>>
      %dma_start3A_158 = arith.constant 0 : i32
      %dma_start3A_159 = arith.constant 0 : i32
      %dma_start3A_160 = tpu.memref_slice %arg4[%dma_start3A_158, %dma_start3A_159] : memref<10000x128xf32, #tpu.memory_space<hbm>> -> memref<128x128xf32, #tpu.memory_space<hbm>>
      tpu.enqueue_dma source(%dma_start3A_160 : memref<128x128xf32, #tpu.memory_space<hbm>>) target(%arg12 : memref<128x128xf32, #tpu.memory_space<vmem>>) target_semaphore(%run_scoped3A : memref<!tpu.dma_semaphore, #tpu.memory_space<semaphore_mem>>)
      %dma_wait3A_161 = arith.constant 0 : i32
      %dma_wait3A_162 = arith.constant 0 : i32
      %dma_wait3A_163 = tpu.memref_slice %arg4[%dma_wait3A_161, %dma_wait3A_162] : memref<10000x128xf32, #tpu.memory_space<hbm>> -> memref<128x128xf32, #tpu.memory_space<hbm>>
      %dma_wait3A_164 = arith.constant 0 : i32
      %dma_wait3A_165 = arith.constant 0 : i32
      %dma_wait3A_166 = tpu.memref_slice %arg4[%dma_wait3A_164, %dma_wait3A_165] : memref<10000x128xf32, #tpu.memory_space<hbm>> -> memref<128x128xf32, #tpu.memory_space<hbm>>
      tpu.wait_dma2 semaphore(%run_scoped3A : memref<!tpu.dma_semaphore, #tpu.memory_space<semaphore_mem>>) src(%dma_wait3A_166 : memref<128x128xf32, #tpu.memory_space<hbm>>) dst(%arg12 : memref<128x128xf32, #tpu.memory_space<vmem>>)
      tpu.yield
    }) : () -> ()
    %while3A = arith.constant 0 : i32
    %while3A_23 = arith.constant 0 : i32
    %while3A_24 = arith.subi %select_n3A, %while3A_23 : i32
    %while3A_25 = arith.addi %while3A_23, %while3A_24 : i32
    %while3A_26 = arith.constant 1 : i32
    %while3A_27 = arith.divsi %while3A_24, %while3A_26 : i32
    %while3A_28 = arith.muli %while3A_27, %while3A_26 : i32
    %while3A_29 = arith.addi %while3A_23, %while3A_28 : i32
    %while3A_30 = arith.constant 1 : i32
    scf.for %while3A_155 = %while3A_23 to %while3A_29 step %while3A_30  : i32 {
      %mul3A_156 = arith.constant 16 : i32
      %mul3A_157 = arith.muli %while3A_155, %mul3A_156 : i32
      %add3A_158 = arith.addi %arg1, %mul3A_157 : i32
      %mul3A_159 = arith.constant 128 : i32
      %mul3A_160 = arith.muli %add3A_158, %mul3A_159 : i32
      "tpu.region"() ({
        %run_scoped3A = tpu.sem_alloc : memref<!tpu.dma_semaphore, #tpu.memory_space<semaphore_mem>>
        %dma_start3A_161 = arith.constant 0 : i32
        %dma_start3A_162 = tpu.memref_slice %arg13[%mul3A_160, %dma_start3A_161] : memref<10112x128xf32, #tpu.memory_space<vmem_shared>> -> memref<128x128xf32, #tpu.memory_space<vmem_shared>>
        %dma_start3A_163 = arith.constant 0 : i32
        %dma_start3A_164 = tpu.memref_slice %arg13[%mul3A_160, %dma_start3A_163] : memref<10112x128xf32, #tpu.memory_space<vmem_shared>> -> memref<128x128xf32, #tpu.memory_space<vmem_shared>>
        tpu.enqueue_dma source(%arg12 : memref<128x128xf32, #tpu.memory_space<vmem>>) target(%dma_start3A_164 : memref<128x128xf32, #tpu.memory_space<vmem_shared>>) target_semaphore(%run_scoped3A : memref<!tpu.dma_semaphore, #tpu.memory_space<semaphore_mem>>)
        %dma_wait3A_165 = arith.constant 0 : i32
        %dma_wait3A_166 = tpu.memref_slice %arg13[%mul3A_160, %dma_wait3A_165] : memref<10112x128xf32, #tpu.memory_space<vmem_shared>> -> memref<128x128xf32, #tpu.memory_space<vmem_shared>>
        %dma_wait3A_167 = arith.constant 0 : i32
        %dma_wait3A_168 = tpu.memref_slice %arg13[%mul3A_160, %dma_wait3A_167] : memref<10112x128xf32, #tpu.memory_space<vmem_shared>> -> memref<128x128xf32, #tpu.memory_space<vmem_shared>>
        tpu.wait_dma2 semaphore(%run_scoped3A : memref<!tpu.dma_semaphore, #tpu.memory_space<semaphore_mem>>) src(%arg12 : memref<128x128xf32, #tpu.memory_space<vmem>>) dst(%dma_wait3A_168 : memref<128x128xf32, #tpu.memory_space<vmem_shared>>)
        tpu.yield
      }) : () -> ()
    }
    %while3A_31 = arith.constant 1 : i32
    scf.for %while3A_155 = %while3A_29 to %while3A_25 step %while3A_31  : i32 {
      %mul3A_156 = arith.constant 16 : i32
      %mul3A_157 = arith.muli %while3A_155, %mul3A_156 : i32
      %add3A_158 = arith.addi %arg1, %mul3A_157 : i32
      %mul3A_159 = arith.constant 128 : i32
      %mul3A_160 = arith.muli %add3A_158, %mul3A_159 : i32
      "tpu.region"() ({
        %run_scoped3A = tpu.sem_alloc : memref<!tpu.dma_semaphore, #tpu.memory_space<semaphore_mem>>
        %dma_start3A_161 = arith.constant 0 : i32
        %dma_start3A_162 = tpu.memref_slice %arg13[%mul3A_160, %dma_start3A_161] : memref<10112x128xf32, #tpu.memory_space<vmem_shared>> -> memref<128x128xf32, #tpu.memory_space<vmem_shared>>
        %dma_start3A_163 = arith.constant 0 : i32
        %dma_start3A_164 = tpu.memref_slice %arg13[%mul3A_160, %dma_start3A_163] : memref<10112x128xf32, #tpu.memory_space<vmem_shared>> -> memref<128x128xf32, #tpu.memory_space<vmem_shared>>
        tpu.enqueue_dma source(%arg12 : memref<128x128xf32, #tpu.memory_space<vmem>>) target(%dma_start3A_164 : memref<128x128xf32, #tpu.memory_space<vmem_shared>>) target_semaphore(%run_scoped3A : memref<!tpu.dma_semaphore, #tpu.memory_space<semaphore_mem>>)
        %dma_wait3A_165 = arith.constant 0 : i32
        %dma_wait3A_166 = tpu.memref_slice %arg13[%mul3A_160, %dma_wait3A_165] : memref<10112x128xf32, #tpu.memory_space<vmem_shared>> -> memref<128x128xf32, #tpu.memory_space<vmem_shared>>
        %dma_wait3A_167 = arith.constant 0 : i32
        %dma_wait3A_168 = tpu.memref_slice %arg13[%mul3A_160, %dma_wait3A_167] : memref<10112x128xf32, #tpu.memory_space<vmem_shared>> -> memref<128x128xf32, #tpu.memory_space<vmem_shared>>
        tpu.wait_dma2 semaphore(%run_scoped3A : memref<!tpu.dma_semaphore, #tpu.memory_space<semaphore_mem>>) src(%arg12 : memref<128x128xf32, #tpu.memory_space<vmem>>) dst(%dma_wait3A_168 : memref<128x128xf32, #tpu.memory_space<vmem_shared>>)
        tpu.yield
      }) : () -> ()
    }
    %barrier3A = arith.constant 0 : index
    tpu.barrier barrier_id(%barrier3A)
    %sub3A_32 = arith.constant 2500 : i32
    %sub3A_33 = arith.subi %sub3A_32, %add3A : i32
    %add3A_34 = arith.constant 32 : i32
    %add3A_35 = arith.addi %sub3A_33, %add3A_34 : i32
    %sub3A_36 = arith.constant 1 : i32
    %sub3A_37 = arith.subi %add3A_35, %sub3A_36 : i32
    %jit3A_38 = arith.constant 32 : i32
    %div3A_39 = arith.divsi %sub3A_37, %jit3A_38 : i32
    %sign3A_40 = arith.constant 0 : i32
    %sign3A_41 = arith.cmpi sgt, %sub3A_37, %sign3A_40 : i32
    %sign3A_42 = arith.extui %sign3A_41 : i1 to i32
    %sign3A_43 = arith.constant 0 : i32
    %sign3A_44 = arith.cmpi slt, %sub3A_37, %sign3A_43 : i32
    %sign3A_45 = arith.extui %sign3A_44 : i1 to i32
    %sign3A_46 = arith.subi %sign3A_42, %sign3A_45 : i32
    %sign3A_47 = arith.constant 0 : i32
    %sign3A_48 = arith.cmpi sgt, %jit3A_38, %sign3A_47 : i32
    %sign3A_49 = arith.extui %sign3A_48 : i1 to i32
    %sign3A_50 = arith.constant 0 : i32
    %sign3A_51 = arith.cmpi slt, %jit3A_38, %sign3A_50 : i32
    %sign3A_52 = arith.extui %sign3A_51 : i1 to i32
    %sign3A_53 = arith.subi %sign3A_49, %sign3A_52 : i32
    %ne3A_54 = arith.cmpi ne, %sign3A_46, %sign3A_53 : i32
    %rem3A_55 = arith.remsi %sub3A_37, %jit3A_38 : i32
    %ne3A_56 = arith.constant 0 : i32
    %ne3A_57 = arith.cmpi ne, %rem3A_55, %ne3A_56 : i32
    %and3A_58 = arith.andi %ne3A_54, %ne3A_57 : i1
    %sub3A_59 = arith.constant 1 : i32
    %sub3A_60 = arith.subi %div3A_39, %sub3A_59 : i32
    %select_n3A_61 = arith.select %and3A_58, %sub3A_60, %div3A_39 : i32
    %add3A_62 = arith.constant 0 : i32
    %add3A_63 = arith.addi %add3A, %add3A_62 : i32
    %mul3A_64 = arith.constant 128 : i32
    %mul3A_65 = arith.muli %add3A_63, %mul3A_64 : i32
    %dma_start3A = arith.constant 1 : i32
    %dma_start3A_66 = tpu.memref_slice %arg3[%dma_start3A, %mul3A_65] : memref<2x320000xi32, #tpu.memory_space<hbm>> -> memref<1x128xi32, #tpu.memory_space<hbm>>
    %dma_start3A_67 = tpu.memref_squeeze %dma_start3A_66 : memref<1x128xi32, #tpu.memory_space<hbm>> -> memref<128xi32, #tpu.memory_space<hbm>>
    %dma_start3A_68 = tpu.memref_slice %arg3[%dma_start3A, %mul3A_65] : memref<2x320000xi32, #tpu.memory_space<hbm>> -> memref<1x128xi32, #tpu.memory_space<hbm>>
    %dma_start3A_69 = tpu.memref_squeeze %dma_start3A_68 : memref<1x128xi32, #tpu.memory_space<hbm>> -> memref<128xi32, #tpu.memory_space<hbm>>
    tpu.enqueue_dma source(%dma_start3A_69 : memref<128xi32, #tpu.memory_space<hbm>>) target(%arg8 : memref<128xi32, #tpu.memory_space<vmem>>) target_semaphore(%arg18 : memref<!tpu.dma_semaphore, #tpu.memory_space<semaphore_mem>>)
    %add3A_70 = arith.constant 0 : i32
    %add3A_71 = arith.addi %add3A, %add3A_70 : i32
    %mul3A_72 = arith.constant 128 : i32
    %mul3A_73 = arith.muli %add3A_71, %mul3A_72 : i32
    %dma_start3A_74 = arith.constant 0 : i32
    %dma_start3A_75 = tpu.memref_slice %arg3[%dma_start3A_74, %mul3A_73] : memref<2x320000xi32, #tpu.memory_space<hbm>> -> memref<1x128xi32, #tpu.memory_space<hbm>>
    %dma_start3A_76 = tpu.memref_squeeze %dma_start3A_75 : memref<1x128xi32, #tpu.memory_space<hbm>> -> memref<128xi32, #tpu.memory_space<hbm>>
    %dma_start3A_77 = tpu.memref_slice %arg3[%dma_start3A_74, %mul3A_73] : memref<2x320000xi32, #tpu.memory_space<hbm>> -> memref<1x128xi32, #tpu.memory_space<hbm>>
    %dma_start3A_78 = tpu.memref_squeeze %dma_start3A_77 : memref<1x128xi32, #tpu.memory_space<hbm>> -> memref<128xi32, #tpu.memory_space<hbm>>
    tpu.enqueue_dma source(%dma_start3A_78 : memref<128xi32, #tpu.memory_space<hbm>>) target(%arg6 : memref<128xi32, #tpu.memory_space<vmem>>) target_semaphore(%arg16 : memref<!tpu.dma_semaphore, #tpu.memory_space<semaphore_mem>>)
    %add3A_79 = arith.constant 32 : i32
    %add3A_80 = arith.addi %add3A, %add3A_79 : i32
    %mul3A_81 = arith.constant 128 : i32
    %mul3A_82 = arith.muli %add3A_80, %mul3A_81 : i32
    %dma_start3A_83 = arith.constant 1 : i32
    %dma_start3A_84 = tpu.memref_slice %arg3[%dma_start3A_83, %mul3A_82] : memref<2x320000xi32, #tpu.memory_space<hbm>> -> memref<1x128xi32, #tpu.memory_space<hbm>>
    %dma_start3A_85 = tpu.memref_squeeze %dma_start3A_84 : memref<1x128xi32, #tpu.memory_space<hbm>> -> memref<128xi32, #tpu.memory_space<hbm>>
    %dma_start3A_86 = tpu.memref_slice %arg3[%dma_start3A_83, %mul3A_82] : memref<2x320000xi32, #tpu.memory_space<hbm>> -> memref<1x128xi32, #tpu.memory_space<hbm>>
    %dma_start3A_87 = tpu.memref_squeeze %dma_start3A_86 : memref<1x128xi32, #tpu.memory_space<hbm>> -> memref<128xi32, #tpu.memory_space<hbm>>
    tpu.enqueue_dma source(%dma_start3A_87 : memref<128xi32, #tpu.memory_space<hbm>>) target(%arg9 : memref<128xi32, #tpu.memory_space<vmem>>) target_semaphore(%arg19 : memref<!tpu.dma_semaphore, #tpu.memory_space<semaphore_mem>>)
    %add3A_88 = arith.constant 32 : i32
    %add3A_89 = arith.addi %add3A, %add3A_88 : i32
    %mul3A_90 = arith.constant 128 : i32
    %mul3A_91 = arith.muli %add3A_89, %mul3A_90 : i32
    %dma_start3A_92 = arith.constant 0 : i32
    %dma_start3A_93 = tpu.memref_slice %arg3[%dma_start3A_92, %mul3A_91] : memref<2x320000xi32, #tpu.memory_space<hbm>> -> memref<1x128xi32, #tpu.memory_space<hbm>>
    %dma_start3A_94 = tpu.memref_squeeze %dma_start3A_93 : memref<1x128xi32, #tpu.memory_space<hbm>> -> memref<128xi32, #tpu.memory_space<hbm>>
    %dma_start3A_95 = tpu.memref_slice %arg3[%dma_start3A_92, %mul3A_91] : memref<2x320000xi32, #tpu.memory_space<hbm>> -> memref<1x128xi32, #tpu.memory_space<hbm>>
    %dma_start3A_96 = tpu.memref_squeeze %dma_start3A_95 : memref<1x128xi32, #tpu.memory_space<hbm>> -> memref<128xi32, #tpu.memory_space<hbm>>
    tpu.enqueue_dma source(%dma_start3A_96 : memref<128xi32, #tpu.memory_space<hbm>>) target(%arg7 : memref<128xi32, #tpu.memory_space<vmem>>) target_semaphore(%arg17 : memref<!tpu.dma_semaphore, #tpu.memory_space<semaphore_mem>>)
    %add3A_97 = arith.constant 0 : i32
    %add3A_98 = arith.addi %add3A, %add3A_97 : i32
    %mul3A_99 = arith.constant 128 : i32
    %mul3A_100 = arith.muli %add3A_98, %mul3A_99 : i32
    %dma_wait3A = arith.constant 0 : i32
    %dma_wait3A_101 = tpu.memref_slice %arg3[%dma_wait3A, %mul3A_100] : memref<2x320000xi32, #tpu.memory_space<hbm>> -> memref<1x128xi32, #tpu.memory_space<hbm>>
    %dma_wait3A_102 = tpu.memref_squeeze %dma_wait3A_101 : memref<1x128xi32, #tpu.memory_space<hbm>> -> memref<128xi32, #tpu.memory_space<hbm>>
    %dma_wait3A_103 = tpu.memref_slice %arg3[%dma_wait3A, %mul3A_100] : memref<2x320000xi32, #tpu.memory_space<hbm>> -> memref<1x128xi32, #tpu.memory_space<hbm>>
    %dma_wait3A_104 = tpu.memref_squeeze %dma_wait3A_103 : memref<1x128xi32, #tpu.memory_space<hbm>> -> memref<128xi32, #tpu.memory_space<hbm>>
    tpu.wait_dma2 semaphore(%arg16 : memref<!tpu.dma_semaphore, #tpu.memory_space<semaphore_mem>>) src(%dma_wait3A_104 : memref<128xi32, #tpu.memory_space<hbm>>) dst(%arg6 : memref<128xi32, #tpu.memory_space<vmem>>)
    %dma_start3A_105 = arith.constant 0 : i32
    %dma_start3A_106 = arith.constant 0 : i32
    %dma_start3A_107 = tpu.memref_slice %arg2[%dma_start3A_105, %dma_start3A_106] : memref<10000x128xf32, #tpu.memory_space<hbm>> -> memref<10000x128xf32, #tpu.memory_space<hbm>>
    tpu.enqueue_indirect_dma source(%dma_start3A_107 : memref<10000x128xf32, #tpu.memory_space<hbm>>) target(%arg10 : memref<128x128xf32, #tpu.memory_space<vmem>>) offsets(%arg6 : memref<128xi32, #tpu.memory_space<vmem>>) semaphore(%arg14 : memref<!tpu.dma_semaphore, #tpu.memory_space<semaphore_mem>>)
    %add3A_108 = arith.constant 1 : i32
    %add3A_109 = arith.addi %select_n3A_61, %add3A_108 : i32
    %jit3A_110 = arith.constant 2 : i32
    %div3A_111 = arith.divsi %add3A_109, %jit3A_110 : i32
    %sign3A_112 = arith.constant 0 : i32
    %sign3A_113 = arith.cmpi sgt, %add3A_109, %sign3A_112 : i32
    %sign3A_114 = arith.extui %sign3A_113 : i1 to i32
    %sign3A_115 = arith.constant 0 : i32
    %sign3A_116 = arith.cmpi slt, %add3A_109, %sign3A_115 : i32
    %sign3A_117 = arith.extui %sign3A_116 : i1 to i32
    %sign3A_118 = arith.subi %sign3A_114, %sign3A_117 : i32
    %sign3A_119 = arith.constant 0 : i32
    %sign3A_120 = arith.cmpi sgt, %jit3A_110, %sign3A_119 : i32
    %sign3A_121 = arith.extui %sign3A_120 : i1 to i32
    %sign3A_122 = arith.constant 0 : i32
    %sign3A_123 = arith.cmpi slt, %jit3A_110, %sign3A_122 : i32
    %sign3A_124 = arith.extui %sign3A_123 : i1 to i32
    %sign3A_125 = arith.subi %sign3A_121, %sign3A_124 : i32
    %ne3A_126 = arith.cmpi ne, %sign3A_118, %sign3A_125 : i32
    %rem3A_127 = arith.remsi %add3A_109, %jit3A_110 : i32
    %ne3A_128 = arith.constant 0 : i32
    %ne3A_129 = arith.cmpi ne, %rem3A_127, %ne3A_128 : i32
    %and3A_130 = arith.andi %ne3A_126, %ne3A_129 : i1
    %sub3A_131 = arith.constant 1 : i32
    %sub3A_132 = arith.subi %div3A_111, %sub3A_131 : i32
    %select_n3A_133 = arith.select %and3A_130, %sub3A_132, %div3A_111 : i32
    %while3A_134 = arith.constant 0 : i32
    %while3A_135 = arith.constant 0 : i32
    %while3A_136 = arith.subi %select_n3A_133, %while3A_135 : i32
    %while3A_137 = arith.addi %while3A_135, %while3A_136 : i32
    %while3A_138 = arith.constant 1 : i32
    %while3A_139 = arith.divsi %while3A_136, %while3A_138 : i32
    %while3A_140 = arith.muli %while3A_139, %while3A_138 : i32
    %while3A_141 = arith.addi %while3A_135, %while3A_140 : i32
    %while3A_142 = arith.constant 1 : i32
    scf.for %while3A_155 = %while3A_135 to %while3A_141 step %while3A_142  : i32 {
      %mul3A_156 = arith.constant 2 : i32
      %mul3A_157 = arith.muli %mul3A_156, %while3A_155 : i32
      %add3A_158 = arith.constant 0 : i32
      %add3A_159 = arith.addi %mul3A_157, %add3A_158 : i32
      %lt3A = arith.cmpi slt, %add3A_159, %select_n3A_61 : i32
      %convert_element_type3A = arith.extui %lt3A : i1 to i32
      %cond3A = arith.constant 0 : i32
      %cond3A_160 = arith.cmpi ne, %convert_element_type3A, %cond3A : i32
      scf.if %cond3A_160 {
        %add3A_169 = arith.constant 1 : i32
        %add3A_170 = arith.addi %add3A_159, %add3A_169 : i32
        %lt3A_171 = arith.cmpi slt, %add3A_170, %select_n3A_61 : i32
        %convert_element_type3A_172 = arith.extui %lt3A_171 : i1 to i32
        %cond3A_173 = arith.constant 0 : i32
        %cond3A_174 = arith.cmpi ne, %convert_element_type3A_172, %cond3A_173 : i32
        scf.if %cond3A_174 {
          %add3A_194 = arith.constant 1 : i32
          %add3A_195 = arith.addi %add3A_159, %add3A_194 : i32
          %mul3A_196 = arith.constant 32 : i32
          %mul3A_197 = arith.muli %add3A_195, %mul3A_196 : i32
          %add3A_198 = arith.addi %add3A, %mul3A_197 : i32
          %mul3A_199 = arith.constant 128 : i32
          %mul3A_200 = arith.muli %add3A_198, %mul3A_199 : i32
          %dma_wait3A_201 = arith.constant 0 : i32
          %dma_wait3A_202 = tpu.memref_slice %arg3[%dma_wait3A_201, %mul3A_200] : memref<2x320000xi32, #tpu.memory_space<hbm>> -> memref<1x128xi32, #tpu.memory_space<hbm>>
          %dma_wait3A_203 = tpu.memref_squeeze %dma_wait3A_202 : memref<1x128xi32, #tpu.memory_space<hbm>> -> memref<128xi32, #tpu.memory_space<hbm>>
          %dma_wait3A_204 = tpu.memref_slice %arg3[%dma_wait3A_201, %mul3A_200] : memref<2x320000xi32, #tpu.memory_space<hbm>> -> memref<1x128xi32, #tpu.memory_space<hbm>>
          %dma_wait3A_205 = tpu.memref_squeeze %dma_wait3A_204 : memref<1x128xi32, #tpu.memory_space<hbm>> -> memref<128xi32, #tpu.memory_space<hbm>>
          tpu.wait_dma2 semaphore(%arg17 : memref<!tpu.dma_semaphore, #tpu.memory_space<semaphore_mem>>) src(%dma_wait3A_205 : memref<128xi32, #tpu.memory_space<hbm>>) dst(%arg7 : memref<128xi32, #tpu.memory_space<vmem>>)
          %dma_start3A_206 = arith.constant 0 : i32
          %dma_start3A_207 = arith.constant 0 : i32
          %dma_start3A_208 = tpu.memref_slice %arg2[%dma_start3A_206, %dma_start3A_207] : memref<10000x128xf32, #tpu.memory_space<hbm>> -> memref<10000x128xf32, #tpu.memory_space<hbm>>
          tpu.enqueue_indirect_dma source(%dma_start3A_208 : memref<10000x128xf32, #tpu.memory_space<hbm>>) target(%arg11 : memref<128x128xf32, #tpu.memory_space<vmem>>) offsets(%arg7 : memref<128xi32, #tpu.memory_space<vmem>>) semaphore(%arg15 : memref<!tpu.dma_semaphore, #tpu.memory_space<semaphore_mem>>)
        } else {
        }
        %dma_wait3A_175 = arith.constant 0 : i32
        %dma_wait3A_176 = arith.constant 0 : i32
        %dma_wait3A_177 = tpu.memref_slice %arg2[%dma_wait3A_175, %dma_wait3A_176] : memref<10000x128xf32, #tpu.memory_space<hbm>> -> memref<10000x128xf32, #tpu.memory_space<hbm>>
        tpu.wait_indirect_dma semaphore(%arg14 : memref<!tpu.dma_semaphore, #tpu.memory_space<semaphore_mem>>) src(%dma_wait3A_177 : memref<10000x128xf32, #tpu.memory_space<hbm>>) dst(%arg10 : memref<128x128xf32, #tpu.memory_space<vmem>>)
        %mul3A_178 = arith.constant 32 : i32
        %mul3A_179 = arith.muli %add3A_159, %mul3A_178 : i32
        %add3A_180 = arith.addi %add3A, %mul3A_179 : i32
        %mul3A_181 = arith.constant 128 : i32
        %mul3A_182 = arith.muli %add3A_180, %mul3A_181 : i32
        %dma_wait3A_183 = arith.constant 1 : i32
        %dma_wait3A_184 = tpu.memref_slice %arg3[%dma_wait3A_183, %mul3A_182] : memref<2x320000xi32, #tpu.memory_space<hbm>> -> memref<1x128xi32, #tpu.memory_space<hbm>>
        %dma_wait3A_185 = tpu.memref_squeeze %dma_wait3A_184 : memref<1x128xi32, #tpu.memory_space<hbm>> -> memref<128xi32, #tpu.memory_space<hbm>>
        %dma_wait3A_186 = tpu.memref_slice %arg3[%dma_wait3A_183, %mul3A_182] : memref<2x320000xi32, #tpu.memory_space<hbm>> -> memref<1x128xi32, #tpu.memory_space<hbm>>
        %dma_wait3A_187 = tpu.memref_squeeze %dma_wait3A_186 : memref<1x128xi32, #tpu.memory_space<hbm>> -> memref<128xi32, #tpu.memory_space<hbm>>
        tpu.wait_dma2 semaphore(%arg18 : memref<!tpu.dma_semaphore, #tpu.memory_space<semaphore_mem>>) src(%dma_wait3A_187 : memref<128xi32, #tpu.memory_space<hbm>>) dst(%arg8 : memref<128xi32, #tpu.memory_space<vmem>>)
        "tpu.region"() ({
          %run_scoped3A = tpu.sem_alloc : memref<!tpu.dma_semaphore, #tpu.memory_space<semaphore_mem>>
          %dma_start3A_194 = arith.constant 0 : i32
          %dma_start3A_195 = arith.constant 0 : i32
          %dma_start3A_196 = tpu.memref_slice %arg13[%dma_start3A_194, %dma_start3A_195] : memref<10112x128xf32, #tpu.memory_space<vmem_shared>> -> memref<10112x128xf32, #tpu.memory_space<vmem_shared>>
          tpu.enqueue_indirect_dma source(%arg10 : memref<128x128xf32, #tpu.memory_space<vmem>>) target(%dma_start3A_196 : memref<10112x128xf32, #tpu.memory_space<vmem_shared>>) offsets(%arg8 : memref<128xi32, #tpu.memory_space<vmem>>) semaphore(%run_scoped3A : memref<!tpu.dma_semaphore, #tpu.memory_space<semaphore_mem>>) {add = true}
          %dma_wait3A_197 = arith.constant 0 : i32
          %dma_wait3A_198 = arith.constant 0 : i32
          %dma_wait3A_199 = tpu.memref_slice %arg13[%dma_wait3A_197, %dma_wait3A_198] : memref<10112x128xf32, #tpu.memory_space<vmem_shared>> -> memref<10112x128xf32, #tpu.memory_space<vmem_shared>>
          tpu.wait_indirect_dma semaphore(%run_scoped3A : memref<!tpu.dma_semaphore, #tpu.memory_space<semaphore_mem>>) src(%arg10 : memref<128x128xf32, #tpu.memory_space<vmem>>) dst(%dma_wait3A_199 : memref<10112x128xf32, #tpu.memory_space<vmem_shared>>)
          tpu.yield
        }) : () -> ()
        %add3A_188 = arith.constant 2 : i32
        %add3A_189 = arith.addi %add3A_159, %add3A_188 : i32
        %lt3A_190 = arith.cmpi slt, %add3A_189, %select_n3A_61 : i32
        %convert_element_type3A_191 = arith.extui %lt3A_190 : i1 to i32
        %cond3A_192 = arith.constant 0 : i32
        %cond3A_193 = arith.cmpi ne, %convert_element_type3A_191, %cond3A_192 : i32
        scf.if %cond3A_193 {
          %add3A_194 = arith.constant 2 : i32
          %add3A_195 = arith.addi %add3A_159, %add3A_194 : i32
          %mul3A_196 = arith.constant 32 : i32
          %mul3A_197 = arith.muli %add3A_195, %mul3A_196 : i32
          %add3A_198 = arith.addi %add3A, %mul3A_197 : i32
          %mul3A_199 = arith.constant 128 : i32
          %mul3A_200 = arith.muli %add3A_198, %mul3A_199 : i32
          %dma_start3A_201 = arith.constant 1 : i32
          %dma_start3A_202 = tpu.memref_slice %arg3[%dma_start3A_201, %mul3A_200] : memref<2x320000xi32, #tpu.memory_space<hbm>> -> memref<1x128xi32, #tpu.memory_space<hbm>>
          %dma_start3A_203 = tpu.memref_squeeze %dma_start3A_202 : memref<1x128xi32, #tpu.memory_space<hbm>> -> memref<128xi32, #tpu.memory_space<hbm>>
          %dma_start3A_204 = tpu.memref_slice %arg3[%dma_start3A_201, %mul3A_200] : memref<2x320000xi32, #tpu.memory_space<hbm>> -> memref<1x128xi32, #tpu.memory_space<hbm>>
          %dma_start3A_205 = tpu.memref_squeeze %dma_start3A_204 : memref<1x128xi32, #tpu.memory_space<hbm>> -> memref<128xi32, #tpu.memory_space<hbm>>
          tpu.enqueue_dma source(%dma_start3A_205 : memref<128xi32, #tpu.memory_space<hbm>>) target(%arg8 : memref<128xi32, #tpu.memory_space<vmem>>) target_semaphore(%arg18 : memref<!tpu.dma_semaphore, #tpu.memory_space<semaphore_mem>>)
          %add3A_206 = arith.constant 2 : i32
          %add3A_207 = arith.addi %add3A_159, %add3A_206 : i32
          %mul3A_208 = arith.constant 32 : i32
          %mul3A_209 = arith.muli %add3A_207, %mul3A_208 : i32
          %add3A_210 = arith.addi %add3A, %mul3A_209 : i32
          %mul3A_211 = arith.constant 128 : i32
          %mul3A_212 = arith.muli %add3A_210, %mul3A_211 : i32
          %dma_start3A_213 = arith.constant 0 : i32
          %dma_start3A_214 = tpu.memref_slice %arg3[%dma_start3A_213, %mul3A_212] : memref<2x320000xi32, #tpu.memory_space<hbm>> -> memref<1x128xi32, #tpu.memory_space<hbm>>
          %dma_start3A_215 = tpu.memref_squeeze %dma_start3A_214 : memref<1x128xi32, #tpu.memory_space<hbm>> -> memref<128xi32, #tpu.memory_space<hbm>>
          %dma_start3A_216 = tpu.memref_slice %arg3[%dma_start3A_213, %mul3A_212] : memref<2x320000xi32, #tpu.memory_space<hbm>> -> memref<1x128xi32, #tpu.memory_space<hbm>>
          %dma_start3A_217 = tpu.memref_squeeze %dma_start3A_216 : memref<1x128xi32, #tpu.memory_space<hbm>> -> memref<128xi32, #tpu.memory_space<hbm>>
          tpu.enqueue_dma source(%dma_start3A_217 : memref<128xi32, #tpu.memory_space<hbm>>) target(%arg6 : memref<128xi32, #tpu.memory_space<vmem>>) target_semaphore(%arg16 : memref<!tpu.dma_semaphore, #tpu.memory_space<semaphore_mem>>)
        } else {
        }
      } else {
      }
      %mul3A_161 = arith.constant 2 : i32
      %mul3A_162 = arith.muli %mul3A_161, %while3A_155 : i32
      %add3A_163 = arith.constant 1 : i32
      %add3A_164 = arith.addi %mul3A_162, %add3A_163 : i32
      %lt3A_165 = arith.cmpi slt, %add3A_164, %select_n3A_61 : i32
      %convert_element_type3A_166 = arith.extui %lt3A_165 : i1 to i32
      %cond3A_167 = arith.constant 0 : i32
      %cond3A_168 = arith.cmpi ne, %convert_element_type3A_166, %cond3A_167 : i32
      scf.if %cond3A_168 {
        %add3A_169 = arith.constant 1 : i32
        %add3A_170 = arith.addi %add3A_164, %add3A_169 : i32
        %lt3A_171 = arith.cmpi slt, %add3A_170, %select_n3A_61 : i32
        %convert_element_type3A_172 = arith.extui %lt3A_171 : i1 to i32
        %cond3A_173 = arith.constant 0 : i32
        %cond3A_174 = arith.cmpi ne, %convert_element_type3A_172, %cond3A_173 : i32
        scf.if %cond3A_174 {
          %add3A_194 = arith.constant 1 : i32
          %add3A_195 = arith.addi %add3A_164, %add3A_194 : i32
          %mul3A_196 = arith.constant 32 : i32
          %mul3A_197 = arith.muli %add3A_195, %mul3A_196 : i32
          %add3A_198 = arith.addi %add3A, %mul3A_197 : i32
          %mul3A_199 = arith.constant 128 : i32
          %mul3A_200 = arith.muli %add3A_198, %mul3A_199 : i32
          %dma_wait3A_201 = arith.constant 0 : i32
          %dma_wait3A_202 = tpu.memref_slice %arg3[%dma_wait3A_201, %mul3A_200] : memref<2x320000xi32, #tpu.memory_space<hbm>> -> memref<1x128xi32, #tpu.memory_space<hbm>>
          %dma_wait3A_203 = tpu.memref_squeeze %dma_wait3A_202 : memref<1x128xi32, #tpu.memory_space<hbm>> -> memref<128xi32, #tpu.memory_space<hbm>>
          %dma_wait3A_204 = tpu.memref_slice %arg3[%dma_wait3A_201, %mul3A_200] : memref<2x320000xi32, #tpu.memory_space<hbm>> -> memref<1x128xi32, #tpu.memory_space<hbm>>
          %dma_wait3A_205 = tpu.memref_squeeze %dma_wait3A_204 : memref<1x128xi32, #tpu.memory_space<hbm>> -> memref<128xi32, #tpu.memory_space<hbm>>
          tpu.wait_dma2 semaphore(%arg16 : memref<!tpu.dma_semaphore, #tpu.memory_space<semaphore_mem>>) src(%dma_wait3A_205 : memref<128xi32, #tpu.memory_space<hbm>>) dst(%arg6 : memref<128xi32, #tpu.memory_space<vmem>>)
          %dma_start3A_206 = arith.constant 0 : i32
          %dma_start3A_207 = arith.constant 0 : i32
          %dma_start3A_208 = tpu.memref_slice %arg2[%dma_start3A_206, %dma_start3A_207] : memref<10000x128xf32, #tpu.memory_space<hbm>> -> memref<10000x128xf32, #tpu.memory_space<hbm>>
          tpu.enqueue_indirect_dma source(%dma_start3A_208 : memref<10000x128xf32, #tpu.memory_space<hbm>>) target(%arg10 : memref<128x128xf32, #tpu.memory_space<vmem>>) offsets(%arg6 : memref<128xi32, #tpu.memory_space<vmem>>) semaphore(%arg14 : memref<!tpu.dma_semaphore, #tpu.memory_space<semaphore_mem>>)
        } else {
        }
        %dma_wait3A_175 = arith.constant 0 : i32
        %dma_wait3A_176 = arith.constant 0 : i32
        %dma_wait3A_177 = tpu.memref_slice %arg2[%dma_wait3A_175, %dma_wait3A_176] : memref<10000x128xf32, #tpu.memory_space<hbm>> -> memref<10000x128xf32, #tpu.memory_space<hbm>>
        tpu.wait_indirect_dma semaphore(%arg15 : memref<!tpu.dma_semaphore, #tpu.memory_space<semaphore_mem>>) src(%dma_wait3A_177 : memref<10000x128xf32, #tpu.memory_space<hbm>>) dst(%arg11 : memref<128x128xf32, #tpu.memory_space<vmem>>)
        %mul3A_178 = arith.constant 32 : i32
        %mul3A_179 = arith.muli %add3A_164, %mul3A_178 : i32
        %add3A_180 = arith.addi %add3A, %mul3A_179 : i32
        %mul3A_181 = arith.constant 128 : i32
        %mul3A_182 = arith.muli %add3A_180, %mul3A_181 : i32
        %dma_wait3A_183 = arith.constant 1 : i32
        %dma_wait3A_184 = tpu.memref_slice %arg3[%dma_wait3A_183, %mul3A_182] : memref<2x320000xi32, #tpu.memory_space<hbm>> -> memref<1x128xi32, #tpu.memory_space<hbm>>
        %dma_wait3A_185 = tpu.memref_squeeze %dma_wait3A_184 : memref<1x128xi32, #tpu.memory_space<hbm>> -> memref<128xi32, #tpu.memory_space<hbm>>
        %dma_wait3A_186 = tpu.memref_slice %arg3[%dma_wait3A_183, %mul3A_182] : memref<2x320000xi32, #tpu.memory_space<hbm>> -> memref<1x128xi32, #tpu.memory_space<hbm>>
        %dma_wait3A_187 = tpu.memref_squeeze %dma_wait3A_186 : memref<1x128xi32, #tpu.memory_space<hbm>> -> memref<128xi32, #tpu.memory_space<hbm>>
        tpu.wait_dma2 semaphore(%arg19 : memref<!tpu.dma_semaphore, #tpu.memory_space<semaphore_mem>>) src(%dma_wait3A_187 : memref<128xi32, #tpu.memory_space<hbm>>) dst(%arg9 : memref<128xi32, #tpu.memory_space<vmem>>)
        "tpu.region"() ({
          %run_scoped3A = tpu.sem_alloc : memref<!tpu.dma_semaphore, #tpu.memory_space<semaphore_mem>>
          %dma_start3A_194 = arith.constant 0 : i32
          %dma_start3A_195 = arith.constant 0 : i32
          %dma_start3A_196 = tpu.memref_slice %arg13[%dma_start3A_194, %dma_start3A_195] : memref<10112x128xf32, #tpu.memory_space<vmem_shared>> -> memref<10112x128xf32, #tpu.memory_space<vmem_shared>>
          tpu.enqueue_indirect_dma source(%arg11 : memref<128x128xf32, #tpu.memory_space<vmem>>) target(%dma_start3A_196 : memref<10112x128xf32, #tpu.memory_space<vmem_shared>>) offsets(%arg9 : memref<128xi32, #tpu.memory_space<vmem>>) semaphore(%run_scoped3A : memref<!tpu.dma_semaphore, #tpu.memory_space<semaphore_mem>>) {add = true}
          %dma_wait3A_197 = arith.constant 0 : i32
          %dma_wait3A_198 = arith.constant 0 : i32
          %dma_wait3A_199 = tpu.memref_slice %arg13[%dma_wait3A_197, %dma_wait3A_198] : memref<10112x128xf32, #tpu.memory_space<vmem_shared>> -> memref<10112x128xf32, #tpu.memory_space<vmem_shared>>
          tpu.wait_indirect_dma semaphore(%run_scoped3A : memref<!tpu.dma_semaphore, #tpu.memory_space<semaphore_mem>>) src(%arg11 : memref<128x128xf32, #tpu.memory_space<vmem>>) dst(%dma_wait3A_199 : memref<10112x128xf32, #tpu.memory_space<vmem_shared>>)
          tpu.yield
        }) : () -> ()
        %add3A_188 = arith.constant 2 : i32
        %add3A_189 = arith.addi %add3A_164, %add3A_188 : i32
        %lt3A_190 = arith.cmpi slt, %add3A_189, %select_n3A_61 : i32
        %convert_element_type3A_191 = arith.extui %lt3A_190 : i1 to i32
        %cond3A_192 = arith.constant 0 : i32
        %cond3A_193 = arith.cmpi ne, %convert_element_type3A_191, %cond3A_192 : i32
        scf.if %cond3A_193 {
          %add3A_194 = arith.constant 2 : i32
          %add3A_195 = arith.addi %add3A_164, %add3A_194 : i32
          %mul3A_196 = arith.constant 32 : i32
          %mul3A_197 = arith.muli %add3A_195, %mul3A_196 : i32
          %add3A_198 = arith.addi %add3A, %mul3A_197 : i32
          %mul3A_199 = arith.constant 128 : i32
          %mul3A_200 = arith.muli %add3A_198, %mul3A_199 : i32
          %dma_start3A_201 = arith.constant 1 : i32
          %dma_start3A_202 = tpu.memref_slice %arg3[%dma_start3A_201, %mul3A_200] : memref<2x320000xi32, #tpu.memory_space<hbm>> -> memref<1x128xi32, #tpu.memory_space<hbm>>
          %dma_start3A_203 = tpu.memref_squeeze %dma_start3A_202 : memref<1x128xi32, #tpu.memory_space<hbm>> -> memref<128xi32, #tpu.memory_space<hbm>>
          %dma_start3A_204 = tpu.memref_slice %arg3[%dma_start3A_201, %mul3A_200] : memref<2x320000xi32, #tpu.memory_space<hbm>> -> memref<1x128xi32, #tpu.memory_space<hbm>>
          %dma_start3A_205 = tpu.memref_squeeze %dma_start3A_204 : memref<1x128xi32, #tpu.memory_space<hbm>> -> memref<128xi32, #tpu.memory_space<hbm>>
          tpu.enqueue_dma source(%dma_start3A_205 : memref<128xi32, #tpu.memory_space<hbm>>) target(%arg9 : memref<128xi32, #tpu.memory_space<vmem>>) target_semaphore(%arg19 : memref<!tpu.dma_semaphore, #tpu.memory_space<semaphore_mem>>)
          %add3A_206 = arith.constant 2 : i32
          %add3A_207 = arith.addi %add3A_164, %add3A_206 : i32
          %mul3A_208 = arith.constant 32 : i32
          %mul3A_209 = arith.muli %add3A_207, %mul3A_208 : i32
          %add3A_210 = arith.addi %add3A, %mul3A_209 : i32
          %mul3A_211 = arith.constant 128 : i32
          %mul3A_212 = arith.muli %add3A_210, %mul3A_211 : i32
          %dma_start3A_213 = arith.constant 0 : i32
          %dma_start3A_214 = tpu.memref_slice %arg3[%dma_start3A_213, %mul3A_212] : memref<2x320000xi32, #tpu.memory_space<hbm>> -> memref<1x128xi32, #tpu.memory_space<hbm>>
          %dma_start3A_215 = tpu.memref_squeeze %dma_start3A_214 : memref<1x128xi32, #tpu.memory_space<hbm>> -> memref<128xi32, #tpu.memory_space<hbm>>
          %dma_start3A_216 = tpu.memref_slice %arg3[%dma_start3A_213, %mul3A_212] : memref<2x320000xi32, #tpu.memory_space<hbm>> -> memref<1x128xi32, #tpu.memory_space<hbm>>
          %dma_start3A_217 = tpu.memref_squeeze %dma_start3A_216 : memref<1x128xi32, #tpu.memory_space<hbm>> -> memref<128xi32, #tpu.memory_space<hbm>>
          tpu.enqueue_dma source(%dma_start3A_217 : memref<128xi32, #tpu.memory_space<hbm>>) target(%arg7 : memref<128xi32, #tpu.memory_space<vmem>>) target_semaphore(%arg17 : memref<!tpu.dma_semaphore, #tpu.memory_space<semaphore_mem>>)
        } else {
        }
      } else {
      }
    }
    %while3A_143 = arith.constant 1 : i32
    scf.for %while3A_155 = %while3A_141 to %while3A_137 step %while3A_143  : i32 {
      %mul3A_156 = arith.constant 2 : i32
      %mul3A_157 = arith.muli %mul3A_156, %while3A_155 : i32
      %add3A_158 = arith.constant 0 : i32
      %add3A_159 = arith.addi %mul3A_157, %add3A_158 : i32
      %lt3A = arith.cmpi slt, %add3A_159, %select_n3A_61 : i32
      %convert_element_type3A = arith.extui %lt3A : i1 to i32
      %cond3A = arith.constant 0 : i32
      %cond3A_160 = arith.cmpi ne, %convert_element_type3A, %cond3A : i32
      scf.if %cond3A_160 {
        %add3A_169 = arith.constant 1 : i32
        %add3A_170 = arith.addi %add3A_159, %add3A_169 : i32
        %lt3A_171 = arith.cmpi slt, %add3A_170, %select_n3A_61 : i32
        %convert_element_type3A_172 = arith.extui %lt3A_171 : i1 to i32
        %cond3A_173 = arith.constant 0 : i32
        %cond3A_174 = arith.cmpi ne, %convert_element_type3A_172, %cond3A_173 : i32
        scf.if %cond3A_174 {
          %add3A_194 = arith.constant 1 : i32
          %add3A_195 = arith.addi %add3A_159, %add3A_194 : i32
          %mul3A_196 = arith.constant 32 : i32
          %mul3A_197 = arith.muli %add3A_195, %mul3A_196 : i32
          %add3A_198 = arith.addi %add3A, %mul3A_197 : i32
          %mul3A_199 = arith.constant 128 : i32
          %mul3A_200 = arith.muli %add3A_198, %mul3A_199 : i32
          %dma_wait3A_201 = arith.constant 0 : i32
          %dma_wait3A_202 = tpu.memref_slice %arg3[%dma_wait3A_201, %mul3A_200] : memref<2x320000xi32, #tpu.memory_space<hbm>> -> memref<1x128xi32, #tpu.memory_space<hbm>>
          %dma_wait3A_203 = tpu.memref_squeeze %dma_wait3A_202 : memref<1x128xi32, #tpu.memory_space<hbm>> -> memref<128xi32, #tpu.memory_space<hbm>>
          %dma_wait3A_204 = tpu.memref_slice %arg3[%dma_wait3A_201, %mul3A_200] : memref<2x320000xi32, #tpu.memory_space<hbm>> -> memref<1x128xi32, #tpu.memory_space<hbm>>
          %dma_wait3A_205 = tpu.memref_squeeze %dma_wait3A_204 : memref<1x128xi32, #tpu.memory_space<hbm>> -> memref<128xi32, #tpu.memory_space<hbm>>
          tpu.wait_dma2 semaphore(%arg17 : memref<!tpu.dma_semaphore, #tpu.memory_space<semaphore_mem>>) src(%dma_wait3A_205 : memref<128xi32, #tpu.memory_space<hbm>>) dst(%arg7 : memref<128xi32, #tpu.memory_space<vmem>>)
          %dma_start3A_206 = arith.constant 0 : i32
          %dma_start3A_207 = arith.constant 0 : i32
          %dma_start3A_208 = tpu.memref_slice %arg2[%dma_start3A_206, %dma_start3A_207] : memref<10000x128xf32, #tpu.memory_space<hbm>> -> memref<10000x128xf32, #tpu.memory_space<hbm>>
          tpu.enqueue_indirect_dma source(%dma_start3A_208 : memref<10000x128xf32, #tpu.memory_space<hbm>>) target(%arg11 : memref<128x128xf32, #tpu.memory_space<vmem>>) offsets(%arg7 : memref<128xi32, #tpu.memory_space<vmem>>) semaphore(%arg15 : memref<!tpu.dma_semaphore, #tpu.memory_space<semaphore_mem>>)
        } else {
        }
        %dma_wait3A_175 = arith.constant 0 : i32
        %dma_wait3A_176 = arith.constant 0 : i32
        %dma_wait3A_177 = tpu.memref_slice %arg2[%dma_wait3A_175, %dma_wait3A_176] : memref<10000x128xf32, #tpu.memory_space<hbm>> -> memref<10000x128xf32, #tpu.memory_space<hbm>>
        tpu.wait_indirect_dma semaphore(%arg14 : memref<!tpu.dma_semaphore, #tpu.memory_space<semaphore_mem>>) src(%dma_wait3A_177 : memref<10000x128xf32, #tpu.memory_space<hbm>>) dst(%arg10 : memref<128x128xf32, #tpu.memory_space<vmem>>)
        %mul3A_178 = arith.constant 32 : i32
        %mul3A_179 = arith.muli %add3A_159, %mul3A_178 : i32
        %add3A_180 = arith.addi %add3A, %mul3A_179 : i32
        %mul3A_181 = arith.constant 128 : i32
        %mul3A_182 = arith.muli %add3A_180, %mul3A_181 : i32
        %dma_wait3A_183 = arith.constant 1 : i32
        %dma_wait3A_184 = tpu.memref_slice %arg3[%dma_wait3A_183, %mul3A_182] : memref<2x320000xi32, #tpu.memory_space<hbm>> -> memref<1x128xi32, #tpu.memory_space<hbm>>
        %dma_wait3A_185 = tpu.memref_squeeze %dma_wait3A_184 : memref<1x128xi32, #tpu.memory_space<hbm>> -> memref<128xi32, #tpu.memory_space<hbm>>
        %dma_wait3A_186 = tpu.memref_slice %arg3[%dma_wait3A_183, %mul3A_182] : memref<2x320000xi32, #tpu.memory_space<hbm>> -> memref<1x128xi32, #tpu.memory_space<hbm>>
        %dma_wait3A_187 = tpu.memref_squeeze %dma_wait3A_186 : memref<1x128xi32, #tpu.memory_space<hbm>> -> memref<128xi32, #tpu.memory_space<hbm>>
        tpu.wait_dma2 semaphore(%arg18 : memref<!tpu.dma_semaphore, #tpu.memory_space<semaphore_mem>>) src(%dma_wait3A_187 : memref<128xi32, #tpu.memory_space<hbm>>) dst(%arg8 : memref<128xi32, #tpu.memory_space<vmem>>)
        "tpu.region"() ({
          %run_scoped3A = tpu.sem_alloc : memref<!tpu.dma_semaphore, #tpu.memory_space<semaphore_mem>>
          %dma_start3A_194 = arith.constant 0 : i32
          %dma_start3A_195 = arith.constant 0 : i32
          %dma_start3A_196 = tpu.memref_slice %arg13[%dma_start3A_194, %dma_start3A_195] : memref<10112x128xf32, #tpu.memory_space<vmem_shared>> -> memref<10112x128xf32, #tpu.memory_space<vmem_shared>>
          tpu.enqueue_indirect_dma source(%arg10 : memref<128x128xf32, #tpu.memory_space<vmem>>) target(%dma_start3A_196 : memref<10112x128xf32, #tpu.memory_space<vmem_shared>>) offsets(%arg8 : memref<128xi32, #tpu.memory_space<vmem>>) semaphore(%run_scoped3A : memref<!tpu.dma_semaphore, #tpu.memory_space<semaphore_mem>>) {add = true}
          %dma_wait3A_197 = arith.constant 0 : i32
          %dma_wait3A_198 = arith.constant 0 : i32
          %dma_wait3A_199 = tpu.memref_slice %arg13[%dma_wait3A_197, %dma_wait3A_198] : memref<10112x128xf32, #tpu.memory_space<vmem_shared>> -> memref<10112x128xf32, #tpu.memory_space<vmem_shared>>
          tpu.wait_indirect_dma semaphore(%run_scoped3A : memref<!tpu.dma_semaphore, #tpu.memory_space<semaphore_mem>>) src(%arg10 : memref<128x128xf32, #tpu.memory_space<vmem>>) dst(%dma_wait3A_199 : memref<10112x128xf32, #tpu.memory_space<vmem_shared>>)
          tpu.yield
        }) : () -> ()
        %add3A_188 = arith.constant 2 : i32
        %add3A_189 = arith.addi %add3A_159, %add3A_188 : i32
        %lt3A_190 = arith.cmpi slt, %add3A_189, %select_n3A_61 : i32
        %convert_element_type3A_191 = arith.extui %lt3A_190 : i1 to i32
        %cond3A_192 = arith.constant 0 : i32
        %cond3A_193 = arith.cmpi ne, %convert_element_type3A_191, %cond3A_192 : i32
        scf.if %cond3A_193 {
          %add3A_194 = arith.constant 2 : i32
          %add3A_195 = arith.addi %add3A_159, %add3A_194 : i32
          %mul3A_196 = arith.constant 32 : i32
          %mul3A_197 = arith.muli %add3A_195, %mul3A_196 : i32
          %add3A_198 = arith.addi %add3A, %mul3A_197 : i32
          %mul3A_199 = arith.constant 128 : i32
          %mul3A_200 = arith.muli %add3A_198, %mul3A_199 : i32
          %dma_start3A_201 = arith.constant 1 : i32
          %dma_start3A_202 = tpu.memref_slice %arg3[%dma_start3A_201, %mul3A_200] : memref<2x320000xi32, #tpu.memory_space<hbm>> -> memref<1x128xi32, #tpu.memory_space<hbm>>
          %dma_start3A_203 = tpu.memref_squeeze %dma_start3A_202 : memref<1x128xi32, #tpu.memory_space<hbm>> -> memref<128xi32, #tpu.memory_space<hbm>>
          %dma_start3A_204 = tpu.memref_slice %arg3[%dma_start3A_201, %mul3A_200] : memref<2x320000xi32, #tpu.memory_space<hbm>> -> memref<1x128xi32, #tpu.memory_space<hbm>>
          %dma_start3A_205 = tpu.memref_squeeze %dma_start3A_204 : memref<1x128xi32, #tpu.memory_space<hbm>> -> memref<128xi32, #tpu.memory_space<hbm>>
          tpu.enqueue_dma source(%dma_start3A_205 : memref<128xi32, #tpu.memory_space<hbm>>) target(%arg8 : memref<128xi32, #tpu.memory_space<vmem>>) target_semaphore(%arg18 : memref<!tpu.dma_semaphore, #tpu.memory_space<semaphore_mem>>)
          %add3A_206 = arith.constant 2 : i32
          %add3A_207 = arith.addi %add3A_159, %add3A_206 : i32
          %mul3A_208 = arith.constant 32 : i32
          %mul3A_209 = arith.muli %add3A_207, %mul3A_208 : i32
          %add3A_210 = arith.addi %add3A, %mul3A_209 : i32
          %mul3A_211 = arith.constant 128 : i32
          %mul3A_212 = arith.muli %add3A_210, %mul3A_211 : i32
          %dma_start3A_213 = arith.constant 0 : i32
          %dma_start3A_214 = tpu.memref_slice %arg3[%dma_start3A_213, %mul3A_212] : memref<2x320000xi32, #tpu.memory_space<hbm>> -> memref<1x128xi32, #tpu.memory_space<hbm>>
          %dma_start3A_215 = tpu.memref_squeeze %dma_start3A_214 : memref<1x128xi32, #tpu.memory_space<hbm>> -> memref<128xi32, #tpu.memory_space<hbm>>
          %dma_start3A_216 = tpu.memref_slice %arg3[%dma_start3A_213, %mul3A_212] : memref<2x320000xi32, #tpu.memory_space<hbm>> -> memref<1x128xi32, #tpu.memory_space<hbm>>
          %dma_start3A_217 = tpu.memref_squeeze %dma_start3A_216 : memref<1x128xi32, #tpu.memory_space<hbm>> -> memref<128xi32, #tpu.memory_space<hbm>>
          tpu.enqueue_dma source(%dma_start3A_217 : memref<128xi32, #tpu.memory_space<hbm>>) target(%arg6 : memref<128xi32, #tpu.memory_space<vmem>>) target_semaphore(%arg16 : memref<!tpu.dma_semaphore, #tpu.memory_space<semaphore_mem>>)
        } else {
        }
      } else {
      }
      %mul3A_161 = arith.constant 2 : i32
      %mul3A_162 = arith.muli %mul3A_161, %while3A_155 : i32
      %add3A_163 = arith.constant 1 : i32
      %add3A_164 = arith.addi %mul3A_162, %add3A_163 : i32
      %lt3A_165 = arith.cmpi slt, %add3A_164, %select_n3A_61 : i32
      %convert_element_type3A_166 = arith.extui %lt3A_165 : i1 to i32
      %cond3A_167 = arith.constant 0 : i32
      %cond3A_168 = arith.cmpi ne, %convert_element_type3A_166, %cond3A_167 : i32
      scf.if %cond3A_168 {
        %add3A_169 = arith.constant 1 : i32
        %add3A_170 = arith.addi %add3A_164, %add3A_169 : i32
        %lt3A_171 = arith.cmpi slt, %add3A_170, %select_n3A_61 : i32
        %convert_element_type3A_172 = arith.extui %lt3A_171 : i1 to i32
        %cond3A_173 = arith.constant 0 : i32
        %cond3A_174 = arith.cmpi ne, %convert_element_type3A_172, %cond3A_173 : i32
        scf.if %cond3A_174 {
          %add3A_194 = arith.constant 1 : i32
          %add3A_195 = arith.addi %add3A_164, %add3A_194 : i32
          %mul3A_196 = arith.constant 32 : i32
          %mul3A_197 = arith.muli %add3A_195, %mul3A_196 : i32
          %add3A_198 = arith.addi %add3A, %mul3A_197 : i32
          %mul3A_199 = arith.constant 128 : i32
          %mul3A_200 = arith.muli %add3A_198, %mul3A_199 : i32
          %dma_wait3A_201 = arith.constant 0 : i32
          %dma_wait3A_202 = tpu.memref_slice %arg3[%dma_wait3A_201, %mul3A_200] : memref<2x320000xi32, #tpu.memory_space<hbm>> -> memref<1x128xi32, #tpu.memory_space<hbm>>
          %dma_wait3A_203 = tpu.memref_squeeze %dma_wait3A_202 : memref<1x128xi32, #tpu.memory_space<hbm>> -> memref<128xi32, #tpu.memory_space<hbm>>
          %dma_wait3A_204 = tpu.memref_slice %arg3[%dma_wait3A_201, %mul3A_200] : memref<2x320000xi32, #tpu.memory_space<hbm>> -> memref<1x128xi32, #tpu.memory_space<hbm>>
          %dma_wait3A_205 = tpu.memref_squeeze %dma_wait3A_204 : memref<1x128xi32, #tpu.memory_space<hbm>> -> memref<128xi32, #tpu.memory_space<hbm>>
          tpu.wait_dma2 semaphore(%arg16 : memref<!tpu.dma_semaphore, #tpu.memory_space<semaphore_mem>>) src(%dma_wait3A_205 : memref<128xi32, #tpu.memory_space<hbm>>) dst(%arg6 : memref<128xi32, #tpu.memory_space<vmem>>)
          %dma_start3A_206 = arith.constant 0 : i32
          %dma_start3A_207 = arith.constant 0 : i32
          %dma_start3A_208 = tpu.memref_slice %arg2[%dma_start3A_206, %dma_start3A_207] : memref<10000x128xf32, #tpu.memory_space<hbm>> -> memref<10000x128xf32, #tpu.memory_space<hbm>>
          tpu.enqueue_indirect_dma source(%dma_start3A_208 : memref<10000x128xf32, #tpu.memory_space<hbm>>) target(%arg10 : memref<128x128xf32, #tpu.memory_space<vmem>>) offsets(%arg6 : memref<128xi32, #tpu.memory_space<vmem>>) semaphore(%arg14 : memref<!tpu.dma_semaphore, #tpu.memory_space<semaphore_mem>>)
        } else {
        }
        %dma_wait3A_175 = arith.constant 0 : i32
        %dma_wait3A_176 = arith.constant 0 : i32
        %dma_wait3A_177 = tpu.memref_slice %arg2[%dma_wait3A_175, %dma_wait3A_176] : memref<10000x128xf32, #tpu.memory_space<hbm>> -> memref<10000x128xf32, #tpu.memory_space<hbm>>
        tpu.wait_indirect_dma semaphore(%arg15 : memref<!tpu.dma_semaphore, #tpu.memory_space<semaphore_mem>>) src(%dma_wait3A_177 : memref<10000x128xf32, #tpu.memory_space<hbm>>) dst(%arg11 : memref<128x128xf32, #tpu.memory_space<vmem>>)
        %mul3A_178 = arith.constant 32 : i32
        %mul3A_179 = arith.muli %add3A_164, %mul3A_178 : i32
        %add3A_180 = arith.addi %add3A, %mul3A_179 : i32
        %mul3A_181 = arith.constant 128 : i32
        %mul3A_182 = arith.muli %add3A_180, %mul3A_181 : i32
        %dma_wait3A_183 = arith.constant 1 : i32
        %dma_wait3A_184 = tpu.memref_slice %arg3[%dma_wait3A_183, %mul3A_182] : memref<2x320000xi32, #tpu.memory_space<hbm>> -> memref<1x128xi32, #tpu.memory_space<hbm>>
        %dma_wait3A_185 = tpu.memref_squeeze %dma_wait3A_184 : memref<1x128xi32, #tpu.memory_space<hbm>> -> memref<128xi32, #tpu.memory_space<hbm>>
        %dma_wait3A_186 = tpu.memref_slice %arg3[%dma_wait3A_183, %mul3A_182] : memref<2x320000xi32, #tpu.memory_space<hbm>> -> memref<1x128xi32, #tpu.memory_space<hbm>>
        %dma_wait3A_187 = tpu.memref_squeeze %dma_wait3A_186 : memref<1x128xi32, #tpu.memory_space<hbm>> -> memref<128xi32, #tpu.memory_space<hbm>>
        tpu.wait_dma2 semaphore(%arg19 : memref<!tpu.dma_semaphore, #tpu.memory_space<semaphore_mem>>) src(%dma_wait3A_187 : memref<128xi32, #tpu.memory_space<hbm>>) dst(%arg9 : memref<128xi32, #tpu.memory_space<vmem>>)
        "tpu.region"() ({
          %run_scoped3A = tpu.sem_alloc : memref<!tpu.dma_semaphore, #tpu.memory_space<semaphore_mem>>
          %dma_start3A_194 = arith.constant 0 : i32
          %dma_start3A_195 = arith.constant 0 : i32
          %dma_start3A_196 = tpu.memref_slice %arg13[%dma_start3A_194, %dma_start3A_195] : memref<10112x128xf32, #tpu.memory_space<vmem_shared>> -> memref<10112x128xf32, #tpu.memory_space<vmem_shared>>
          tpu.enqueue_indirect_dma source(%arg11 : memref<128x128xf32, #tpu.memory_space<vmem>>) target(%dma_start3A_196 : memref<10112x128xf32, #tpu.memory_space<vmem_shared>>) offsets(%arg9 : memref<128xi32, #tpu.memory_space<vmem>>) semaphore(%run_scoped3A : memref<!tpu.dma_semaphore, #tpu.memory_space<semaphore_mem>>) {add = true}
          %dma_wait3A_197 = arith.constant 0 : i32
          %dma_wait3A_198 = arith.constant 0 : i32
          %dma_wait3A_199 = tpu.memref_slice %arg13[%dma_wait3A_197, %dma_wait3A_198] : memref<10112x128xf32, #tpu.memory_space<vmem_shared>> -> memref<10112x128xf32, #tpu.memory_space<vmem_shared>>
          tpu.wait_indirect_dma semaphore(%run_scoped3A : memref<!tpu.dma_semaphore, #tpu.memory_space<semaphore_mem>>) src(%arg11 : memref<128x128xf32, #tpu.memory_space<vmem>>) dst(%dma_wait3A_199 : memref<10112x128xf32, #tpu.memory_space<vmem_shared>>)
          tpu.yield
        }) : () -> ()
        %add3A_188 = arith.constant 2 : i32
        %add3A_189 = arith.addi %add3A_164, %add3A_188 : i32
        %lt3A_190 = arith.cmpi slt, %add3A_189, %select_n3A_61 : i32
        %convert_element_type3A_191 = arith.extui %lt3A_190 : i1 to i32
        %cond3A_192 = arith.constant 0 : i32
        %cond3A_193 = arith.cmpi ne, %convert_element_type3A_191, %cond3A_192 : i32
        scf.if %cond3A_193 {
          %add3A_194 = arith.constant 2 : i32
          %add3A_195 = arith.addi %add3A_164, %add3A_194 : i32
          %mul3A_196 = arith.constant 32 : i32
          %mul3A_197 = arith.muli %add3A_195, %mul3A_196 : i32
          %add3A_198 = arith.addi %add3A, %mul3A_197 : i32
          %mul3A_199 = arith.constant 128 : i32
          %mul3A_200 = arith.muli %add3A_198, %mul3A_199 : i32
          %dma_start3A_201 = arith.constant 1 : i32
          %dma_start3A_202 = tpu.memref_slice %arg3[%dma_start3A_201, %mul3A_200] : memref<2x320000xi32, #tpu.memory_space<hbm>> -> memref<1x128xi32, #tpu.memory_space<hbm>>
          %dma_start3A_203 = tpu.memref_squeeze %dma_start3A_202 : memref<1x128xi32, #tpu.memory_space<hbm>> -> memref<128xi32, #tpu.memory_space<hbm>>
          %dma_start3A_204 = tpu.memref_slice %arg3[%dma_start3A_201, %mul3A_200] : memref<2x320000xi32, #tpu.memory_space<hbm>> -> memref<1x128xi32, #tpu.memory_space<hbm>>
          %dma_start3A_205 = tpu.memref_squeeze %dma_start3A_204 : memref<1x128xi32, #tpu.memory_space<hbm>> -> memref<128xi32, #tpu.memory_space<hbm>>
          tpu.enqueue_dma source(%dma_start3A_205 : memref<128xi32, #tpu.memory_space<hbm>>) target(%arg9 : memref<128xi32, #tpu.memory_space<vmem>>) target_semaphore(%arg19 : memref<!tpu.dma_semaphore, #tpu.memory_space<semaphore_mem>>)
          %add3A_206 = arith.constant 2 : i32
          %add3A_207 = arith.addi %add3A_164, %add3A_206 : i32
          %mul3A_208 = arith.constant 32 : i32
          %mul3A_209 = arith.muli %add3A_207, %mul3A_208 : i32
          %add3A_210 = arith.addi %add3A, %mul3A_209 : i32
          %mul3A_211 = arith.constant 128 : i32
          %mul3A_212 = arith.muli %add3A_210, %mul3A_211 : i32
          %dma_start3A_213 = arith.constant 0 : i32
          %dma_start3A_214 = tpu.memref_slice %arg3[%dma_start3A_213, %mul3A_212] : memref<2x320000xi32, #tpu.memory_space<hbm>> -> memref<1x128xi32, #tpu.memory_space<hbm>>
          %dma_start3A_215 = tpu.memref_squeeze %dma_start3A_214 : memref<1x128xi32, #tpu.memory_space<hbm>> -> memref<128xi32, #tpu.memory_space<hbm>>
          %dma_start3A_216 = tpu.memref_slice %arg3[%dma_start3A_213, %mul3A_212] : memref<2x320000xi32, #tpu.memory_space<hbm>> -> memref<1x128xi32, #tpu.memory_space<hbm>>
          %dma_start3A_217 = tpu.memref_squeeze %dma_start3A_216 : memref<1x128xi32, #tpu.memory_space<hbm>> -> memref<128xi32, #tpu.memory_space<hbm>>
          tpu.enqueue_dma source(%dma_start3A_217 : memref<128xi32, #tpu.memory_space<hbm>>) target(%arg7 : memref<128xi32, #tpu.memory_space<vmem>>) target_semaphore(%arg17 : memref<!tpu.dma_semaphore, #tpu.memory_space<semaphore_mem>>)
        } else {
        }
      } else {
      }
    }
    %barrier3A_144 = arith.constant 0 : index
    tpu.barrier barrier_id(%barrier3A_144)
    %while3A_145 = arith.constant 0 : i32
    %while3A_146 = arith.constant 0 : i32
    %while3A_147 = arith.subi %select_n3A, %while3A_146 : i32
    %while3A_148 = arith.addi %while3A_146, %while3A_147 : i32
    %while3A_149 = arith.constant 1 : i32
    %while3A_150 = arith.divsi %while3A_147, %while3A_149 : i32
    %while3A_151 = arith.muli %while3A_150, %while3A_149 : i32
    %while3A_152 = arith.addi %while3A_146, %while3A_151 : i32
    %while3A_153 = arith.constant 1 : i32
    scf.for %while3A_155 = %while3A_146 to %while3A_152 step %while3A_153  : i32 {
      %mul3A_156 = arith.constant 16 : i32
      %mul3A_157 = arith.muli %while3A_155, %mul3A_156 : i32
      %add3A_158 = arith.addi %arg1, %mul3A_157 : i32
      %mul3A_159 = arith.constant 128 : i32
      %mul3A_160 = arith.muli %add3A_158, %mul3A_159 : i32
      "tpu.region"() ({
        %run_scoped3A = tpu.sem_alloc : memref<!tpu.dma_semaphore, #tpu.memory_space<semaphore_mem>>
        %dma_start3A_161 = arith.constant 0 : i32
        %dma_start3A_162 = tpu.memref_slice %arg13[%mul3A_160, %dma_start3A_161] : memref<10112x128xf32, #tpu.memory_space<vmem_shared>> -> memref<128x128xf32, #tpu.memory_space<vmem_shared>>
        %dma_start3A_163 = arith.constant 0 : i32
        %dma_start3A_164 = tpu.memref_slice %arg13[%mul3A_160, %dma_start3A_163] : memref<10112x128xf32, #tpu.memory_space<vmem_shared>> -> memref<128x128xf32, #tpu.memory_space<vmem_shared>>
        tpu.enqueue_dma source(%dma_start3A_164 : memref<128x128xf32, #tpu.memory_space<vmem_shared>>) target(%arg12 : memref<128x128xf32, #tpu.memory_space<vmem>>) target_semaphore(%run_scoped3A : memref<!tpu.dma_semaphore, #tpu.memory_space<semaphore_mem>>)
        %dma_wait3A_165 = arith.constant 0 : i32
        %dma_wait3A_166 = tpu.memref_slice %arg13[%mul3A_160, %dma_wait3A_165] : memref<10112x128xf32, #tpu.memory_space<vmem_shared>> -> memref<128x128xf32, #tpu.memory_space<vmem_shared>>
        %dma_wait3A_167 = arith.constant 0 : i32
        %dma_wait3A_168 = tpu.memref_slice %arg13[%mul3A_160, %dma_wait3A_167] : memref<10112x128xf32, #tpu.memory_space<vmem_shared>> -> memref<128x128xf32, #tpu.memory_space<vmem_shared>>
        tpu.wait_dma2 semaphore(%run_scoped3A : memref<!tpu.dma_semaphore, #tpu.memory_space<semaphore_mem>>) src(%dma_wait3A_168 : memref<128x128xf32, #tpu.memory_space<vmem_shared>>) dst(%arg12 : memref<128x128xf32, #tpu.memory_space<vmem>>)
        tpu.yield
      }) : () -> ()
      "tpu.region"() ({
        %run_scoped3A = tpu.sem_alloc : memref<!tpu.dma_semaphore, #tpu.memory_space<semaphore_mem>>
        %dma_start3A_161 = arith.constant 0 : i32
        %dma_start3A_162 = tpu.memref_slice %arg5[%arg0, %mul3A_160, %dma_start3A_161] : memref<2x10112x128xf32, #tpu.memory_space<hbm>> -> memref<1x128x128xf32, #tpu.memory_space<hbm>>
        %dma_start3A_163 = tpu.memref_squeeze %dma_start3A_162 : memref<1x128x128xf32, #tpu.memory_space<hbm>> -> memref<128x128xf32, #tpu.memory_space<hbm>>
        %dma_start3A_164 = arith.constant 0 : i32
        %dma_start3A_165 = tpu.memref_slice %arg5[%arg0, %mul3A_160, %dma_start3A_164] : memref<2x10112x128xf32, #tpu.memory_space<hbm>> -> memref<1x128x128xf32, #tpu.memory_space<hbm>>
        %dma_start3A_166 = tpu.memref_squeeze %dma_start3A_165 : memref<1x128x128xf32, #tpu.memory_space<hbm>> -> memref<128x128xf32, #tpu.memory_space<hbm>>
        tpu.enqueue_dma source(%arg12 : memref<128x128xf32, #tpu.memory_space<vmem>>) target(%dma_start3A_166 : memref<128x128xf32, #tpu.memory_space<hbm>>) target_semaphore(%run_scoped3A : memref<!tpu.dma_semaphore, #tpu.memory_space<semaphore_mem>>)
        %dma_wait3A_167 = arith.constant 0 : i32
        %dma_wait3A_168 = tpu.memref_slice %arg5[%arg0, %mul3A_160, %dma_wait3A_167] : memref<2x10112x128xf32, #tpu.memory_space<hbm>> -> memref<1x128x128xf32, #tpu.memory_space<hbm>>
        %dma_wait3A_169 = tpu.memref_squeeze %dma_wait3A_168 : memref<1x128x128xf32, #tpu.memory_space<hbm>> -> memref<128x128xf32, #tpu.memory_space<hbm>>
        %dma_wait3A_170 = arith.constant 0 : i32
        %dma_wait3A_171 = tpu.memref_slice %arg5[%arg0, %mul3A_160, %dma_wait3A_170] : memref<2x10112x128xf32, #tpu.memory_space<hbm>> -> memref<1x128x128xf32, #tpu.memory_space<hbm>>
        %dma_wait3A_172 = tpu.memref_squeeze %dma_wait3A_171 : memref<1x128x128xf32, #tpu.memory_space<hbm>> -> memref<128x128xf32, #tpu.memory_space<hbm>>
        tpu.wait_dma2 semaphore(%run_scoped3A : memref<!tpu.dma_semaphore, #tpu.memory_space<semaphore_mem>>) src(%arg12 : memref<128x128xf32, #tpu.memory_space<vmem>>) dst(%dma_wait3A_172 : memref<128x128xf32, #tpu.memory_space<hbm>>)
        tpu.yield
      }) : () -> ()
    }
    %while3A_154 = arith.constant 1 : i32
    scf.for %while3A_155 = %while3A_152 to %while3A_148 step %while3A_154  : i32 {
      %mul3A_156 = arith.constant 16 : i32
      %mul3A_157 = arith.muli %while3A_155, %mul3A_156 : i32
      %add3A_158 = arith.addi %arg1, %mul3A_157 : i32
      %mul3A_159 = arith.constant 128 : i32
      %mul3A_160 = arith.muli %add3A_158, %mul3A_159 : i32
      "tpu.region"() ({
        %run_scoped3A = tpu.sem_alloc : memref<!tpu.dma_semaphore, #tpu.memory_space<semaphore_mem>>
        %dma_start3A_161 = arith.constant 0 : i32
        %dma_start3A_162 = tpu.memref_slice %arg13[%mul3A_160, %dma_start3A_161] : memref<10112x128xf32, #tpu.memory_space<vmem_shared>> -> memref<128x128xf32, #tpu.memory_space<vmem_shared>>
        %dma_start3A_163 = arith.constant 0 : i32
        %dma_start3A_164 = tpu.memref_slice %arg13[%mul3A_160, %dma_start3A_163] : memref<10112x128xf32, #tpu.memory_space<vmem_shared>> -> memref<128x128xf32, #tpu.memory_space<vmem_shared>>
        tpu.enqueue_dma source(%dma_start3A_164 : memref<128x128xf32, #tpu.memory_space<vmem_shared>>) target(%arg12 : memref<128x128xf32, #tpu.memory_space<vmem>>) target_semaphore(%run_scoped3A : memref<!tpu.dma_semaphore, #tpu.memory_space<semaphore_mem>>)
        %dma_wait3A_165 = arith.constant 0 : i32
        %dma_wait3A_166 = tpu.memref_slice %arg13[%mul3A_160, %dma_wait3A_165] : memref<10112x128xf32, #tpu.memory_space<vmem_shared>> -> memref<128x128xf32, #tpu.memory_space<vmem_shared>>
        %dma_wait3A_167 = arith.constant 0 : i32
        %dma_wait3A_168 = tpu.memref_slice %arg13[%mul3A_160, %dma_wait3A_167] : memref<10112x128xf32, #tpu.memory_space<vmem_shared>> -> memref<128x128xf32, #tpu.memory_space<vmem_shared>>
        tpu.wait_dma2 semaphore(%run_scoped3A : memref<!tpu.dma_semaphore, #tpu.memory_space<semaphore_mem>>) src(%dma_wait3A_168 : memref<128x128xf32, #tpu.memory_space<vmem_shared>>) dst(%arg12 : memref<128x128xf32, #tpu.memory_space<vmem>>)
        tpu.yield
      }) : () -> ()
      "tpu.region"() ({
        %run_scoped3A = tpu.sem_alloc : memref<!tpu.dma_semaphore, #tpu.memory_space<semaphore_mem>>
        %dma_start3A_161 = arith.constant 0 : i32
        %dma_start3A_162 = tpu.memref_slice %arg5[%arg0, %mul3A_160, %dma_start3A_161] : memref<2x10112x128xf32, #tpu.memory_space<hbm>> -> memref<1x128x128xf32, #tpu.memory_space<hbm>>
        %dma_start3A_163 = tpu.memref_squeeze %dma_start3A_162 : memref<1x128x128xf32, #tpu.memory_space<hbm>> -> memref<128x128xf32, #tpu.memory_space<hbm>>
        %dma_start3A_164 = arith.constant 0 : i32
        %dma_start3A_165 = tpu.memref_slice %arg5[%arg0, %mul3A_160, %dma_start3A_164] : memref<2x10112x128xf32, #tpu.memory_space<hbm>> -> memref<1x128x128xf32, #tpu.memory_space<hbm>>
        %dma_start3A_166 = tpu.memref_squeeze %dma_start3A_165 : memref<1x128x128xf32, #tpu.memory_space<hbm>> -> memref<128x128xf32, #tpu.memory_space<hbm>>
        tpu.enqueue_dma source(%arg12 : memref<128x128xf32, #tpu.memory_space<vmem>>) target(%dma_start3A_166 : memref<128x128xf32, #tpu.memory_space<hbm>>) target_semaphore(%run_scoped3A : memref<!tpu.dma_semaphore, #tpu.memory_space<semaphore_mem>>)
        %dma_wait3A_167 = arith.constant 0 : i32
        %dma_wait3A_168 = tpu.memref_slice %arg5[%arg0, %mul3A_160, %dma_wait3A_167] : memref<2x10112x128xf32, #tpu.memory_space<hbm>> -> memref<1x128x128xf32, #tpu.memory_space<hbm>>
        %dma_wait3A_169 = tpu.memref_squeeze %dma_wait3A_168 : memref<1x128x128xf32, #tpu.memory_space<hbm>> -> memref<128x128xf32, #tpu.memory_space<hbm>>
        %dma_wait3A_170 = arith.constant 0 : i32
        %dma_wait3A_171 = tpu.memref_slice %arg5[%arg0, %mul3A_160, %dma_wait3A_170] : memref<2x10112x128xf32, #tpu.memory_space<hbm>> -> memref<1x128x128xf32, #tpu.memory_space<hbm>>
        %dma_wait3A_172 = tpu.memref_squeeze %dma_wait3A_171 : memref<1x128x128xf32, #tpu.memory_space<hbm>> -> memref<128x128xf32, #tpu.memory_space<hbm>>
        tpu.wait_dma2 semaphore(%run_scoped3A : memref<!tpu.dma_semaphore, #tpu.memory_space<semaphore_mem>>) src(%arg12 : memref<128x128xf32, #tpu.memory_space<vmem>>) dst(%dma_wait3A_172 : memref<128x128xf32, #tpu.memory_space<hbm>>)
        tpu.yield
      }) : () -> ()
    }
    return
  }
}

#map = affine_map<(d0, d1) -> (0, 0)>
#map1 = affine_map<(d0, d1) -> (0)>
module attributes {stable_mosaic.version = 14 : i64} {
  func.func @sc_compact(%arg0: i32, %arg1: i32, %arg2: memref<2x320000xi32, #tpu.memory_space<hbm>>, %arg3: memref<10000xf32, #tpu.memory_space<hbm>>, %arg4: memref<10112xi32, #tpu.memory_space<hbm>>, %arg5: memref<10112xi32, #tpu.memory_space<hbm>>, %arg6: memref<32x10112xi32, #tpu.memory_space<hbm>>, %arg7: memref<32x10112xi32, #tpu.memory_space<hbm>>, %arg8: memref<32x128xi32, #tpu.memory_space<hbm>>, %arg9: memref<128xi32, #tpu.memory_space<vmem>>, %arg10: memref<128xi32, #tpu.memory_space<vmem>>, %arg11: memref<128xi32, #tpu.memory_space<vmem>>, %arg12: memref<128xi32, #tpu.memory_space<vmem>>, %arg13: memref<10000xf32, #tpu.memory_space<vmem>>, %arg14: memref<10112xi32, #tpu.memory_space<vmem>>, %arg15: memref<10112xi32, #tpu.memory_space<vmem>>, %arg16: memref<128xi32, #tpu.memory_space<vmem>>, %arg17: memref<!tpu.dma_semaphore, #tpu.memory_space<semaphore_mem>>, %arg18: memref<!tpu.dma_semaphore, #tpu.memory_space<semaphore_mem>>, %arg19: memref<!tpu.dma_semaphore, #tpu.memory_space<semaphore_mem>>, %arg20: memref<!tpu.dma_semaphore, #tpu.memory_space<semaphore_mem>>) attributes {dimension_semantics = [#tpu.dimension_semantics<core_parallel>, #tpu.dimension_semantics<subcore_parallel>], iteration_bounds = array<i64: 2, 16>, scalar_prefetch = 0 : i64, scratch_operands = 12 : i64, tpu.core_type = #tpu.core_type<sc_vector_subcore>, window_params = [{transform_indices = #map}, {transform_indices = #map1}, {transform_indices = #map1}, {transform_indices = #map1}, {transform_indices = #map}, {transform_indices = #map}, {transform_indices = #map}]} {
    %mul3A = arith.constant 2 : i32
    %mul3A_0 = arith.muli %arg1, %mul3A : i32
    %add3A = arith.addi %mul3A_0, %arg0 : i32
    "tpu.region"() ({
      %run_scoped3A = tpu.sem_alloc : memref<!tpu.dma_semaphore, #tpu.memory_space<semaphore_mem>>
      tpu.enqueue_dma source(%arg3 : memref<10000xf32, #tpu.memory_space<hbm>>) target(%arg13 : memref<10000xf32, #tpu.memory_space<vmem>>) target_semaphore(%run_scoped3A : memref<!tpu.dma_semaphore, #tpu.memory_space<semaphore_mem>>)
      tpu.wait_dma2 semaphore(%run_scoped3A : memref<!tpu.dma_semaphore, #tpu.memory_space<semaphore_mem>>) src(%arg3 : memref<10000xf32, #tpu.memory_space<hbm>>) dst(%arg13 : memref<10000xf32, #tpu.memory_space<vmem>>)
      tpu.yield
    }) : () -> ()
    "tpu.region"() ({
      %run_scoped3A = tpu.sem_alloc : memref<!tpu.dma_semaphore, #tpu.memory_space<semaphore_mem>>
      tpu.enqueue_dma source(%arg4 : memref<10112xi32, #tpu.memory_space<hbm>>) target(%arg14 : memref<10112xi32, #tpu.memory_space<vmem>>) target_semaphore(%run_scoped3A : memref<!tpu.dma_semaphore, #tpu.memory_space<semaphore_mem>>)
      tpu.wait_dma2 semaphore(%run_scoped3A : memref<!tpu.dma_semaphore, #tpu.memory_space<semaphore_mem>>) src(%arg4 : memref<10112xi32, #tpu.memory_space<hbm>>) dst(%arg14 : memref<10112xi32, #tpu.memory_space<vmem>>)
      tpu.yield
    }) : () -> ()
    "tpu.region"() ({
      %run_scoped3A = tpu.sem_alloc : memref<!tpu.dma_semaphore, #tpu.memory_space<semaphore_mem>>
      tpu.enqueue_dma source(%arg5 : memref<10112xi32, #tpu.memory_space<hbm>>) target(%arg15 : memref<10112xi32, #tpu.memory_space<vmem>>) target_semaphore(%run_scoped3A : memref<!tpu.dma_semaphore, #tpu.memory_space<semaphore_mem>>)
      tpu.wait_dma2 semaphore(%run_scoped3A : memref<!tpu.dma_semaphore, #tpu.memory_space<semaphore_mem>>) src(%arg5 : memref<10112xi32, #tpu.memory_space<hbm>>) dst(%arg15 : memref<10112xi32, #tpu.memory_space<vmem>>)
      tpu.yield
    }) : () -> ()
    %sub3A = arith.constant 2500 : i32
    %sub3A_1 = arith.subi %sub3A, %add3A : i32
    %add3A_2 = arith.constant 32 : i32
    %add3A_3 = arith.addi %sub3A_1, %add3A_2 : i32
    %sub3A_4 = arith.constant 1 : i32
    %sub3A_5 = arith.subi %add3A_3, %sub3A_4 : i32
    %jit3A = arith.constant 32 : i32
    %div3A = arith.divsi %sub3A_5, %jit3A : i32
    %sign3A = arith.constant 0 : i32
    %sign3A_6 = arith.cmpi sgt, %sub3A_5, %sign3A : i32
    %sign3A_7 = arith.extui %sign3A_6 : i1 to i32
    %sign3A_8 = arith.constant 0 : i32
    %sign3A_9 = arith.cmpi slt, %sub3A_5, %sign3A_8 : i32
    %sign3A_10 = arith.extui %sign3A_9 : i1 to i32
    %sign3A_11 = arith.subi %sign3A_7, %sign3A_10 : i32
    %sign3A_12 = arith.constant 0 : i32
    %sign3A_13 = arith.cmpi sgt, %jit3A, %sign3A_12 : i32
    %sign3A_14 = arith.extui %sign3A_13 : i1 to i32
    %sign3A_15 = arith.constant 0 : i32
    %sign3A_16 = arith.cmpi slt, %jit3A, %sign3A_15 : i32
    %sign3A_17 = arith.extui %sign3A_16 : i1 to i32
    %sign3A_18 = arith.subi %sign3A_14, %sign3A_17 : i32
    %ne3A = arith.cmpi ne, %sign3A_11, %sign3A_18 : i32
    %rem3A = arith.remsi %sub3A_5, %jit3A : i32
    %ne3A_19 = arith.constant 0 : i32
    %ne3A_20 = arith.cmpi ne, %rem3A, %ne3A_19 : i32
    %and3A = arith.andi %ne3A, %ne3A_20 : i1
    %sub3A_21 = arith.constant 1 : i32
    %sub3A_22 = arith.subi %div3A, %sub3A_21 : i32
    %select_n3A = arith.select %and3A, %sub3A_22, %div3A : i32
    %add3A_23 = arith.constant 0 : i32
    %add3A_24 = arith.addi %add3A, %add3A_23 : i32
    %mul3A_25 = arith.constant 128 : i32
    %mul3A_26 = arith.muli %add3A_24, %mul3A_25 : i32
    %dma_start3A = arith.constant 0 : i32
    %dma_start3A_27 = tpu.memref_slice %arg2[%dma_start3A, %mul3A_26] : memref<2x320000xi32, #tpu.memory_space<hbm>> -> memref<1x128xi32, #tpu.memory_space<hbm>>
    %dma_start3A_28 = tpu.memref_squeeze %dma_start3A_27 : memref<1x128xi32, #tpu.memory_space<hbm>> -> memref<128xi32, #tpu.memory_space<hbm>>
    %dma_start3A_29 = tpu.memref_slice %arg2[%dma_start3A, %mul3A_26] : memref<2x320000xi32, #tpu.memory_space<hbm>> -> memref<1x128xi32, #tpu.memory_space<hbm>>
    %dma_start3A_30 = tpu.memref_squeeze %dma_start3A_29 : memref<1x128xi32, #tpu.memory_space<hbm>> -> memref<128xi32, #tpu.memory_space<hbm>>
    tpu.enqueue_dma source(%dma_start3A_30 : memref<128xi32, #tpu.memory_space<hbm>>) target(%arg9 : memref<128xi32, #tpu.memory_space<vmem>>) target_semaphore(%arg17 : memref<!tpu.dma_semaphore, #tpu.memory_space<semaphore_mem>>)
    %add3A_31 = arith.constant 0 : i32
    %add3A_32 = arith.addi %add3A, %add3A_31 : i32
    %mul3A_33 = arith.constant 128 : i32
    %mul3A_34 = arith.muli %add3A_32, %mul3A_33 : i32
    %dma_start3A_35 = arith.constant 1 : i32
    %dma_start3A_36 = tpu.memref_slice %arg2[%dma_start3A_35, %mul3A_34] : memref<2x320000xi32, #tpu.memory_space<hbm>> -> memref<1x128xi32, #tpu.memory_space<hbm>>
    %dma_start3A_37 = tpu.memref_squeeze %dma_start3A_36 : memref<1x128xi32, #tpu.memory_space<hbm>> -> memref<128xi32, #tpu.memory_space<hbm>>
    %dma_start3A_38 = tpu.memref_slice %arg2[%dma_start3A_35, %mul3A_34] : memref<2x320000xi32, #tpu.memory_space<hbm>> -> memref<1x128xi32, #tpu.memory_space<hbm>>
    %dma_start3A_39 = tpu.memref_squeeze %dma_start3A_38 : memref<1x128xi32, #tpu.memory_space<hbm>> -> memref<128xi32, #tpu.memory_space<hbm>>
    tpu.enqueue_dma source(%dma_start3A_39 : memref<128xi32, #tpu.memory_space<hbm>>) target(%arg11 : memref<128xi32, #tpu.memory_space<vmem>>) target_semaphore(%arg19 : memref<!tpu.dma_semaphore, #tpu.memory_space<semaphore_mem>>)
    %add3A_40 = arith.constant 32 : i32
    %add3A_41 = arith.addi %add3A, %add3A_40 : i32
    %mul3A_42 = arith.constant 128 : i32
    %mul3A_43 = arith.muli %add3A_41, %mul3A_42 : i32
    %dma_start3A_44 = arith.constant 0 : i32
    %dma_start3A_45 = tpu.memref_slice %arg2[%dma_start3A_44, %mul3A_43] : memref<2x320000xi32, #tpu.memory_space<hbm>> -> memref<1x128xi32, #tpu.memory_space<hbm>>
    %dma_start3A_46 = tpu.memref_squeeze %dma_start3A_45 : memref<1x128xi32, #tpu.memory_space<hbm>> -> memref<128xi32, #tpu.memory_space<hbm>>
    %dma_start3A_47 = tpu.memref_slice %arg2[%dma_start3A_44, %mul3A_43] : memref<2x320000xi32, #tpu.memory_space<hbm>> -> memref<1x128xi32, #tpu.memory_space<hbm>>
    %dma_start3A_48 = tpu.memref_squeeze %dma_start3A_47 : memref<1x128xi32, #tpu.memory_space<hbm>> -> memref<128xi32, #tpu.memory_space<hbm>>
    tpu.enqueue_dma source(%dma_start3A_48 : memref<128xi32, #tpu.memory_space<hbm>>) target(%arg10 : memref<128xi32, #tpu.memory_space<vmem>>) target_semaphore(%arg18 : memref<!tpu.dma_semaphore, #tpu.memory_space<semaphore_mem>>)
    %add3A_49 = arith.constant 32 : i32
    %add3A_50 = arith.addi %add3A, %add3A_49 : i32
    %mul3A_51 = arith.constant 128 : i32
    %mul3A_52 = arith.muli %add3A_50, %mul3A_51 : i32
    %dma_start3A_53 = arith.constant 1 : i32
    %dma_start3A_54 = tpu.memref_slice %arg2[%dma_start3A_53, %mul3A_52] : memref<2x320000xi32, #tpu.memory_space<hbm>> -> memref<1x128xi32, #tpu.memory_space<hbm>>
    %dma_start3A_55 = tpu.memref_squeeze %dma_start3A_54 : memref<1x128xi32, #tpu.memory_space<hbm>> -> memref<128xi32, #tpu.memory_space<hbm>>
    %dma_start3A_56 = tpu.memref_slice %arg2[%dma_start3A_53, %mul3A_52] : memref<2x320000xi32, #tpu.memory_space<hbm>> -> memref<1x128xi32, #tpu.memory_space<hbm>>
    %dma_start3A_57 = tpu.memref_squeeze %dma_start3A_56 : memref<1x128xi32, #tpu.memory_space<hbm>> -> memref<128xi32, #tpu.memory_space<hbm>>
    tpu.enqueue_dma source(%dma_start3A_57 : memref<128xi32, #tpu.memory_space<hbm>>) target(%arg12 : memref<128xi32, #tpu.memory_space<vmem>>) target_semaphore(%arg20 : memref<!tpu.dma_semaphore, #tpu.memory_space<semaphore_mem>>)
    %scan3A = arith.constant 0 : i32
    %scan3A_58 = arith.constant 0 : i32
    %scan3A_59 = arith.constant 39 : i32
    %scan3A_60 = arith.addi %scan3A_58, %scan3A_59 : i32
    %scan3A_61 = arith.constant 1 : i32
    %scan3A_62 = scf.for %scan3A_89 = %scan3A_58 to %scan3A_60 step %scan3A_61 iter_args(%scan3A_90 = %scan3A) -> (i32)  : i32 {
      %mul3A_91 = arith.constant 2 : i32
      %mul3A_92 = arith.muli %mul3A_91, %scan3A_89 : i32
      %add3A_93 = arith.constant 0 : i32
      %add3A_94 = arith.addi %mul3A_92, %add3A_93 : i32
      %mul3A_95 = arith.constant 32 : i32
      %mul3A_96 = arith.muli %add3A_94, %mul3A_95 : i32
      %add3A_97 = arith.addi %add3A, %mul3A_96 : i32
      %mul3A_98 = arith.constant 128 : i32
      %mul3A_99 = arith.muli %add3A_97, %mul3A_98 : i32
      %dma_wait3A = arith.constant 0 : i32
      %dma_wait3A_100 = tpu.memref_slice %arg2[%dma_wait3A, %mul3A_99] : memref<2x320000xi32, #tpu.memory_space<hbm>> -> memref<1x128xi32, #tpu.memory_space<hbm>>
      %dma_wait3A_101 = tpu.memref_squeeze %dma_wait3A_100 : memref<1x128xi32, #tpu.memory_space<hbm>> -> memref<128xi32, #tpu.memory_space<hbm>>
      %dma_wait3A_102 = tpu.memref_slice %arg2[%dma_wait3A, %mul3A_99] : memref<2x320000xi32, #tpu.memory_space<hbm>> -> memref<1x128xi32, #tpu.memory_space<hbm>>
      %dma_wait3A_103 = tpu.memref_squeeze %dma_wait3A_102 : memref<1x128xi32, #tpu.memory_space<hbm>> -> memref<128xi32, #tpu.memory_space<hbm>>
      tpu.wait_dma2 semaphore(%arg17 : memref<!tpu.dma_semaphore, #tpu.memory_space<semaphore_mem>>) src(%dma_wait3A_103 : memref<128xi32, #tpu.memory_space<hbm>>) dst(%arg9 : memref<128xi32, #tpu.memory_space<vmem>>)
      %mul3A_104 = arith.constant 32 : i32
      %mul3A_105 = arith.muli %add3A_94, %mul3A_104 : i32
      %add3A_106 = arith.addi %add3A, %mul3A_105 : i32
      %mul3A_107 = arith.constant 128 : i32
      %mul3A_108 = arith.muli %add3A_106, %mul3A_107 : i32
      %dma_wait3A_109 = arith.constant 1 : i32
      %dma_wait3A_110 = tpu.memref_slice %arg2[%dma_wait3A_109, %mul3A_108] : memref<2x320000xi32, #tpu.memory_space<hbm>> -> memref<1x128xi32, #tpu.memory_space<hbm>>
      %dma_wait3A_111 = tpu.memref_squeeze %dma_wait3A_110 : memref<1x128xi32, #tpu.memory_space<hbm>> -> memref<128xi32, #tpu.memory_space<hbm>>
      %dma_wait3A_112 = tpu.memref_slice %arg2[%dma_wait3A_109, %mul3A_108] : memref<2x320000xi32, #tpu.memory_space<hbm>> -> memref<1x128xi32, #tpu.memory_space<hbm>>
      %dma_wait3A_113 = tpu.memref_squeeze %dma_wait3A_112 : memref<1x128xi32, #tpu.memory_space<hbm>> -> memref<128xi32, #tpu.memory_space<hbm>>
      tpu.wait_dma2 semaphore(%arg19 : memref<!tpu.dma_semaphore, #tpu.memory_space<semaphore_mem>>) src(%dma_wait3A_113 : memref<128xi32, #tpu.memory_space<hbm>>) dst(%arg11 : memref<128xi32, #tpu.memory_space<vmem>>)
      %get3A = arith.constant 0 : index
      %get3A_114 = tpu.vector_load %arg9[%get3A] {strides = array<i32>} : memref<128xi32, #tpu.memory_space<vmem>>, vector<16xi32>,
      %get3A_115 = arith.constant 0 : index
      %get3A_116 = tpu.vector_load %arg11[%get3A_115] {strides = array<i32>} : memref<128xi32, #tpu.memory_space<vmem>>, vector<16xi32>,
      %gather3A = tpu.vector_load_idx %arg13[%get3A_114] : memref<10000xf32, #tpu.memory_space<vmem>>[vector<16xi32>], vector<16xf32>,
      %gather3A_117 = tpu.vector_load_idx %arg13[%get3A_116] : memref<10000xf32, #tpu.memory_space<vmem>>[vector<16xi32>], vector<16xf32>,
      %mul3A_118 = arith.mulf %gather3A, %gather3A_117 : vector<16xf32>
      %gt3A_119 = arith.constant 0.000000e+00 : f32
      %gt3A_120 = vector.broadcast %gt3A_119 : f32 to vector<16xf32>
      %gt3A_121 = arith.cmpf ogt, %mul3A_118, %gt3A_120 : vector<16xf32>
      %swap3A_122 = arith.index_cast %scan3A_90 : i32 to index
      %swap3A_123 = tpu.vector_load %arg14[%swap3A_122] masked %gt3A_121 {strides = array<i32>} : memref<10112xi32, #tpu.memory_space<vmem>>, vector<16xi32>, vector<16xi1>
      tpu.vector_store %arg14[%swap3A_122], %get3A_114 masked %gt3A_121 {strides = array<i32>} : memref<10112xi32, #tpu.memory_space<vmem>>, vector<16xi32>, vector<16xi1>
      %swap3A_124 = arith.index_cast %scan3A_90 : i32 to index
      %swap3A_125 = tpu.vector_load %arg15[%swap3A_124] masked %gt3A_121 {strides = array<i32>} : memref<10112xi32, #tpu.memory_space<vmem>>, vector<16xi32>, vector<16xi1>
      tpu.vector_store %arg15[%swap3A_124], %get3A_116 masked %gt3A_121 {strides = array<i32>} : memref<10112xi32, #tpu.memory_space<vmem>>, vector<16xi32>, vector<16xi1>
      %all_reduce_population_count3A = tpu.all_reduce %gt3A_121 {dim = 0 : i64, kind = #tpu.reduction_kind<sum>} : vector<16xi1> -> vector<16xi32>
      %slice3A = vector.extract_strided_slice %all_reduce_population_count3A {offsets = [0], sizes = [1], strides = [1]} : vector<16xi32> to vector<1xi32>
      %squeeze3A = vector.extract %slice3A[0] : i32 from vector<1xi32>
      %add3A_126 = arith.addi %scan3A_90, %squeeze3A : i32
      %get3A_127 = arith.constant 16 : index
      %get3A_128 = tpu.vector_load %arg9[%get3A_127] {strides = array<i32>} : memref<128xi32, #tpu.memory_space<vmem>>, vector<16xi32>,
      %get3A_129 = arith.constant 16 : index
      %get3A_130 = tpu.vector_load %arg11[%get3A_129] {strides = array<i32>} : memref<128xi32, #tpu.memory_space<vmem>>, vector<16xi32>,
      %gather3A_131 = tpu.vector_load_idx %arg13[%get3A_128] : memref<10000xf32, #tpu.memory_space<vmem>>[vector<16xi32>], vector<16xf32>,
      %gather3A_132 = tpu.vector_load_idx %arg13[%get3A_130] : memref<10000xf32, #tpu.memory_space<vmem>>[vector<16xi32>], vector<16xf32>,
      %mul3A_133 = arith.mulf %gather3A_131, %gather3A_132 : vector<16xf32>
      %gt3A_134 = arith.constant 0.000000e+00 : f32
      %gt3A_135 = vector.broadcast %gt3A_134 : f32 to vector<16xf32>
      %gt3A_136 = arith.cmpf ogt, %mul3A_133, %gt3A_135 : vector<16xf32>
      %swap3A_137 = arith.index_cast %add3A_126 : i32 to index
      %swap3A_138 = tpu.vector_load %arg14[%swap3A_137] masked %gt3A_136 {strides = array<i32>} : memref<10112xi32, #tpu.memory_space<vmem>>, vector<16xi32>, vector<16xi1>
      tpu.vector_store %arg14[%swap3A_137], %get3A_128 masked %gt3A_136 {strides = array<i32>} : memref<10112xi32, #tpu.memory_space<vmem>>, vector<16xi32>, vector<16xi1>
      %swap3A_139 = arith.index_cast %add3A_126 : i32 to index
      %swap3A_140 = tpu.vector_load %arg15[%swap3A_139] masked %gt3A_136 {strides = array<i32>} : memref<10112xi32, #tpu.memory_space<vmem>>, vector<16xi32>, vector<16xi1>
      tpu.vector_store %arg15[%swap3A_139], %get3A_130 masked %gt3A_136 {strides = array<i32>} : memref<10112xi32, #tpu.memory_space<vmem>>, vector<16xi32>, vector<16xi1>
      %all_reduce_population_count3A_141 = tpu.all_reduce %gt3A_136 {dim = 0 : i64, kind = #tpu.reduction_kind<sum>} : vector<16xi1> -> vector<16xi32>
      %slice3A_142 = vector.extract_strided_slice %all_reduce_population_count3A_141 {offsets = [0], sizes = [1], strides = [1]} : vector<16xi32> to vector<1xi32>
      %squeeze3A_143 = vector.extract %slice3A_142[0] : i32 from vector<1xi32>
      %add3A_144 = arith.addi %add3A_126, %squeeze3A_143 : i32
      %get3A_145 = arith.constant 32 : index
      %get3A_146 = tpu.vector_load %arg9[%get3A_145] {strides = array<i32>} : memref<128xi32, #tpu.memory_space<vmem>>, vector<16xi32>,
      %get3A_147 = arith.constant 32 : index
      %get3A_148 = tpu.vector_load %arg11[%get3A_147] {strides = array<i32>} : memref<128xi32, #tpu.memory_space<vmem>>, vector<16xi32>,
      %gather3A_149 = tpu.vector_load_idx %arg13[%get3A_146] : memref<10000xf32, #tpu.memory_space<vmem>>[vector<16xi32>], vector<16xf32>,
      %gather3A_150 = tpu.vector_load_idx %arg13[%get3A_148] : memref<10000xf32, #tpu.memory_space<vmem>>[vector<16xi32>], vector<16xf32>,
      %mul3A_151 = arith.mulf %gather3A_149, %gather3A_150 : vector<16xf32>
      %gt3A_152 = arith.constant 0.000000e+00 : f32
      %gt3A_153 = vector.broadcast %gt3A_152 : f32 to vector<16xf32>
      %gt3A_154 = arith.cmpf ogt, %mul3A_151, %gt3A_153 : vector<16xf32>
      %swap3A_155 = arith.index_cast %add3A_144 : i32 to index
      %swap3A_156 = tpu.vector_load %arg14[%swap3A_155] masked %gt3A_154 {strides = array<i32>} : memref<10112xi32, #tpu.memory_space<vmem>>, vector<16xi32>, vector<16xi1>
      tpu.vector_store %arg14[%swap3A_155], %get3A_146 masked %gt3A_154 {strides = array<i32>} : memref<10112xi32, #tpu.memory_space<vmem>>, vector<16xi32>, vector<16xi1>
      %swap3A_157 = arith.index_cast %add3A_144 : i32 to index
      %swap3A_158 = tpu.vector_load %arg15[%swap3A_157] masked %gt3A_154 {strides = array<i32>} : memref<10112xi32, #tpu.memory_space<vmem>>, vector<16xi32>, vector<16xi1>
      tpu.vector_store %arg15[%swap3A_157], %get3A_148 masked %gt3A_154 {strides = array<i32>} : memref<10112xi32, #tpu.memory_space<vmem>>, vector<16xi32>, vector<16xi1>
      %all_reduce_population_count3A_159 = tpu.all_reduce %gt3A_154 {dim = 0 : i64, kind = #tpu.reduction_kind<sum>} : vector<16xi1> -> vector<16xi32>
      %slice3A_160 = vector.extract_strided_slice %all_reduce_population_count3A_159 {offsets = [0], sizes = [1], strides = [1]} : vector<16xi32> to vector<1xi32>
      %squeeze3A_161 = vector.extract %slice3A_160[0] : i32 from vector<1xi32>
      %add3A_162 = arith.addi %add3A_144, %squeeze3A_161 : i32
      %get3A_163 = arith.constant 48 : index
      %get3A_164 = tpu.vector_load %arg9[%get3A_163] {strides = array<i32>} : memref<128xi32, #tpu.memory_space<vmem>>, vector<16xi32>,
      %get3A_165 = arith.constant 48 : index
      %get3A_166 = tpu.vector_load %arg11[%get3A_165] {strides = array<i32>} : memref<128xi32, #tpu.memory_space<vmem>>, vector<16xi32>,
      %gather3A_167 = tpu.vector_load_idx %arg13[%get3A_164] : memref<10000xf32, #tpu.memory_space<vmem>>[vector<16xi32>], vector<16xf32>,
      %gather3A_168 = tpu.vector_load_idx %arg13[%get3A_166] : memref<10000xf32, #tpu.memory_space<vmem>>[vector<16xi32>], vector<16xf32>,
      %mul3A_169 = arith.mulf %gather3A_167, %gather3A_168 : vector<16xf32>
      %gt3A_170 = arith.constant 0.000000e+00 : f32
      %gt3A_171 = vector.broadcast %gt3A_170 : f32 to vector<16xf32>
      %gt3A_172 = arith.cmpf ogt, %mul3A_169, %gt3A_171 : vector<16xf32>
      %swap3A_173 = arith.index_cast %add3A_162 : i32 to index
      %swap3A_174 = tpu.vector_load %arg14[%swap3A_173] masked %gt3A_172 {strides = array<i32>} : memref<10112xi32, #tpu.memory_space<vmem>>, vector<16xi32>, vector<16xi1>
      tpu.vector_store %arg14[%swap3A_173], %get3A_164 masked %gt3A_172 {strides = array<i32>} : memref<10112xi32, #tpu.memory_space<vmem>>, vector<16xi32>, vector<16xi1>
      %swap3A_175 = arith.index_cast %add3A_162 : i32 to index
      %swap3A_176 = tpu.vector_load %arg15[%swap3A_175] masked %gt3A_172 {strides = array<i32>} : memref<10112xi32, #tpu.memory_space<vmem>>, vector<16xi32>, vector<16xi1>
      tpu.vector_store %arg15[%swap3A_175], %get3A_166 masked %gt3A_172 {strides = array<i32>} : memref<10112xi32, #tpu.memory_space<vmem>>, vector<16xi32>, vector<16xi1>
      %all_reduce_population_count3A_177 = tpu.all_reduce %gt3A_172 {dim = 0 : i64, kind = #tpu.reduction_kind<sum>} : vector<16xi1> -> vector<16xi32>
      %slice3A_178 = vector.extract_strided_slice %all_reduce_population_count3A_177 {offsets = [0], sizes = [1], strides = [1]} : vector<16xi32> to vector<1xi32>
      %squeeze3A_179 = vector.extract %slice3A_178[0] : i32 from vector<1xi32>
      %add3A_180 = arith.addi %add3A_162, %squeeze3A_179 : i32
      %get3A_181 = arith.constant 64 : index
      %get3A_182 = tpu.vector_load %arg9[%get3A_181] {strides = array<i32>} : memref<128xi32, #tpu.memory_space<vmem>>, vector<16xi32>,
      %get3A_183 = arith.constant 64 : index
      %get3A_184 = tpu.vector_load %arg11[%get3A_183] {strides = array<i32>} : memref<128xi32, #tpu.memory_space<vmem>>, vector<16xi32>,
      %gather3A_185 = tpu.vector_load_idx %arg13[%get3A_182] : memref<10000xf32, #tpu.memory_space<vmem>>[vector<16xi32>], vector<16xf32>,
      %gather3A_186 = tpu.vector_load_idx %arg13[%get3A_184] : memref<10000xf32, #tpu.memory_space<vmem>>[vector<16xi32>], vector<16xf32>,
      %mul3A_187 = arith.mulf %gather3A_185, %gather3A_186 : vector<16xf32>
      %gt3A_188 = arith.constant 0.000000e+00 : f32
      %gt3A_189 = vector.broadcast %gt3A_188 : f32 to vector<16xf32>
      %gt3A_190 = arith.cmpf ogt, %mul3A_187, %gt3A_189 : vector<16xf32>
      %swap3A_191 = arith.index_cast %add3A_180 : i32 to index
      %swap3A_192 = tpu.vector_load %arg14[%swap3A_191] masked %gt3A_190 {strides = array<i32>} : memref<10112xi32, #tpu.memory_space<vmem>>, vector<16xi32>, vector<16xi1>
      tpu.vector_store %arg14[%swap3A_191], %get3A_182 masked %gt3A_190 {strides = array<i32>} : memref<10112xi32, #tpu.memory_space<vmem>>, vector<16xi32>, vector<16xi1>
      %swap3A_193 = arith.index_cast %add3A_180 : i32 to index
      %swap3A_194 = tpu.vector_load %arg15[%swap3A_193] masked %gt3A_190 {strides = array<i32>} : memref<10112xi32, #tpu.memory_space<vmem>>, vector<16xi32>, vector<16xi1>
      tpu.vector_store %arg15[%swap3A_193], %get3A_184 masked %gt3A_190 {strides = array<i32>} : memref<10112xi32, #tpu.memory_space<vmem>>, vector<16xi32>, vector<16xi1>
      %all_reduce_population_count3A_195 = tpu.all_reduce %gt3A_190 {dim = 0 : i64, kind = #tpu.reduction_kind<sum>} : vector<16xi1> -> vector<16xi32>
      %slice3A_196 = vector.extract_strided_slice %all_reduce_population_count3A_195 {offsets = [0], sizes = [1], strides = [1]} : vector<16xi32> to vector<1xi32>
      %squeeze3A_197 = vector.extract %slice3A_196[0] : i32 from vector<1xi32>
      %add3A_198 = arith.addi %add3A_180, %squeeze3A_197 : i32
      %get3A_199 = arith.constant 80 : index
      %get3A_200 = tpu.vector_load %arg9[%get3A_199] {strides = array<i32>} : memref<128xi32, #tpu.memory_space<vmem>>, vector<16xi32>,
      %get3A_201 = arith.constant 80 : index
      %get3A_202 = tpu.vector_load %arg11[%get3A_201] {strides = array<i32>} : memref<128xi32, #tpu.memory_space<vmem>>, vector<16xi32>,
      %gather3A_203 = tpu.vector_load_idx %arg13[%get3A_200] : memref<10000xf32, #tpu.memory_space<vmem>>[vector<16xi32>], vector<16xf32>,
      %gather3A_204 = tpu.vector_load_idx %arg13[%get3A_202] : memref<10000xf32, #tpu.memory_space<vmem>>[vector<16xi32>], vector<16xf32>,
      %mul3A_205 = arith.mulf %gather3A_203, %gather3A_204 : vector<16xf32>
      %gt3A_206 = arith.constant 0.000000e+00 : f32
      %gt3A_207 = vector.broadcast %gt3A_206 : f32 to vector<16xf32>
      %gt3A_208 = arith.cmpf ogt, %mul3A_205, %gt3A_207 : vector<16xf32>
      %swap3A_209 = arith.index_cast %add3A_198 : i32 to index
      %swap3A_210 = tpu.vector_load %arg14[%swap3A_209] masked %gt3A_208 {strides = array<i32>} : memref<10112xi32, #tpu.memory_space<vmem>>, vector<16xi32>, vector<16xi1>
      tpu.vector_store %arg14[%swap3A_209], %get3A_200 masked %gt3A_208 {strides = array<i32>} : memref<10112xi32, #tpu.memory_space<vmem>>, vector<16xi32>, vector<16xi1>
      %swap3A_211 = arith.index_cast %add3A_198 : i32 to index
      %swap3A_212 = tpu.vector_load %arg15[%swap3A_211] masked %gt3A_208 {strides = array<i32>} : memref<10112xi32, #tpu.memory_space<vmem>>, vector<16xi32>, vector<16xi1>
      tpu.vector_store %arg15[%swap3A_211], %get3A_202 masked %gt3A_208 {strides = array<i32>} : memref<10112xi32, #tpu.memory_space<vmem>>, vector<16xi32>, vector<16xi1>
      %all_reduce_population_count3A_213 = tpu.all_reduce %gt3A_208 {dim = 0 : i64, kind = #tpu.reduction_kind<sum>} : vector<16xi1> -> vector<16xi32>
      %slice3A_214 = vector.extract_strided_slice %all_reduce_population_count3A_213 {offsets = [0], sizes = [1], strides = [1]} : vector<16xi32> to vector<1xi32>
      %squeeze3A_215 = vector.extract %slice3A_214[0] : i32 from vector<1xi32>
      %add3A_216 = arith.addi %add3A_198, %squeeze3A_215 : i32
      %get3A_217 = arith.constant 96 : index
      %get3A_218 = tpu.vector_load %arg9[%get3A_217] {strides = array<i32>} : memref<128xi32, #tpu.memory_space<vmem>>, vector<16xi32>,
      %get3A_219 = arith.constant 96 : index
      %get3A_220 = tpu.vector_load %arg11[%get3A_219] {strides = array<i32>} : memref<128xi32, #tpu.memory_space<vmem>>, vector<16xi32>,
      %gather3A_221 = tpu.vector_load_idx %arg13[%get3A_218] : memref<10000xf32, #tpu.memory_space<vmem>>[vector<16xi32>], vector<16xf32>,
      %gather3A_222 = tpu.vector_load_idx %arg13[%get3A_220] : memref<10000xf32, #tpu.memory_space<vmem>>[vector<16xi32>], vector<16xf32>,
      %mul3A_223 = arith.mulf %gather3A_221, %gather3A_222 : vector<16xf32>
      %gt3A_224 = arith.constant 0.000000e+00 : f32
      %gt3A_225 = vector.broadcast %gt3A_224 : f32 to vector<16xf32>
      %gt3A_226 = arith.cmpf ogt, %mul3A_223, %gt3A_225 : vector<16xf32>
      %swap3A_227 = arith.index_cast %add3A_216 : i32 to index
      %swap3A_228 = tpu.vector_load %arg14[%swap3A_227] masked %gt3A_226 {strides = array<i32>} : memref<10112xi32, #tpu.memory_space<vmem>>, vector<16xi32>, vector<16xi1>
      tpu.vector_store %arg14[%swap3A_227], %get3A_218 masked %gt3A_226 {strides = array<i32>} : memref<10112xi32, #tpu.memory_space<vmem>>, vector<16xi32>, vector<16xi1>
      %swap3A_229 = arith.index_cast %add3A_216 : i32 to index
      %swap3A_230 = tpu.vector_load %arg15[%swap3A_229] masked %gt3A_226 {strides = array<i32>} : memref<10112xi32, #tpu.memory_space<vmem>>, vector<16xi32>, vector<16xi1>
      tpu.vector_store %arg15[%swap3A_229], %get3A_220 masked %gt3A_226 {strides = array<i32>} : memref<10112xi32, #tpu.memory_space<vmem>>, vector<16xi32>, vector<16xi1>
      %all_reduce_population_count3A_231 = tpu.all_reduce %gt3A_226 {dim = 0 : i64, kind = #tpu.reduction_kind<sum>} : vector<16xi1> -> vector<16xi32>
      %slice3A_232 = vector.extract_strided_slice %all_reduce_population_count3A_231 {offsets = [0], sizes = [1], strides = [1]} : vector<16xi32> to vector<1xi32>
      %squeeze3A_233 = vector.extract %slice3A_232[0] : i32 from vector<1xi32>
      %add3A_234 = arith.addi %add3A_216, %squeeze3A_233 : i32
      %get3A_235 = arith.constant 112 : index
      %get3A_236 = tpu.vector_load %arg9[%get3A_235] {strides = array<i32>} : memref<128xi32, #tpu.memory_space<vmem>>, vector<16xi32>,
      %get3A_237 = arith.constant 112 : index
      %get3A_238 = tpu.vector_load %arg11[%get3A_237] {strides = array<i32>} : memref<128xi32, #tpu.memory_space<vmem>>, vector<16xi32>,
      %gather3A_239 = tpu.vector_load_idx %arg13[%get3A_236] : memref<10000xf32, #tpu.memory_space<vmem>>[vector<16xi32>], vector<16xf32>,
      %gather3A_240 = tpu.vector_load_idx %arg13[%get3A_238] : memref<10000xf32, #tpu.memory_space<vmem>>[vector<16xi32>], vector<16xf32>,
      %mul3A_241 = arith.mulf %gather3A_239, %gather3A_240 : vector<16xf32>
      %gt3A_242 = arith.constant 0.000000e+00 : f32
      %gt3A_243 = vector.broadcast %gt3A_242 : f32 to vector<16xf32>
      %gt3A_244 = arith.cmpf ogt, %mul3A_241, %gt3A_243 : vector<16xf32>
      %swap3A_245 = arith.index_cast %add3A_234 : i32 to index
      %swap3A_246 = tpu.vector_load %arg14[%swap3A_245] masked %gt3A_244 {strides = array<i32>} : memref<10112xi32, #tpu.memory_space<vmem>>, vector<16xi32>, vector<16xi1>
      tpu.vector_store %arg14[%swap3A_245], %get3A_236 masked %gt3A_244 {strides = array<i32>} : memref<10112xi32, #tpu.memory_space<vmem>>, vector<16xi32>, vector<16xi1>
      %swap3A_247 = arith.index_cast %add3A_234 : i32 to index
      %swap3A_248 = tpu.vector_load %arg15[%swap3A_247] masked %gt3A_244 {strides = array<i32>} : memref<10112xi32, #tpu.memory_space<vmem>>, vector<16xi32>, vector<16xi1>
      tpu.vector_store %arg15[%swap3A_247], %get3A_238 masked %gt3A_244 {strides = array<i32>} : memref<10112xi32, #tpu.memory_space<vmem>>, vector<16xi32>, vector<16xi1>
      %all_reduce_population_count3A_249 = tpu.all_reduce %gt3A_244 {dim = 0 : i64, kind = #tpu.reduction_kind<sum>} : vector<16xi1> -> vector<16xi32>
      %slice3A_250 = vector.extract_strided_slice %all_reduce_population_count3A_249 {offsets = [0], sizes = [1], strides = [1]} : vector<16xi32> to vector<1xi32>
      %squeeze3A_251 = vector.extract %slice3A_250[0] : i32 from vector<1xi32>
      %add3A_252 = arith.addi %add3A_234, %squeeze3A_251 : i32
      %add3A_253 = arith.constant 2 : i32
      %add3A_254 = arith.addi %add3A_94, %add3A_253 : i32
      %lt3A = arith.cmpi slt, %add3A_254, %select_n3A : i32
      %convert_element_type3A_255 = arith.extui %lt3A : i1 to i32
      %cond3A_256 = arith.constant 0 : i32
      %cond3A_257 = arith.cmpi ne, %convert_element_type3A_255, %cond3A_256 : i32
      scf.if %cond3A_257 {
        %add3A_432 = arith.constant 2 : i32
        %add3A_433 = arith.addi %add3A_94, %add3A_432 : i32
        %mul3A_434 = arith.constant 32 : i32
        %mul3A_435 = arith.muli %add3A_433, %mul3A_434 : i32
        %add3A_436 = arith.addi %add3A, %mul3A_435 : i32
        %mul3A_437 = arith.constant 128 : i32
        %mul3A_438 = arith.muli %add3A_436, %mul3A_437 : i32
        %dma_start3A_439 = arith.constant 0 : i32
        %dma_start3A_440 = tpu.memref_slice %arg2[%dma_start3A_439, %mul3A_438] : memref<2x320000xi32, #tpu.memory_space<hbm>> -> memref<1x128xi32, #tpu.memory_space<hbm>>
        %dma_start3A_441 = tpu.memref_squeeze %dma_start3A_440 : memref<1x128xi32, #tpu.memory_space<hbm>> -> memref<128xi32, #tpu.memory_space<hbm>>
        %dma_start3A_442 = tpu.memref_slice %arg2[%dma_start3A_439, %mul3A_438] : memref<2x320000xi32, #tpu.memory_space<hbm>> -> memref<1x128xi32, #tpu.memory_space<hbm>>
        %dma_start3A_443 = tpu.memref_squeeze %dma_start3A_442 : memref<1x128xi32, #tpu.memory_space<hbm>> -> memref<128xi32, #tpu.memory_space<hbm>>
        tpu.enqueue_dma source(%dma_start3A_443 : memref<128xi32, #tpu.memory_space<hbm>>) target(%arg9 : memref<128xi32, #tpu.memory_space<vmem>>) target_semaphore(%arg17 : memref<!tpu.dma_semaphore, #tpu.memory_space<semaphore_mem>>)
        %add3A_444 = arith.constant 2 : i32
        %add3A_445 = arith.addi %add3A_94, %add3A_444 : i32
        %mul3A_446 = arith.constant 32 : i32
        %mul3A_447 = arith.muli %add3A_445, %mul3A_446 : i32
        %add3A_448 = arith.addi %add3A, %mul3A_447 : i32
        %mul3A_449 = arith.constant 128 : i32
        %mul3A_450 = arith.muli %add3A_448, %mul3A_449 : i32
        %dma_start3A_451 = arith.constant 1 : i32
        %dma_start3A_452 = tpu.memref_slice %arg2[%dma_start3A_451, %mul3A_450] : memref<2x320000xi32, #tpu.memory_space<hbm>> -> memref<1x128xi32, #tpu.memory_space<hbm>>
        %dma_start3A_453 = tpu.memref_squeeze %dma_start3A_452 : memref<1x128xi32, #tpu.memory_space<hbm>> -> memref<128xi32, #tpu.memory_space<hbm>>
        %dma_start3A_454 = tpu.memref_slice %arg2[%dma_start3A_451, %mul3A_450] : memref<2x320000xi32, #tpu.memory_space<hbm>> -> memref<1x128xi32, #tpu.memory_space<hbm>>
        %dma_start3A_455 = tpu.memref_squeeze %dma_start3A_454 : memref<1x128xi32, #tpu.memory_space<hbm>> -> memref<128xi32, #tpu.memory_space<hbm>>
        tpu.enqueue_dma source(%dma_start3A_455 : memref<128xi32, #tpu.memory_space<hbm>>) target(%arg11 : memref<128xi32, #tpu.memory_space<vmem>>) target_semaphore(%arg19 : memref<!tpu.dma_semaphore, #tpu.memory_space<semaphore_mem>>)
      } else {
      }
      %mul3A_258 = arith.constant 2 : i32
      %mul3A_259 = arith.muli %mul3A_258, %scan3A_89 : i32
      %add3A_260 = arith.constant 1 : i32
      %add3A_261 = arith.addi %mul3A_259, %add3A_260 : i32
      %mul3A_262 = arith.constant 32 : i32
      %mul3A_263 = arith.muli %add3A_261, %mul3A_262 : i32
      %add3A_264 = arith.addi %add3A, %mul3A_263 : i32
      %mul3A_265 = arith.constant 128 : i32
      %mul3A_266 = arith.muli %add3A_264, %mul3A_265 : i32
      %dma_wait3A_267 = arith.constant 0 : i32
      %dma_wait3A_268 = tpu.memref_slice %arg2[%dma_wait3A_267, %mul3A_266] : memref<2x320000xi32, #tpu.memory_space<hbm>> -> memref<1x128xi32, #tpu.memory_space<hbm>>
      %dma_wait3A_269 = tpu.memref_squeeze %dma_wait3A_268 : memref<1x128xi32, #tpu.memory_space<hbm>> -> memref<128xi32, #tpu.memory_space<hbm>>
      %dma_wait3A_270 = tpu.memref_slice %arg2[%dma_wait3A_267, %mul3A_266] : memref<2x320000xi32, #tpu.memory_space<hbm>> -> memref<1x128xi32, #tpu.memory_space<hbm>>
      %dma_wait3A_271 = tpu.memref_squeeze %dma_wait3A_270 : memref<1x128xi32, #tpu.memory_space<hbm>> -> memref<128xi32, #tpu.memory_space<hbm>>
      tpu.wait_dma2 semaphore(%arg18 : memref<!tpu.dma_semaphore, #tpu.memory_space<semaphore_mem>>) src(%dma_wait3A_271 : memref<128xi32, #tpu.memory_space<hbm>>) dst(%arg10 : memref<128xi32, #tpu.memory_space<vmem>>)
      %mul3A_272 = arith.constant 32 : i32
      %mul3A_273 = arith.muli %add3A_261, %mul3A_272 : i32
      %add3A_274 = arith.addi %add3A, %mul3A_273 : i32
      %mul3A_275 = arith.constant 128 : i32
      %mul3A_276 = arith.muli %add3A_274, %mul3A_275 : i32
      %dma_wait3A_277 = arith.constant 1 : i32
      %dma_wait3A_278 = tpu.memref_slice %arg2[%dma_wait3A_277, %mul3A_276] : memref<2x320000xi32, #tpu.memory_space<hbm>> -> memref<1x128xi32, #tpu.memory_space<hbm>>
      %dma_wait3A_279 = tpu.memref_squeeze %dma_wait3A_278 : memref<1x128xi32, #tpu.memory_space<hbm>> -> memref<128xi32, #tpu.memory_space<hbm>>
      %dma_wait3A_280 = tpu.memref_slice %arg2[%dma_wait3A_277, %mul3A_276] : memref<2x320000xi32, #tpu.memory_space<hbm>> -> memref<1x128xi32, #tpu.memory_space<hbm>>
      %dma_wait3A_281 = tpu.memref_squeeze %dma_wait3A_280 : memref<1x128xi32, #tpu.memory_space<hbm>> -> memref<128xi32, #tpu.memory_space<hbm>>
      tpu.wait_dma2 semaphore(%arg20 : memref<!tpu.dma_semaphore, #tpu.memory_space<semaphore_mem>>) src(%dma_wait3A_281 : memref<128xi32, #tpu.memory_space<hbm>>) dst(%arg12 : memref<128xi32, #tpu.memory_space<vmem>>)
      %get3A_282 = arith.constant 0 : index
      %get3A_283 = tpu.vector_load %arg10[%get3A_282] {strides = array<i32>} : memref<128xi32, #tpu.memory_space<vmem>>, vector<16xi32>,
      %get3A_284 = arith.constant 0 : index
      %get3A_285 = tpu.vector_load %arg12[%get3A_284] {strides = array<i32>} : memref<128xi32, #tpu.memory_space<vmem>>, vector<16xi32>,
      %gather3A_286 = tpu.vector_load_idx %arg13[%get3A_283] : memref<10000xf32, #tpu.memory_space<vmem>>[vector<16xi32>], vector<16xf32>,
      %gather3A_287 = tpu.vector_load_idx %arg13[%get3A_285] : memref<10000xf32, #tpu.memory_space<vmem>>[vector<16xi32>], vector<16xf32>,
      %mul3A_288 = arith.mulf %gather3A_286, %gather3A_287 : vector<16xf32>
      %gt3A_289 = arith.constant 0.000000e+00 : f32
      %gt3A_290 = vector.broadcast %gt3A_289 : f32 to vector<16xf32>
      %gt3A_291 = arith.cmpf ogt, %mul3A_288, %gt3A_290 : vector<16xf32>
      %swap3A_292 = arith.index_cast %add3A_252 : i32 to index
      %swap3A_293 = tpu.vector_load %arg14[%swap3A_292] masked %gt3A_291 {strides = array<i32>} : memref<10112xi32, #tpu.memory_space<vmem>>, vector<16xi32>, vector<16xi1>
      tpu.vector_store %arg14[%swap3A_292], %get3A_283 masked %gt3A_291 {strides = array<i32>} : memref<10112xi32, #tpu.memory_space<vmem>>, vector<16xi32>, vector<16xi1>
      %swap3A_294 = arith.index_cast %add3A_252 : i32 to index
      %swap3A_295 = tpu.vector_load %arg15[%swap3A_294] masked %gt3A_291 {strides = array<i32>} : memref<10112xi32, #tpu.memory_space<vmem>>, vector<16xi32>, vector<16xi1>
      tpu.vector_store %arg15[%swap3A_294], %get3A_285 masked %gt3A_291 {strides = array<i32>} : memref<10112xi32, #tpu.memory_space<vmem>>, vector<16xi32>, vector<16xi1>
      %all_reduce_population_count3A_296 = tpu.all_reduce %gt3A_291 {dim = 0 : i64, kind = #tpu.reduction_kind<sum>} : vector<16xi1> -> vector<16xi32>
      %slice3A_297 = vector.extract_strided_slice %all_reduce_population_count3A_296 {offsets = [0], sizes = [1], strides = [1]} : vector<16xi32> to vector<1xi32>
      %squeeze3A_298 = vector.extract %slice3A_297[0] : i32 from vector<1xi32>
      %add3A_299 = arith.addi %add3A_252, %squeeze3A_298 : i32
      %get3A_300 = arith.constant 16 : index
      %get3A_301 = tpu.vector_load %arg10[%get3A_300] {strides = array<i32>} : memref<128xi32, #tpu.memory_space<vmem>>, vector<16xi32>,
      %get3A_302 = arith.constant 16 : index
      %get3A_303 = tpu.vector_load %arg12[%get3A_302] {strides = array<i32>} : memref<128xi32, #tpu.memory_space<vmem>>, vector<16xi32>,
      %gather3A_304 = tpu.vector_load_idx %arg13[%get3A_301] : memref<10000xf32, #tpu.memory_space<vmem>>[vector<16xi32>], vector<16xf32>,
      %gather3A_305 = tpu.vector_load_idx %arg13[%get3A_303] : memref<10000xf32, #tpu.memory_space<vmem>>[vector<16xi32>], vector<16xf32>,
      %mul3A_306 = arith.mulf %gather3A_304, %gather3A_305 : vector<16xf32>
      %gt3A_307 = arith.constant 0.000000e+00 : f32
      %gt3A_308 = vector.broadcast %gt3A_307 : f32 to vector<16xf32>
      %gt3A_309 = arith.cmpf ogt, %mul3A_306, %gt3A_308 : vector<16xf32>
      %swap3A_310 = arith.index_cast %add3A_299 : i32 to index
      %swap3A_311 = tpu.vector_load %arg14[%swap3A_310] masked %gt3A_309 {strides = array<i32>} : memref<10112xi32, #tpu.memory_space<vmem>>, vector<16xi32>, vector<16xi1>
      tpu.vector_store %arg14[%swap3A_310], %get3A_301 masked %gt3A_309 {strides = array<i32>} : memref<10112xi32, #tpu.memory_space<vmem>>, vector<16xi32>, vector<16xi1>
      %swap3A_312 = arith.index_cast %add3A_299 : i32 to index
      %swap3A_313 = tpu.vector_load %arg15[%swap3A_312] masked %gt3A_309 {strides = array<i32>} : memref<10112xi32, #tpu.memory_space<vmem>>, vector<16xi32>, vector<16xi1>
      tpu.vector_store %arg15[%swap3A_312], %get3A_303 masked %gt3A_309 {strides = array<i32>} : memref<10112xi32, #tpu.memory_space<vmem>>, vector<16xi32>, vector<16xi1>
      %all_reduce_population_count3A_314 = tpu.all_reduce %gt3A_309 {dim = 0 : i64, kind = #tpu.reduction_kind<sum>} : vector<16xi1> -> vector<16xi32>
      %slice3A_315 = vector.extract_strided_slice %all_reduce_population_count3A_314 {offsets = [0], sizes = [1], strides = [1]} : vector<16xi32> to vector<1xi32>
      %squeeze3A_316 = vector.extract %slice3A_315[0] : i32 from vector<1xi32>
      %add3A_317 = arith.addi %add3A_299, %squeeze3A_316 : i32
      %get3A_318 = arith.constant 32 : index
      %get3A_319 = tpu.vector_load %arg10[%get3A_318] {strides = array<i32>} : memref<128xi32, #tpu.memory_space<vmem>>, vector<16xi32>,
      %get3A_320 = arith.constant 32 : index
      %get3A_321 = tpu.vector_load %arg12[%get3A_320] {strides = array<i32>} : memref<128xi32, #tpu.memory_space<vmem>>, vector<16xi32>,
      %gather3A_322 = tpu.vector_load_idx %arg13[%get3A_319] : memref<10000xf32, #tpu.memory_space<vmem>>[vector<16xi32>], vector<16xf32>,
      %gather3A_323 = tpu.vector_load_idx %arg13[%get3A_321] : memref<10000xf32, #tpu.memory_space<vmem>>[vector<16xi32>], vector<16xf32>,
      %mul3A_324 = arith.mulf %gather3A_322, %gather3A_323 : vector<16xf32>
      %gt3A_325 = arith.constant 0.000000e+00 : f32
      %gt3A_326 = vector.broadcast %gt3A_325 : f32 to vector<16xf32>
      %gt3A_327 = arith.cmpf ogt, %mul3A_324, %gt3A_326 : vector<16xf32>
      %swap3A_328 = arith.index_cast %add3A_317 : i32 to index
      %swap3A_329 = tpu.vector_load %arg14[%swap3A_328] masked %gt3A_327 {strides = array<i32>} : memref<10112xi32, #tpu.memory_space<vmem>>, vector<16xi32>, vector<16xi1>
      tpu.vector_store %arg14[%swap3A_328], %get3A_319 masked %gt3A_327 {strides = array<i32>} : memref<10112xi32, #tpu.memory_space<vmem>>, vector<16xi32>, vector<16xi1>
      %swap3A_330 = arith.index_cast %add3A_317 : i32 to index
      %swap3A_331 = tpu.vector_load %arg15[%swap3A_330] masked %gt3A_327 {strides = array<i32>} : memref<10112xi32, #tpu.memory_space<vmem>>, vector<16xi32>, vector<16xi1>
      tpu.vector_store %arg15[%swap3A_330], %get3A_321 masked %gt3A_327 {strides = array<i32>} : memref<10112xi32, #tpu.memory_space<vmem>>, vector<16xi32>, vector<16xi1>
      %all_reduce_population_count3A_332 = tpu.all_reduce %gt3A_327 {dim = 0 : i64, kind = #tpu.reduction_kind<sum>} : vector<16xi1> -> vector<16xi32>
      %slice3A_333 = vector.extract_strided_slice %all_reduce_population_count3A_332 {offsets = [0], sizes = [1], strides = [1]} : vector<16xi32> to vector<1xi32>
      %squeeze3A_334 = vector.extract %slice3A_333[0] : i32 from vector<1xi32>
      %add3A_335 = arith.addi %add3A_317, %squeeze3A_334 : i32
      %get3A_336 = arith.constant 48 : index
      %get3A_337 = tpu.vector_load %arg10[%get3A_336] {strides = array<i32>} : memref<128xi32, #tpu.memory_space<vmem>>, vector<16xi32>,
      %get3A_338 = arith.constant 48 : index
      %get3A_339 = tpu.vector_load %arg12[%get3A_338] {strides = array<i32>} : memref<128xi32, #tpu.memory_space<vmem>>, vector<16xi32>,
      %gather3A_340 = tpu.vector_load_idx %arg13[%get3A_337] : memref<10000xf32, #tpu.memory_space<vmem>>[vector<16xi32>], vector<16xf32>,
      %gather3A_341 = tpu.vector_load_idx %arg13[%get3A_339] : memref<10000xf32, #tpu.memory_space<vmem>>[vector<16xi32>], vector<16xf32>,
      %mul3A_342 = arith.mulf %gather3A_340, %gather3A_341 : vector<16xf32>
      %gt3A_343 = arith.constant 0.000000e+00 : f32
      %gt3A_344 = vector.broadcast %gt3A_343 : f32 to vector<16xf32>
      %gt3A_345 = arith.cmpf ogt, %mul3A_342, %gt3A_344 : vector<16xf32>
      %swap3A_346 = arith.index_cast %add3A_335 : i32 to index
      %swap3A_347 = tpu.vector_load %arg14[%swap3A_346] masked %gt3A_345 {strides = array<i32>} : memref<10112xi32, #tpu.memory_space<vmem>>, vector<16xi32>, vector<16xi1>
      tpu.vector_store %arg14[%swap3A_346], %get3A_337 masked %gt3A_345 {strides = array<i32>} : memref<10112xi32, #tpu.memory_space<vmem>>, vector<16xi32>, vector<16xi1>
      %swap3A_348 = arith.index_cast %add3A_335 : i32 to index
      %swap3A_349 = tpu.vector_load %arg15[%swap3A_348] masked %gt3A_345 {strides = array<i32>} : memref<10112xi32, #tpu.memory_space<vmem>>, vector<16xi32>, vector<16xi1>
      tpu.vector_store %arg15[%swap3A_348], %get3A_339 masked %gt3A_345 {strides = array<i32>} : memref<10112xi32, #tpu.memory_space<vmem>>, vector<16xi32>, vector<16xi1>
      %all_reduce_population_count3A_350 = tpu.all_reduce %gt3A_345 {dim = 0 : i64, kind = #tpu.reduction_kind<sum>} : vector<16xi1> -> vector<16xi32>
      %slice3A_351 = vector.extract_strided_slice %all_reduce_population_count3A_350 {offsets = [0], sizes = [1], strides = [1]} : vector<16xi32> to vector<1xi32>
      %squeeze3A_352 = vector.extract %slice3A_351[0] : i32 from vector<1xi32>
      %add3A_353 = arith.addi %add3A_335, %squeeze3A_352 : i32
      %get3A_354 = arith.constant 64 : index
      %get3A_355 = tpu.vector_load %arg10[%get3A_354] {strides = array<i32>} : memref<128xi32, #tpu.memory_space<vmem>>, vector<16xi32>,
      %get3A_356 = arith.constant 64 : index
      %get3A_357 = tpu.vector_load %arg12[%get3A_356] {strides = array<i32>} : memref<128xi32, #tpu.memory_space<vmem>>, vector<16xi32>,
      %gather3A_358 = tpu.vector_load_idx %arg13[%get3A_355] : memref<10000xf32, #tpu.memory_space<vmem>>[vector<16xi32>], vector<16xf32>,
      %gather3A_359 = tpu.vector_load_idx %arg13[%get3A_357] : memref<10000xf32, #tpu.memory_space<vmem>>[vector<16xi32>], vector<16xf32>,
      %mul3A_360 = arith.mulf %gather3A_358, %gather3A_359 : vector<16xf32>
      %gt3A_361 = arith.constant 0.000000e+00 : f32
      %gt3A_362 = vector.broadcast %gt3A_361 : f32 to vector<16xf32>
      %gt3A_363 = arith.cmpf ogt, %mul3A_360, %gt3A_362 : vector<16xf32>
      %swap3A_364 = arith.index_cast %add3A_353 : i32 to index
      %swap3A_365 = tpu.vector_load %arg14[%swap3A_364] masked %gt3A_363 {strides = array<i32>} : memref<10112xi32, #tpu.memory_space<vmem>>, vector<16xi32>, vector<16xi1>
      tpu.vector_store %arg14[%swap3A_364], %get3A_355 masked %gt3A_363 {strides = array<i32>} : memref<10112xi32, #tpu.memory_space<vmem>>, vector<16xi32>, vector<16xi1>
      %swap3A_366 = arith.index_cast %add3A_353 : i32 to index
      %swap3A_367 = tpu.vector_load %arg15[%swap3A_366] masked %gt3A_363 {strides = array<i32>} : memref<10112xi32, #tpu.memory_space<vmem>>, vector<16xi32>, vector<16xi1>
      tpu.vector_store %arg15[%swap3A_366], %get3A_357 masked %gt3A_363 {strides = array<i32>} : memref<10112xi32, #tpu.memory_space<vmem>>, vector<16xi32>, vector<16xi1>
      %all_reduce_population_count3A_368 = tpu.all_reduce %gt3A_363 {dim = 0 : i64, kind = #tpu.reduction_kind<sum>} : vector<16xi1> -> vector<16xi32>
      %slice3A_369 = vector.extract_strided_slice %all_reduce_population_count3A_368 {offsets = [0], sizes = [1], strides = [1]} : vector<16xi32> to vector<1xi32>
      %squeeze3A_370 = vector.extract %slice3A_369[0] : i32 from vector<1xi32>
      %add3A_371 = arith.addi %add3A_353, %squeeze3A_370 : i32
      %get3A_372 = arith.constant 80 : index
      %get3A_373 = tpu.vector_load %arg10[%get3A_372] {strides = array<i32>} : memref<128xi32, #tpu.memory_space<vmem>>, vector<16xi32>,
      %get3A_374 = arith.constant 80 : index
      %get3A_375 = tpu.vector_load %arg12[%get3A_374] {strides = array<i32>} : memref<128xi32, #tpu.memory_space<vmem>>, vector<16xi32>,
      %gather3A_376 = tpu.vector_load_idx %arg13[%get3A_373] : memref<10000xf32, #tpu.memory_space<vmem>>[vector<16xi32>], vector<16xf32>,
      %gather3A_377 = tpu.vector_load_idx %arg13[%get3A_375] : memref<10000xf32, #tpu.memory_space<vmem>>[vector<16xi32>], vector<16xf32>,
      %mul3A_378 = arith.mulf %gather3A_376, %gather3A_377 : vector<16xf32>
      %gt3A_379 = arith.constant 0.000000e+00 : f32
      %gt3A_380 = vector.broadcast %gt3A_379 : f32 to vector<16xf32>
      %gt3A_381 = arith.cmpf ogt, %mul3A_378, %gt3A_380 : vector<16xf32>
      %swap3A_382 = arith.index_cast %add3A_371 : i32 to index
      %swap3A_383 = tpu.vector_load %arg14[%swap3A_382] masked %gt3A_381 {strides = array<i32>} : memref<10112xi32, #tpu.memory_space<vmem>>, vector<16xi32>, vector<16xi1>
      tpu.vector_store %arg14[%swap3A_382], %get3A_373 masked %gt3A_381 {strides = array<i32>} : memref<10112xi32, #tpu.memory_space<vmem>>, vector<16xi32>, vector<16xi1>
      %swap3A_384 = arith.index_cast %add3A_371 : i32 to index
      %swap3A_385 = tpu.vector_load %arg15[%swap3A_384] masked %gt3A_381 {strides = array<i32>} : memref<10112xi32, #tpu.memory_space<vmem>>, vector<16xi32>, vector<16xi1>
      tpu.vector_store %arg15[%swap3A_384], %get3A_375 masked %gt3A_381 {strides = array<i32>} : memref<10112xi32, #tpu.memory_space<vmem>>, vector<16xi32>, vector<16xi1>
      %all_reduce_population_count3A_386 = tpu.all_reduce %gt3A_381 {dim = 0 : i64, kind = #tpu.reduction_kind<sum>} : vector<16xi1> -> vector<16xi32>
      %slice3A_387 = vector.extract_strided_slice %all_reduce_population_count3A_386 {offsets = [0], sizes = [1], strides = [1]} : vector<16xi32> to vector<1xi32>
      %squeeze3A_388 = vector.extract %slice3A_387[0] : i32 from vector<1xi32>
      %add3A_389 = arith.addi %add3A_371, %squeeze3A_388 : i32
      %get3A_390 = arith.constant 96 : index
      %get3A_391 = tpu.vector_load %arg10[%get3A_390] {strides = array<i32>} : memref<128xi32, #tpu.memory_space<vmem>>, vector<16xi32>,
      %get3A_392 = arith.constant 96 : index
      %get3A_393 = tpu.vector_load %arg12[%get3A_392] {strides = array<i32>} : memref<128xi32, #tpu.memory_space<vmem>>, vector<16xi32>,
      %gather3A_394 = tpu.vector_load_idx %arg13[%get3A_391] : memref<10000xf32, #tpu.memory_space<vmem>>[vector<16xi32>], vector<16xf32>,
      %gather3A_395 = tpu.vector_load_idx %arg13[%get3A_393] : memref<10000xf32, #tpu.memory_space<vmem>>[vector<16xi32>], vector<16xf32>,
      %mul3A_396 = arith.mulf %gather3A_394, %gather3A_395 : vector<16xf32>
      %gt3A_397 = arith.constant 0.000000e+00 : f32
      %gt3A_398 = vector.broadcast %gt3A_397 : f32 to vector<16xf32>
      %gt3A_399 = arith.cmpf ogt, %mul3A_396, %gt3A_398 : vector<16xf32>
      %swap3A_400 = arith.index_cast %add3A_389 : i32 to index
      %swap3A_401 = tpu.vector_load %arg14[%swap3A_400] masked %gt3A_399 {strides = array<i32>} : memref<10112xi32, #tpu.memory_space<vmem>>, vector<16xi32>, vector<16xi1>
      tpu.vector_store %arg14[%swap3A_400], %get3A_391 masked %gt3A_399 {strides = array<i32>} : memref<10112xi32, #tpu.memory_space<vmem>>, vector<16xi32>, vector<16xi1>
      %swap3A_402 = arith.index_cast %add3A_389 : i32 to index
      %swap3A_403 = tpu.vector_load %arg15[%swap3A_402] masked %gt3A_399 {strides = array<i32>} : memref<10112xi32, #tpu.memory_space<vmem>>, vector<16xi32>, vector<16xi1>
      tpu.vector_store %arg15[%swap3A_402], %get3A_393 masked %gt3A_399 {strides = array<i32>} : memref<10112xi32, #tpu.memory_space<vmem>>, vector<16xi32>, vector<16xi1>
      %all_reduce_population_count3A_404 = tpu.all_reduce %gt3A_399 {dim = 0 : i64, kind = #tpu.reduction_kind<sum>} : vector<16xi1> -> vector<16xi32>
      %slice3A_405 = vector.extract_strided_slice %all_reduce_population_count3A_404 {offsets = [0], sizes = [1], strides = [1]} : vector<16xi32> to vector<1xi32>
      %squeeze3A_406 = vector.extract %slice3A_405[0] : i32 from vector<1xi32>
      %add3A_407 = arith.addi %add3A_389, %squeeze3A_406 : i32
      %get3A_408 = arith.constant 112 : index
      %get3A_409 = tpu.vector_load %arg10[%get3A_408] {strides = array<i32>} : memref<128xi32, #tpu.memory_space<vmem>>, vector<16xi32>,
      %get3A_410 = arith.constant 112 : index
      %get3A_411 = tpu.vector_load %arg12[%get3A_410] {strides = array<i32>} : memref<128xi32, #tpu.memory_space<vmem>>, vector<16xi32>,
      %gather3A_412 = tpu.vector_load_idx %arg13[%get3A_409] : memref<10000xf32, #tpu.memory_space<vmem>>[vector<16xi32>], vector<16xf32>,
      %gather3A_413 = tpu.vector_load_idx %arg13[%get3A_411] : memref<10000xf32, #tpu.memory_space<vmem>>[vector<16xi32>], vector<16xf32>,
      %mul3A_414 = arith.mulf %gather3A_412, %gather3A_413 : vector<16xf32>
      %gt3A_415 = arith.constant 0.000000e+00 : f32
      %gt3A_416 = vector.broadcast %gt3A_415 : f32 to vector<16xf32>
      %gt3A_417 = arith.cmpf ogt, %mul3A_414, %gt3A_416 : vector<16xf32>
      %swap3A_418 = arith.index_cast %add3A_407 : i32 to index
      %swap3A_419 = tpu.vector_load %arg14[%swap3A_418] masked %gt3A_417 {strides = array<i32>} : memref<10112xi32, #tpu.memory_space<vmem>>, vector<16xi32>, vector<16xi1>
      tpu.vector_store %arg14[%swap3A_418], %get3A_409 masked %gt3A_417 {strides = array<i32>} : memref<10112xi32, #tpu.memory_space<vmem>>, vector<16xi32>, vector<16xi1>
      %swap3A_420 = arith.index_cast %add3A_407 : i32 to index
      %swap3A_421 = tpu.vector_load %arg15[%swap3A_420] masked %gt3A_417 {strides = array<i32>} : memref<10112xi32, #tpu.memory_space<vmem>>, vector<16xi32>, vector<16xi1>
      tpu.vector_store %arg15[%swap3A_420], %get3A_411 masked %gt3A_417 {strides = array<i32>} : memref<10112xi32, #tpu.memory_space<vmem>>, vector<16xi32>, vector<16xi1>
      %all_reduce_population_count3A_422 = tpu.all_reduce %gt3A_417 {dim = 0 : i64, kind = #tpu.reduction_kind<sum>} : vector<16xi1> -> vector<16xi32>
      %slice3A_423 = vector.extract_strided_slice %all_reduce_population_count3A_422 {offsets = [0], sizes = [1], strides = [1]} : vector<16xi32> to vector<1xi32>
      %squeeze3A_424 = vector.extract %slice3A_423[0] : i32 from vector<1xi32>
      %add3A_425 = arith.addi %add3A_407, %squeeze3A_424 : i32
      %add3A_426 = arith.constant 2 : i32
      %add3A_427 = arith.addi %add3A_261, %add3A_426 : i32
      %lt3A_428 = arith.cmpi slt, %add3A_427, %select_n3A : i32
      %convert_element_type3A_429 = arith.extui %lt3A_428 : i1 to i32
      %cond3A_430 = arith.constant 0 : i32
      %cond3A_431 = arith.cmpi ne, %convert_element_type3A_429, %cond3A_430 : i32
      scf.if %cond3A_431 {
        %add3A_432 = arith.constant 2 : i32
        %add3A_433 = arith.addi %add3A_261, %add3A_432 : i32
        %mul3A_434 = arith.constant 32 : i32
        %mul3A_435 = arith.muli %add3A_433, %mul3A_434 : i32
        %add3A_436 = arith.addi %add3A, %mul3A_435 : i32
        %mul3A_437 = arith.constant 128 : i32
        %mul3A_438 = arith.muli %add3A_436, %mul3A_437 : i32
        %dma_start3A_439 = arith.constant 0 : i32
        %dma_start3A_440 = tpu.memref_slice %arg2[%dma_start3A_439, %mul3A_438] : memref<2x320000xi32, #tpu.memory_space<hbm>> -> memref<1x128xi32, #tpu.memory_space<hbm>>
        %dma_start3A_441 = tpu.memref_squeeze %dma_start3A_440 : memref<1x128xi32, #tpu.memory_space<hbm>> -> memref<128xi32, #tpu.memory_space<hbm>>
        %dma_start3A_442 = tpu.memref_slice %arg2[%dma_start3A_439, %mul3A_438] : memref<2x320000xi32, #tpu.memory_space<hbm>> -> memref<1x128xi32, #tpu.memory_space<hbm>>
        %dma_start3A_443 = tpu.memref_squeeze %dma_start3A_442 : memref<1x128xi32, #tpu.memory_space<hbm>> -> memref<128xi32, #tpu.memory_space<hbm>>
        tpu.enqueue_dma source(%dma_start3A_443 : memref<128xi32, #tpu.memory_space<hbm>>) target(%arg10 : memref<128xi32, #tpu.memory_space<vmem>>) target_semaphore(%arg18 : memref<!tpu.dma_semaphore, #tpu.memory_space<semaphore_mem>>)
        %add3A_444 = arith.constant 2 : i32
        %add3A_445 = arith.addi %add3A_261, %add3A_444 : i32
        %mul3A_446 = arith.constant 32 : i32
        %mul3A_447 = arith.muli %add3A_445, %mul3A_446 : i32
        %add3A_448 = arith.addi %add3A, %mul3A_447 : i32
        %mul3A_449 = arith.constant 128 : i32
        %mul3A_450 = arith.muli %add3A_448, %mul3A_449 : i32
        %dma_start3A_451 = arith.constant 1 : i32
        %dma_start3A_452 = tpu.memref_slice %arg2[%dma_start3A_451, %mul3A_450] : memref<2x320000xi32, #tpu.memory_space<hbm>> -> memref<1x128xi32, #tpu.memory_space<hbm>>
        %dma_start3A_453 = tpu.memref_squeeze %dma_start3A_452 : memref<1x128xi32, #tpu.memory_space<hbm>> -> memref<128xi32, #tpu.memory_space<hbm>>
        %dma_start3A_454 = tpu.memref_slice %arg2[%dma_start3A_451, %mul3A_450] : memref<2x320000xi32, #tpu.memory_space<hbm>> -> memref<1x128xi32, #tpu.memory_space<hbm>>
        %dma_start3A_455 = tpu.memref_squeeze %dma_start3A_454 : memref<1x128xi32, #tpu.memory_space<hbm>> -> memref<128xi32, #tpu.memory_space<hbm>>
        tpu.enqueue_dma source(%dma_start3A_455 : memref<128xi32, #tpu.memory_space<hbm>>) target(%arg12 : memref<128xi32, #tpu.memory_space<vmem>>) target_semaphore(%arg20 : memref<!tpu.dma_semaphore, #tpu.memory_space<semaphore_mem>>)
      } else {
      }
      scf.yield %add3A_425 : i32
    }
    %scan3A_63 = arith.constant 39 : i32
    %gt3A = arith.constant 78 : i32
    %gt3A_64 = arith.cmpi sgt, %select_n3A, %gt3A : i32
    %convert_element_type3A = arith.extui %gt3A_64 : i1 to i32
    %cond3A = arith.constant 0 : i32
    %cond3A_65 = arith.cmpi ne, %convert_element_type3A, %cond3A : i32
    %cond3A_66 = scf.if %cond3A_65 -> (i32) {
      %add3A_89 = arith.constant 2496 : i32
      %add3A_90 = arith.addi %add3A, %add3A_89 : i32
      %mul3A_91 = arith.constant 128 : i32
      %mul3A_92 = arith.muli %add3A_90, %mul3A_91 : i32
      %dma_wait3A = arith.constant 0 : i32
      %dma_wait3A_93 = tpu.memref_slice %arg2[%dma_wait3A, %mul3A_92] : memref<2x320000xi32, #tpu.memory_space<hbm>> -> memref<1x128xi32, #tpu.memory_space<hbm>>
      %dma_wait3A_94 = tpu.memref_squeeze %dma_wait3A_93 : memref<1x128xi32, #tpu.memory_space<hbm>> -> memref<128xi32, #tpu.memory_space<hbm>>
      %dma_wait3A_95 = tpu.memref_slice %arg2[%dma_wait3A, %mul3A_92] : memref<2x320000xi32, #tpu.memory_space<hbm>> -> memref<1x128xi32, #tpu.memory_space<hbm>>
      %dma_wait3A_96 = tpu.memref_squeeze %dma_wait3A_95 : memref<1x128xi32, #tpu.memory_space<hbm>> -> memref<128xi32, #tpu.memory_space<hbm>>
      tpu.wait_dma2 semaphore(%arg17 : memref<!tpu.dma_semaphore, #tpu.memory_space<semaphore_mem>>) src(%dma_wait3A_96 : memref<128xi32, #tpu.memory_space<hbm>>) dst(%arg9 : memref<128xi32, #tpu.memory_space<vmem>>)
      %add3A_97 = arith.constant 2496 : i32
      %add3A_98 = arith.addi %add3A, %add3A_97 : i32
      %mul3A_99 = arith.constant 128 : i32
      %mul3A_100 = arith.muli %add3A_98, %mul3A_99 : i32
      %dma_wait3A_101 = arith.constant 1 : i32
      %dma_wait3A_102 = tpu.memref_slice %arg2[%dma_wait3A_101, %mul3A_100] : memref<2x320000xi32, #tpu.memory_space<hbm>> -> memref<1x128xi32, #tpu.memory_space<hbm>>
      %dma_wait3A_103 = tpu.memref_squeeze %dma_wait3A_102 : memref<1x128xi32, #tpu.memory_space<hbm>> -> memref<128xi32, #tpu.memory_space<hbm>>
      %dma_wait3A_104 = tpu.memref_slice %arg2[%dma_wait3A_101, %mul3A_100] : memref<2x320000xi32, #tpu.memory_space<hbm>> -> memref<1x128xi32, #tpu.memory_space<hbm>>
      %dma_wait3A_105 = tpu.memref_squeeze %dma_wait3A_104 : memref<1x128xi32, #tpu.memory_space<hbm>> -> memref<128xi32, #tpu.memory_space<hbm>>
      tpu.wait_dma2 semaphore(%arg19 : memref<!tpu.dma_semaphore, #tpu.memory_space<semaphore_mem>>) src(%dma_wait3A_105 : memref<128xi32, #tpu.memory_space<hbm>>) dst(%arg11 : memref<128xi32, #tpu.memory_space<vmem>>)
      %get3A = arith.constant 0 : index
      %get3A_106 = tpu.vector_load %arg9[%get3A] {strides = array<i32>} : memref<128xi32, #tpu.memory_space<vmem>>, vector<16xi32>,
      %get3A_107 = arith.constant 0 : index
      %get3A_108 = tpu.vector_load %arg11[%get3A_107] {strides = array<i32>} : memref<128xi32, #tpu.memory_space<vmem>>, vector<16xi32>,
      %gather3A = tpu.vector_load_idx %arg13[%get3A_106] : memref<10000xf32, #tpu.memory_space<vmem>>[vector<16xi32>], vector<16xf32>,
      %gather3A_109 = tpu.vector_load_idx %arg13[%get3A_108] : memref<10000xf32, #tpu.memory_space<vmem>>[vector<16xi32>], vector<16xf32>,
      %mul3A_110 = arith.mulf %gather3A, %gather3A_109 : vector<16xf32>
      %gt3A_111 = arith.constant 0.000000e+00 : f32
      %gt3A_112 = vector.broadcast %gt3A_111 : f32 to vector<16xf32>
      %gt3A_113 = arith.cmpf ogt, %mul3A_110, %gt3A_112 : vector<16xf32>
      %swap3A_114 = arith.index_cast %scan3A_62 : i32 to index
      %swap3A_115 = tpu.vector_load %arg14[%swap3A_114] masked %gt3A_113 {strides = array<i32>} : memref<10112xi32, #tpu.memory_space<vmem>>, vector<16xi32>, vector<16xi1>
      tpu.vector_store %arg14[%swap3A_114], %get3A_106 masked %gt3A_113 {strides = array<i32>} : memref<10112xi32, #tpu.memory_space<vmem>>, vector<16xi32>, vector<16xi1>
      %swap3A_116 = arith.index_cast %scan3A_62 : i32 to index
      %swap3A_117 = tpu.vector_load %arg15[%swap3A_116] masked %gt3A_113 {strides = array<i32>} : memref<10112xi32, #tpu.memory_space<vmem>>, vector<16xi32>, vector<16xi1>
      tpu.vector_store %arg15[%swap3A_116], %get3A_108 masked %gt3A_113 {strides = array<i32>} : memref<10112xi32, #tpu.memory_space<vmem>>, vector<16xi32>, vector<16xi1>
      %all_reduce_population_count3A = tpu.all_reduce %gt3A_113 {dim = 0 : i64, kind = #tpu.reduction_kind<sum>} : vector<16xi1> -> vector<16xi32>
      %slice3A = vector.extract_strided_slice %all_reduce_population_count3A {offsets = [0], sizes = [1], strides = [1]} : vector<16xi32> to vector<1xi32>
      %squeeze3A = vector.extract %slice3A[0] : i32 from vector<1xi32>
      %add3A_118 = arith.addi %scan3A_62, %squeeze3A : i32
      %get3A_119 = arith.constant 16 : index
      %get3A_120 = tpu.vector_load %arg9[%get3A_119] {strides = array<i32>} : memref<128xi32, #tpu.memory_space<vmem>>, vector<16xi32>,
      %get3A_121 = arith.constant 16 : index
      %get3A_122 = tpu.vector_load %arg11[%get3A_121] {strides = array<i32>} : memref<128xi32, #tpu.memory_space<vmem>>, vector<16xi32>,
      %gather3A_123 = tpu.vector_load_idx %arg13[%get3A_120] : memref<10000xf32, #tpu.memory_space<vmem>>[vector<16xi32>], vector<16xf32>,
      %gather3A_124 = tpu.vector_load_idx %arg13[%get3A_122] : memref<10000xf32, #tpu.memory_space<vmem>>[vector<16xi32>], vector<16xf32>,
      %mul3A_125 = arith.mulf %gather3A_123, %gather3A_124 : vector<16xf32>
      %gt3A_126 = arith.constant 0.000000e+00 : f32
      %gt3A_127 = vector.broadcast %gt3A_126 : f32 to vector<16xf32>
      %gt3A_128 = arith.cmpf ogt, %mul3A_125, %gt3A_127 : vector<16xf32>
      %swap3A_129 = arith.index_cast %add3A_118 : i32 to index
      %swap3A_130 = tpu.vector_load %arg14[%swap3A_129] masked %gt3A_128 {strides = array<i32>} : memref<10112xi32, #tpu.memory_space<vmem>>, vector<16xi32>, vector<16xi1>
      tpu.vector_store %arg14[%swap3A_129], %get3A_120 masked %gt3A_128 {strides = array<i32>} : memref<10112xi32, #tpu.memory_space<vmem>>, vector<16xi32>, vector<16xi1>
      %swap3A_131 = arith.index_cast %add3A_118 : i32 to index
      %swap3A_132 = tpu.vector_load %arg15[%swap3A_131] masked %gt3A_128 {strides = array<i32>} : memref<10112xi32, #tpu.memory_space<vmem>>, vector<16xi32>, vector<16xi1>
      tpu.vector_store %arg15[%swap3A_131], %get3A_122 masked %gt3A_128 {strides = array<i32>} : memref<10112xi32, #tpu.memory_space<vmem>>, vector<16xi32>, vector<16xi1>
      %all_reduce_population_count3A_133 = tpu.all_reduce %gt3A_128 {dim = 0 : i64, kind = #tpu.reduction_kind<sum>} : vector<16xi1> -> vector<16xi32>
      %slice3A_134 = vector.extract_strided_slice %all_reduce_population_count3A_133 {offsets = [0], sizes = [1], strides = [1]} : vector<16xi32> to vector<1xi32>
      %squeeze3A_135 = vector.extract %slice3A_134[0] : i32 from vector<1xi32>
      %add3A_136 = arith.addi %add3A_118, %squeeze3A_135 : i32
      %get3A_137 = arith.constant 32 : index
      %get3A_138 = tpu.vector_load %arg9[%get3A_137] {strides = array<i32>} : memref<128xi32, #tpu.memory_space<vmem>>, vector<16xi32>,
      %get3A_139 = arith.constant 32 : index
      %get3A_140 = tpu.vector_load %arg11[%get3A_139] {strides = array<i32>} : memref<128xi32, #tpu.memory_space<vmem>>, vector<16xi32>,
      %gather3A_141 = tpu.vector_load_idx %arg13[%get3A_138] : memref<10000xf32, #tpu.memory_space<vmem>>[vector<16xi32>], vector<16xf32>,
      %gather3A_142 = tpu.vector_load_idx %arg13[%get3A_140] : memref<10000xf32, #tpu.memory_space<vmem>>[vector<16xi32>], vector<16xf32>,
      %mul3A_143 = arith.mulf %gather3A_141, %gather3A_142 : vector<16xf32>
      %gt3A_144 = arith.constant 0.000000e+00 : f32
      %gt3A_145 = vector.broadcast %gt3A_144 : f32 to vector<16xf32>
      %gt3A_146 = arith.cmpf ogt, %mul3A_143, %gt3A_145 : vector<16xf32>
      %swap3A_147 = arith.index_cast %add3A_136 : i32 to index
      %swap3A_148 = tpu.vector_load %arg14[%swap3A_147] masked %gt3A_146 {strides = array<i32>} : memref<10112xi32, #tpu.memory_space<vmem>>, vector<16xi32>, vector<16xi1>
      tpu.vector_store %arg14[%swap3A_147], %get3A_138 masked %gt3A_146 {strides = array<i32>} : memref<10112xi32, #tpu.memory_space<vmem>>, vector<16xi32>, vector<16xi1>
      %swap3A_149 = arith.index_cast %add3A_136 : i32 to index
      %swap3A_150 = tpu.vector_load %arg15[%swap3A_149] masked %gt3A_146 {strides = array<i32>} : memref<10112xi32, #tpu.memory_space<vmem>>, vector<16xi32>, vector<16xi1>
      tpu.vector_store %arg15[%swap3A_149], %get3A_140 masked %gt3A_146 {strides = array<i32>} : memref<10112xi32, #tpu.memory_space<vmem>>, vector<16xi32>, vector<16xi1>
      %all_reduce_population_count3A_151 = tpu.all_reduce %gt3A_146 {dim = 0 : i64, kind = #tpu.reduction_kind<sum>} : vector<16xi1> -> vector<16xi32>
      %slice3A_152 = vector.extract_strided_slice %all_reduce_population_count3A_151 {offsets = [0], sizes = [1], strides = [1]} : vector<16xi32> to vector<1xi32>
      %squeeze3A_153 = vector.extract %slice3A_152[0] : i32 from vector<1xi32>
      %add3A_154 = arith.addi %add3A_136, %squeeze3A_153 : i32
      %get3A_155 = arith.constant 48 : index
      %get3A_156 = tpu.vector_load %arg9[%get3A_155] {strides = array<i32>} : memref<128xi32, #tpu.memory_space<vmem>>, vector<16xi32>,
      %get3A_157 = arith.constant 48 : index
      %get3A_158 = tpu.vector_load %arg11[%get3A_157] {strides = array<i32>} : memref<128xi32, #tpu.memory_space<vmem>>, vector<16xi32>,
      %gather3A_159 = tpu.vector_load_idx %arg13[%get3A_156] : memref<10000xf32, #tpu.memory_space<vmem>>[vector<16xi32>], vector<16xf32>,
      %gather3A_160 = tpu.vector_load_idx %arg13[%get3A_158] : memref<10000xf32, #tpu.memory_space<vmem>>[vector<16xi32>], vector<16xf32>,
      %mul3A_161 = arith.mulf %gather3A_159, %gather3A_160 : vector<16xf32>
      %gt3A_162 = arith.constant 0.000000e+00 : f32
      %gt3A_163 = vector.broadcast %gt3A_162 : f32 to vector<16xf32>
      %gt3A_164 = arith.cmpf ogt, %mul3A_161, %gt3A_163 : vector<16xf32>
      %swap3A_165 = arith.index_cast %add3A_154 : i32 to index
      %swap3A_166 = tpu.vector_load %arg14[%swap3A_165] masked %gt3A_164 {strides = array<i32>} : memref<10112xi32, #tpu.memory_space<vmem>>, vector<16xi32>, vector<16xi1>
      tpu.vector_store %arg14[%swap3A_165], %get3A_156 masked %gt3A_164 {strides = array<i32>} : memref<10112xi32, #tpu.memory_space<vmem>>, vector<16xi32>, vector<16xi1>
      %swap3A_167 = arith.index_cast %add3A_154 : i32 to index
      %swap3A_168 = tpu.vector_load %arg15[%swap3A_167] masked %gt3A_164 {strides = array<i32>} : memref<10112xi32, #tpu.memory_space<vmem>>, vector<16xi32>, vector<16xi1>
      tpu.vector_store %arg15[%swap3A_167], %get3A_158 masked %gt3A_164 {strides = array<i32>} : memref<10112xi32, #tpu.memory_space<vmem>>, vector<16xi32>, vector<16xi1>
      %all_reduce_population_count3A_169 = tpu.all_reduce %gt3A_164 {dim = 0 : i64, kind = #tpu.reduction_kind<sum>} : vector<16xi1> -> vector<16xi32>
      %slice3A_170 = vector.extract_strided_slice %all_reduce_population_count3A_169 {offsets = [0], sizes = [1], strides = [1]} : vector<16xi32> to vector<1xi32>
      %squeeze3A_171 = vector.extract %slice3A_170[0] : i32 from vector<1xi32>
      %add3A_172 = arith.addi %add3A_154, %squeeze3A_171 : i32
      %get3A_173 = arith.constant 64 : index
      %get3A_174 = tpu.vector_load %arg9[%get3A_173] {strides = array<i32>} : memref<128xi32, #tpu.memory_space<vmem>>, vector<16xi32>,
      %get3A_175 = arith.constant 64 : index
      %get3A_176 = tpu.vector_load %arg11[%get3A_175] {strides = array<i32>} : memref<128xi32, #tpu.memory_space<vmem>>, vector<16xi32>,
      %gather3A_177 = tpu.vector_load_idx %arg13[%get3A_174] : memref<10000xf32, #tpu.memory_space<vmem>>[vector<16xi32>], vector<16xf32>,
      %gather3A_178 = tpu.vector_load_idx %arg13[%get3A_176] : memref<10000xf32, #tpu.memory_space<vmem>>[vector<16xi32>], vector<16xf32>,
      %mul3A_179 = arith.mulf %gather3A_177, %gather3A_178 : vector<16xf32>
      %gt3A_180 = arith.constant 0.000000e+00 : f32
      %gt3A_181 = vector.broadcast %gt3A_180 : f32 to vector<16xf32>
      %gt3A_182 = arith.cmpf ogt, %mul3A_179, %gt3A_181 : vector<16xf32>
      %swap3A_183 = arith.index_cast %add3A_172 : i32 to index
      %swap3A_184 = tpu.vector_load %arg14[%swap3A_183] masked %gt3A_182 {strides = array<i32>} : memref<10112xi32, #tpu.memory_space<vmem>>, vector<16xi32>, vector<16xi1>
      tpu.vector_store %arg14[%swap3A_183], %get3A_174 masked %gt3A_182 {strides = array<i32>} : memref<10112xi32, #tpu.memory_space<vmem>>, vector<16xi32>, vector<16xi1>
      %swap3A_185 = arith.index_cast %add3A_172 : i32 to index
      %swap3A_186 = tpu.vector_load %arg15[%swap3A_185] masked %gt3A_182 {strides = array<i32>} : memref<10112xi32, #tpu.memory_space<vmem>>, vector<16xi32>, vector<16xi1>
      tpu.vector_store %arg15[%swap3A_185], %get3A_176 masked %gt3A_182 {strides = array<i32>} : memref<10112xi32, #tpu.memory_space<vmem>>, vector<16xi32>, vector<16xi1>
      %all_reduce_population_count3A_187 = tpu.all_reduce %gt3A_182 {dim = 0 : i64, kind = #tpu.reduction_kind<sum>} : vector<16xi1> -> vector<16xi32>
      %slice3A_188 = vector.extract_strided_slice %all_reduce_population_count3A_187 {offsets = [0], sizes = [1], strides = [1]} : vector<16xi32> to vector<1xi32>
      %squeeze3A_189 = vector.extract %slice3A_188[0] : i32 from vector<1xi32>
      %add3A_190 = arith.addi %add3A_172, %squeeze3A_189 : i32
      %get3A_191 = arith.constant 80 : index
      %get3A_192 = tpu.vector_load %arg9[%get3A_191] {strides = array<i32>} : memref<128xi32, #tpu.memory_space<vmem>>, vector<16xi32>,
      %get3A_193 = arith.constant 80 : index
      %get3A_194 = tpu.vector_load %arg11[%get3A_193] {strides = array<i32>} : memref<128xi32, #tpu.memory_space<vmem>>, vector<16xi32>,
      %gather3A_195 = tpu.vector_load_idx %arg13[%get3A_192] : memref<10000xf32, #tpu.memory_space<vmem>>[vector<16xi32>], vector<16xf32>,
      %gather3A_196 = tpu.vector_load_idx %arg13[%get3A_194] : memref<10000xf32, #tpu.memory_space<vmem>>[vector<16xi32>], vector<16xf32>,
      %mul3A_197 = arith.mulf %gather3A_195, %gather3A_196 : vector<16xf32>
      %gt3A_198 = arith.constant 0.000000e+00 : f32
      %gt3A_199 = vector.broadcast %gt3A_198 : f32 to vector<16xf32>
      %gt3A_200 = arith.cmpf ogt, %mul3A_197, %gt3A_199 : vector<16xf32>
      %swap3A_201 = arith.index_cast %add3A_190 : i32 to index
      %swap3A_202 = tpu.vector_load %arg14[%swap3A_201] masked %gt3A_200 {strides = array<i32>} : memref<10112xi32, #tpu.memory_space<vmem>>, vector<16xi32>, vector<16xi1>
      tpu.vector_store %arg14[%swap3A_201], %get3A_192 masked %gt3A_200 {strides = array<i32>} : memref<10112xi32, #tpu.memory_space<vmem>>, vector<16xi32>, vector<16xi1>
      %swap3A_203 = arith.index_cast %add3A_190 : i32 to index
      %swap3A_204 = tpu.vector_load %arg15[%swap3A_203] masked %gt3A_200 {strides = array<i32>} : memref<10112xi32, #tpu.memory_space<vmem>>, vector<16xi32>, vector<16xi1>
      tpu.vector_store %arg15[%swap3A_203], %get3A_194 masked %gt3A_200 {strides = array<i32>} : memref<10112xi32, #tpu.memory_space<vmem>>, vector<16xi32>, vector<16xi1>
      %all_reduce_population_count3A_205 = tpu.all_reduce %gt3A_200 {dim = 0 : i64, kind = #tpu.reduction_kind<sum>} : vector<16xi1> -> vector<16xi32>
      %slice3A_206 = vector.extract_strided_slice %all_reduce_population_count3A_205 {offsets = [0], sizes = [1], strides = [1]} : vector<16xi32> to vector<1xi32>
      %squeeze3A_207 = vector.extract %slice3A_206[0] : i32 from vector<1xi32>
      %add3A_208 = arith.addi %add3A_190, %squeeze3A_207 : i32
      %get3A_209 = arith.constant 96 : index
      %get3A_210 = tpu.vector_load %arg9[%get3A_209] {strides = array<i32>} : memref<128xi32, #tpu.memory_space<vmem>>, vector<16xi32>,
      %get3A_211 = arith.constant 96 : index
      %get3A_212 = tpu.vector_load %arg11[%get3A_211] {strides = array<i32>} : memref<128xi32, #tpu.memory_space<vmem>>, vector<16xi32>,
      %gather3A_213 = tpu.vector_load_idx %arg13[%get3A_210] : memref<10000xf32, #tpu.memory_space<vmem>>[vector<16xi32>], vector<16xf32>,
      %gather3A_214 = tpu.vector_load_idx %arg13[%get3A_212] : memref<10000xf32, #tpu.memory_space<vmem>>[vector<16xi32>], vector<16xf32>,
      %mul3A_215 = arith.mulf %gather3A_213, %gather3A_214 : vector<16xf32>
      %gt3A_216 = arith.constant 0.000000e+00 : f32
      %gt3A_217 = vector.broadcast %gt3A_216 : f32 to vector<16xf32>
      %gt3A_218 = arith.cmpf ogt, %mul3A_215, %gt3A_217 : vector<16xf32>
      %swap3A_219 = arith.index_cast %add3A_208 : i32 to index
      %swap3A_220 = tpu.vector_load %arg14[%swap3A_219] masked %gt3A_218 {strides = array<i32>} : memref<10112xi32, #tpu.memory_space<vmem>>, vector<16xi32>, vector<16xi1>
      tpu.vector_store %arg14[%swap3A_219], %get3A_210 masked %gt3A_218 {strides = array<i32>} : memref<10112xi32, #tpu.memory_space<vmem>>, vector<16xi32>, vector<16xi1>
      %swap3A_221 = arith.index_cast %add3A_208 : i32 to index
      %swap3A_222 = tpu.vector_load %arg15[%swap3A_221] masked %gt3A_218 {strides = array<i32>} : memref<10112xi32, #tpu.memory_space<vmem>>, vector<16xi32>, vector<16xi1>
      tpu.vector_store %arg15[%swap3A_221], %get3A_212 masked %gt3A_218 {strides = array<i32>} : memref<10112xi32, #tpu.memory_space<vmem>>, vector<16xi32>, vector<16xi1>
      %all_reduce_population_count3A_223 = tpu.all_reduce %gt3A_218 {dim = 0 : i64, kind = #tpu.reduction_kind<sum>} : vector<16xi1> -> vector<16xi32>
      %slice3A_224 = vector.extract_strided_slice %all_reduce_population_count3A_223 {offsets = [0], sizes = [1], strides = [1]} : vector<16xi32> to vector<1xi32>
      %squeeze3A_225 = vector.extract %slice3A_224[0] : i32 from vector<1xi32>
      %add3A_226 = arith.addi %add3A_208, %squeeze3A_225 : i32
      %get3A_227 = arith.constant 112 : index
      %get3A_228 = tpu.vector_load %arg9[%get3A_227] {strides = array<i32>} : memref<128xi32, #tpu.memory_space<vmem>>, vector<16xi32>,
      %get3A_229 = arith.constant 112 : index
      %get3A_230 = tpu.vector_load %arg11[%get3A_229] {strides = array<i32>} : memref<128xi32, #tpu.memory_space<vmem>>, vector<16xi32>,
      %gather3A_231 = tpu.vector_load_idx %arg13[%get3A_228] : memref<10000xf32, #tpu.memory_space<vmem>>[vector<16xi32>], vector<16xf32>,
      %gather3A_232 = tpu.vector_load_idx %arg13[%get3A_230] : memref<10000xf32, #tpu.memory_space<vmem>>[vector<16xi32>], vector<16xf32>,
      %mul3A_233 = arith.mulf %gather3A_231, %gather3A_232 : vector<16xf32>
      %gt3A_234 = arith.constant 0.000000e+00 : f32
      %gt3A_235 = vector.broadcast %gt3A_234 : f32 to vector<16xf32>
      %gt3A_236 = arith.cmpf ogt, %mul3A_233, %gt3A_235 : vector<16xf32>
      %swap3A_237 = arith.index_cast %add3A_226 : i32 to index
      %swap3A_238 = tpu.vector_load %arg14[%swap3A_237] masked %gt3A_236 {strides = array<i32>} : memref<10112xi32, #tpu.memory_space<vmem>>, vector<16xi32>, vector<16xi1>
      tpu.vector_store %arg14[%swap3A_237], %get3A_228 masked %gt3A_236 {strides = array<i32>} : memref<10112xi32, #tpu.memory_space<vmem>>, vector<16xi32>, vector<16xi1>
      %swap3A_239 = arith.index_cast %add3A_226 : i32 to index
      %swap3A_240 = tpu.vector_load %arg15[%swap3A_239] masked %gt3A_236 {strides = array<i32>} : memref<10112xi32, #tpu.memory_space<vmem>>, vector<16xi32>, vector<16xi1>
      tpu.vector_store %arg15[%swap3A_239], %get3A_230 masked %gt3A_236 {strides = array<i32>} : memref<10112xi32, #tpu.memory_space<vmem>>, vector<16xi32>, vector<16xi1>
      %all_reduce_population_count3A_241 = tpu.all_reduce %gt3A_236 {dim = 0 : i64, kind = #tpu.reduction_kind<sum>} : vector<16xi1> -> vector<16xi32>
      %slice3A_242 = vector.extract_strided_slice %all_reduce_population_count3A_241 {offsets = [0], sizes = [1], strides = [1]} : vector<16xi32> to vector<1xi32>
      %squeeze3A_243 = vector.extract %slice3A_242[0] : i32 from vector<1xi32>
      %add3A_244 = arith.addi %add3A_226, %squeeze3A_243 : i32
      %gt3A_245 = arith.constant 80 : i32
      %gt3A_246 = arith.cmpi sgt, %select_n3A, %gt3A_245 : i32
      %convert_element_type3A_247 = arith.extui %gt3A_246 : i1 to i32
      %cond3A_248 = arith.constant 0 : i32
      %cond3A_249 = arith.cmpi ne, %convert_element_type3A_247, %cond3A_248 : i32
      scf.if %cond3A_249 {
        %add3A_250 = arith.constant 2560 : i32
        %add3A_251 = arith.addi %add3A, %add3A_250 : i32
        %mul3A_252 = arith.constant 128 : i32
        %mul3A_253 = arith.muli %add3A_251, %mul3A_252 : i32
        %dma_start3A_254 = arith.constant 0 : i32
        %dma_start3A_255 = tpu.memref_slice %arg2[%dma_start3A_254, %mul3A_253] : memref<2x320000xi32, #tpu.memory_space<hbm>> -> memref<1x128xi32, #tpu.memory_space<hbm>>
        %dma_start3A_256 = tpu.memref_squeeze %dma_start3A_255 : memref<1x128xi32, #tpu.memory_space<hbm>> -> memref<128xi32, #tpu.memory_space<hbm>>
        %dma_start3A_257 = tpu.memref_slice %arg2[%dma_start3A_254, %mul3A_253] : memref<2x320000xi32, #tpu.memory_space<hbm>> -> memref<1x128xi32, #tpu.memory_space<hbm>>
        %dma_start3A_258 = tpu.memref_squeeze %dma_start3A_257 : memref<1x128xi32, #tpu.memory_space<hbm>> -> memref<128xi32, #tpu.memory_space<hbm>>
        tpu.enqueue_dma source(%dma_start3A_258 : memref<128xi32, #tpu.memory_space<hbm>>) target(%arg9 : memref<128xi32, #tpu.memory_space<vmem>>) target_semaphore(%arg17 : memref<!tpu.dma_semaphore, #tpu.memory_space<semaphore_mem>>)
        %add3A_259 = arith.constant 2560 : i32
        %add3A_260 = arith.addi %add3A, %add3A_259 : i32
        %mul3A_261 = arith.constant 128 : i32
        %mul3A_262 = arith.muli %add3A_260, %mul3A_261 : i32
        %dma_start3A_263 = arith.constant 1 : i32
        %dma_start3A_264 = tpu.memref_slice %arg2[%dma_start3A_263, %mul3A_262] : memref<2x320000xi32, #tpu.memory_space<hbm>> -> memref<1x128xi32, #tpu.memory_space<hbm>>
        %dma_start3A_265 = tpu.memref_squeeze %dma_start3A_264 : memref<1x128xi32, #tpu.memory_space<hbm>> -> memref<128xi32, #tpu.memory_space<hbm>>
        %dma_start3A_266 = tpu.memref_slice %arg2[%dma_start3A_263, %mul3A_262] : memref<2x320000xi32, #tpu.memory_space<hbm>> -> memref<1x128xi32, #tpu.memory_space<hbm>>
        %dma_start3A_267 = tpu.memref_squeeze %dma_start3A_266 : memref<1x128xi32, #tpu.memory_space<hbm>> -> memref<128xi32, #tpu.memory_space<hbm>>
        tpu.enqueue_dma source(%dma_start3A_267 : memref<128xi32, #tpu.memory_space<hbm>>) target(%arg11 : memref<128xi32, #tpu.memory_space<vmem>>) target_semaphore(%arg19 : memref<!tpu.dma_semaphore, #tpu.memory_space<semaphore_mem>>)
      } else {
      }
      scf.yield %add3A_244 : i32
    } else {
      scf.yield %scan3A_62 : i32
    }
    %broadcast_in_dim3A = vector.broadcast %cond3A_66 : i32 to vector<16xi32>
    %swap3A = arith.constant 0 : index
    %swap3A_67 = tpu.vector_load %arg16[%swap3A] {strides = array<i32>} : memref<128xi32, #tpu.memory_space<vmem>>, vector<16xi32>,
    tpu.vector_store %arg16[%swap3A], %broadcast_in_dim3A {strides = array<i32>} : memref<128xi32, #tpu.memory_space<vmem>>, vector<16xi32>,
    %broadcast_in_dim3A_68 = vector.broadcast %cond3A_66 : i32 to vector<16xi32>
    %swap3A_69 = arith.constant 16 : index
    %swap3A_70 = tpu.vector_load %arg16[%swap3A_69] {strides = array<i32>} : memref<128xi32, #tpu.memory_space<vmem>>, vector<16xi32>,
    tpu.vector_store %arg16[%swap3A_69], %broadcast_in_dim3A_68 {strides = array<i32>} : memref<128xi32, #tpu.memory_space<vmem>>, vector<16xi32>,
    %broadcast_in_dim3A_71 = vector.broadcast %cond3A_66 : i32 to vector<16xi32>
    %swap3A_72 = arith.constant 32 : index
    %swap3A_73 = tpu.vector_load %arg16[%swap3A_72] {strides = array<i32>} : memref<128xi32, #tpu.memory_space<vmem>>, vector<16xi32>,
    tpu.vector_store %arg16[%swap3A_72], %broadcast_in_dim3A_71 {strides = array<i32>} : memref<128xi32, #tpu.memory_space<vmem>>, vector<16xi32>,
    %broadcast_in_dim3A_74 = vector.broadcast %cond3A_66 : i32 to vector<16xi32>
    %swap3A_75 = arith.constant 48 : index
    %swap3A_76 = tpu.vector_load %arg16[%swap3A_75] {strides = array<i32>} : memref<128xi32, #tpu.memory_space<vmem>>, vector<16xi32>,
    tpu.vector_store %arg16[%swap3A_75], %broadcast_in_dim3A_74 {strides = array<i32>} : memref<128xi32, #tpu.memory_space<vmem>>, vector<16xi32>,
    %broadcast_in_dim3A_77 = vector.broadcast %cond3A_66 : i32 to vector<16xi32>
    %swap3A_78 = arith.constant 64 : index
    %swap3A_79 = tpu.vector_load %arg16[%swap3A_78] {strides = array<i32>} : memref<128xi32, #tpu.memory_space<vmem>>, vector<16xi32>,
    tpu.vector_store %arg16[%swap3A_78], %broadcast_in_dim3A_77 {strides = array<i32>} : memref<128xi32, #tpu.memory_space<vmem>>, vector<16xi32>,
    %broadcast_in_dim3A_80 = vector.broadcast %cond3A_66 : i32 to vector<16xi32>
    %swap3A_81 = arith.constant 80 : index
    %swap3A_82 = tpu.vector_load %arg16[%swap3A_81] {strides = array<i32>} : memref<128xi32, #tpu.memory_space<vmem>>, vector<16xi32>,
    tpu.vector_store %arg16[%swap3A_81], %broadcast_in_dim3A_80 {strides = array<i32>} : memref<128xi32, #tpu.memory_space<vmem>>, vector<16xi32>,
    %broadcast_in_dim3A_83 = vector.broadcast %cond3A_66 : i32 to vector<16xi32>
    %swap3A_84 = arith.constant 96 : index
    %swap3A_85 = tpu.vector_load %arg16[%swap3A_84] {strides = array<i32>} : memref<128xi32, #tpu.memory_space<vmem>>, vector<16xi32>,
    tpu.vector_store %arg16[%swap3A_84], %broadcast_in_dim3A_83 {strides = array<i32>} : memref<128xi32, #tpu.memory_space<vmem>>, vector<16xi32>,
    %broadcast_in_dim3A_86 = vector.broadcast %cond3A_66 : i32 to vector<16xi32>
    %swap3A_87 = arith.constant 112 : index
    %swap3A_88 = tpu.vector_load %arg16[%swap3A_87] {strides = array<i32>} : memref<128xi32, #tpu.memory_space<vmem>>, vector<16xi32>,
    tpu.vector_store %arg16[%swap3A_87], %broadcast_in_dim3A_86 {strides = array<i32>} : memref<128xi32, #tpu.memory_space<vmem>>, vector<16xi32>,
    "tpu.region"() ({
      %run_scoped3A = tpu.sem_alloc : memref<!tpu.dma_semaphore, #tpu.memory_space<semaphore_mem>>
      %dma_start3A_89 = arith.constant 0 : i32
      %dma_start3A_90 = tpu.memref_slice %arg6[%add3A, %dma_start3A_89] : memref<32x10112xi32, #tpu.memory_space<hbm>> -> memref<1x10112xi32, #tpu.memory_space<hbm>>
      %dma_start3A_91 = tpu.memref_squeeze %dma_start3A_90 : memref<1x10112xi32, #tpu.memory_space<hbm>> -> memref<10112xi32, #tpu.memory_space<hbm>>
      %dma_start3A_92 = arith.constant 0 : i32
      %dma_start3A_93 = tpu.memref_slice %arg6[%add3A, %dma_start3A_92] : memref<32x10112xi32, #tpu.memory_space<hbm>> -> memref<1x10112xi32, #tpu.memory_space<hbm>>
      %dma_start3A_94 = tpu.memref_squeeze %dma_start3A_93 : memref<1x10112xi32, #tpu.memory_space<hbm>> -> memref<10112xi32, #tpu.memory_space<hbm>>
      tpu.enqueue_dma source(%arg14 : memref<10112xi32, #tpu.memory_space<vmem>>) target(%dma_start3A_94 : memref<10112xi32, #tpu.memory_space<hbm>>) target_semaphore(%run_scoped3A : memref<!tpu.dma_semaphore, #tpu.memory_space<semaphore_mem>>)
      %dma_wait3A = arith.constant 0 : i32
      %dma_wait3A_95 = tpu.memref_slice %arg6[%add3A, %dma_wait3A] : memref<32x10112xi32, #tpu.memory_space<hbm>> -> memref<1x10112xi32, #tpu.memory_space<hbm>>
      %dma_wait3A_96 = tpu.memref_squeeze %dma_wait3A_95 : memref<1x10112xi32, #tpu.memory_space<hbm>> -> memref<10112xi32, #tpu.memory_space<hbm>>
      %dma_wait3A_97 = arith.constant 0 : i32
      %dma_wait3A_98 = tpu.memref_slice %arg6[%add3A, %dma_wait3A_97] : memref<32x10112xi32, #tpu.memory_space<hbm>> -> memref<1x10112xi32, #tpu.memory_space<hbm>>
      %dma_wait3A_99 = tpu.memref_squeeze %dma_wait3A_98 : memref<1x10112xi32, #tpu.memory_space<hbm>> -> memref<10112xi32, #tpu.memory_space<hbm>>
      tpu.wait_dma2 semaphore(%run_scoped3A : memref<!tpu.dma_semaphore, #tpu.memory_space<semaphore_mem>>) src(%arg14 : memref<10112xi32, #tpu.memory_space<vmem>>) dst(%dma_wait3A_99 : memref<10112xi32, #tpu.memory_space<hbm>>)
      tpu.yield
    }) : () -> ()
    "tpu.region"() ({
      %run_scoped3A = tpu.sem_alloc : memref<!tpu.dma_semaphore, #tpu.memory_space<semaphore_mem>>
      %dma_start3A_89 = arith.constant 0 : i32
      %dma_start3A_90 = tpu.memref_slice %arg7[%add3A, %dma_start3A_89] : memref<32x10112xi32, #tpu.memory_space<hbm>> -> memref<1x10112xi32, #tpu.memory_space<hbm>>
      %dma_start3A_91 = tpu.memref_squeeze %dma_start3A_90 : memref<1x10112xi32, #tpu.memory_space<hbm>> -> memref<10112xi32, #tpu.memory_space<hbm>>
      %dma_start3A_92 = arith.constant 0 : i32
      %dma_start3A_93 = tpu.memref_slice %arg7[%add3A, %dma_start3A_92] : memref<32x10112xi32, #tpu.memory_space<hbm>> -> memref<1x10112xi32, #tpu.memory_space<hbm>>
      %dma_start3A_94 = tpu.memref_squeeze %dma_start3A_93 : memref<1x10112xi32, #tpu.memory_space<hbm>> -> memref<10112xi32, #tpu.memory_space<hbm>>
      tpu.enqueue_dma source(%arg15 : memref<10112xi32, #tpu.memory_space<vmem>>) target(%dma_start3A_94 : memref<10112xi32, #tpu.memory_space<hbm>>) target_semaphore(%run_scoped3A : memref<!tpu.dma_semaphore, #tpu.memory_space<semaphore_mem>>)
      %dma_wait3A = arith.constant 0 : i32
      %dma_wait3A_95 = tpu.memref_slice %arg7[%add3A, %dma_wait3A] : memref<32x10112xi32, #tpu.memory_space<hbm>> -> memref<1x10112xi32, #tpu.memory_space<hbm>>
      %dma_wait3A_96 = tpu.memref_squeeze %dma_wait3A_95 : memref<1x10112xi32, #tpu.memory_space<hbm>> -> memref<10112xi32, #tpu.memory_space<hbm>>
      %dma_wait3A_97 = arith.constant 0 : i32
      %dma_wait3A_98 = tpu.memref_slice %arg7[%add3A, %dma_wait3A_97] : memref<32x10112xi32, #tpu.memory_space<hbm>> -> memref<1x10112xi32, #tpu.memory_space<hbm>>
      %dma_wait3A_99 = tpu.memref_squeeze %dma_wait3A_98 : memref<1x10112xi32, #tpu.memory_space<hbm>> -> memref<10112xi32, #tpu.memory_space<hbm>>
      tpu.wait_dma2 semaphore(%run_scoped3A : memref<!tpu.dma_semaphore, #tpu.memory_space<semaphore_mem>>) src(%arg15 : memref<10112xi32, #tpu.memory_space<vmem>>) dst(%dma_wait3A_99 : memref<10112xi32, #tpu.memory_space<hbm>>)
      tpu.yield
    }) : () -> ()
    "tpu.region"() ({
      %run_scoped3A = tpu.sem_alloc : memref<!tpu.dma_semaphore, #tpu.memory_space<semaphore_mem>>
      %dma_start3A_89 = arith.constant 0 : i32
      %dma_start3A_90 = tpu.memref_slice %arg8[%add3A, %dma_start3A_89] : memref<32x128xi32, #tpu.memory_space<hbm>> -> memref<1x128xi32, #tpu.memory_space<hbm>>
      %dma_start3A_91 = tpu.memref_squeeze %dma_start3A_90 : memref<1x128xi32, #tpu.memory_space<hbm>> -> memref<128xi32, #tpu.memory_space<hbm>>
      %dma_start3A_92 = arith.constant 0 : i32
      %dma_start3A_93 = tpu.memref_slice %arg8[%add3A, %dma_start3A_92] : memref<32x128xi32, #tpu.memory_space<hbm>> -> memref<1x128xi32, #tpu.memory_space<hbm>>
      %dma_start3A_94 = tpu.memref_squeeze %dma_start3A_93 : memref<1x128xi32, #tpu.memory_space<hbm>> -> memref<128xi32, #tpu.memory_space<hbm>>
      tpu.enqueue_dma source(%arg16 : memref<128xi32, #tpu.memory_space<vmem>>) target(%dma_start3A_94 : memref<128xi32, #tpu.memory_space<hbm>>) target_semaphore(%run_scoped3A : memref<!tpu.dma_semaphore, #tpu.memory_space<semaphore_mem>>)
      %dma_wait3A = arith.constant 0 : i32
      %dma_wait3A_95 = tpu.memref_slice %arg8[%add3A, %dma_wait3A] : memref<32x128xi32, #tpu.memory_space<hbm>> -> memref<1x128xi32, #tpu.memory_space<hbm>>
      %dma_wait3A_96 = tpu.memref_squeeze %dma_wait3A_95 : memref<1x128xi32, #tpu.memory_space<hbm>> -> memref<128xi32, #tpu.memory_space<hbm>>
      %dma_wait3A_97 = arith.constant 0 : i32
      %dma_wait3A_98 = tpu.memref_slice %arg8[%add3A, %dma_wait3A_97] : memref<32x128xi32, #tpu.memory_space<hbm>> -> memref<1x128xi32, #tpu.memory_space<hbm>>
      %dma_wait3A_99 = tpu.memref_squeeze %dma_wait3A_98 : memref<1x128xi32, #tpu.memory_space<hbm>> -> memref<128xi32, #tpu.memory_space<hbm>>
      tpu.wait_dma2 semaphore(%run_scoped3A : memref<!tpu.dma_semaphore, #tpu.memory_space<semaphore_mem>>) src(%arg16 : memref<128xi32, #tpu.memory_space<vmem>>) dst(%dma_wait3A_99 : memref<128xi32, #tpu.memory_space<hbm>>)
      tpu.yield
    }) : () -> ()
    return
  }
}

#map = affine_map<(d0, d1) -> (0, 0)>
#map1 = affine_map<(d0, d1) -> (0)>
module attributes {stable_mosaic.version = 14 : i64} {
  func.func @sc_deg(%arg0: i32, %arg1: i32, %arg2: memref<2x320000xi32, #tpu.memory_space<hbm>>, %arg3: memref<10112xf32, #tpu.memory_space<hbm>>, %arg4: memref<32x10112xf32, #tpu.memory_space<hbm>>, %arg5: memref<128xi32, #tpu.memory_space<vmem>>, %arg6: memref<128xi32, #tpu.memory_space<vmem>>, %arg7: memref<10112xf32, #tpu.memory_space<vmem>>, %arg8: memref<!tpu.dma_semaphore, #tpu.memory_space<semaphore_mem>>, %arg9: memref<!tpu.dma_semaphore, #tpu.memory_space<semaphore_mem>>) attributes {dimension_semantics = [#tpu.dimension_semantics<core_parallel>, #tpu.dimension_semantics<subcore_parallel>], iteration_bounds = array<i64: 2, 16>, scalar_prefetch = 0 : i64, scratch_operands = 5 : i64, tpu.core_type = #tpu.core_type<sc_vector_subcore>, window_params = [{transform_indices = #map}, {transform_indices = #map1}, {transform_indices = #map}]} {
    %mul3A = arith.constant 2 : i32
    %mul3A_0 = arith.muli %arg1, %mul3A : i32
    %add3A = arith.addi %mul3A_0, %arg0 : i32
    "tpu.region"() ({
      %run_scoped3A = tpu.sem_alloc : memref<!tpu.dma_semaphore, #tpu.memory_space<semaphore_mem>>
      tpu.enqueue_dma source(%arg3 : memref<10112xf32, #tpu.memory_space<hbm>>) target(%arg7 : memref<10112xf32, #tpu.memory_space<vmem>>) target_semaphore(%run_scoped3A : memref<!tpu.dma_semaphore, #tpu.memory_space<semaphore_mem>>)
      tpu.wait_dma2 semaphore(%run_scoped3A : memref<!tpu.dma_semaphore, #tpu.memory_space<semaphore_mem>>) src(%arg3 : memref<10112xf32, #tpu.memory_space<hbm>>) dst(%arg7 : memref<10112xf32, #tpu.memory_space<vmem>>)
      tpu.yield
    }) : () -> ()
    %sub3A = arith.constant 2500 : i32
    %sub3A_1 = arith.subi %sub3A, %add3A : i32
    %add3A_2 = arith.constant 32 : i32
    %add3A_3 = arith.addi %sub3A_1, %add3A_2 : i32
    %sub3A_4 = arith.constant 1 : i32
    %sub3A_5 = arith.subi %add3A_3, %sub3A_4 : i32
    %jit3A = arith.constant 32 : i32
    %div3A = arith.divsi %sub3A_5, %jit3A : i32
    %sign3A = arith.constant 0 : i32
    %sign3A_6 = arith.cmpi sgt, %sub3A_5, %sign3A : i32
    %sign3A_7 = arith.extui %sign3A_6 : i1 to i32
    %sign3A_8 = arith.constant 0 : i32
    %sign3A_9 = arith.cmpi slt, %sub3A_5, %sign3A_8 : i32
    %sign3A_10 = arith.extui %sign3A_9 : i1 to i32
    %sign3A_11 = arith.subi %sign3A_7, %sign3A_10 : i32
    %sign3A_12 = arith.constant 0 : i32
    %sign3A_13 = arith.cmpi sgt, %jit3A, %sign3A_12 : i32
    %sign3A_14 = arith.extui %sign3A_13 : i1 to i32
    %sign3A_15 = arith.constant 0 : i32
    %sign3A_16 = arith.cmpi slt, %jit3A, %sign3A_15 : i32
    %sign3A_17 = arith.extui %sign3A_16 : i1 to i32
    %sign3A_18 = arith.subi %sign3A_14, %sign3A_17 : i32
    %ne3A = arith.cmpi ne, %sign3A_11, %sign3A_18 : i32
    %rem3A = arith.remsi %sub3A_5, %jit3A : i32
    %ne3A_19 = arith.constant 0 : i32
    %ne3A_20 = arith.cmpi ne, %rem3A, %ne3A_19 : i32
    %and3A = arith.andi %ne3A, %ne3A_20 : i1
    %sub3A_21 = arith.constant 1 : i32
    %sub3A_22 = arith.subi %div3A, %sub3A_21 : i32
    %select_n3A = arith.select %and3A, %sub3A_22, %div3A : i32
    %add3A_23 = arith.constant 0 : i32
    %add3A_24 = arith.addi %add3A, %add3A_23 : i32
    %mul3A_25 = arith.constant 128 : i32
    %mul3A_26 = arith.muli %add3A_24, %mul3A_25 : i32
    %dma_start3A = arith.constant 1 : i32
    %dma_start3A_27 = tpu.memref_slice %arg2[%dma_start3A, %mul3A_26] : memref<2x320000xi32, #tpu.memory_space<hbm>> -> memref<1x128xi32, #tpu.memory_space<hbm>>
    %dma_start3A_28 = tpu.memref_squeeze %dma_start3A_27 : memref<1x128xi32, #tpu.memory_space<hbm>> -> memref<128xi32, #tpu.memory_space<hbm>>
    %dma_start3A_29 = tpu.memref_slice %arg2[%dma_start3A, %mul3A_26] : memref<2x320000xi32, #tpu.memory_space<hbm>> -> memref<1x128xi32, #tpu.memory_space<hbm>>
    %dma_start3A_30 = tpu.memref_squeeze %dma_start3A_29 : memref<1x128xi32, #tpu.memory_space<hbm>> -> memref<128xi32, #tpu.memory_space<hbm>>
    tpu.enqueue_dma source(%dma_start3A_30 : memref<128xi32, #tpu.memory_space<hbm>>) target(%arg5 : memref<128xi32, #tpu.memory_space<vmem>>) target_semaphore(%arg8 : memref<!tpu.dma_semaphore, #tpu.memory_space<semaphore_mem>>)
    %add3A_31 = arith.constant 32 : i32
    %add3A_32 = arith.addi %add3A, %add3A_31 : i32
    %mul3A_33 = arith.constant 128 : i32
    %mul3A_34 = arith.muli %add3A_32, %mul3A_33 : i32
    %dma_start3A_35 = arith.constant 1 : i32
    %dma_start3A_36 = tpu.memref_slice %arg2[%dma_start3A_35, %mul3A_34] : memref<2x320000xi32, #tpu.memory_space<hbm>> -> memref<1x128xi32, #tpu.memory_space<hbm>>
    %dma_start3A_37 = tpu.memref_squeeze %dma_start3A_36 : memref<1x128xi32, #tpu.memory_space<hbm>> -> memref<128xi32, #tpu.memory_space<hbm>>
    %dma_start3A_38 = tpu.memref_slice %arg2[%dma_start3A_35, %mul3A_34] : memref<2x320000xi32, #tpu.memory_space<hbm>> -> memref<1x128xi32, #tpu.memory_space<hbm>>
    %dma_start3A_39 = tpu.memref_squeeze %dma_start3A_38 : memref<1x128xi32, #tpu.memory_space<hbm>> -> memref<128xi32, #tpu.memory_space<hbm>>
    tpu.enqueue_dma source(%dma_start3A_39 : memref<128xi32, #tpu.memory_space<hbm>>) target(%arg6 : memref<128xi32, #tpu.memory_space<vmem>>) target_semaphore(%arg9 : memref<!tpu.dma_semaphore, #tpu.memory_space<semaphore_mem>>)
    %broadcast_in_dim3A = arith.constant 1.000000e+00 : f32
    %broadcast_in_dim3A_40 = vector.broadcast %broadcast_in_dim3A : f32 to vector<16xf32>
    %add3A_41 = arith.constant 1 : i32
    %add3A_42 = arith.addi %select_n3A, %add3A_41 : i32
    %jit3A_43 = arith.constant 2 : i32
    %div3A_44 = arith.divsi %add3A_42, %jit3A_43 : i32
    %sign3A_45 = arith.constant 0 : i32
    %sign3A_46 = arith.cmpi sgt, %add3A_42, %sign3A_45 : i32
    %sign3A_47 = arith.extui %sign3A_46 : i1 to i32
    %sign3A_48 = arith.constant 0 : i32
    %sign3A_49 = arith.cmpi slt, %add3A_42, %sign3A_48 : i32
    %sign3A_50 = arith.extui %sign3A_49 : i1 to i32
    %sign3A_51 = arith.subi %sign3A_47, %sign3A_50 : i32
    %sign3A_52 = arith.constant 0 : i32
    %sign3A_53 = arith.cmpi sgt, %jit3A_43, %sign3A_52 : i32
    %sign3A_54 = arith.extui %sign3A_53 : i1 to i32
    %sign3A_55 = arith.constant 0 : i32
    %sign3A_56 = arith.cmpi slt, %jit3A_43, %sign3A_55 : i32
    %sign3A_57 = arith.extui %sign3A_56 : i1 to i32
    %sign3A_58 = arith.subi %sign3A_54, %sign3A_57 : i32
    %ne3A_59 = arith.cmpi ne, %sign3A_51, %sign3A_58 : i32
    %rem3A_60 = arith.remsi %add3A_42, %jit3A_43 : i32
    %ne3A_61 = arith.constant 0 : i32
    %ne3A_62 = arith.cmpi ne, %rem3A_60, %ne3A_61 : i32
    %and3A_63 = arith.andi %ne3A_59, %ne3A_62 : i1
    %sub3A_64 = arith.constant 1 : i32
    %sub3A_65 = arith.subi %div3A_44, %sub3A_64 : i32
    %select_n3A_66 = arith.select %and3A_63, %sub3A_65, %div3A_44 : i32
    %while3A = arith.constant 0 : i32
    %while3A_67 = arith.constant 0 : i32
    %while3A_68 = arith.subi %select_n3A_66, %while3A_67 : i32
    %while3A_69 = arith.addi %while3A_67, %while3A_68 : i32
    %while3A_70 = arith.constant 1 : i32
    %while3A_71 = arith.divsi %while3A_68, %while3A_70 : i32
    %while3A_72 = arith.muli %while3A_71, %while3A_70 : i32
    %while3A_73 = arith.addi %while3A_67, %while3A_72 : i32
    %while3A_74 = arith.constant 1 : i32
    scf.for %while3A_76 = %while3A_67 to %while3A_73 step %while3A_74  : i32 {
      %mul3A_77 = arith.constant 2 : i32
      %mul3A_78 = arith.muli %mul3A_77, %while3A_76 : i32
      %add3A_79 = arith.constant 0 : i32
      %add3A_80 = arith.addi %mul3A_78, %add3A_79 : i32
      %lt3A = arith.cmpi slt, %add3A_80, %select_n3A : i32
      %convert_element_type3A = arith.extui %lt3A : i1 to i32
      %cond3A = arith.constant 0 : i32
      %cond3A_81 = arith.cmpi ne, %convert_element_type3A, %cond3A : i32
      scf.if %cond3A_81 {
        %mul3A_90 = arith.constant 32 : i32
        %mul3A_91 = arith.muli %add3A_80, %mul3A_90 : i32
        %add3A_92 = arith.addi %add3A, %mul3A_91 : i32
        %mul3A_93 = arith.constant 128 : i32
        %mul3A_94 = arith.muli %add3A_92, %mul3A_93 : i32
        %dma_wait3A = arith.constant 1 : i32
        %dma_wait3A_95 = tpu.memref_slice %arg2[%dma_wait3A, %mul3A_94] : memref<2x320000xi32, #tpu.memory_space<hbm>> -> memref<1x128xi32, #tpu.memory_space<hbm>>
        %dma_wait3A_96 = tpu.memref_squeeze %dma_wait3A_95 : memref<1x128xi32, #tpu.memory_space<hbm>> -> memref<128xi32, #tpu.memory_space<hbm>>
        %dma_wait3A_97 = tpu.memref_slice %arg2[%dma_wait3A, %mul3A_94] : memref<2x320000xi32, #tpu.memory_space<hbm>> -> memref<1x128xi32, #tpu.memory_space<hbm>>
        %dma_wait3A_98 = tpu.memref_squeeze %dma_wait3A_97 : memref<1x128xi32, #tpu.memory_space<hbm>> -> memref<128xi32, #tpu.memory_space<hbm>>
        tpu.wait_dma2 semaphore(%arg8 : memref<!tpu.dma_semaphore, #tpu.memory_space<semaphore_mem>>) src(%dma_wait3A_98 : memref<128xi32, #tpu.memory_space<hbm>>) dst(%arg5 : memref<128xi32, #tpu.memory_space<vmem>>)
        %get3A = arith.constant 0 : index
        %get3A_99 = tpu.vector_load %arg5[%get3A] {strides = array<i32>} : memref<128xi32, #tpu.memory_space<vmem>>, vector<16xi32>,
        tpu.vector_store_idx %arg7[%get3A_99], %broadcast_in_dim3A_40 {add = true} : memref<10112xf32, #tpu.memory_space<vmem>>[vector<16xi32>], vector<16xf32>,
        %get3A_100 = arith.constant 16 : index
        %get3A_101 = tpu.vector_load %arg5[%get3A_100] {strides = array<i32>} : memref<128xi32, #tpu.memory_space<vmem>>, vector<16xi32>,
        tpu.vector_store_idx %arg7[%get3A_101], %broadcast_in_dim3A_40 {add = true} : memref<10112xf32, #tpu.memory_space<vmem>>[vector<16xi32>], vector<16xf32>,
        %get3A_102 = arith.constant 32 : index
        %get3A_103 = tpu.vector_load %arg5[%get3A_102] {strides = array<i32>} : memref<128xi32, #tpu.memory_space<vmem>>, vector<16xi32>,
        tpu.vector_store_idx %arg7[%get3A_103], %broadcast_in_dim3A_40 {add = true} : memref<10112xf32, #tpu.memory_space<vmem>>[vector<16xi32>], vector<16xf32>,
        %get3A_104 = arith.constant 48 : index
        %get3A_105 = tpu.vector_load %arg5[%get3A_104] {strides = array<i32>} : memref<128xi32, #tpu.memory_space<vmem>>, vector<16xi32>,
        tpu.vector_store_idx %arg7[%get3A_105], %broadcast_in_dim3A_40 {add = true} : memref<10112xf32, #tpu.memory_space<vmem>>[vector<16xi32>], vector<16xf32>,
        %get3A_106 = arith.constant 64 : index
        %get3A_107 = tpu.vector_load %arg5[%get3A_106] {strides = array<i32>} : memref<128xi32, #tpu.memory_space<vmem>>, vector<16xi32>,
        tpu.vector_store_idx %arg7[%get3A_107], %broadcast_in_dim3A_40 {add = true} : memref<10112xf32, #tpu.memory_space<vmem>>[vector<16xi32>], vector<16xf32>,
        %get3A_108 = arith.constant 80 : index
        %get3A_109 = tpu.vector_load %arg5[%get3A_108] {strides = array<i32>} : memref<128xi32, #tpu.memory_space<vmem>>, vector<16xi32>,
        tpu.vector_store_idx %arg7[%get3A_109], %broadcast_in_dim3A_40 {add = true} : memref<10112xf32, #tpu.memory_space<vmem>>[vector<16xi32>], vector<16xf32>,
        %get3A_110 = arith.constant 96 : index
        %get3A_111 = tpu.vector_load %arg5[%get3A_110] {strides = array<i32>} : memref<128xi32, #tpu.memory_space<vmem>>, vector<16xi32>,
        tpu.vector_store_idx %arg7[%get3A_111], %broadcast_in_dim3A_40 {add = true} : memref<10112xf32, #tpu.memory_space<vmem>>[vector<16xi32>], vector<16xf32>,
        %get3A_112 = arith.constant 112 : index
        %get3A_113 = tpu.vector_load %arg5[%get3A_112] {strides = array<i32>} : memref<128xi32, #tpu.memory_space<vmem>>, vector<16xi32>,
        tpu.vector_store_idx %arg7[%get3A_113], %broadcast_in_dim3A_40 {add = true} : memref<10112xf32, #tpu.memory_space<vmem>>[vector<16xi32>], vector<16xf32>,
        %add3A_114 = arith.constant 2 : i32
        %add3A_115 = arith.addi %add3A_80, %add3A_114 : i32
        %lt3A_116 = arith.cmpi slt, %add3A_115, %select_n3A : i32
        %convert_element_type3A_117 = arith.extui %lt3A_116 : i1 to i32
        %cond3A_118 = arith.constant 0 : i32
        %cond3A_119 = arith.cmpi ne, %convert_element_type3A_117, %cond3A_118 : i32
        scf.if %cond3A_119 {
          %add3A_120 = arith.constant 2 : i32
          %add3A_121 = arith.addi %add3A_80, %add3A_120 : i32
          %mul3A_122 = arith.constant 32 : i32
          %mul3A_123 = arith.muli %add3A_121, %mul3A_122 : i32
          %add3A_124 = arith.addi %add3A, %mul3A_123 : i32
          %mul3A_125 = arith.constant 128 : i32
          %mul3A_126 = arith.muli %add3A_124, %mul3A_125 : i32
          %dma_start3A_127 = arith.constant 1 : i32
          %dma_start3A_128 = tpu.memref_slice %arg2[%dma_start3A_127, %mul3A_126] : memref<2x320000xi32, #tpu.memory_space<hbm>> -> memref<1x128xi32, #tpu.memory_space<hbm>>
          %dma_start3A_129 = tpu.memref_squeeze %dma_start3A_128 : memref<1x128xi32, #tpu.memory_space<hbm>> -> memref<128xi32, #tpu.memory_space<hbm>>
          %dma_start3A_130 = tpu.memref_slice %arg2[%dma_start3A_127, %mul3A_126] : memref<2x320000xi32, #tpu.memory_space<hbm>> -> memref<1x128xi32, #tpu.memory_space<hbm>>
          %dma_start3A_131 = tpu.memref_squeeze %dma_start3A_130 : memref<1x128xi32, #tpu.memory_space<hbm>> -> memref<128xi32, #tpu.memory_space<hbm>>
          tpu.enqueue_dma source(%dma_start3A_131 : memref<128xi32, #tpu.memory_space<hbm>>) target(%arg5 : memref<128xi32, #tpu.memory_space<vmem>>) target_semaphore(%arg8 : memref<!tpu.dma_semaphore, #tpu.memory_space<semaphore_mem>>)
        } else {
        }
      } else {
      }
      %mul3A_82 = arith.constant 2 : i32
      %mul3A_83 = arith.muli %mul3A_82, %while3A_76 : i32
      %add3A_84 = arith.constant 1 : i32
      %add3A_85 = arith.addi %mul3A_83, %add3A_84 : i32
      %lt3A_86 = arith.cmpi slt, %add3A_85, %select_n3A : i32
      %convert_element_type3A_87 = arith.extui %lt3A_86 : i1 to i32
      %cond3A_88 = arith.constant 0 : i32
      %cond3A_89 = arith.cmpi ne, %convert_element_type3A_87, %cond3A_88 : i32
      scf.if %cond3A_89 {
        %mul3A_90 = arith.constant 32 : i32
        %mul3A_91 = arith.muli %add3A_85, %mul3A_90 : i32
        %add3A_92 = arith.addi %add3A, %mul3A_91 : i32
        %mul3A_93 = arith.constant 128 : i32
        %mul3A_94 = arith.muli %add3A_92, %mul3A_93 : i32
        %dma_wait3A = arith.constant 1 : i32
        %dma_wait3A_95 = tpu.memref_slice %arg2[%dma_wait3A, %mul3A_94] : memref<2x320000xi32, #tpu.memory_space<hbm>> -> memref<1x128xi32, #tpu.memory_space<hbm>>
        %dma_wait3A_96 = tpu.memref_squeeze %dma_wait3A_95 : memref<1x128xi32, #tpu.memory_space<hbm>> -> memref<128xi32, #tpu.memory_space<hbm>>
        %dma_wait3A_97 = tpu.memref_slice %arg2[%dma_wait3A, %mul3A_94] : memref<2x320000xi32, #tpu.memory_space<hbm>> -> memref<1x128xi32, #tpu.memory_space<hbm>>
        %dma_wait3A_98 = tpu.memref_squeeze %dma_wait3A_97 : memref<1x128xi32, #tpu.memory_space<hbm>> -> memref<128xi32, #tpu.memory_space<hbm>>
        tpu.wait_dma2 semaphore(%arg9 : memref<!tpu.dma_semaphore, #tpu.memory_space<semaphore_mem>>) src(%dma_wait3A_98 : memref<128xi32, #tpu.memory_space<hbm>>) dst(%arg6 : memref<128xi32, #tpu.memory_space<vmem>>)
        %get3A = arith.constant 0 : index
        %get3A_99 = tpu.vector_load %arg6[%get3A] {strides = array<i32>} : memref<128xi32, #tpu.memory_space<vmem>>, vector<16xi32>,
        tpu.vector_store_idx %arg7[%get3A_99], %broadcast_in_dim3A_40 {add = true} : memref<10112xf32, #tpu.memory_space<vmem>>[vector<16xi32>], vector<16xf32>,
        %get3A_100 = arith.constant 16 : index
        %get3A_101 = tpu.vector_load %arg6[%get3A_100] {strides = array<i32>} : memref<128xi32, #tpu.memory_space<vmem>>, vector<16xi32>,
        tpu.vector_store_idx %arg7[%get3A_101], %broadcast_in_dim3A_40 {add = true} : memref<10112xf32, #tpu.memory_space<vmem>>[vector<16xi32>], vector<16xf32>,
        %get3A_102 = arith.constant 32 : index
        %get3A_103 = tpu.vector_load %arg6[%get3A_102] {strides = array<i32>} : memref<128xi32, #tpu.memory_space<vmem>>, vector<16xi32>,
        tpu.vector_store_idx %arg7[%get3A_103], %broadcast_in_dim3A_40 {add = true} : memref<10112xf32, #tpu.memory_space<vmem>>[vector<16xi32>], vector<16xf32>,
        %get3A_104 = arith.constant 48 : index
        %get3A_105 = tpu.vector_load %arg6[%get3A_104] {strides = array<i32>} : memref<128xi32, #tpu.memory_space<vmem>>, vector<16xi32>,
        tpu.vector_store_idx %arg7[%get3A_105], %broadcast_in_dim3A_40 {add = true} : memref<10112xf32, #tpu.memory_space<vmem>>[vector<16xi32>], vector<16xf32>,
        %get3A_106 = arith.constant 64 : index
        %get3A_107 = tpu.vector_load %arg6[%get3A_106] {strides = array<i32>} : memref<128xi32, #tpu.memory_space<vmem>>, vector<16xi32>,
        tpu.vector_store_idx %arg7[%get3A_107], %broadcast_in_dim3A_40 {add = true} : memref<10112xf32, #tpu.memory_space<vmem>>[vector<16xi32>], vector<16xf32>,
        %get3A_108 = arith.constant 80 : index
        %get3A_109 = tpu.vector_load %arg6[%get3A_108] {strides = array<i32>} : memref<128xi32, #tpu.memory_space<vmem>>, vector<16xi32>,
        tpu.vector_store_idx %arg7[%get3A_109], %broadcast_in_dim3A_40 {add = true} : memref<10112xf32, #tpu.memory_space<vmem>>[vector<16xi32>], vector<16xf32>,
        %get3A_110 = arith.constant 96 : index
        %get3A_111 = tpu.vector_load %arg6[%get3A_110] {strides = array<i32>} : memref<128xi32, #tpu.memory_space<vmem>>, vector<16xi32>,
        tpu.vector_store_idx %arg7[%get3A_111], %broadcast_in_dim3A_40 {add = true} : memref<10112xf32, #tpu.memory_space<vmem>>[vector<16xi32>], vector<16xf32>,
        %get3A_112 = arith.constant 112 : index
        %get3A_113 = tpu.vector_load %arg6[%get3A_112] {strides = array<i32>} : memref<128xi32, #tpu.memory_space<vmem>>, vector<16xi32>,
        tpu.vector_store_idx %arg7[%get3A_113], %broadcast_in_dim3A_40 {add = true} : memref<10112xf32, #tpu.memory_space<vmem>>[vector<16xi32>], vector<16xf32>,
        %add3A_114 = arith.constant 2 : i32
        %add3A_115 = arith.addi %add3A_85, %add3A_114 : i32
        %lt3A_116 = arith.cmpi slt, %add3A_115, %select_n3A : i32
        %convert_element_type3A_117 = arith.extui %lt3A_116 : i1 to i32
        %cond3A_118 = arith.constant 0 : i32
        %cond3A_119 = arith.cmpi ne, %convert_element_type3A_117, %cond3A_118 : i32
        scf.if %cond3A_119 {
          %add3A_120 = arith.constant 2 : i32
          %add3A_121 = arith.addi %add3A_85, %add3A_120 : i32
          %mul3A_122 = arith.constant 32 : i32
          %mul3A_123 = arith.muli %add3A_121, %mul3A_122 : i32
          %add3A_124 = arith.addi %add3A, %mul3A_123 : i32
          %mul3A_125 = arith.constant 128 : i32
          %mul3A_126 = arith.muli %add3A_124, %mul3A_125 : i32
          %dma_start3A_127 = arith.constant 1 : i32
          %dma_start3A_128 = tpu.memref_slice %arg2[%dma_start3A_127, %mul3A_126] : memref<2x320000xi32, #tpu.memory_space<hbm>> -> memref<1x128xi32, #tpu.memory_space<hbm>>
          %dma_start3A_129 = tpu.memref_squeeze %dma_start3A_128 : memref<1x128xi32, #tpu.memory_space<hbm>> -> memref<128xi32, #tpu.memory_space<hbm>>
          %dma_start3A_130 = tpu.memref_slice %arg2[%dma_start3A_127, %mul3A_126] : memref<2x320000xi32, #tpu.memory_space<hbm>> -> memref<1x128xi32, #tpu.memory_space<hbm>>
          %dma_start3A_131 = tpu.memref_squeeze %dma_start3A_130 : memref<1x128xi32, #tpu.memory_space<hbm>> -> memref<128xi32, #tpu.memory_space<hbm>>
          tpu.enqueue_dma source(%dma_start3A_131 : memref<128xi32, #tpu.memory_space<hbm>>) target(%arg6 : memref<128xi32, #tpu.memory_space<vmem>>) target_semaphore(%arg9 : memref<!tpu.dma_semaphore, #tpu.memory_space<semaphore_mem>>)
        } else {
        }
      } else {
      }
    }
    %while3A_75 = arith.constant 1 : i32
    scf.for %while3A_76 = %while3A_73 to %while3A_69 step %while3A_75  : i32 {
      %mul3A_77 = arith.constant 2 : i32
      %mul3A_78 = arith.muli %mul3A_77, %while3A_76 : i32
      %add3A_79 = arith.constant 0 : i32
      %add3A_80 = arith.addi %mul3A_78, %add3A_79 : i32
      %lt3A = arith.cmpi slt, %add3A_80, %select_n3A : i32
      %convert_element_type3A = arith.extui %lt3A : i1 to i32
      %cond3A = arith.constant 0 : i32
      %cond3A_81 = arith.cmpi ne, %convert_element_type3A, %cond3A : i32
      scf.if %cond3A_81 {
        %mul3A_90 = arith.constant 32 : i32
        %mul3A_91 = arith.muli %add3A_80, %mul3A_90 : i32
        %add3A_92 = arith.addi %add3A, %mul3A_91 : i32
        %mul3A_93 = arith.constant 128 : i32
        %mul3A_94 = arith.muli %add3A_92, %mul3A_93 : i32
        %dma_wait3A = arith.constant 1 : i32
        %dma_wait3A_95 = tpu.memref_slice %arg2[%dma_wait3A, %mul3A_94] : memref<2x320000xi32, #tpu.memory_space<hbm>> -> memref<1x128xi32, #tpu.memory_space<hbm>>
        %dma_wait3A_96 = tpu.memref_squeeze %dma_wait3A_95 : memref<1x128xi32, #tpu.memory_space<hbm>> -> memref<128xi32, #tpu.memory_space<hbm>>
        %dma_wait3A_97 = tpu.memref_slice %arg2[%dma_wait3A, %mul3A_94] : memref<2x320000xi32, #tpu.memory_space<hbm>> -> memref<1x128xi32, #tpu.memory_space<hbm>>
        %dma_wait3A_98 = tpu.memref_squeeze %dma_wait3A_97 : memref<1x128xi32, #tpu.memory_space<hbm>> -> memref<128xi32, #tpu.memory_space<hbm>>
        tpu.wait_dma2 semaphore(%arg8 : memref<!tpu.dma_semaphore, #tpu.memory_space<semaphore_mem>>) src(%dma_wait3A_98 : memref<128xi32, #tpu.memory_space<hbm>>) dst(%arg5 : memref<128xi32, #tpu.memory_space<vmem>>)
        %get3A = arith.constant 0 : index
        %get3A_99 = tpu.vector_load %arg5[%get3A] {strides = array<i32>} : memref<128xi32, #tpu.memory_space<vmem>>, vector<16xi32>,
        tpu.vector_store_idx %arg7[%get3A_99], %broadcast_in_dim3A_40 {add = true} : memref<10112xf32, #tpu.memory_space<vmem>>[vector<16xi32>], vector<16xf32>,
        %get3A_100 = arith.constant 16 : index
        %get3A_101 = tpu.vector_load %arg5[%get3A_100] {strides = array<i32>} : memref<128xi32, #tpu.memory_space<vmem>>, vector<16xi32>,
        tpu.vector_store_idx %arg7[%get3A_101], %broadcast_in_dim3A_40 {add = true} : memref<10112xf32, #tpu.memory_space<vmem>>[vector<16xi32>], vector<16xf32>,
        %get3A_102 = arith.constant 32 : index
        %get3A_103 = tpu.vector_load %arg5[%get3A_102] {strides = array<i32>} : memref<128xi32, #tpu.memory_space<vmem>>, vector<16xi32>,
        tpu.vector_store_idx %arg7[%get3A_103], %broadcast_in_dim3A_40 {add = true} : memref<10112xf32, #tpu.memory_space<vmem>>[vector<16xi32>], vector<16xf32>,
        %get3A_104 = arith.constant 48 : index
        %get3A_105 = tpu.vector_load %arg5[%get3A_104] {strides = array<i32>} : memref<128xi32, #tpu.memory_space<vmem>>, vector<16xi32>,
        tpu.vector_store_idx %arg7[%get3A_105], %broadcast_in_dim3A_40 {add = true} : memref<10112xf32, #tpu.memory_space<vmem>>[vector<16xi32>], vector<16xf32>,
        %get3A_106 = arith.constant 64 : index
        %get3A_107 = tpu.vector_load %arg5[%get3A_106] {strides = array<i32>} : memref<128xi32, #tpu.memory_space<vmem>>, vector<16xi32>,
        tpu.vector_store_idx %arg7[%get3A_107], %broadcast_in_dim3A_40 {add = true} : memref<10112xf32, #tpu.memory_space<vmem>>[vector<16xi32>], vector<16xf32>,
        %get3A_108 = arith.constant 80 : index
        %get3A_109 = tpu.vector_load %arg5[%get3A_108] {strides = array<i32>} : memref<128xi32, #tpu.memory_space<vmem>>, vector<16xi32>,
        tpu.vector_store_idx %arg7[%get3A_109], %broadcast_in_dim3A_40 {add = true} : memref<10112xf32, #tpu.memory_space<vmem>>[vector<16xi32>], vector<16xf32>,
        %get3A_110 = arith.constant 96 : index
        %get3A_111 = tpu.vector_load %arg5[%get3A_110] {strides = array<i32>} : memref<128xi32, #tpu.memory_space<vmem>>, vector<16xi32>,
        tpu.vector_store_idx %arg7[%get3A_111], %broadcast_in_dim3A_40 {add = true} : memref<10112xf32, #tpu.memory_space<vmem>>[vector<16xi32>], vector<16xf32>,
        %get3A_112 = arith.constant 112 : index
        %get3A_113 = tpu.vector_load %arg5[%get3A_112] {strides = array<i32>} : memref<128xi32, #tpu.memory_space<vmem>>, vector<16xi32>,
        tpu.vector_store_idx %arg7[%get3A_113], %broadcast_in_dim3A_40 {add = true} : memref<10112xf32, #tpu.memory_space<vmem>>[vector<16xi32>], vector<16xf32>,
        %add3A_114 = arith.constant 2 : i32
        %add3A_115 = arith.addi %add3A_80, %add3A_114 : i32
        %lt3A_116 = arith.cmpi slt, %add3A_115, %select_n3A : i32
        %convert_element_type3A_117 = arith.extui %lt3A_116 : i1 to i32
        %cond3A_118 = arith.constant 0 : i32
        %cond3A_119 = arith.cmpi ne, %convert_element_type3A_117, %cond3A_118 : i32
        scf.if %cond3A_119 {
          %add3A_120 = arith.constant 2 : i32
          %add3A_121 = arith.addi %add3A_80, %add3A_120 : i32
          %mul3A_122 = arith.constant 32 : i32
          %mul3A_123 = arith.muli %add3A_121, %mul3A_122 : i32
          %add3A_124 = arith.addi %add3A, %mul3A_123 : i32
          %mul3A_125 = arith.constant 128 : i32
          %mul3A_126 = arith.muli %add3A_124, %mul3A_125 : i32
          %dma_start3A_127 = arith.constant 1 : i32
          %dma_start3A_128 = tpu.memref_slice %arg2[%dma_start3A_127, %mul3A_126] : memref<2x320000xi32, #tpu.memory_space<hbm>> -> memref<1x128xi32, #tpu.memory_space<hbm>>
          %dma_start3A_129 = tpu.memref_squeeze %dma_start3A_128 : memref<1x128xi32, #tpu.memory_space<hbm>> -> memref<128xi32, #tpu.memory_space<hbm>>
          %dma_start3A_130 = tpu.memref_slice %arg2[%dma_start3A_127, %mul3A_126] : memref<2x320000xi32, #tpu.memory_space<hbm>> -> memref<1x128xi32, #tpu.memory_space<hbm>>
          %dma_start3A_131 = tpu.memref_squeeze %dma_start3A_130 : memref<1x128xi32, #tpu.memory_space<hbm>> -> memref<128xi32, #tpu.memory_space<hbm>>
          tpu.enqueue_dma source(%dma_start3A_131 : memref<128xi32, #tpu.memory_space<hbm>>) target(%arg5 : memref<128xi32, #tpu.memory_space<vmem>>) target_semaphore(%arg8 : memref<!tpu.dma_semaphore, #tpu.memory_space<semaphore_mem>>)
        } else {
        }
      } else {
      }
      %mul3A_82 = arith.constant 2 : i32
      %mul3A_83 = arith.muli %mul3A_82, %while3A_76 : i32
      %add3A_84 = arith.constant 1 : i32
      %add3A_85 = arith.addi %mul3A_83, %add3A_84 : i32
      %lt3A_86 = arith.cmpi slt, %add3A_85, %select_n3A : i32
      %convert_element_type3A_87 = arith.extui %lt3A_86 : i1 to i32
      %cond3A_88 = arith.constant 0 : i32
      %cond3A_89 = arith.cmpi ne, %convert_element_type3A_87, %cond3A_88 : i32
      scf.if %cond3A_89 {
        %mul3A_90 = arith.constant 32 : i32
        %mul3A_91 = arith.muli %add3A_85, %mul3A_90 : i32
        %add3A_92 = arith.addi %add3A, %mul3A_91 : i32
        %mul3A_93 = arith.constant 128 : i32
        %mul3A_94 = arith.muli %add3A_92, %mul3A_93 : i32
        %dma_wait3A = arith.constant 1 : i32
        %dma_wait3A_95 = tpu.memref_slice %arg2[%dma_wait3A, %mul3A_94] : memref<2x320000xi32, #tpu.memory_space<hbm>> -> memref<1x128xi32, #tpu.memory_space<hbm>>
        %dma_wait3A_96 = tpu.memref_squeeze %dma_wait3A_95 : memref<1x128xi32, #tpu.memory_space<hbm>> -> memref<128xi32, #tpu.memory_space<hbm>>
        %dma_wait3A_97 = tpu.memref_slice %arg2[%dma_wait3A, %mul3A_94] : memref<2x320000xi32, #tpu.memory_space<hbm>> -> memref<1x128xi32, #tpu.memory_space<hbm>>
        %dma_wait3A_98 = tpu.memref_squeeze %dma_wait3A_97 : memref<1x128xi32, #tpu.memory_space<hbm>> -> memref<128xi32, #tpu.memory_space<hbm>>
        tpu.wait_dma2 semaphore(%arg9 : memref<!tpu.dma_semaphore, #tpu.memory_space<semaphore_mem>>) src(%dma_wait3A_98 : memref<128xi32, #tpu.memory_space<hbm>>) dst(%arg6 : memref<128xi32, #tpu.memory_space<vmem>>)
        %get3A = arith.constant 0 : index
        %get3A_99 = tpu.vector_load %arg6[%get3A] {strides = array<i32>} : memref<128xi32, #tpu.memory_space<vmem>>, vector<16xi32>,
        tpu.vector_store_idx %arg7[%get3A_99], %broadcast_in_dim3A_40 {add = true} : memref<10112xf32, #tpu.memory_space<vmem>>[vector<16xi32>], vector<16xf32>,
        %get3A_100 = arith.constant 16 : index
        %get3A_101 = tpu.vector_load %arg6[%get3A_100] {strides = array<i32>} : memref<128xi32, #tpu.memory_space<vmem>>, vector<16xi32>,
        tpu.vector_store_idx %arg7[%get3A_101], %broadcast_in_dim3A_40 {add = true} : memref<10112xf32, #tpu.memory_space<vmem>>[vector<16xi32>], vector<16xf32>,
        %get3A_102 = arith.constant 32 : index
        %get3A_103 = tpu.vector_load %arg6[%get3A_102] {strides = array<i32>} : memref<128xi32, #tpu.memory_space<vmem>>, vector<16xi32>,
        tpu.vector_store_idx %arg7[%get3A_103], %broadcast_in_dim3A_40 {add = true} : memref<10112xf32, #tpu.memory_space<vmem>>[vector<16xi32>], vector<16xf32>,
        %get3A_104 = arith.constant 48 : index
        %get3A_105 = tpu.vector_load %arg6[%get3A_104] {strides = array<i32>} : memref<128xi32, #tpu.memory_space<vmem>>, vector<16xi32>,
        tpu.vector_store_idx %arg7[%get3A_105], %broadcast_in_dim3A_40 {add = true} : memref<10112xf32, #tpu.memory_space<vmem>>[vector<16xi32>], vector<16xf32>,
        %get3A_106 = arith.constant 64 : index
        %get3A_107 = tpu.vector_load %arg6[%get3A_106] {strides = array<i32>} : memref<128xi32, #tpu.memory_space<vmem>>, vector<16xi32>,
        tpu.vector_store_idx %arg7[%get3A_107], %broadcast_in_dim3A_40 {add = true} : memref<10112xf32, #tpu.memory_space<vmem>>[vector<16xi32>], vector<16xf32>,
        %get3A_108 = arith.constant 80 : index
        %get3A_109 = tpu.vector_load %arg6[%get3A_108] {strides = array<i32>} : memref<128xi32, #tpu.memory_space<vmem>>, vector<16xi32>,
        tpu.vector_store_idx %arg7[%get3A_109], %broadcast_in_dim3A_40 {add = true} : memref<10112xf32, #tpu.memory_space<vmem>>[vector<16xi32>], vector<16xf32>,
        %get3A_110 = arith.constant 96 : index
        %get3A_111 = tpu.vector_load %arg6[%get3A_110] {strides = array<i32>} : memref<128xi32, #tpu.memory_space<vmem>>, vector<16xi32>,
        tpu.vector_store_idx %arg7[%get3A_111], %broadcast_in_dim3A_40 {add = true} : memref<10112xf32, #tpu.memory_space<vmem>>[vector<16xi32>], vector<16xf32>,
        %get3A_112 = arith.constant 112 : index
        %get3A_113 = tpu.vector_load %arg6[%get3A_112] {strides = array<i32>} : memref<128xi32, #tpu.memory_space<vmem>>, vector<16xi32>,
        tpu.vector_store_idx %arg7[%get3A_113], %broadcast_in_dim3A_40 {add = true} : memref<10112xf32, #tpu.memory_space<vmem>>[vector<16xi32>], vector<16xf32>,
        %add3A_114 = arith.constant 2 : i32
        %add3A_115 = arith.addi %add3A_85, %add3A_114 : i32
        %lt3A_116 = arith.cmpi slt, %add3A_115, %select_n3A : i32
        %convert_element_type3A_117 = arith.extui %lt3A_116 : i1 to i32
        %cond3A_118 = arith.constant 0 : i32
        %cond3A_119 = arith.cmpi ne, %convert_element_type3A_117, %cond3A_118 : i32
        scf.if %cond3A_119 {
          %add3A_120 = arith.constant 2 : i32
          %add3A_121 = arith.addi %add3A_85, %add3A_120 : i32
          %mul3A_122 = arith.constant 32 : i32
          %mul3A_123 = arith.muli %add3A_121, %mul3A_122 : i32
          %add3A_124 = arith.addi %add3A, %mul3A_123 : i32
          %mul3A_125 = arith.constant 128 : i32
          %mul3A_126 = arith.muli %add3A_124, %mul3A_125 : i32
          %dma_start3A_127 = arith.constant 1 : i32
          %dma_start3A_128 = tpu.memref_slice %arg2[%dma_start3A_127, %mul3A_126] : memref<2x320000xi32, #tpu.memory_space<hbm>> -> memref<1x128xi32, #tpu.memory_space<hbm>>
          %dma_start3A_129 = tpu.memref_squeeze %dma_start3A_128 : memref<1x128xi32, #tpu.memory_space<hbm>> -> memref<128xi32, #tpu.memory_space<hbm>>
          %dma_start3A_130 = tpu.memref_slice %arg2[%dma_start3A_127, %mul3A_126] : memref<2x320000xi32, #tpu.memory_space<hbm>> -> memref<1x128xi32, #tpu.memory_space<hbm>>
          %dma_start3A_131 = tpu.memref_squeeze %dma_start3A_130 : memref<1x128xi32, #tpu.memory_space<hbm>> -> memref<128xi32, #tpu.memory_space<hbm>>
          tpu.enqueue_dma source(%dma_start3A_131 : memref<128xi32, #tpu.memory_space<hbm>>) target(%arg6 : memref<128xi32, #tpu.memory_space<vmem>>) target_semaphore(%arg9 : memref<!tpu.dma_semaphore, #tpu.memory_space<semaphore_mem>>)
        } else {
        }
      } else {
      }
    }
    "tpu.region"() ({
      %run_scoped3A = tpu.sem_alloc : memref<!tpu.dma_semaphore, #tpu.memory_space<semaphore_mem>>
      %dma_start3A_76 = arith.constant 0 : i32
      %dma_start3A_77 = tpu.memref_slice %arg4[%add3A, %dma_start3A_76] : memref<32x10112xf32, #tpu.memory_space<hbm>> -> memref<1x10112xf32, #tpu.memory_space<hbm>>
      %dma_start3A_78 = tpu.memref_squeeze %dma_start3A_77 : memref<1x10112xf32, #tpu.memory_space<hbm>> -> memref<10112xf32, #tpu.memory_space<hbm>>
      %dma_start3A_79 = arith.constant 0 : i32
      %dma_start3A_80 = tpu.memref_slice %arg4[%add3A, %dma_start3A_79] : memref<32x10112xf32, #tpu.memory_space<hbm>> -> memref<1x10112xf32, #tpu.memory_space<hbm>>
      %dma_start3A_81 = tpu.memref_squeeze %dma_start3A_80 : memref<1x10112xf32, #tpu.memory_space<hbm>> -> memref<10112xf32, #tpu.memory_space<hbm>>
      tpu.enqueue_dma source(%arg7 : memref<10112xf32, #tpu.memory_space<vmem>>) target(%dma_start3A_81 : memref<10112xf32, #tpu.memory_space<hbm>>) target_semaphore(%run_scoped3A : memref<!tpu.dma_semaphore, #tpu.memory_space<semaphore_mem>>)
      %dma_wait3A = arith.constant 0 : i32
      %dma_wait3A_82 = tpu.memref_slice %arg4[%add3A, %dma_wait3A] : memref<32x10112xf32, #tpu.memory_space<hbm>> -> memref<1x10112xf32, #tpu.memory_space<hbm>>
      %dma_wait3A_83 = tpu.memref_squeeze %dma_wait3A_82 : memref<1x10112xf32, #tpu.memory_space<hbm>> -> memref<10112xf32, #tpu.memory_space<hbm>>
      %dma_wait3A_84 = arith.constant 0 : i32
      %dma_wait3A_85 = tpu.memref_slice %arg4[%add3A, %dma_wait3A_84] : memref<32x10112xf32, #tpu.memory_space<hbm>> -> memref<1x10112xf32, #tpu.memory_space<hbm>>
      %dma_wait3A_86 = tpu.memref_squeeze %dma_wait3A_85 : memref<1x10112xf32, #tpu.memory_space<hbm>> -> memref<10112xf32, #tpu.memory_space<hbm>>
      tpu.wait_dma2 semaphore(%run_scoped3A : memref<!tpu.dma_semaphore, #tpu.memory_space<semaphore_mem>>) src(%arg7 : memref<10112xf32, #tpu.memory_space<vmem>>) dst(%dma_wait3A_86 : memref<10112xf32, #tpu.memory_space<hbm>>)
      tpu.yield
    }) : () -> ()
    return
  }
}

#map = affine_map<(d0, d1) -> (0, 0)>
#map1 = affine_map<(d0, d1) -> (0, 0, 0)>
module attributes {stable_mosaic.version = 14 : i64} {
  func.func @sc_seg_sum_c(%arg0: i32, %arg1: i32, %arg2: memref<10000x128xf32, #tpu.memory_space<hbm>>, %arg3: memref<32x10112xi32, #tpu.memory_space<hbm>>, %arg4: memref<32x10112xi32, #tpu.memory_space<hbm>>, %arg5: memref<32x128xi32, #tpu.memory_space<hbm>>, %arg6: memref<10000x128xf32, #tpu.memory_space<hbm>>, %arg7: memref<2x10112x128xf32, #tpu.memory_space<hbm>>, %arg8: memref<128xi32, #tpu.memory_space<vmem>>, %arg9: memref<128xi32, #tpu.memory_space<vmem>>, %arg10: memref<128xi32, #tpu.memory_space<vmem>>, %arg11: memref<128xi32, #tpu.memory_space<vmem>>, %arg12: memref<128x128xf32, #tpu.memory_space<vmem>>, %arg13: memref<128x128xf32, #tpu.memory_space<vmem>>, %arg14: memref<128xi32, #tpu.memory_space<vmem>>, %arg15: memref<128x128xf32, #tpu.memory_space<vmem>>, %arg16: memref<10112x128xf32, #tpu.memory_space<vmem_shared>>, %arg17: memref<!tpu.dma_semaphore, #tpu.memory_space<semaphore_mem>>, %arg18: memref<!tpu.dma_semaphore, #tpu.memory_space<semaphore_mem>>, %arg19: memref<!tpu.dma_semaphore, #tpu.memory_space<semaphore_mem>>, %arg20: memref<!tpu.dma_semaphore, #tpu.memory_space<semaphore_mem>>, %arg21: memref<!tpu.dma_semaphore, #tpu.memory_space<semaphore_mem>>, %arg22: memref<!tpu.dma_semaphore, #tpu.memory_space<semaphore_mem>>) attributes {dimension_semantics = [#tpu.dimension_semantics<core_parallel>, #tpu.dimension_semantics<subcore_parallel>], iteration_bounds = array<i64: 2, 16>, scalar_prefetch = 0 : i64, scratch_operands = 15 : i64, tpu.core_type = #tpu.core_type<sc_vector_subcore>, window_params = [{transform_indices = #map}, {transform_indices = #map}, {transform_indices = #map}, {transform_indices = #map}, {transform_indices = #map}, {transform_indices = #map1}]} {
    %mul3A = arith.constant 2 : i32
    %mul3A_0 = arith.muli %arg1, %mul3A : i32
    %add3A = arith.addi %mul3A_0, %arg0 : i32
    %sub3A = arith.constant 79 : i32
    %sub3A_1 = arith.subi %sub3A, %arg1 : i32
    %add3A_2 = arith.constant 16 : i32
    %add3A_3 = arith.addi %sub3A_1, %add3A_2 : i32
    %sub3A_4 = arith.constant 1 : i32
    %sub3A_5 = arith.subi %add3A_3, %sub3A_4 : i32
    %jit3A = arith.constant 16 : i32
    %div3A = arith.divsi %sub3A_5, %jit3A : i32
    %sign3A = arith.constant 0 : i32
    %sign3A_6 = arith.cmpi sgt, %sub3A_5, %sign3A : i32
    %sign3A_7 = arith.extui %sign3A_6 : i1 to i32
    %sign3A_8 = arith.constant 0 : i32
    %sign3A_9 = arith.cmpi slt, %sub3A_5, %sign3A_8 : i32
    %sign3A_10 = arith.extui %sign3A_9 : i1 to i32
    %sign3A_11 = arith.subi %sign3A_7, %sign3A_10 : i32
    %sign3A_12 = arith.constant 0 : i32
    %sign3A_13 = arith.cmpi sgt, %jit3A, %sign3A_12 : i32
    %sign3A_14 = arith.extui %sign3A_13 : i1 to i32
    %sign3A_15 = arith.constant 0 : i32
    %sign3A_16 = arith.cmpi slt, %jit3A, %sign3A_15 : i32
    %sign3A_17 = arith.extui %sign3A_16 : i1 to i32
    %sign3A_18 = arith.subi %sign3A_14, %sign3A_17 : i32
    %ne3A = arith.cmpi ne, %sign3A_11, %sign3A_18 : i32
    %rem3A = arith.remsi %sub3A_5, %jit3A : i32
    %ne3A_19 = arith.constant 0 : i32
    %ne3A_20 = arith.cmpi ne, %rem3A, %ne3A_19 : i32
    %and3A = arith.andi %ne3A, %ne3A_20 : i1
    %sub3A_21 = arith.constant 1 : i32
    %sub3A_22 = arith.subi %div3A, %sub3A_21 : i32
    %select_n3A = arith.select %and3A, %sub3A_22, %div3A : i32
    "tpu.region"() ({
      %run_scoped3A = tpu.sem_alloc : memref<!tpu.dma_semaphore, #tpu.memory_space<semaphore_mem>>
      %dma_start3A = arith.constant 0 : i32
      %dma_start3A_121 = arith.constant 0 : i32
      %dma_start3A_122 = tpu.memref_slice %arg6[%dma_start3A, %dma_start3A_121] : memref<10000x128xf32, #tpu.memory_space<hbm>> -> memref<128x128xf32, #tpu.memory_space<hbm>>
      %dma_start3A_123 = arith.constant 0 : i32
      %dma_start3A_124 = arith.constant 0 : i32
      %dma_start3A_125 = tpu.memref_slice %arg6[%dma_start3A_123, %dma_start3A_124] : memref<10000x128xf32, #tpu.memory_space<hbm>> -> memref<128x128xf32, #tpu.memory_space<hbm>>
      tpu.enqueue_dma source(%dma_start3A_125 : memref<128x128xf32, #tpu.memory_space<hbm>>) target(%arg15 : memref<128x128xf32, #tpu.memory_space<vmem>>) target_semaphore(%run_scoped3A : memref<!tpu.dma_semaphore, #tpu.memory_space<semaphore_mem>>)
      %dma_wait3A = arith.constant 0 : i32
      %dma_wait3A_126 = arith.constant 0 : i32
      %dma_wait3A_127 = tpu.memref_slice %arg6[%dma_wait3A, %dma_wait3A_126] : memref<10000x128xf32, #tpu.memory_space<hbm>> -> memref<128x128xf32, #tpu.memory_space<hbm>>
      %dma_wait3A_128 = arith.constant 0 : i32
      %dma_wait3A_129 = arith.constant 0 : i32
      %dma_wait3A_130 = tpu.memref_slice %arg6[%dma_wait3A_128, %dma_wait3A_129] : memref<10000x128xf32, #tpu.memory_space<hbm>> -> memref<128x128xf32, #tpu.memory_space<hbm>>
      tpu.wait_dma2 semaphore(%run_scoped3A : memref<!tpu.dma_semaphore, #tpu.memory_space<semaphore_mem>>) src(%dma_wait3A_130 : memref<128x128xf32, #tpu.memory_space<hbm>>) dst(%arg15 : memref<128x128xf32, #tpu.memory_space<vmem>>)
      tpu.yield
    }) : () -> ()
    %while3A = arith.constant 0 : i32
    %while3A_23 = arith.constant 0 : i32
    %while3A_24 = arith.subi %select_n3A, %while3A_23 : i32
    %while3A_25 = arith.addi %while3A_23, %while3A_24 : i32
    %while3A_26 = arith.constant 1 : i32
    %while3A_27 = arith.divsi %while3A_24, %while3A_26 : i32
    %while3A_28 = arith.muli %while3A_27, %while3A_26 : i32
    %while3A_29 = arith.addi %while3A_23, %while3A_28 : i32
    %while3A_30 = arith.constant 1 : i32
    scf.for %while3A_121 = %while3A_23 to %while3A_29 step %while3A_30  : i32 {
      %mul3A_122 = arith.constant 16 : i32
      %mul3A_123 = arith.muli %while3A_121, %mul3A_122 : i32
      %add3A_124 = arith.addi %arg1, %mul3A_123 : i32
      %mul3A_125 = arith.constant 128 : i32
      %mul3A_126 = arith.muli %add3A_124, %mul3A_125 : i32
      "tpu.region"() ({
        %run_scoped3A = tpu.sem_alloc : memref<!tpu.dma_semaphore, #tpu.memory_space<semaphore_mem>>
        %dma_start3A = arith.constant 0 : i32
        %dma_start3A_127 = tpu.memref_slice %arg16[%mul3A_126, %dma_start3A] : memref<10112x128xf32, #tpu.memory_space<vmem_shared>> -> memref<128x128xf32, #tpu.memory_space<vmem_shared>>
        %dma_start3A_128 = arith.constant 0 : i32
        %dma_start3A_129 = tpu.memref_slice %arg16[%mul3A_126, %dma_start3A_128] : memref<10112x128xf32, #tpu.memory_space<vmem_shared>> -> memref<128x128xf32, #tpu.memory_space<vmem_shared>>
        tpu.enqueue_dma source(%arg15 : memref<128x128xf32, #tpu.memory_space<vmem>>) target(%dma_start3A_129 : memref<128x128xf32, #tpu.memory_space<vmem_shared>>) target_semaphore(%run_scoped3A : memref<!tpu.dma_semaphore, #tpu.memory_space<semaphore_mem>>)
        %dma_wait3A = arith.constant 0 : i32
        %dma_wait3A_130 = tpu.memref_slice %arg16[%mul3A_126, %dma_wait3A] : memref<10112x128xf32, #tpu.memory_space<vmem_shared>> -> memref<128x128xf32, #tpu.memory_space<vmem_shared>>
        %dma_wait3A_131 = arith.constant 0 : i32
        %dma_wait3A_132 = tpu.memref_slice %arg16[%mul3A_126, %dma_wait3A_131] : memref<10112x128xf32, #tpu.memory_space<vmem_shared>> -> memref<128x128xf32, #tpu.memory_space<vmem_shared>>
        tpu.wait_dma2 semaphore(%run_scoped3A : memref<!tpu.dma_semaphore, #tpu.memory_space<semaphore_mem>>) src(%arg15 : memref<128x128xf32, #tpu.memory_space<vmem>>) dst(%dma_wait3A_132 : memref<128x128xf32, #tpu.memory_space<vmem_shared>>)
        tpu.yield
      }) : () -> ()
    }
    %while3A_31 = arith.constant 1 : i32
    scf.for %while3A_121 = %while3A_29 to %while3A_25 step %while3A_31  : i32 {
      %mul3A_122 = arith.constant 16 : i32
      %mul3A_123 = arith.muli %while3A_121, %mul3A_122 : i32
      %add3A_124 = arith.addi %arg1, %mul3A_123 : i32
      %mul3A_125 = arith.constant 128 : i32
      %mul3A_126 = arith.muli %add3A_124, %mul3A_125 : i32
      "tpu.region"() ({
        %run_scoped3A = tpu.sem_alloc : memref<!tpu.dma_semaphore, #tpu.memory_space<semaphore_mem>>
        %dma_start3A = arith.constant 0 : i32
        %dma_start3A_127 = tpu.memref_slice %arg16[%mul3A_126, %dma_start3A] : memref<10112x128xf32, #tpu.memory_space<vmem_shared>> -> memref<128x128xf32, #tpu.memory_space<vmem_shared>>
        %dma_start3A_128 = arith.constant 0 : i32
        %dma_start3A_129 = tpu.memref_slice %arg16[%mul3A_126, %dma_start3A_128] : memref<10112x128xf32, #tpu.memory_space<vmem_shared>> -> memref<128x128xf32, #tpu.memory_space<vmem_shared>>
        tpu.enqueue_dma source(%arg15 : memref<128x128xf32, #tpu.memory_space<vmem>>) target(%dma_start3A_129 : memref<128x128xf32, #tpu.memory_space<vmem_shared>>) target_semaphore(%run_scoped3A : memref<!tpu.dma_semaphore, #tpu.memory_space<semaphore_mem>>)
        %dma_wait3A = arith.constant 0 : i32
        %dma_wait3A_130 = tpu.memref_slice %arg16[%mul3A_126, %dma_wait3A] : memref<10112x128xf32, #tpu.memory_space<vmem_shared>> -> memref<128x128xf32, #tpu.memory_space<vmem_shared>>
        %dma_wait3A_131 = arith.constant 0 : i32
        %dma_wait3A_132 = tpu.memref_slice %arg16[%mul3A_126, %dma_wait3A_131] : memref<10112x128xf32, #tpu.memory_space<vmem_shared>> -> memref<128x128xf32, #tpu.memory_space<vmem_shared>>
        tpu.wait_dma2 semaphore(%run_scoped3A : memref<!tpu.dma_semaphore, #tpu.memory_space<semaphore_mem>>) src(%arg15 : memref<128x128xf32, #tpu.memory_space<vmem>>) dst(%dma_wait3A_132 : memref<128x128xf32, #tpu.memory_space<vmem_shared>>)
        tpu.yield
      }) : () -> ()
    }
    "tpu.region"() ({
      %run_scoped3A = tpu.sem_alloc : memref<!tpu.dma_semaphore, #tpu.memory_space<semaphore_mem>>
      %dma_start3A = arith.constant 0 : i32
      %dma_start3A_121 = tpu.memref_slice %arg5[%add3A, %dma_start3A] : memref<32x128xi32, #tpu.memory_space<hbm>> -> memref<1x128xi32, #tpu.memory_space<hbm>>
      %dma_start3A_122 = tpu.memref_squeeze %dma_start3A_121 : memref<1x128xi32, #tpu.memory_space<hbm>> -> memref<128xi32, #tpu.memory_space<hbm>>
      %dma_start3A_123 = arith.constant 0 : i32
      %dma_start3A_124 = tpu.memref_slice %arg5[%add3A, %dma_start3A_123] : memref<32x128xi32, #tpu.memory_space<hbm>> -> memref<1x128xi32, #tpu.memory_space<hbm>>
      %dma_start3A_125 = tpu.memref_squeeze %dma_start3A_124 : memref<1x128xi32, #tpu.memory_space<hbm>> -> memref<128xi32, #tpu.memory_space<hbm>>
      tpu.enqueue_dma source(%dma_start3A_125 : memref<128xi32, #tpu.memory_space<hbm>>) target(%arg14 : memref<128xi32, #tpu.memory_space<vmem>>) target_semaphore(%run_scoped3A : memref<!tpu.dma_semaphore, #tpu.memory_space<semaphore_mem>>)
      %dma_wait3A = arith.constant 0 : i32
      %dma_wait3A_126 = tpu.memref_slice %arg5[%add3A, %dma_wait3A] : memref<32x128xi32, #tpu.memory_space<hbm>> -> memref<1x128xi32, #tpu.memory_space<hbm>>
      %dma_wait3A_127 = tpu.memref_squeeze %dma_wait3A_126 : memref<1x128xi32, #tpu.memory_space<hbm>> -> memref<128xi32, #tpu.memory_space<hbm>>
      %dma_wait3A_128 = arith.constant 0 : i32
      %dma_wait3A_129 = tpu.memref_slice %arg5[%add3A, %dma_wait3A_128] : memref<32x128xi32, #tpu.memory_space<hbm>> -> memref<1x128xi32, #tpu.memory_space<hbm>>
      %dma_wait3A_130 = tpu.memref_squeeze %dma_wait3A_129 : memref<1x128xi32, #tpu.memory_space<hbm>> -> memref<128xi32, #tpu.memory_space<hbm>>
      tpu.wait_dma2 semaphore(%run_scoped3A : memref<!tpu.dma_semaphore, #tpu.memory_space<semaphore_mem>>) src(%dma_wait3A_130 : memref<128xi32, #tpu.memory_space<hbm>>) dst(%arg14 : memref<128xi32, #tpu.memory_space<vmem>>)
      tpu.yield
    }) : () -> ()
    %barrier3A = arith.constant 0 : index
    tpu.barrier barrier_id(%barrier3A)
    %get3A = arith.constant 0 : index
    %get3A_32 = tpu.vector_load %arg14[%get3A] {strides = array<i32>} : memref<128xi32, #tpu.memory_space<vmem>>, vector<128xi32>,
    %get3A_33 = vector.shape_cast %get3A_32 : vector<128xi32> to vector<128xi32>
    %slice3A = vector.extract_strided_slice %get3A_33 {offsets = [0], sizes = [1], strides = [1]} : vector<128xi32> to vector<1xi32>
    %squeeze3A = vector.extract %slice3A[0] : i32 from vector<1xi32>
    %add3A_34 = arith.constant 128 : i32
    %add3A_35 = arith.addi %squeeze3A, %add3A_34 : i32
    %sub3A_36 = arith.constant 1 : i32
    %sub3A_37 = arith.subi %add3A_35, %sub3A_36 : i32
    %jit3A_38 = arith.constant 128 : i32
    %div3A_39 = arith.divsi %sub3A_37, %jit3A_38 : i32
    %sign3A_40 = arith.constant 0 : i32
    %sign3A_41 = arith.cmpi sgt, %sub3A_37, %sign3A_40 : i32
    %sign3A_42 = arith.extui %sign3A_41 : i1 to i32
    %sign3A_43 = arith.constant 0 : i32
    %sign3A_44 = arith.cmpi slt, %sub3A_37, %sign3A_43 : i32
    %sign3A_45 = arith.extui %sign3A_44 : i1 to i32
    %sign3A_46 = arith.subi %sign3A_42, %sign3A_45 : i32
    %sign3A_47 = arith.constant 0 : i32
    %sign3A_48 = arith.cmpi sgt, %jit3A_38, %sign3A_47 : i32
    %sign3A_49 = arith.extui %sign3A_48 : i1 to i32
    %sign3A_50 = arith.constant 0 : i32
    %sign3A_51 = arith.cmpi slt, %jit3A_38, %sign3A_50 : i32
    %sign3A_52 = arith.extui %sign3A_51 : i1 to i32
    %sign3A_53 = arith.subi %sign3A_49, %sign3A_52 : i32
    %ne3A_54 = arith.cmpi ne, %sign3A_46, %sign3A_53 : i32
    %rem3A_55 = arith.remsi %sub3A_37, %jit3A_38 : i32
    %ne3A_56 = arith.constant 0 : i32
    %ne3A_57 = arith.cmpi ne, %rem3A_55, %ne3A_56 : i32
    %and3A_58 = arith.andi %ne3A_54, %ne3A_57 : i1
    %sub3A_59 = arith.constant 1 : i32
    %sub3A_60 = arith.subi %div3A_39, %sub3A_59 : i32
    %select_n3A_61 = arith.select %and3A_58, %sub3A_60, %div3A_39 : i32
    %gt3A = arith.constant 0 : i32
    %gt3A_62 = arith.cmpi sgt, %select_n3A_61, %gt3A : i32
    %convert_element_type3A = arith.extui %gt3A_62 : i1 to i32
    %cond3A = arith.constant 0 : i32
    %cond3A_63 = arith.cmpi ne, %convert_element_type3A, %cond3A : i32
    scf.if %cond3A_63 {
      %dma_start3A = arith.constant 0 : i32
      %dma_start3A_121 = tpu.memref_slice %arg4[%add3A, %dma_start3A] : memref<32x10112xi32, #tpu.memory_space<hbm>> -> memref<1x128xi32, #tpu.memory_space<hbm>>
      %dma_start3A_122 = tpu.memref_squeeze %dma_start3A_121 : memref<1x128xi32, #tpu.memory_space<hbm>> -> memref<128xi32, #tpu.memory_space<hbm>>
      %dma_start3A_123 = arith.constant 0 : i32
      %dma_start3A_124 = tpu.memref_slice %arg4[%add3A, %dma_start3A_123] : memref<32x10112xi32, #tpu.memory_space<hbm>> -> memref<1x128xi32, #tpu.memory_space<hbm>>
      %dma_start3A_125 = tpu.memref_squeeze %dma_start3A_124 : memref<1x128xi32, #tpu.memory_space<hbm>> -> memref<128xi32, #tpu.memory_space<hbm>>
      tpu.enqueue_dma source(%dma_start3A_125 : memref<128xi32, #tpu.memory_space<hbm>>) target(%arg10 : memref<128xi32, #tpu.memory_space<vmem>>) target_semaphore(%arg21 : memref<!tpu.dma_semaphore, #tpu.memory_space<semaphore_mem>>)
      %dma_start3A_126 = arith.constant 0 : i32
      %dma_start3A_127 = tpu.memref_slice %arg3[%add3A, %dma_start3A_126] : memref<32x10112xi32, #tpu.memory_space<hbm>> -> memref<1x128xi32, #tpu.memory_space<hbm>>
      %dma_start3A_128 = tpu.memref_squeeze %dma_start3A_127 : memref<1x128xi32, #tpu.memory_space<hbm>> -> memref<128xi32, #tpu.memory_space<hbm>>
      %dma_start3A_129 = arith.constant 0 : i32
      %dma_start3A_130 = tpu.memref_slice %arg3[%add3A, %dma_start3A_129] : memref<32x10112xi32, #tpu.memory_space<hbm>> -> memref<1x128xi32, #tpu.memory_space<hbm>>
      %dma_start3A_131 = tpu.memref_squeeze %dma_start3A_130 : memref<1x128xi32, #tpu.memory_space<hbm>> -> memref<128xi32, #tpu.memory_space<hbm>>
      tpu.enqueue_dma source(%dma_start3A_131 : memref<128xi32, #tpu.memory_space<hbm>>) target(%arg8 : memref<128xi32, #tpu.memory_space<vmem>>) target_semaphore(%arg19 : memref<!tpu.dma_semaphore, #tpu.memory_space<semaphore_mem>>)
    } else {
    }
    %gt3A_64 = arith.constant 1 : i32
    %gt3A_65 = arith.cmpi sgt, %select_n3A_61, %gt3A_64 : i32
    %convert_element_type3A_66 = arith.extui %gt3A_65 : i1 to i32
    %cond3A_67 = arith.constant 0 : i32
    %cond3A_68 = arith.cmpi ne, %convert_element_type3A_66, %cond3A_67 : i32
    scf.if %cond3A_68 {
      %dma_start3A = arith.constant 128 : i32
      %dma_start3A_121 = tpu.memref_slice %arg4[%add3A, %dma_start3A] : memref<32x10112xi32, #tpu.memory_space<hbm>> -> memref<1x128xi32, #tpu.memory_space<hbm>>
      %dma_start3A_122 = tpu.memref_squeeze %dma_start3A_121 : memref<1x128xi32, #tpu.memory_space<hbm>> -> memref<128xi32, #tpu.memory_space<hbm>>
      %dma_start3A_123 = arith.constant 128 : i32
      %dma_start3A_124 = tpu.memref_slice %arg4[%add3A, %dma_start3A_123] : memref<32x10112xi32, #tpu.memory_space<hbm>> -> memref<1x128xi32, #tpu.memory_space<hbm>>
      %dma_start3A_125 = tpu.memref_squeeze %dma_start3A_124 : memref<1x128xi32, #tpu.memory_space<hbm>> -> memref<128xi32, #tpu.memory_space<hbm>>
      tpu.enqueue_dma source(%dma_start3A_125 : memref<128xi32, #tpu.memory_space<hbm>>) target(%arg11 : memref<128xi32, #tpu.memory_space<vmem>>) target_semaphore(%arg22 : memref<!tpu.dma_semaphore, #tpu.memory_space<semaphore_mem>>)
      %dma_start3A_126 = arith.constant 128 : i32
      %dma_start3A_127 = tpu.memref_slice %arg3[%add3A, %dma_start3A_126] : memref<32x10112xi32, #tpu.memory_space<hbm>> -> memref<1x128xi32, #tpu.memory_space<hbm>>
      %dma_start3A_128 = tpu.memref_squeeze %dma_start3A_127 : memref<1x128xi32, #tpu.memory_space<hbm>> -> memref<128xi32, #tpu.memory_space<hbm>>
      %dma_start3A_129 = arith.constant 128 : i32
      %dma_start3A_130 = tpu.memref_slice %arg3[%add3A, %dma_start3A_129] : memref<32x10112xi32, #tpu.memory_space<hbm>> -> memref<1x128xi32, #tpu.memory_space<hbm>>
      %dma_start3A_131 = tpu.memref_squeeze %dma_start3A_130 : memref<1x128xi32, #tpu.memory_space<hbm>> -> memref<128xi32, #tpu.memory_space<hbm>>
      tpu.enqueue_dma source(%dma_start3A_131 : memref<128xi32, #tpu.memory_space<hbm>>) target(%arg9 : memref<128xi32, #tpu.memory_space<vmem>>) target_semaphore(%arg20 : memref<!tpu.dma_semaphore, #tpu.memory_space<semaphore_mem>>)
    } else {
    }
    %gt3A_69 = arith.constant 0 : i32
    %gt3A_70 = arith.cmpi sgt, %select_n3A_61, %gt3A_69 : i32
    %convert_element_type3A_71 = arith.extui %gt3A_70 : i1 to i32
    %cond3A_72 = arith.constant 0 : i32
    %cond3A_73 = arith.cmpi ne, %convert_element_type3A_71, %cond3A_72 : i32
    scf.if %cond3A_73 {
      %dma_wait3A = arith.constant 0 : i32
      %dma_wait3A_121 = tpu.memref_slice %arg3[%add3A, %dma_wait3A] : memref<32x10112xi32, #tpu.memory_space<hbm>> -> memref<1x128xi32, #tpu.memory_space<hbm>>
      %dma_wait3A_122 = tpu.memref_squeeze %dma_wait3A_121 : memref<1x128xi32, #tpu.memory_space<hbm>> -> memref<128xi32, #tpu.memory_space<hbm>>
      %dma_wait3A_123 = arith.constant 0 : i32
      %dma_wait3A_124 = tpu.memref_slice %arg3[%add3A, %dma_wait3A_123] : memref<32x10112xi32, #tpu.memory_space<hbm>> -> memref<1x128xi32, #tpu.memory_space<hbm>>
      %dma_wait3A_125 = tpu.memref_squeeze %dma_wait3A_124 : memref<1x128xi32, #tpu.memory_space<hbm>> -> memref<128xi32, #tpu.memory_space<hbm>>
      tpu.wait_dma2 semaphore(%arg19 : memref<!tpu.dma_semaphore, #tpu.memory_space<semaphore_mem>>) src(%dma_wait3A_125 : memref<128xi32, #tpu.memory_space<hbm>>) dst(%arg8 : memref<128xi32, #tpu.memory_space<vmem>>)
      %dma_start3A = arith.constant 0 : i32
      %dma_start3A_126 = arith.constant 0 : i32
      %dma_start3A_127 = tpu.memref_slice %arg2[%dma_start3A, %dma_start3A_126] : memref<10000x128xf32, #tpu.memory_space<hbm>> -> memref<10000x128xf32, #tpu.memory_space<hbm>>
      tpu.enqueue_indirect_dma source(%dma_start3A_127 : memref<10000x128xf32, #tpu.memory_space<hbm>>) target(%arg12 : memref<128x128xf32, #tpu.memory_space<vmem>>) offsets(%arg8 : memref<128xi32, #tpu.memory_space<vmem>>) semaphore(%arg17 : memref<!tpu.dma_semaphore, #tpu.memory_space<semaphore_mem>>)
    } else {
    }
    %add3A_74 = arith.constant 1 : i32
    %add3A_75 = arith.addi %select_n3A_61, %add3A_74 : i32
    %jit3A_76 = arith.constant 2 : i32
    %div3A_77 = arith.divsi %add3A_75, %jit3A_76 : i32
    %sign3A_78 = arith.constant 0 : i32
    %sign3A_79 = arith.cmpi sgt, %add3A_75, %sign3A_78 : i32
    %sign3A_80 = arith.extui %sign3A_79 : i1 to i32
    %sign3A_81 = arith.constant 0 : i32
    %sign3A_82 = arith.cmpi slt, %add3A_75, %sign3A_81 : i32
    %sign3A_83 = arith.extui %sign3A_82 : i1 to i32
    %sign3A_84 = arith.subi %sign3A_80, %sign3A_83 : i32
    %sign3A_85 = arith.constant 0 : i32
    %sign3A_86 = arith.cmpi sgt, %jit3A_76, %sign3A_85 : i32
    %sign3A_87 = arith.extui %sign3A_86 : i1 to i32
    %sign3A_88 = arith.constant 0 : i32
    %sign3A_89 = arith.cmpi slt, %jit3A_76, %sign3A_88 : i32
    %sign3A_90 = arith.extui %sign3A_89 : i1 to i32
    %sign3A_91 = arith.subi %sign3A_87, %sign3A_90 : i32
    %ne3A_92 = arith.cmpi ne, %sign3A_84, %sign3A_91 : i32
    %rem3A_93 = arith.remsi %add3A_75, %jit3A_76 : i32
    %ne3A_94 = arith.constant 0 : i32
    %ne3A_95 = arith.cmpi ne, %rem3A_93, %ne3A_94 : i32
    %and3A_96 = arith.andi %ne3A_92, %ne3A_95 : i1
    %sub3A_97 = arith.constant 1 : i32
    %sub3A_98 = arith.subi %div3A_77, %sub3A_97 : i32
    %select_n3A_99 = arith.select %and3A_96, %sub3A_98, %div3A_77 : i32
    %while3A_100 = arith.constant 0 : i32
    %while3A_101 = arith.constant 0 : i32
    %while3A_102 = arith.subi %select_n3A_99, %while3A_101 : i32
    %while3A_103 = arith.addi %while3A_101, %while3A_102 : i32
    %while3A_104 = arith.constant 1 : i32
    %while3A_105 = arith.divsi %while3A_102, %while3A_104 : i32
    %while3A_106 = arith.muli %while3A_105, %while3A_104 : i32
    %while3A_107 = arith.addi %while3A_101, %while3A_106 : i32
    %while3A_108 = arith.constant 1 : i32
    scf.for %while3A_121 = %while3A_101 to %while3A_107 step %while3A_108  : i32 {
      %mul3A_122 = arith.constant 2 : i32
      %mul3A_123 = arith.muli %mul3A_122, %while3A_121 : i32
      %add3A_124 = arith.constant 0 : i32
      %add3A_125 = arith.addi %mul3A_123, %add3A_124 : i32
      %lt3A = arith.cmpi slt, %add3A_125, %select_n3A_61 : i32
      %convert_element_type3A_126 = arith.extui %lt3A : i1 to i32
      %cond3A_127 = arith.constant 0 : i32
      %cond3A_128 = arith.cmpi ne, %convert_element_type3A_126, %cond3A_127 : i32
      scf.if %cond3A_128 {
        %add3A_137 = arith.constant 1 : i32
        %add3A_138 = arith.addi %add3A_125, %add3A_137 : i32
        %lt3A_139 = arith.cmpi slt, %add3A_138, %select_n3A_61 : i32
        %convert_element_type3A_140 = arith.extui %lt3A_139 : i1 to i32
        %cond3A_141 = arith.constant 0 : i32
        %cond3A_142 = arith.cmpi ne, %convert_element_type3A_140, %cond3A_141 : i32
        scf.if %cond3A_142 {
          %add3A_157 = arith.constant 1 : i32
          %add3A_158 = arith.addi %add3A_125, %add3A_157 : i32
          %mul3A_159 = arith.constant 128 : i32
          %mul3A_160 = arith.muli %add3A_158, %mul3A_159 : i32
          %dma_wait3A_161 = tpu.memref_slice %arg3[%add3A, %mul3A_160] : memref<32x10112xi32, #tpu.memory_space<hbm>> -> memref<1x128xi32, #tpu.memory_space<hbm>>
          %dma_wait3A_162 = tpu.memref_squeeze %dma_wait3A_161 : memref<1x128xi32, #tpu.memory_space<hbm>> -> memref<128xi32, #tpu.memory_space<hbm>>
          %dma_wait3A_163 = tpu.memref_slice %arg3[%add3A, %mul3A_160] : memref<32x10112xi32, #tpu.memory_space<hbm>> -> memref<1x128xi32, #tpu.memory_space<hbm>>
          %dma_wait3A_164 = tpu.memref_squeeze %dma_wait3A_163 : memref<1x128xi32, #tpu.memory_space<hbm>> -> memref<128xi32, #tpu.memory_space<hbm>>
          tpu.wait_dma2 semaphore(%arg20 : memref<!tpu.dma_semaphore, #tpu.memory_space<semaphore_mem>>) src(%dma_wait3A_164 : memref<128xi32, #tpu.memory_space<hbm>>) dst(%arg9 : memref<128xi32, #tpu.memory_space<vmem>>)
          %dma_start3A = arith.constant 0 : i32
          %dma_start3A_165 = arith.constant 0 : i32
          %dma_start3A_166 = tpu.memref_slice %arg2[%dma_start3A, %dma_start3A_165] : memref<10000x128xf32, #tpu.memory_space<hbm>> -> memref<10000x128xf32, #tpu.memory_space<hbm>>
          tpu.enqueue_indirect_dma source(%dma_start3A_166 : memref<10000x128xf32, #tpu.memory_space<hbm>>) target(%arg13 : memref<128x128xf32, #tpu.memory_space<vmem>>) offsets(%arg9 : memref<128xi32, #tpu.memory_space<vmem>>) semaphore(%arg18 : memref<!tpu.dma_semaphore, #tpu.memory_space<semaphore_mem>>)
        } else {
        }
        %dma_wait3A = arith.constant 0 : i32
        %dma_wait3A_143 = arith.constant 0 : i32
        %dma_wait3A_144 = tpu.memref_slice %arg2[%dma_wait3A, %dma_wait3A_143] : memref<10000x128xf32, #tpu.memory_space<hbm>> -> memref<10000x128xf32, #tpu.memory_space<hbm>>
        tpu.wait_indirect_dma semaphore(%arg17 : memref<!tpu.dma_semaphore, #tpu.memory_space<semaphore_mem>>) src(%dma_wait3A_144 : memref<10000x128xf32, #tpu.memory_space<hbm>>) dst(%arg12 : memref<128x128xf32, #tpu.memory_space<vmem>>)
        %mul3A_145 = arith.constant 128 : i32
        %mul3A_146 = arith.muli %add3A_125, %mul3A_145 : i32
        %dma_wait3A_147 = tpu.memref_slice %arg4[%add3A, %mul3A_146] : memref<32x10112xi32, #tpu.memory_space<hbm>> -> memref<1x128xi32, #tpu.memory_space<hbm>>
        %dma_wait3A_148 = tpu.memref_squeeze %dma_wait3A_147 : memref<1x128xi32, #tpu.memory_space<hbm>> -> memref<128xi32, #tpu.memory_space<hbm>>
        %dma_wait3A_149 = tpu.memref_slice %arg4[%add3A, %mul3A_146] : memref<32x10112xi32, #tpu.memory_space<hbm>> -> memref<1x128xi32, #tpu.memory_space<hbm>>
        %dma_wait3A_150 = tpu.memref_squeeze %dma_wait3A_149 : memref<1x128xi32, #tpu.memory_space<hbm>> -> memref<128xi32, #tpu.memory_space<hbm>>
        tpu.wait_dma2 semaphore(%arg21 : memref<!tpu.dma_semaphore, #tpu.memory_space<semaphore_mem>>) src(%dma_wait3A_150 : memref<128xi32, #tpu.memory_space<hbm>>) dst(%arg10 : memref<128xi32, #tpu.memory_space<vmem>>)
        "tpu.region"() ({
          %run_scoped3A = tpu.sem_alloc : memref<!tpu.dma_semaphore, #tpu.memory_space<semaphore_mem>>
          %dma_start3A = arith.constant 0 : i32
          %dma_start3A_157 = arith.constant 0 : i32
          %dma_start3A_158 = tpu.memref_slice %arg16[%dma_start3A, %dma_start3A_157] : memref<10112x128xf32, #tpu.memory_space<vmem_shared>> -> memref<10112x128xf32, #tpu.memory_space<vmem_shared>>
          tpu.enqueue_indirect_dma source(%arg12 : memref<128x128xf32, #tpu.memory_space<vmem>>) target(%dma_start3A_158 : memref<10112x128xf32, #tpu.memory_space<vmem_shared>>) offsets(%arg10 : memref<128xi32, #tpu.memory_space<vmem>>) semaphore(%run_scoped3A : memref<!tpu.dma_semaphore, #tpu.memory_space<semaphore_mem>>) {add = true}
          %dma_wait3A_159 = arith.constant 0 : i32
          %dma_wait3A_160 = arith.constant 0 : i32
          %dma_wait3A_161 = tpu.memref_slice %arg16[%dma_wait3A_159, %dma_wait3A_160] : memref<10112x128xf32, #tpu.memory_space<vmem_shared>> -> memref<10112x128xf32, #tpu.memory_space<vmem_shared>>
          tpu.wait_indirect_dma semaphore(%run_scoped3A : memref<!tpu.dma_semaphore, #tpu.memory_space<semaphore_mem>>) src(%arg12 : memref<128x128xf32, #tpu.memory_space<vmem>>) dst(%dma_wait3A_161 : memref<10112x128xf32, #tpu.memory_space<vmem_shared>>)
          tpu.yield
        }) : () -> ()
        %add3A_151 = arith.constant 2 : i32
        %add3A_152 = arith.addi %add3A_125, %add3A_151 : i32
        %lt3A_153 = arith.cmpi slt, %add3A_152, %select_n3A_61 : i32
        %convert_element_type3A_154 = arith.extui %lt3A_153 : i1 to i32
        %cond3A_155 = arith.constant 0 : i32
        %cond3A_156 = arith.cmpi ne, %convert_element_type3A_154, %cond3A_155 : i32
        scf.if %cond3A_156 {
          %add3A_157 = arith.constant 2 : i32
          %add3A_158 = arith.addi %add3A_125, %add3A_157 : i32
          %mul3A_159 = arith.constant 128 : i32
          %mul3A_160 = arith.muli %add3A_158, %mul3A_159 : i32
          %dma_start3A = tpu.memref_slice %arg4[%add3A, %mul3A_160] : memref<32x10112xi32, #tpu.memory_space<hbm>> -> memref<1x128xi32, #tpu.memory_space<hbm>>
          %dma_start3A_161 = tpu.memref_squeeze %dma_start3A : memref<1x128xi32, #tpu.memory_space<hbm>> -> memref<128xi32, #tpu.memory_space<hbm>>
          %dma_start3A_162 = tpu.memref_slice %arg4[%add3A, %mul3A_160] : memref<32x10112xi32, #tpu.memory_space<hbm>> -> memref<1x128xi32, #tpu.memory_space<hbm>>
          %dma_start3A_163 = tpu.memref_squeeze %dma_start3A_162 : memref<1x128xi32, #tpu.memory_space<hbm>> -> memref<128xi32, #tpu.memory_space<hbm>>
          tpu.enqueue_dma source(%dma_start3A_163 : memref<128xi32, #tpu.memory_space<hbm>>) target(%arg10 : memref<128xi32, #tpu.memory_space<vmem>>) target_semaphore(%arg21 : memref<!tpu.dma_semaphore, #tpu.memory_space<semaphore_mem>>)
          %add3A_164 = arith.constant 2 : i32
          %add3A_165 = arith.addi %add3A_125, %add3A_164 : i32
          %mul3A_166 = arith.constant 128 : i32
          %mul3A_167 = arith.muli %add3A_165, %mul3A_166 : i32
          %dma_start3A_168 = tpu.memref_slice %arg3[%add3A, %mul3A_167] : memref<32x10112xi32, #tpu.memory_space<hbm>> -> memref<1x128xi32, #tpu.memory_space<hbm>>
          %dma_start3A_169 = tpu.memref_squeeze %dma_start3A_168 : memref<1x128xi32, #tpu.memory_space<hbm>> -> memref<128xi32, #tpu.memory_space<hbm>>
          %dma_start3A_170 = tpu.memref_slice %arg3[%add3A, %mul3A_167] : memref<32x10112xi32, #tpu.memory_space<hbm>> -> memref<1x128xi32, #tpu.memory_space<hbm>>
          %dma_start3A_171 = tpu.memref_squeeze %dma_start3A_170 : memref<1x128xi32, #tpu.memory_space<hbm>> -> memref<128xi32, #tpu.memory_space<hbm>>
          tpu.enqueue_dma source(%dma_start3A_171 : memref<128xi32, #tpu.memory_space<hbm>>) target(%arg8 : memref<128xi32, #tpu.memory_space<vmem>>) target_semaphore(%arg19 : memref<!tpu.dma_semaphore, #tpu.memory_space<semaphore_mem>>)
        } else {
        }
      } else {
      }
      %mul3A_129 = arith.constant 2 : i32
      %mul3A_130 = arith.muli %mul3A_129, %while3A_121 : i32
      %add3A_131 = arith.constant 1 : i32
      %add3A_132 = arith.addi %mul3A_130, %add3A_131 : i32
      %lt3A_133 = arith.cmpi slt, %add3A_132, %select_n3A_61 : i32
      %convert_element_type3A_134 = arith.extui %lt3A_133 : i1 to i32
      %cond3A_135 = arith.constant 0 : i32
      %cond3A_136 = arith.cmpi ne, %convert_element_type3A_134, %cond3A_135 : i32
      scf.if %cond3A_136 {
        %add3A_137 = arith.constant 1 : i32
        %add3A_138 = arith.addi %add3A_132, %add3A_137 : i32
        %lt3A_139 = arith.cmpi slt, %add3A_138, %select_n3A_61 : i32
        %convert_element_type3A_140 = arith.extui %lt3A_139 : i1 to i32
        %cond3A_141 = arith.constant 0 : i32
        %cond3A_142 = arith.cmpi ne, %convert_element_type3A_140, %cond3A_141 : i32
        scf.if %cond3A_142 {
          %add3A_157 = arith.constant 1 : i32
          %add3A_158 = arith.addi %add3A_132, %add3A_157 : i32
          %mul3A_159 = arith.constant 128 : i32
          %mul3A_160 = arith.muli %add3A_158, %mul3A_159 : i32
          %dma_wait3A_161 = tpu.memref_slice %arg3[%add3A, %mul3A_160] : memref<32x10112xi32, #tpu.memory_space<hbm>> -> memref<1x128xi32, #tpu.memory_space<hbm>>
          %dma_wait3A_162 = tpu.memref_squeeze %dma_wait3A_161 : memref<1x128xi32, #tpu.memory_space<hbm>> -> memref<128xi32, #tpu.memory_space<hbm>>
          %dma_wait3A_163 = tpu.memref_slice %arg3[%add3A, %mul3A_160] : memref<32x10112xi32, #tpu.memory_space<hbm>> -> memref<1x128xi32, #tpu.memory_space<hbm>>
          %dma_wait3A_164 = tpu.memref_squeeze %dma_wait3A_163 : memref<1x128xi32, #tpu.memory_space<hbm>> -> memref<128xi32, #tpu.memory_space<hbm>>
          tpu.wait_dma2 semaphore(%arg19 : memref<!tpu.dma_semaphore, #tpu.memory_space<semaphore_mem>>) src(%dma_wait3A_164 : memref<128xi32, #tpu.memory_space<hbm>>) dst(%arg8 : memref<128xi32, #tpu.memory_space<vmem>>)
          %dma_start3A = arith.constant 0 : i32
          %dma_start3A_165 = arith.constant 0 : i32
          %dma_start3A_166 = tpu.memref_slice %arg2[%dma_start3A, %dma_start3A_165] : memref<10000x128xf32, #tpu.memory_space<hbm>> -> memref<10000x128xf32, #tpu.memory_space<hbm>>
          tpu.enqueue_indirect_dma source(%dma_start3A_166 : memref<10000x128xf32, #tpu.memory_space<hbm>>) target(%arg12 : memref<128x128xf32, #tpu.memory_space<vmem>>) offsets(%arg8 : memref<128xi32, #tpu.memory_space<vmem>>) semaphore(%arg17 : memref<!tpu.dma_semaphore, #tpu.memory_space<semaphore_mem>>)
        } else {
        }
        %dma_wait3A = arith.constant 0 : i32
        %dma_wait3A_143 = arith.constant 0 : i32
        %dma_wait3A_144 = tpu.memref_slice %arg2[%dma_wait3A, %dma_wait3A_143] : memref<10000x128xf32, #tpu.memory_space<hbm>> -> memref<10000x128xf32, #tpu.memory_space<hbm>>
        tpu.wait_indirect_dma semaphore(%arg18 : memref<!tpu.dma_semaphore, #tpu.memory_space<semaphore_mem>>) src(%dma_wait3A_144 : memref<10000x128xf32, #tpu.memory_space<hbm>>) dst(%arg13 : memref<128x128xf32, #tpu.memory_space<vmem>>)
        %mul3A_145 = arith.constant 128 : i32
        %mul3A_146 = arith.muli %add3A_132, %mul3A_145 : i32
        %dma_wait3A_147 = tpu.memref_slice %arg4[%add3A, %mul3A_146] : memref<32x10112xi32, #tpu.memory_space<hbm>> -> memref<1x128xi32, #tpu.memory_space<hbm>>
        %dma_wait3A_148 = tpu.memref_squeeze %dma_wait3A_147 : memref<1x128xi32, #tpu.memory_space<hbm>> -> memref<128xi32, #tpu.memory_space<hbm>>
        %dma_wait3A_149 = tpu.memref_slice %arg4[%add3A, %mul3A_146] : memref<32x10112xi32, #tpu.memory_space<hbm>> -> memref<1x128xi32, #tpu.memory_space<hbm>>
        %dma_wait3A_150 = tpu.memref_squeeze %dma_wait3A_149 : memref<1x128xi32, #tpu.memory_space<hbm>> -> memref<128xi32, #tpu.memory_space<hbm>>
        tpu.wait_dma2 semaphore(%arg22 : memref<!tpu.dma_semaphore, #tpu.memory_space<semaphore_mem>>) src(%dma_wait3A_150 : memref<128xi32, #tpu.memory_space<hbm>>) dst(%arg11 : memref<128xi32, #tpu.memory_space<vmem>>)
        "tpu.region"() ({
          %run_scoped3A = tpu.sem_alloc : memref<!tpu.dma_semaphore, #tpu.memory_space<semaphore_mem>>
          %dma_start3A = arith.constant 0 : i32
          %dma_start3A_157 = arith.constant 0 : i32
          %dma_start3A_158 = tpu.memref_slice %arg16[%dma_start3A, %dma_start3A_157] : memref<10112x128xf32, #tpu.memory_space<vmem_shared>> -> memref<10112x128xf32, #tpu.memory_space<vmem_shared>>
          tpu.enqueue_indirect_dma source(%arg13 : memref<128x128xf32, #tpu.memory_space<vmem>>) target(%dma_start3A_158 : memref<10112x128xf32, #tpu.memory_space<vmem_shared>>) offsets(%arg11 : memref<128xi32, #tpu.memory_space<vmem>>) semaphore(%run_scoped3A : memref<!tpu.dma_semaphore, #tpu.memory_space<semaphore_mem>>) {add = true}
          %dma_wait3A_159 = arith.constant 0 : i32
          %dma_wait3A_160 = arith.constant 0 : i32
          %dma_wait3A_161 = tpu.memref_slice %arg16[%dma_wait3A_159, %dma_wait3A_160] : memref<10112x128xf32, #tpu.memory_space<vmem_shared>> -> memref<10112x128xf32, #tpu.memory_space<vmem_shared>>
          tpu.wait_indirect_dma semaphore(%run_scoped3A : memref<!tpu.dma_semaphore, #tpu.memory_space<semaphore_mem>>) src(%arg13 : memref<128x128xf32, #tpu.memory_space<vmem>>) dst(%dma_wait3A_161 : memref<10112x128xf32, #tpu.memory_space<vmem_shared>>)
          tpu.yield
        }) : () -> ()
        %add3A_151 = arith.constant 2 : i32
        %add3A_152 = arith.addi %add3A_132, %add3A_151 : i32
        %lt3A_153 = arith.cmpi slt, %add3A_152, %select_n3A_61 : i32
        %convert_element_type3A_154 = arith.extui %lt3A_153 : i1 to i32
        %cond3A_155 = arith.constant 0 : i32
        %cond3A_156 = arith.cmpi ne, %convert_element_type3A_154, %cond3A_155 : i32
        scf.if %cond3A_156 {
          %add3A_157 = arith.constant 2 : i32
          %add3A_158 = arith.addi %add3A_132, %add3A_157 : i32
          %mul3A_159 = arith.constant 128 : i32
          %mul3A_160 = arith.muli %add3A_158, %mul3A_159 : i32
          %dma_start3A = tpu.memref_slice %arg4[%add3A, %mul3A_160] : memref<32x10112xi32, #tpu.memory_space<hbm>> -> memref<1x128xi32, #tpu.memory_space<hbm>>
          %dma_start3A_161 = tpu.memref_squeeze %dma_start3A : memref<1x128xi32, #tpu.memory_space<hbm>> -> memref<128xi32, #tpu.memory_space<hbm>>
          %dma_start3A_162 = tpu.memref_slice %arg4[%add3A, %mul3A_160] : memref<32x10112xi32, #tpu.memory_space<hbm>> -> memref<1x128xi32, #tpu.memory_space<hbm>>
          %dma_start3A_163 = tpu.memref_squeeze %dma_start3A_162 : memref<1x128xi32, #tpu.memory_space<hbm>> -> memref<128xi32, #tpu.memory_space<hbm>>
          tpu.enqueue_dma source(%dma_start3A_163 : memref<128xi32, #tpu.memory_space<hbm>>) target(%arg11 : memref<128xi32, #tpu.memory_space<vmem>>) target_semaphore(%arg22 : memref<!tpu.dma_semaphore, #tpu.memory_space<semaphore_mem>>)
          %add3A_164 = arith.constant 2 : i32
          %add3A_165 = arith.addi %add3A_132, %add3A_164 : i32
          %mul3A_166 = arith.constant 128 : i32
          %mul3A_167 = arith.muli %add3A_165, %mul3A_166 : i32
          %dma_start3A_168 = tpu.memref_slice %arg3[%add3A, %mul3A_167] : memref<32x10112xi32, #tpu.memory_space<hbm>> -> memref<1x128xi32, #tpu.memory_space<hbm>>
          %dma_start3A_169 = tpu.memref_squeeze %dma_start3A_168 : memref<1x128xi32, #tpu.memory_space<hbm>> -> memref<128xi32, #tpu.memory_space<hbm>>
          %dma_start3A_170 = tpu.memref_slice %arg3[%add3A, %mul3A_167] : memref<32x10112xi32, #tpu.memory_space<hbm>> -> memref<1x128xi32, #tpu.memory_space<hbm>>
          %dma_start3A_171 = tpu.memref_squeeze %dma_start3A_170 : memref<1x128xi32, #tpu.memory_space<hbm>> -> memref<128xi32, #tpu.memory_space<hbm>>
          tpu.enqueue_dma source(%dma_start3A_171 : memref<128xi32, #tpu.memory_space<hbm>>) target(%arg9 : memref<128xi32, #tpu.memory_space<vmem>>) target_semaphore(%arg20 : memref<!tpu.dma_semaphore, #tpu.memory_space<semaphore_mem>>)
        } else {
        }
      } else {
      }
    }
    %while3A_109 = arith.constant 1 : i32
    scf.for %while3A_121 = %while3A_107 to %while3A_103 step %while3A_109  : i32 {
      %mul3A_122 = arith.constant 2 : i32
      %mul3A_123 = arith.muli %mul3A_122, %while3A_121 : i32
      %add3A_124 = arith.constant 0 : i32
      %add3A_125 = arith.addi %mul3A_123, %add3A_124 : i32
      %lt3A = arith.cmpi slt, %add3A_125, %select_n3A_61 : i32
      %convert_element_type3A_126 = arith.extui %lt3A : i1 to i32
      %cond3A_127 = arith.constant 0 : i32
      %cond3A_128 = arith.cmpi ne, %convert_element_type3A_126, %cond3A_127 : i32
      scf.if %cond3A_128 {
        %add3A_137 = arith.constant 1 : i32
        %add3A_138 = arith.addi %add3A_125, %add3A_137 : i32
        %lt3A_139 = arith.cmpi slt, %add3A_138, %select_n3A_61 : i32
        %convert_element_type3A_140 = arith.extui %lt3A_139 : i1 to i32
        %cond3A_141 = arith.constant 0 : i32
        %cond3A_142 = arith.cmpi ne, %convert_element_type3A_140, %cond3A_141 : i32
        scf.if %cond3A_142 {
          %add3A_157 = arith.constant 1 : i32
          %add3A_158 = arith.addi %add3A_125, %add3A_157 : i32
          %mul3A_159 = arith.constant 128 : i32
          %mul3A_160 = arith.muli %add3A_158, %mul3A_159 : i32
          %dma_wait3A_161 = tpu.memref_slice %arg3[%add3A, %mul3A_160] : memref<32x10112xi32, #tpu.memory_space<hbm>> -> memref<1x128xi32, #tpu.memory_space<hbm>>
          %dma_wait3A_162 = tpu.memref_squeeze %dma_wait3A_161 : memref<1x128xi32, #tpu.memory_space<hbm>> -> memref<128xi32, #tpu.memory_space<hbm>>
          %dma_wait3A_163 = tpu.memref_slice %arg3[%add3A, %mul3A_160] : memref<32x10112xi32, #tpu.memory_space<hbm>> -> memref<1x128xi32, #tpu.memory_space<hbm>>
          %dma_wait3A_164 = tpu.memref_squeeze %dma_wait3A_163 : memref<1x128xi32, #tpu.memory_space<hbm>> -> memref<128xi32, #tpu.memory_space<hbm>>
          tpu.wait_dma2 semaphore(%arg20 : memref<!tpu.dma_semaphore, #tpu.memory_space<semaphore_mem>>) src(%dma_wait3A_164 : memref<128xi32, #tpu.memory_space<hbm>>) dst(%arg9 : memref<128xi32, #tpu.memory_space<vmem>>)
          %dma_start3A = arith.constant 0 : i32
          %dma_start3A_165 = arith.constant 0 : i32
          %dma_start3A_166 = tpu.memref_slice %arg2[%dma_start3A, %dma_start3A_165] : memref<10000x128xf32, #tpu.memory_space<hbm>> -> memref<10000x128xf32, #tpu.memory_space<hbm>>
          tpu.enqueue_indirect_dma source(%dma_start3A_166 : memref<10000x128xf32, #tpu.memory_space<hbm>>) target(%arg13 : memref<128x128xf32, #tpu.memory_space<vmem>>) offsets(%arg9 : memref<128xi32, #tpu.memory_space<vmem>>) semaphore(%arg18 : memref<!tpu.dma_semaphore, #tpu.memory_space<semaphore_mem>>)
        } else {
        }
        %dma_wait3A = arith.constant 0 : i32
        %dma_wait3A_143 = arith.constant 0 : i32
        %dma_wait3A_144 = tpu.memref_slice %arg2[%dma_wait3A, %dma_wait3A_143] : memref<10000x128xf32, #tpu.memory_space<hbm>> -> memref<10000x128xf32, #tpu.memory_space<hbm>>
        tpu.wait_indirect_dma semaphore(%arg17 : memref<!tpu.dma_semaphore, #tpu.memory_space<semaphore_mem>>) src(%dma_wait3A_144 : memref<10000x128xf32, #tpu.memory_space<hbm>>) dst(%arg12 : memref<128x128xf32, #tpu.memory_space<vmem>>)
        %mul3A_145 = arith.constant 128 : i32
        %mul3A_146 = arith.muli %add3A_125, %mul3A_145 : i32
        %dma_wait3A_147 = tpu.memref_slice %arg4[%add3A, %mul3A_146] : memref<32x10112xi32, #tpu.memory_space<hbm>> -> memref<1x128xi32, #tpu.memory_space<hbm>>
        %dma_wait3A_148 = tpu.memref_squeeze %dma_wait3A_147 : memref<1x128xi32, #tpu.memory_space<hbm>> -> memref<128xi32, #tpu.memory_space<hbm>>
        %dma_wait3A_149 = tpu.memref_slice %arg4[%add3A, %mul3A_146] : memref<32x10112xi32, #tpu.memory_space<hbm>> -> memref<1x128xi32, #tpu.memory_space<hbm>>
        %dma_wait3A_150 = tpu.memref_squeeze %dma_wait3A_149 : memref<1x128xi32, #tpu.memory_space<hbm>> -> memref<128xi32, #tpu.memory_space<hbm>>
        tpu.wait_dma2 semaphore(%arg21 : memref<!tpu.dma_semaphore, #tpu.memory_space<semaphore_mem>>) src(%dma_wait3A_150 : memref<128xi32, #tpu.memory_space<hbm>>) dst(%arg10 : memref<128xi32, #tpu.memory_space<vmem>>)
        "tpu.region"() ({
          %run_scoped3A = tpu.sem_alloc : memref<!tpu.dma_semaphore, #tpu.memory_space<semaphore_mem>>
          %dma_start3A = arith.constant 0 : i32
          %dma_start3A_157 = arith.constant 0 : i32
          %dma_start3A_158 = tpu.memref_slice %arg16[%dma_start3A, %dma_start3A_157] : memref<10112x128xf32, #tpu.memory_space<vmem_shared>> -> memref<10112x128xf32, #tpu.memory_space<vmem_shared>>
          tpu.enqueue_indirect_dma source(%arg12 : memref<128x128xf32, #tpu.memory_space<vmem>>) target(%dma_start3A_158 : memref<10112x128xf32, #tpu.memory_space<vmem_shared>>) offsets(%arg10 : memref<128xi32, #tpu.memory_space<vmem>>) semaphore(%run_scoped3A : memref<!tpu.dma_semaphore, #tpu.memory_space<semaphore_mem>>) {add = true}
          %dma_wait3A_159 = arith.constant 0 : i32
          %dma_wait3A_160 = arith.constant 0 : i32
          %dma_wait3A_161 = tpu.memref_slice %arg16[%dma_wait3A_159, %dma_wait3A_160] : memref<10112x128xf32, #tpu.memory_space<vmem_shared>> -> memref<10112x128xf32, #tpu.memory_space<vmem_shared>>
          tpu.wait_indirect_dma semaphore(%run_scoped3A : memref<!tpu.dma_semaphore, #tpu.memory_space<semaphore_mem>>) src(%arg12 : memref<128x128xf32, #tpu.memory_space<vmem>>) dst(%dma_wait3A_161 : memref<10112x128xf32, #tpu.memory_space<vmem_shared>>)
          tpu.yield
        }) : () -> ()
        %add3A_151 = arith.constant 2 : i32
        %add3A_152 = arith.addi %add3A_125, %add3A_151 : i32
        %lt3A_153 = arith.cmpi slt, %add3A_152, %select_n3A_61 : i32
        %convert_element_type3A_154 = arith.extui %lt3A_153 : i1 to i32
        %cond3A_155 = arith.constant 0 : i32
        %cond3A_156 = arith.cmpi ne, %convert_element_type3A_154, %cond3A_155 : i32
        scf.if %cond3A_156 {
          %add3A_157 = arith.constant 2 : i32
          %add3A_158 = arith.addi %add3A_125, %add3A_157 : i32
          %mul3A_159 = arith.constant 128 : i32
          %mul3A_160 = arith.muli %add3A_158, %mul3A_159 : i32
          %dma_start3A = tpu.memref_slice %arg4[%add3A, %mul3A_160] : memref<32x10112xi32, #tpu.memory_space<hbm>> -> memref<1x128xi32, #tpu.memory_space<hbm>>
          %dma_start3A_161 = tpu.memref_squeeze %dma_start3A : memref<1x128xi32, #tpu.memory_space<hbm>> -> memref<128xi32, #tpu.memory_space<hbm>>
          %dma_start3A_162 = tpu.memref_slice %arg4[%add3A, %mul3A_160] : memref<32x10112xi32, #tpu.memory_space<hbm>> -> memref<1x128xi32, #tpu.memory_space<hbm>>
          %dma_start3A_163 = tpu.memref_squeeze %dma_start3A_162 : memref<1x128xi32, #tpu.memory_space<hbm>> -> memref<128xi32, #tpu.memory_space<hbm>>
          tpu.enqueue_dma source(%dma_start3A_163 : memref<128xi32, #tpu.memory_space<hbm>>) target(%arg10 : memref<128xi32, #tpu.memory_space<vmem>>) target_semaphore(%arg21 : memref<!tpu.dma_semaphore, #tpu.memory_space<semaphore_mem>>)
          %add3A_164 = arith.constant 2 : i32
          %add3A_165 = arith.addi %add3A_125, %add3A_164 : i32
          %mul3A_166 = arith.constant 128 : i32
          %mul3A_167 = arith.muli %add3A_165, %mul3A_166 : i32
          %dma_start3A_168 = tpu.memref_slice %arg3[%add3A, %mul3A_167] : memref<32x10112xi32, #tpu.memory_space<hbm>> -> memref<1x128xi32, #tpu.memory_space<hbm>>
          %dma_start3A_169 = tpu.memref_squeeze %dma_start3A_168 : memref<1x128xi32, #tpu.memory_space<hbm>> -> memref<128xi32, #tpu.memory_space<hbm>>
          %dma_start3A_170 = tpu.memref_slice %arg3[%add3A, %mul3A_167] : memref<32x10112xi32, #tpu.memory_space<hbm>> -> memref<1x128xi32, #tpu.memory_space<hbm>>
          %dma_start3A_171 = tpu.memref_squeeze %dma_start3A_170 : memref<1x128xi32, #tpu.memory_space<hbm>> -> memref<128xi32, #tpu.memory_space<hbm>>
          tpu.enqueue_dma source(%dma_start3A_171 : memref<128xi32, #tpu.memory_space<hbm>>) target(%arg8 : memref<128xi32, #tpu.memory_space<vmem>>) target_semaphore(%arg19 : memref<!tpu.dma_semaphore, #tpu.memory_space<semaphore_mem>>)
        } else {
        }
      } else {
      }
      %mul3A_129 = arith.constant 2 : i32
      %mul3A_130 = arith.muli %mul3A_129, %while3A_121 : i32
      %add3A_131 = arith.constant 1 : i32
      %add3A_132 = arith.addi %mul3A_130, %add3A_131 : i32
      %lt3A_133 = arith.cmpi slt, %add3A_132, %select_n3A_61 : i32
      %convert_element_type3A_134 = arith.extui %lt3A_133 : i1 to i32
      %cond3A_135 = arith.constant 0 : i32
      %cond3A_136 = arith.cmpi ne, %convert_element_type3A_134, %cond3A_135 : i32
      scf.if %cond3A_136 {
        %add3A_137 = arith.constant 1 : i32
        %add3A_138 = arith.addi %add3A_132, %add3A_137 : i32
        %lt3A_139 = arith.cmpi slt, %add3A_138, %select_n3A_61 : i32
        %convert_element_type3A_140 = arith.extui %lt3A_139 : i1 to i32
        %cond3A_141 = arith.constant 0 : i32
        %cond3A_142 = arith.cmpi ne, %convert_element_type3A_140, %cond3A_141 : i32
        scf.if %cond3A_142 {
          %add3A_157 = arith.constant 1 : i32
          %add3A_158 = arith.addi %add3A_132, %add3A_157 : i32
          %mul3A_159 = arith.constant 128 : i32
          %mul3A_160 = arith.muli %add3A_158, %mul3A_159 : i32
          %dma_wait3A_161 = tpu.memref_slice %arg3[%add3A, %mul3A_160] : memref<32x10112xi32, #tpu.memory_space<hbm>> -> memref<1x128xi32, #tpu.memory_space<hbm>>
          %dma_wait3A_162 = tpu.memref_squeeze %dma_wait3A_161 : memref<1x128xi32, #tpu.memory_space<hbm>> -> memref<128xi32, #tpu.memory_space<hbm>>
          %dma_wait3A_163 = tpu.memref_slice %arg3[%add3A, %mul3A_160] : memref<32x10112xi32, #tpu.memory_space<hbm>> -> memref<1x128xi32, #tpu.memory_space<hbm>>
          %dma_wait3A_164 = tpu.memref_squeeze %dma_wait3A_163 : memref<1x128xi32, #tpu.memory_space<hbm>> -> memref<128xi32, #tpu.memory_space<hbm>>
          tpu.wait_dma2 semaphore(%arg19 : memref<!tpu.dma_semaphore, #tpu.memory_space<semaphore_mem>>) src(%dma_wait3A_164 : memref<128xi32, #tpu.memory_space<hbm>>) dst(%arg8 : memref<128xi32, #tpu.memory_space<vmem>>)
          %dma_start3A = arith.constant 0 : i32
          %dma_start3A_165 = arith.constant 0 : i32
          %dma_start3A_166 = tpu.memref_slice %arg2[%dma_start3A, %dma_start3A_165] : memref<10000x128xf32, #tpu.memory_space<hbm>> -> memref<10000x128xf32, #tpu.memory_space<hbm>>
          tpu.enqueue_indirect_dma source(%dma_start3A_166 : memref<10000x128xf32, #tpu.memory_space<hbm>>) target(%arg12 : memref<128x128xf32, #tpu.memory_space<vmem>>) offsets(%arg8 : memref<128xi32, #tpu.memory_space<vmem>>) semaphore(%arg17 : memref<!tpu.dma_semaphore, #tpu.memory_space<semaphore_mem>>)
        } else {
        }
        %dma_wait3A = arith.constant 0 : i32
        %dma_wait3A_143 = arith.constant 0 : i32
        %dma_wait3A_144 = tpu.memref_slice %arg2[%dma_wait3A, %dma_wait3A_143] : memref<10000x128xf32, #tpu.memory_space<hbm>> -> memref<10000x128xf32, #tpu.memory_space<hbm>>
        tpu.wait_indirect_dma semaphore(%arg18 : memref<!tpu.dma_semaphore, #tpu.memory_space<semaphore_mem>>) src(%dma_wait3A_144 : memref<10000x128xf32, #tpu.memory_space<hbm>>) dst(%arg13 : memref<128x128xf32, #tpu.memory_space<vmem>>)
        %mul3A_145 = arith.constant 128 : i32
        %mul3A_146 = arith.muli %add3A_132, %mul3A_145 : i32
        %dma_wait3A_147 = tpu.memref_slice %arg4[%add3A, %mul3A_146] : memref<32x10112xi32, #tpu.memory_space<hbm>> -> memref<1x128xi32, #tpu.memory_space<hbm>>
        %dma_wait3A_148 = tpu.memref_squeeze %dma_wait3A_147 : memref<1x128xi32, #tpu.memory_space<hbm>> -> memref<128xi32, #tpu.memory_space<hbm>>
        %dma_wait3A_149 = tpu.memref_slice %arg4[%add3A, %mul3A_146] : memref<32x10112xi32, #tpu.memory_space<hbm>> -> memref<1x128xi32, #tpu.memory_space<hbm>>
        %dma_wait3A_150 = tpu.memref_squeeze %dma_wait3A_149 : memref<1x128xi32, #tpu.memory_space<hbm>> -> memref<128xi32, #tpu.memory_space<hbm>>
        tpu.wait_dma2 semaphore(%arg22 : memref<!tpu.dma_semaphore, #tpu.memory_space<semaphore_mem>>) src(%dma_wait3A_150 : memref<128xi32, #tpu.memory_space<hbm>>) dst(%arg11 : memref<128xi32, #tpu.memory_space<vmem>>)
        "tpu.region"() ({
          %run_scoped3A = tpu.sem_alloc : memref<!tpu.dma_semaphore, #tpu.memory_space<semaphore_mem>>
          %dma_start3A = arith.constant 0 : i32
          %dma_start3A_157 = arith.constant 0 : i32
          %dma_start3A_158 = tpu.memref_slice %arg16[%dma_start3A, %dma_start3A_157] : memref<10112x128xf32, #tpu.memory_space<vmem_shared>> -> memref<10112x128xf32, #tpu.memory_space<vmem_shared>>
          tpu.enqueue_indirect_dma source(%arg13 : memref<128x128xf32, #tpu.memory_space<vmem>>) target(%dma_start3A_158 : memref<10112x128xf32, #tpu.memory_space<vmem_shared>>) offsets(%arg11 : memref<128xi32, #tpu.memory_space<vmem>>) semaphore(%run_scoped3A : memref<!tpu.dma_semaphore, #tpu.memory_space<semaphore_mem>>) {add = true}
          %dma_wait3A_159 = arith.constant 0 : i32
          %dma_wait3A_160 = arith.constant 0 : i32
          %dma_wait3A_161 = tpu.memref_slice %arg16[%dma_wait3A_159, %dma_wait3A_160] : memref<10112x128xf32, #tpu.memory_space<vmem_shared>> -> memref<10112x128xf32, #tpu.memory_space<vmem_shared>>
          tpu.wait_indirect_dma semaphore(%run_scoped3A : memref<!tpu.dma_semaphore, #tpu.memory_space<semaphore_mem>>) src(%arg13 : memref<128x128xf32, #tpu.memory_space<vmem>>) dst(%dma_wait3A_161 : memref<10112x128xf32, #tpu.memory_space<vmem_shared>>)
          tpu.yield
        }) : () -> ()
        %add3A_151 = arith.constant 2 : i32
        %add3A_152 = arith.addi %add3A_132, %add3A_151 : i32
        %lt3A_153 = arith.cmpi slt, %add3A_152, %select_n3A_61 : i32
        %convert_element_type3A_154 = arith.extui %lt3A_153 : i1 to i32
        %cond3A_155 = arith.constant 0 : i32
        %cond3A_156 = arith.cmpi ne, %convert_element_type3A_154, %cond3A_155 : i32
        scf.if %cond3A_156 {
          %add3A_157 = arith.constant 2 : i32
          %add3A_158 = arith.addi %add3A_132, %add3A_157 : i32
          %mul3A_159 = arith.constant 128 : i32
          %mul3A_160 = arith.muli %add3A_158, %mul3A_159 : i32
          %dma_start3A = tpu.memref_slice %arg4[%add3A, %mul3A_160] : memref<32x10112xi32, #tpu.memory_space<hbm>> -> memref<1x128xi32, #tpu.memory_space<hbm>>
          %dma_start3A_161 = tpu.memref_squeeze %dma_start3A : memref<1x128xi32, #tpu.memory_space<hbm>> -> memref<128xi32, #tpu.memory_space<hbm>>
          %dma_start3A_162 = tpu.memref_slice %arg4[%add3A, %mul3A_160] : memref<32x10112xi32, #tpu.memory_space<hbm>> -> memref<1x128xi32, #tpu.memory_space<hbm>>
          %dma_start3A_163 = tpu.memref_squeeze %dma_start3A_162 : memref<1x128xi32, #tpu.memory_space<hbm>> -> memref<128xi32, #tpu.memory_space<hbm>>
          tpu.enqueue_dma source(%dma_start3A_163 : memref<128xi32, #tpu.memory_space<hbm>>) target(%arg11 : memref<128xi32, #tpu.memory_space<vmem>>) target_semaphore(%arg22 : memref<!tpu.dma_semaphore, #tpu.memory_space<semaphore_mem>>)
          %add3A_164 = arith.constant 2 : i32
          %add3A_165 = arith.addi %add3A_132, %add3A_164 : i32
          %mul3A_166 = arith.constant 128 : i32
          %mul3A_167 = arith.muli %add3A_165, %mul3A_166 : i32
          %dma_start3A_168 = tpu.memref_slice %arg3[%add3A, %mul3A_167] : memref<32x10112xi32, #tpu.memory_space<hbm>> -> memref<1x128xi32, #tpu.memory_space<hbm>>
          %dma_start3A_169 = tpu.memref_squeeze %dma_start3A_168 : memref<1x128xi32, #tpu.memory_space<hbm>> -> memref<128xi32, #tpu.memory_space<hbm>>
          %dma_start3A_170 = tpu.memref_slice %arg3[%add3A, %mul3A_167] : memref<32x10112xi32, #tpu.memory_space<hbm>> -> memref<1x128xi32, #tpu.memory_space<hbm>>
          %dma_start3A_171 = tpu.memref_squeeze %dma_start3A_170 : memref<1x128xi32, #tpu.memory_space<hbm>> -> memref<128xi32, #tpu.memory_space<hbm>>
          tpu.enqueue_dma source(%dma_start3A_171 : memref<128xi32, #tpu.memory_space<hbm>>) target(%arg9 : memref<128xi32, #tpu.memory_space<vmem>>) target_semaphore(%arg20 : memref<!tpu.dma_semaphore, #tpu.memory_space<semaphore_mem>>)
        } else {
        }
      } else {
      }
    }
    %barrier3A_110 = arith.constant 0 : index
    tpu.barrier barrier_id(%barrier3A_110)
    %while3A_111 = arith.constant 0 : i32
    %while3A_112 = arith.constant 0 : i32
    %while3A_113 = arith.subi %select_n3A, %while3A_112 : i32
    %while3A_114 = arith.addi %while3A_112, %while3A_113 : i32
    %while3A_115 = arith.constant 1 : i32
    %while3A_116 = arith.divsi %while3A_113, %while3A_115 : i32
    %while3A_117 = arith.muli %while3A_116, %while3A_115 : i32
    %while3A_118 = arith.addi %while3A_112, %while3A_117 : i32
    %while3A_119 = arith.constant 1 : i32
    scf.for %while3A_121 = %while3A_112 to %while3A_118 step %while3A_119  : i32 {
      %mul3A_122 = arith.constant 16 : i32
      %mul3A_123 = arith.muli %while3A_121, %mul3A_122 : i32
      %add3A_124 = arith.addi %arg1, %mul3A_123 : i32
      %mul3A_125 = arith.constant 128 : i32
      %mul3A_126 = arith.muli %add3A_124, %mul3A_125 : i32
      "tpu.region"() ({
        %run_scoped3A = tpu.sem_alloc : memref<!tpu.dma_semaphore, #tpu.memory_space<semaphore_mem>>
        %dma_start3A = arith.constant 0 : i32
        %dma_start3A_127 = tpu.memref_slice %arg16[%mul3A_126, %dma_start3A] : memref<10112x128xf32, #tpu.memory_space<vmem_shared>> -> memref<128x128xf32, #tpu.memory_space<vmem_shared>>
        %dma_start3A_128 = arith.constant 0 : i32
        %dma_start3A_129 = tpu.memref_slice %arg16[%mul3A_126, %dma_start3A_128] : memref<10112x128xf32, #tpu.memory_space<vmem_shared>> -> memref<128x128xf32, #tpu.memory_space<vmem_shared>>
        tpu.enqueue_dma source(%dma_start3A_129 : memref<128x128xf32, #tpu.memory_space<vmem_shared>>) target(%arg15 : memref<128x128xf32, #tpu.memory_space<vmem>>) target_semaphore(%run_scoped3A : memref<!tpu.dma_semaphore, #tpu.memory_space<semaphore_mem>>)
        %dma_wait3A = arith.constant 0 : i32
        %dma_wait3A_130 = tpu.memref_slice %arg16[%mul3A_126, %dma_wait3A] : memref<10112x128xf32, #tpu.memory_space<vmem_shared>> -> memref<128x128xf32, #tpu.memory_space<vmem_shared>>
        %dma_wait3A_131 = arith.constant 0 : i32
        %dma_wait3A_132 = tpu.memref_slice %arg16[%mul3A_126, %dma_wait3A_131] : memref<10112x128xf32, #tpu.memory_space<vmem_shared>> -> memref<128x128xf32, #tpu.memory_space<vmem_shared>>
        tpu.wait_dma2 semaphore(%run_scoped3A : memref<!tpu.dma_semaphore, #tpu.memory_space<semaphore_mem>>) src(%dma_wait3A_132 : memref<128x128xf32, #tpu.memory_space<vmem_shared>>) dst(%arg15 : memref<128x128xf32, #tpu.memory_space<vmem>>)
        tpu.yield
      }) : () -> ()
      "tpu.region"() ({
        %run_scoped3A = tpu.sem_alloc : memref<!tpu.dma_semaphore, #tpu.memory_space<semaphore_mem>>
        %dma_start3A = arith.constant 0 : i32
        %dma_start3A_127 = tpu.memref_slice %arg7[%arg0, %mul3A_126, %dma_start3A] : memref<2x10112x128xf32, #tpu.memory_space<hbm>> -> memref<1x128x128xf32, #tpu.memory_space<hbm>>
        %dma_start3A_128 = tpu.memref_squeeze %dma_start3A_127 : memref<1x128x128xf32, #tpu.memory_space<hbm>> -> memref<128x128xf32, #tpu.memory_space<hbm>>
        %dma_start3A_129 = arith.constant 0 : i32
        %dma_start3A_130 = tpu.memref_slice %arg7[%arg0, %mul3A_126, %dma_start3A_129] : memref<2x10112x128xf32, #tpu.memory_space<hbm>> -> memref<1x128x128xf32, #tpu.memory_space<hbm>>
        %dma_start3A_131 = tpu.memref_squeeze %dma_start3A_130 : memref<1x128x128xf32, #tpu.memory_space<hbm>> -> memref<128x128xf32, #tpu.memory_space<hbm>>
        tpu.enqueue_dma source(%arg15 : memref<128x128xf32, #tpu.memory_space<vmem>>) target(%dma_start3A_131 : memref<128x128xf32, #tpu.memory_space<hbm>>) target_semaphore(%run_scoped3A : memref<!tpu.dma_semaphore, #tpu.memory_space<semaphore_mem>>)
        %dma_wait3A = arith.constant 0 : i32
        %dma_wait3A_132 = tpu.memref_slice %arg7[%arg0, %mul3A_126, %dma_wait3A] : memref<2x10112x128xf32, #tpu.memory_space<hbm>> -> memref<1x128x128xf32, #tpu.memory_space<hbm>>
        %dma_wait3A_133 = tpu.memref_squeeze %dma_wait3A_132 : memref<1x128x128xf32, #tpu.memory_space<hbm>> -> memref<128x128xf32, #tpu.memory_space<hbm>>
        %dma_wait3A_134 = arith.constant 0 : i32
        %dma_wait3A_135 = tpu.memref_slice %arg7[%arg0, %mul3A_126, %dma_wait3A_134] : memref<2x10112x128xf32, #tpu.memory_space<hbm>> -> memref<1x128x128xf32, #tpu.memory_space<hbm>>
        %dma_wait3A_136 = tpu.memref_squeeze %dma_wait3A_135 : memref<1x128x128xf32, #tpu.memory_space<hbm>> -> memref<128x128xf32, #tpu.memory_space<hbm>>
        tpu.wait_dma2 semaphore(%run_scoped3A : memref<!tpu.dma_semaphore, #tpu.memory_space<semaphore_mem>>) src(%arg15 : memref<128x128xf32, #tpu.memory_space<vmem>>) dst(%dma_wait3A_136 : memref<128x128xf32, #tpu.memory_space<hbm>>)
        tpu.yield
      }) : () -> ()
    }
    %while3A_120 = arith.constant 1 : i32
    scf.for %while3A_121 = %while3A_118 to %while3A_114 step %while3A_120  : i32 {
      %mul3A_122 = arith.constant 16 : i32
      %mul3A_123 = arith.muli %while3A_121, %mul3A_122 : i32
      %add3A_124 = arith.addi %arg1, %mul3A_123 : i32
      %mul3A_125 = arith.constant 128 : i32
      %mul3A_126 = arith.muli %add3A_124, %mul3A_125 : i32
      "tpu.region"() ({
        %run_scoped3A = tpu.sem_alloc : memref<!tpu.dma_semaphore, #tpu.memory_space<semaphore_mem>>
        %dma_start3A = arith.constant 0 : i32
        %dma_start3A_127 = tpu.memref_slice %arg16[%mul3A_126, %dma_start3A] : memref<10112x128xf32, #tpu.memory_space<vmem_shared>> -> memref<128x128xf32, #tpu.memory_space<vmem_shared>>
        %dma_start3A_128 = arith.constant 0 : i32
        %dma_start3A_129 = tpu.memref_slice %arg16[%mul3A_126, %dma_start3A_128] : memref<10112x128xf32, #tpu.memory_space<vmem_shared>> -> memref<128x128xf32, #tpu.memory_space<vmem_shared>>
        tpu.enqueue_dma source(%dma_start3A_129 : memref<128x128xf32, #tpu.memory_space<vmem_shared>>) target(%arg15 : memref<128x128xf32, #tpu.memory_space<vmem>>) target_semaphore(%run_scoped3A : memref<!tpu.dma_semaphore, #tpu.memory_space<semaphore_mem>>)
        %dma_wait3A = arith.constant 0 : i32
        %dma_wait3A_130 = tpu.memref_slice %arg16[%mul3A_126, %dma_wait3A] : memref<10112x128xf32, #tpu.memory_space<vmem_shared>> -> memref<128x128xf32, #tpu.memory_space<vmem_shared>>
        %dma_wait3A_131 = arith.constant 0 : i32
        %dma_wait3A_132 = tpu.memref_slice %arg16[%mul3A_126, %dma_wait3A_131] : memref<10112x128xf32, #tpu.memory_space<vmem_shared>> -> memref<128x128xf32, #tpu.memory_space<vmem_shared>>
        tpu.wait_dma2 semaphore(%run_scoped3A : memref<!tpu.dma_semaphore, #tpu.memory_space<semaphore_mem>>) src(%dma_wait3A_132 : memref<128x128xf32, #tpu.memory_space<vmem_shared>>) dst(%arg15 : memref<128x128xf32, #tpu.memory_space<vmem>>)
        tpu.yield
      }) : () -> ()
      "tpu.region"() ({
        %run_scoped3A = tpu.sem_alloc : memref<!tpu.dma_semaphore, #tpu.memory_space<semaphore_mem>>
        %dma_start3A = arith.constant 0 : i32
        %dma_start3A_127 = tpu.memref_slice %arg7[%arg0, %mul3A_126, %dma_start3A] : memref<2x10112x128xf32, #tpu.memory_space<hbm>> -> memref<1x128x128xf32, #tpu.memory_space<hbm>>
        %dma_start3A_128 = tpu.memref_squeeze %dma_start3A_127 : memref<1x128x128xf32, #tpu.memory_space<hbm>> -> memref<128x128xf32, #tpu.memory_space<hbm>>
        %dma_start3A_129 = arith.constant 0 : i32
        %dma_start3A_130 = tpu.memref_slice %arg7[%arg0, %mul3A_126, %dma_start3A_129] : memref<2x10112x128xf32, #tpu.memory_space<hbm>> -> memref<1x128x128xf32, #tpu.memory_space<hbm>>
        %dma_start3A_131 = tpu.memref_squeeze %dma_start3A_130 : memref<1x128x128xf32, #tpu.memory_space<hbm>> -> memref<128x128xf32, #tpu.memory_space<hbm>>
        tpu.enqueue_dma source(%arg15 : memref<128x128xf32, #tpu.memory_space<vmem>>) target(%dma_start3A_131 : memref<128x128xf32, #tpu.memory_space<hbm>>) target_semaphore(%run_scoped3A : memref<!tpu.dma_semaphore, #tpu.memory_space<semaphore_mem>>)
        %dma_wait3A = arith.constant 0 : i32
        %dma_wait3A_132 = tpu.memref_slice %arg7[%arg0, %mul3A_126, %dma_wait3A] : memref<2x10112x128xf32, #tpu.memory_space<hbm>> -> memref<1x128x128xf32, #tpu.memory_space<hbm>>
        %dma_wait3A_133 = tpu.memref_squeeze %dma_wait3A_132 : memref<1x128x128xf32, #tpu.memory_space<hbm>> -> memref<128x128xf32, #tpu.memory_space<hbm>>
        %dma_wait3A_134 = arith.constant 0 : i32
        %dma_wait3A_135 = tpu.memref_slice %arg7[%arg0, %mul3A_126, %dma_wait3A_134] : memref<2x10112x128xf32, #tpu.memory_space<hbm>> -> memref<1x128x128xf32, #tpu.memory_space<hbm>>
        %dma_wait3A_136 = tpu.memref_squeeze %dma_wait3A_135 : memref<1x128x128xf32, #tpu.memory_space<hbm>> -> memref<128x128xf32, #tpu.memory_space<hbm>>
        tpu.wait_dma2 semaphore(%run_scoped3A : memref<!tpu.dma_semaphore, #tpu.memory_space<semaphore_mem>>) src(%arg15 : memref<128x128xf32, #tpu.memory_space<vmem>>) dst(%dma_wait3A_136 : memref<128x128xf32, #tpu.memory_space<hbm>>)
        tpu.yield
      }) : () -> ()
    }
    return
  }
}

#map = affine_map<(d0, d1) -> (0, 0)>
#map1 = affine_map<(d0, d1) -> (0, 0, 0)>
module attributes {stable_mosaic.version = 14 : i64} {
  func.func @sc_seg_sum_c(%arg0: i32, %arg1: i32, %arg2: memref<10000x128xf32, #tpu.memory_space<hbm>>, %arg3: memref<32x10112xi32, #tpu.memory_space<hbm>>, %arg4: memref<32x10112xi32, #tpu.memory_space<hbm>>, %arg5: memref<32x128xi32, #tpu.memory_space<hbm>>, %arg6: memref<10000x128xf32, #tpu.memory_space<hbm>>, %arg7: memref<2x10112x128xf32, #tpu.memory_space<hbm>>, %arg8: memref<128xi32, #tpu.memory_space<vmem>>, %arg9: memref<128xi32, #tpu.memory_space<vmem>>, %arg10: memref<128xi32, #tpu.memory_space<vmem>>, %arg11: memref<128xi32, #tpu.memory_space<vmem>>, %arg12: memref<128x128xf32, #tpu.memory_space<vmem>>, %arg13: memref<128x128xf32, #tpu.memory_space<vmem>>, %arg14: memref<128xi32, #tpu.memory_space<vmem>>, %arg15: memref<128x128xf32, #tpu.memory_space<vmem>>, %arg16: memref<10112x128xf32, #tpu.memory_space<vmem_shared>>, %arg17: memref<!tpu.dma_semaphore, #tpu.memory_space<semaphore_mem>>, %arg18: memref<!tpu.dma_semaphore, #tpu.memory_space<semaphore_mem>>, %arg19: memref<!tpu.dma_semaphore, #tpu.memory_space<semaphore_mem>>, %arg20: memref<!tpu.dma_semaphore, #tpu.memory_space<semaphore_mem>>, %arg21: memref<!tpu.dma_semaphore, #tpu.memory_space<semaphore_mem>>, %arg22: memref<!tpu.dma_semaphore, #tpu.memory_space<semaphore_mem>>) attributes {dimension_semantics = [#tpu.dimension_semantics<core_parallel>, #tpu.dimension_semantics<subcore_parallel>], iteration_bounds = array<i64: 2, 16>, scalar_prefetch = 0 : i64, scratch_operands = 15 : i64, tpu.core_type = #tpu.core_type<sc_vector_subcore>, window_params = [{transform_indices = #map}, {transform_indices = #map}, {transform_indices = #map}, {transform_indices = #map}, {transform_indices = #map}, {transform_indices = #map1}]} {
    %mul3A = arith.constant 2 : i32
    %mul3A_0 = arith.muli %arg1, %mul3A : i32
    %add3A = arith.addi %mul3A_0, %arg0 : i32
    %sub3A = arith.constant 79 : i32
    %sub3A_1 = arith.subi %sub3A, %arg1 : i32
    %add3A_2 = arith.constant 16 : i32
    %add3A_3 = arith.addi %sub3A_1, %add3A_2 : i32
    %sub3A_4 = arith.constant 1 : i32
    %sub3A_5 = arith.subi %add3A_3, %sub3A_4 : i32
    %jit3A = arith.constant 16 : i32
    %div3A = arith.divsi %sub3A_5, %jit3A : i32
    %sign3A = arith.constant 0 : i32
    %sign3A_6 = arith.cmpi sgt, %sub3A_5, %sign3A : i32
    %sign3A_7 = arith.extui %sign3A_6 : i1 to i32
    %sign3A_8 = arith.constant 0 : i32
    %sign3A_9 = arith.cmpi slt, %sub3A_5, %sign3A_8 : i32
    %sign3A_10 = arith.extui %sign3A_9 : i1 to i32
    %sign3A_11 = arith.subi %sign3A_7, %sign3A_10 : i32
    %sign3A_12 = arith.constant 0 : i32
    %sign3A_13 = arith.cmpi sgt, %jit3A, %sign3A_12 : i32
    %sign3A_14 = arith.extui %sign3A_13 : i1 to i32
    %sign3A_15 = arith.constant 0 : i32
    %sign3A_16 = arith.cmpi slt, %jit3A, %sign3A_15 : i32
    %sign3A_17 = arith.extui %sign3A_16 : i1 to i32
    %sign3A_18 = arith.subi %sign3A_14, %sign3A_17 : i32
    %ne3A = arith.cmpi ne, %sign3A_11, %sign3A_18 : i32
    %rem3A = arith.remsi %sub3A_5, %jit3A : i32
    %ne3A_19 = arith.constant 0 : i32
    %ne3A_20 = arith.cmpi ne, %rem3A, %ne3A_19 : i32
    %and3A = arith.andi %ne3A, %ne3A_20 : i1
    %sub3A_21 = arith.constant 1 : i32
    %sub3A_22 = arith.subi %div3A, %sub3A_21 : i32
    %select_n3A = arith.select %and3A, %sub3A_22, %div3A : i32
    "tpu.region"() ({
      %run_scoped3A = tpu.sem_alloc : memref<!tpu.dma_semaphore, #tpu.memory_space<semaphore_mem>>
      %dma_start3A = arith.constant 0 : i32
      %dma_start3A_121 = arith.constant 0 : i32
      %dma_start3A_122 = tpu.memref_slice %arg6[%dma_start3A, %dma_start3A_121] : memref<10000x128xf32, #tpu.memory_space<hbm>> -> memref<128x128xf32, #tpu.memory_space<hbm>>
      %dma_start3A_123 = arith.constant 0 : i32
      %dma_start3A_124 = arith.constant 0 : i32
      %dma_start3A_125 = tpu.memref_slice %arg6[%dma_start3A_123, %dma_start3A_124] : memref<10000x128xf32, #tpu.memory_space<hbm>> -> memref<128x128xf32, #tpu.memory_space<hbm>>
      tpu.enqueue_dma source(%dma_start3A_125 : memref<128x128xf32, #tpu.memory_space<hbm>>) target(%arg15 : memref<128x128xf32, #tpu.memory_space<vmem>>) target_semaphore(%run_scoped3A : memref<!tpu.dma_semaphore, #tpu.memory_space<semaphore_mem>>)
      %dma_wait3A = arith.constant 0 : i32
      %dma_wait3A_126 = arith.constant 0 : i32
      %dma_wait3A_127 = tpu.memref_slice %arg6[%dma_wait3A, %dma_wait3A_126] : memref<10000x128xf32, #tpu.memory_space<hbm>> -> memref<128x128xf32, #tpu.memory_space<hbm>>
      %dma_wait3A_128 = arith.constant 0 : i32
      %dma_wait3A_129 = arith.constant 0 : i32
      %dma_wait3A_130 = tpu.memref_slice %arg6[%dma_wait3A_128, %dma_wait3A_129] : memref<10000x128xf32, #tpu.memory_space<hbm>> -> memref<128x128xf32, #tpu.memory_space<hbm>>
      tpu.wait_dma2 semaphore(%run_scoped3A : memref<!tpu.dma_semaphore, #tpu.memory_space<semaphore_mem>>) src(%dma_wait3A_130 : memref<128x128xf32, #tpu.memory_space<hbm>>) dst(%arg15 : memref<128x128xf32, #tpu.memory_space<vmem>>)
      tpu.yield
    }) : () -> ()
    %while3A = arith.constant 0 : i32
    %while3A_23 = arith.constant 0 : i32
    %while3A_24 = arith.subi %select_n3A, %while3A_23 : i32
    %while3A_25 = arith.addi %while3A_23, %while3A_24 : i32
    %while3A_26 = arith.constant 1 : i32
    %while3A_27 = arith.divsi %while3A_24, %while3A_26 : i32
    %while3A_28 = arith.muli %while3A_27, %while3A_26 : i32
    %while3A_29 = arith.addi %while3A_23, %while3A_28 : i32
    %while3A_30 = arith.constant 1 : i32
    scf.for %while3A_121 = %while3A_23 to %while3A_29 step %while3A_30  : i32 {
      %mul3A_122 = arith.constant 16 : i32
      %mul3A_123 = arith.muli %while3A_121, %mul3A_122 : i32
      %add3A_124 = arith.addi %arg1, %mul3A_123 : i32
      %mul3A_125 = arith.constant 128 : i32
      %mul3A_126 = arith.muli %add3A_124, %mul3A_125 : i32
      "tpu.region"() ({
        %run_scoped3A = tpu.sem_alloc : memref<!tpu.dma_semaphore, #tpu.memory_space<semaphore_mem>>
        %dma_start3A = arith.constant 0 : i32
        %dma_start3A_127 = tpu.memref_slice %arg16[%mul3A_126, %dma_start3A] : memref<10112x128xf32, #tpu.memory_space<vmem_shared>> -> memref<128x128xf32, #tpu.memory_space<vmem_shared>>
        %dma_start3A_128 = arith.constant 0 : i32
        %dma_start3A_129 = tpu.memref_slice %arg16[%mul3A_126, %dma_start3A_128] : memref<10112x128xf32, #tpu.memory_space<vmem_shared>> -> memref<128x128xf32, #tpu.memory_space<vmem_shared>>
        tpu.enqueue_dma source(%arg15 : memref<128x128xf32, #tpu.memory_space<vmem>>) target(%dma_start3A_129 : memref<128x128xf32, #tpu.memory_space<vmem_shared>>) target_semaphore(%run_scoped3A : memref<!tpu.dma_semaphore, #tpu.memory_space<semaphore_mem>>)
        %dma_wait3A = arith.constant 0 : i32
        %dma_wait3A_130 = tpu.memref_slice %arg16[%mul3A_126, %dma_wait3A] : memref<10112x128xf32, #tpu.memory_space<vmem_shared>> -> memref<128x128xf32, #tpu.memory_space<vmem_shared>>
        %dma_wait3A_131 = arith.constant 0 : i32
        %dma_wait3A_132 = tpu.memref_slice %arg16[%mul3A_126, %dma_wait3A_131] : memref<10112x128xf32, #tpu.memory_space<vmem_shared>> -> memref<128x128xf32, #tpu.memory_space<vmem_shared>>
        tpu.wait_dma2 semaphore(%run_scoped3A : memref<!tpu.dma_semaphore, #tpu.memory_space<semaphore_mem>>) src(%arg15 : memref<128x128xf32, #tpu.memory_space<vmem>>) dst(%dma_wait3A_132 : memref<128x128xf32, #tpu.memory_space<vmem_shared>>)
        tpu.yield
      }) : () -> ()
    }
    %while3A_31 = arith.constant 1 : i32
    scf.for %while3A_121 = %while3A_29 to %while3A_25 step %while3A_31  : i32 {
      %mul3A_122 = arith.constant 16 : i32
      %mul3A_123 = arith.muli %while3A_121, %mul3A_122 : i32
      %add3A_124 = arith.addi %arg1, %mul3A_123 : i32
      %mul3A_125 = arith.constant 128 : i32
      %mul3A_126 = arith.muli %add3A_124, %mul3A_125 : i32
      "tpu.region"() ({
        %run_scoped3A = tpu.sem_alloc : memref<!tpu.dma_semaphore, #tpu.memory_space<semaphore_mem>>
        %dma_start3A = arith.constant 0 : i32
        %dma_start3A_127 = tpu.memref_slice %arg16[%mul3A_126, %dma_start3A] : memref<10112x128xf32, #tpu.memory_space<vmem_shared>> -> memref<128x128xf32, #tpu.memory_space<vmem_shared>>
        %dma_start3A_128 = arith.constant 0 : i32
        %dma_start3A_129 = tpu.memref_slice %arg16[%mul3A_126, %dma_start3A_128] : memref<10112x128xf32, #tpu.memory_space<vmem_shared>> -> memref<128x128xf32, #tpu.memory_space<vmem_shared>>
        tpu.enqueue_dma source(%arg15 : memref<128x128xf32, #tpu.memory_space<vmem>>) target(%dma_start3A_129 : memref<128x128xf32, #tpu.memory_space<vmem_shared>>) target_semaphore(%run_scoped3A : memref<!tpu.dma_semaphore, #tpu.memory_space<semaphore_mem>>)
        %dma_wait3A = arith.constant 0 : i32
        %dma_wait3A_130 = tpu.memref_slice %arg16[%mul3A_126, %dma_wait3A] : memref<10112x128xf32, #tpu.memory_space<vmem_shared>> -> memref<128x128xf32, #tpu.memory_space<vmem_shared>>
        %dma_wait3A_131 = arith.constant 0 : i32
        %dma_wait3A_132 = tpu.memref_slice %arg16[%mul3A_126, %dma_wait3A_131] : memref<10112x128xf32, #tpu.memory_space<vmem_shared>> -> memref<128x128xf32, #tpu.memory_space<vmem_shared>>
        tpu.wait_dma2 semaphore(%run_scoped3A : memref<!tpu.dma_semaphore, #tpu.memory_space<semaphore_mem>>) src(%arg15 : memref<128x128xf32, #tpu.memory_space<vmem>>) dst(%dma_wait3A_132 : memref<128x128xf32, #tpu.memory_space<vmem_shared>>)
        tpu.yield
      }) : () -> ()
    }
    "tpu.region"() ({
      %run_scoped3A = tpu.sem_alloc : memref<!tpu.dma_semaphore, #tpu.memory_space<semaphore_mem>>
      %dma_start3A = arith.constant 0 : i32
      %dma_start3A_121 = tpu.memref_slice %arg5[%add3A, %dma_start3A] : memref<32x128xi32, #tpu.memory_space<hbm>> -> memref<1x128xi32, #tpu.memory_space<hbm>>
      %dma_start3A_122 = tpu.memref_squeeze %dma_start3A_121 : memref<1x128xi32, #tpu.memory_space<hbm>> -> memref<128xi32, #tpu.memory_space<hbm>>
      %dma_start3A_123 = arith.constant 0 : i32
      %dma_start3A_124 = tpu.memref_slice %arg5[%add3A, %dma_start3A_123] : memref<32x128xi32, #tpu.memory_space<hbm>> -> memref<1x128xi32, #tpu.memory_space<hbm>>
      %dma_start3A_125 = tpu.memref_squeeze %dma_start3A_124 : memref<1x128xi32, #tpu.memory_space<hbm>> -> memref<128xi32, #tpu.memory_space<hbm>>
      tpu.enqueue_dma source(%dma_start3A_125 : memref<128xi32, #tpu.memory_space<hbm>>) target(%arg14 : memref<128xi32, #tpu.memory_space<vmem>>) target_semaphore(%run_scoped3A : memref<!tpu.dma_semaphore, #tpu.memory_space<semaphore_mem>>)
      %dma_wait3A = arith.constant 0 : i32
      %dma_wait3A_126 = tpu.memref_slice %arg5[%add3A, %dma_wait3A] : memref<32x128xi32, #tpu.memory_space<hbm>> -> memref<1x128xi32, #tpu.memory_space<hbm>>
      %dma_wait3A_127 = tpu.memref_squeeze %dma_wait3A_126 : memref<1x128xi32, #tpu.memory_space<hbm>> -> memref<128xi32, #tpu.memory_space<hbm>>
      %dma_wait3A_128 = arith.constant 0 : i32
      %dma_wait3A_129 = tpu.memref_slice %arg5[%add3A, %dma_wait3A_128] : memref<32x128xi32, #tpu.memory_space<hbm>> -> memref<1x128xi32, #tpu.memory_space<hbm>>
      %dma_wait3A_130 = tpu.memref_squeeze %dma_wait3A_129 : memref<1x128xi32, #tpu.memory_space<hbm>> -> memref<128xi32, #tpu.memory_space<hbm>>
      tpu.wait_dma2 semaphore(%run_scoped3A : memref<!tpu.dma_semaphore, #tpu.memory_space<semaphore_mem>>) src(%dma_wait3A_130 : memref<128xi32, #tpu.memory_space<hbm>>) dst(%arg14 : memref<128xi32, #tpu.memory_space<vmem>>)
      tpu.yield
    }) : () -> ()
    %barrier3A = arith.constant 0 : index
    tpu.barrier barrier_id(%barrier3A)
    %get3A = arith.constant 0 : index
    %get3A_32 = tpu.vector_load %arg14[%get3A] {strides = array<i32>} : memref<128xi32, #tpu.memory_space<vmem>>, vector<128xi32>,
    %get3A_33 = vector.shape_cast %get3A_32 : vector<128xi32> to vector<128xi32>
    %slice3A = vector.extract_strided_slice %get3A_33 {offsets = [0], sizes = [1], strides = [1]} : vector<128xi32> to vector<1xi32>
    %squeeze3A = vector.extract %slice3A[0] : i32 from vector<1xi32>
    %add3A_34 = arith.constant 128 : i32
    %add3A_35 = arith.addi %squeeze3A, %add3A_34 : i32
    %sub3A_36 = arith.constant 1 : i32
    %sub3A_37 = arith.subi %add3A_35, %sub3A_36 : i32
    %jit3A_38 = arith.constant 128 : i32
    %div3A_39 = arith.divsi %sub3A_37, %jit3A_38 : i32
    %sign3A_40 = arith.constant 0 : i32
    %sign3A_41 = arith.cmpi sgt, %sub3A_37, %sign3A_40 : i32
    %sign3A_42 = arith.extui %sign3A_41 : i1 to i32
    %sign3A_43 = arith.constant 0 : i32
    %sign3A_44 = arith.cmpi slt, %sub3A_37, %sign3A_43 : i32
    %sign3A_45 = arith.extui %sign3A_44 : i1 to i32
    %sign3A_46 = arith.subi %sign3A_42, %sign3A_45 : i32
    %sign3A_47 = arith.constant 0 : i32
    %sign3A_48 = arith.cmpi sgt, %jit3A_38, %sign3A_47 : i32
    %sign3A_49 = arith.extui %sign3A_48 : i1 to i32
    %sign3A_50 = arith.constant 0 : i32
    %sign3A_51 = arith.cmpi slt, %jit3A_38, %sign3A_50 : i32
    %sign3A_52 = arith.extui %sign3A_51 : i1 to i32
    %sign3A_53 = arith.subi %sign3A_49, %sign3A_52 : i32
    %ne3A_54 = arith.cmpi ne, %sign3A_46, %sign3A_53 : i32
    %rem3A_55 = arith.remsi %sub3A_37, %jit3A_38 : i32
    %ne3A_56 = arith.constant 0 : i32
    %ne3A_57 = arith.cmpi ne, %rem3A_55, %ne3A_56 : i32
    %and3A_58 = arith.andi %ne3A_54, %ne3A_57 : i1
    %sub3A_59 = arith.constant 1 : i32
    %sub3A_60 = arith.subi %div3A_39, %sub3A_59 : i32
    %select_n3A_61 = arith.select %and3A_58, %sub3A_60, %div3A_39 : i32
    %gt3A = arith.constant 0 : i32
    %gt3A_62 = arith.cmpi sgt, %select_n3A_61, %gt3A : i32
    %convert_element_type3A = arith.extui %gt3A_62 : i1 to i32
    %cond3A = arith.constant 0 : i32
    %cond3A_63 = arith.cmpi ne, %convert_element_type3A, %cond3A : i32
    scf.if %cond3A_63 {
      %dma_start3A = arith.constant 0 : i32
      %dma_start3A_121 = tpu.memref_slice %arg4[%add3A, %dma_start3A] : memref<32x10112xi32, #tpu.memory_space<hbm>> -> memref<1x128xi32, #tpu.memory_space<hbm>>
      %dma_start3A_122 = tpu.memref_squeeze %dma_start3A_121 : memref<1x128xi32, #tpu.memory_space<hbm>> -> memref<128xi32, #tpu.memory_space<hbm>>
      %dma_start3A_123 = arith.constant 0 : i32
      %dma_start3A_124 = tpu.memref_slice %arg4[%add3A, %dma_start3A_123] : memref<32x10112xi32, #tpu.memory_space<hbm>> -> memref<1x128xi32, #tpu.memory_space<hbm>>
      %dma_start3A_125 = tpu.memref_squeeze %dma_start3A_124 : memref<1x128xi32, #tpu.memory_space<hbm>> -> memref<128xi32, #tpu.memory_space<hbm>>
      tpu.enqueue_dma source(%dma_start3A_125 : memref<128xi32, #tpu.memory_space<hbm>>) target(%arg10 : memref<128xi32, #tpu.memory_space<vmem>>) target_semaphore(%arg21 : memref<!tpu.dma_semaphore, #tpu.memory_space<semaphore_mem>>)
      %dma_start3A_126 = arith.constant 0 : i32
      %dma_start3A_127 = tpu.memref_slice %arg3[%add3A, %dma_start3A_126] : memref<32x10112xi32, #tpu.memory_space<hbm>> -> memref<1x128xi32, #tpu.memory_space<hbm>>
      %dma_start3A_128 = tpu.memref_squeeze %dma_start3A_127 : memref<1x128xi32, #tpu.memory_space<hbm>> -> memref<128xi32, #tpu.memory_space<hbm>>
      %dma_start3A_129 = arith.constant 0 : i32
      %dma_start3A_130 = tpu.memref_slice %arg3[%add3A, %dma_start3A_129] : memref<32x10112xi32, #tpu.memory_space<hbm>> -> memref<1x128xi32, #tpu.memory_space<hbm>>
      %dma_start3A_131 = tpu.memref_squeeze %dma_start3A_130 : memref<1x128xi32, #tpu.memory_space<hbm>> -> memref<128xi32, #tpu.memory_space<hbm>>
      tpu.enqueue_dma source(%dma_start3A_131 : memref<128xi32, #tpu.memory_space<hbm>>) target(%arg8 : memref<128xi32, #tpu.memory_space<vmem>>) target_semaphore(%arg19 : memref<!tpu.dma_semaphore, #tpu.memory_space<semaphore_mem>>)
    } else {
    }
    %gt3A_64 = arith.constant 1 : i32
    %gt3A_65 = arith.cmpi sgt, %select_n3A_61, %gt3A_64 : i32
    %convert_element_type3A_66 = arith.extui %gt3A_65 : i1 to i32
    %cond3A_67 = arith.constant 0 : i32
    %cond3A_68 = arith.cmpi ne, %convert_element_type3A_66, %cond3A_67 : i32
    scf.if %cond3A_68 {
      %dma_start3A = arith.constant 128 : i32
      %dma_start3A_121 = tpu.memref_slice %arg4[%add3A, %dma_start3A] : memref<32x10112xi32, #tpu.memory_space<hbm>> -> memref<1x128xi32, #tpu.memory_space<hbm>>
      %dma_start3A_122 = tpu.memref_squeeze %dma_start3A_121 : memref<1x128xi32, #tpu.memory_space<hbm>> -> memref<128xi32, #tpu.memory_space<hbm>>
      %dma_start3A_123 = arith.constant 128 : i32
      %dma_start3A_124 = tpu.memref_slice %arg4[%add3A, %dma_start3A_123] : memref<32x10112xi32, #tpu.memory_space<hbm>> -> memref<1x128xi32, #tpu.memory_space<hbm>>
      %dma_start3A_125 = tpu.memref_squeeze %dma_start3A_124 : memref<1x128xi32, #tpu.memory_space<hbm>> -> memref<128xi32, #tpu.memory_space<hbm>>
      tpu.enqueue_dma source(%dma_start3A_125 : memref<128xi32, #tpu.memory_space<hbm>>) target(%arg11 : memref<128xi32, #tpu.memory_space<vmem>>) target_semaphore(%arg22 : memref<!tpu.dma_semaphore, #tpu.memory_space<semaphore_mem>>)
      %dma_start3A_126 = arith.constant 128 : i32
      %dma_start3A_127 = tpu.memref_slice %arg3[%add3A, %dma_start3A_126] : memref<32x10112xi32, #tpu.memory_space<hbm>> -> memref<1x128xi32, #tpu.memory_space<hbm>>
      %dma_start3A_128 = tpu.memref_squeeze %dma_start3A_127 : memref<1x128xi32, #tpu.memory_space<hbm>> -> memref<128xi32, #tpu.memory_space<hbm>>
      %dma_start3A_129 = arith.constant 128 : i32
      %dma_start3A_130 = tpu.memref_slice %arg3[%add3A, %dma_start3A_129] : memref<32x10112xi32, #tpu.memory_space<hbm>> -> memref<1x128xi32, #tpu.memory_space<hbm>>
      %dma_start3A_131 = tpu.memref_squeeze %dma_start3A_130 : memref<1x128xi32, #tpu.memory_space<hbm>> -> memref<128xi32, #tpu.memory_space<hbm>>
      tpu.enqueue_dma source(%dma_start3A_131 : memref<128xi32, #tpu.memory_space<hbm>>) target(%arg9 : memref<128xi32, #tpu.memory_space<vmem>>) target_semaphore(%arg20 : memref<!tpu.dma_semaphore, #tpu.memory_space<semaphore_mem>>)
    } else {
    }
    %gt3A_69 = arith.constant 0 : i32
    %gt3A_70 = arith.cmpi sgt, %select_n3A_61, %gt3A_69 : i32
    %convert_element_type3A_71 = arith.extui %gt3A_70 : i1 to i32
    %cond3A_72 = arith.constant 0 : i32
    %cond3A_73 = arith.cmpi ne, %convert_element_type3A_71, %cond3A_72 : i32
    scf.if %cond3A_73 {
      %dma_wait3A = arith.constant 0 : i32
      %dma_wait3A_121 = tpu.memref_slice %arg3[%add3A, %dma_wait3A] : memref<32x10112xi32, #tpu.memory_space<hbm>> -> memref<1x128xi32, #tpu.memory_space<hbm>>
      %dma_wait3A_122 = tpu.memref_squeeze %dma_wait3A_121 : memref<1x128xi32, #tpu.memory_space<hbm>> -> memref<128xi32, #tpu.memory_space<hbm>>
      %dma_wait3A_123 = arith.constant 0 : i32
      %dma_wait3A_124 = tpu.memref_slice %arg3[%add3A, %dma_wait3A_123] : memref<32x10112xi32, #tpu.memory_space<hbm>> -> memref<1x128xi32, #tpu.memory_space<hbm>>
      %dma_wait3A_125 = tpu.memref_squeeze %dma_wait3A_124 : memref<1x128xi32, #tpu.memory_space<hbm>> -> memref<128xi32, #tpu.memory_space<hbm>>
      tpu.wait_dma2 semaphore(%arg19 : memref<!tpu.dma_semaphore, #tpu.memory_space<semaphore_mem>>) src(%dma_wait3A_125 : memref<128xi32, #tpu.memory_space<hbm>>) dst(%arg8 : memref<128xi32, #tpu.memory_space<vmem>>)
      %dma_start3A = arith.constant 0 : i32
      %dma_start3A_126 = arith.constant 0 : i32
      %dma_start3A_127 = tpu.memref_slice %arg2[%dma_start3A, %dma_start3A_126] : memref<10000x128xf32, #tpu.memory_space<hbm>> -> memref<10000x128xf32, #tpu.memory_space<hbm>>
      tpu.enqueue_indirect_dma source(%dma_start3A_127 : memref<10000x128xf32, #tpu.memory_space<hbm>>) target(%arg12 : memref<128x128xf32, #tpu.memory_space<vmem>>) offsets(%arg8 : memref<128xi32, #tpu.memory_space<vmem>>) semaphore(%arg17 : memref<!tpu.dma_semaphore, #tpu.memory_space<semaphore_mem>>)
    } else {
    }
    %add3A_74 = arith.constant 1 : i32
    %add3A_75 = arith.addi %select_n3A_61, %add3A_74 : i32
    %jit3A_76 = arith.constant 2 : i32
    %div3A_77 = arith.divsi %add3A_75, %jit3A_76 : i32
    %sign3A_78 = arith.constant 0 : i32
    %sign3A_79 = arith.cmpi sgt, %add3A_75, %sign3A_78 : i32
    %sign3A_80 = arith.extui %sign3A_79 : i1 to i32
    %sign3A_81 = arith.constant 0 : i32
    %sign3A_82 = arith.cmpi slt, %add3A_75, %sign3A_81 : i32
    %sign3A_83 = arith.extui %sign3A_82 : i1 to i32
    %sign3A_84 = arith.subi %sign3A_80, %sign3A_83 : i32
    %sign3A_85 = arith.constant 0 : i32
    %sign3A_86 = arith.cmpi sgt, %jit3A_76, %sign3A_85 : i32
    %sign3A_87 = arith.extui %sign3A_86 : i1 to i32
    %sign3A_88 = arith.constant 0 : i32
    %sign3A_89 = arith.cmpi slt, %jit3A_76, %sign3A_88 : i32
    %sign3A_90 = arith.extui %sign3A_89 : i1 to i32
    %sign3A_91 = arith.subi %sign3A_87, %sign3A_90 : i32
    %ne3A_92 = arith.cmpi ne, %sign3A_84, %sign3A_91 : i32
    %rem3A_93 = arith.remsi %add3A_75, %jit3A_76 : i32
    %ne3A_94 = arith.constant 0 : i32
    %ne3A_95 = arith.cmpi ne, %rem3A_93, %ne3A_94 : i32
    %and3A_96 = arith.andi %ne3A_92, %ne3A_95 : i1
    %sub3A_97 = arith.constant 1 : i32
    %sub3A_98 = arith.subi %div3A_77, %sub3A_97 : i32
    %select_n3A_99 = arith.select %and3A_96, %sub3A_98, %div3A_77 : i32
    %while3A_100 = arith.constant 0 : i32
    %while3A_101 = arith.constant 0 : i32
    %while3A_102 = arith.subi %select_n3A_99, %while3A_101 : i32
    %while3A_103 = arith.addi %while3A_101, %while3A_102 : i32
    %while3A_104 = arith.constant 1 : i32
    %while3A_105 = arith.divsi %while3A_102, %while3A_104 : i32
    %while3A_106 = arith.muli %while3A_105, %while3A_104 : i32
    %while3A_107 = arith.addi %while3A_101, %while3A_106 : i32
    %while3A_108 = arith.constant 1 : i32
    scf.for %while3A_121 = %while3A_101 to %while3A_107 step %while3A_108  : i32 {
      %mul3A_122 = arith.constant 2 : i32
      %mul3A_123 = arith.muli %mul3A_122, %while3A_121 : i32
      %add3A_124 = arith.constant 0 : i32
      %add3A_125 = arith.addi %mul3A_123, %add3A_124 : i32
      %lt3A = arith.cmpi slt, %add3A_125, %select_n3A_61 : i32
      %convert_element_type3A_126 = arith.extui %lt3A : i1 to i32
      %cond3A_127 = arith.constant 0 : i32
      %cond3A_128 = arith.cmpi ne, %convert_element_type3A_126, %cond3A_127 : i32
      scf.if %cond3A_128 {
        %add3A_137 = arith.constant 1 : i32
        %add3A_138 = arith.addi %add3A_125, %add3A_137 : i32
        %lt3A_139 = arith.cmpi slt, %add3A_138, %select_n3A_61 : i32
        %convert_element_type3A_140 = arith.extui %lt3A_139 : i1 to i32
        %cond3A_141 = arith.constant 0 : i32
        %cond3A_142 = arith.cmpi ne, %convert_element_type3A_140, %cond3A_141 : i32
        scf.if %cond3A_142 {
          %add3A_157 = arith.constant 1 : i32
          %add3A_158 = arith.addi %add3A_125, %add3A_157 : i32
          %mul3A_159 = arith.constant 128 : i32
          %mul3A_160 = arith.muli %add3A_158, %mul3A_159 : i32
          %dma_wait3A_161 = tpu.memref_slice %arg3[%add3A, %mul3A_160] : memref<32x10112xi32, #tpu.memory_space<hbm>> -> memref<1x128xi32, #tpu.memory_space<hbm>>
          %dma_wait3A_162 = tpu.memref_squeeze %dma_wait3A_161 : memref<1x128xi32, #tpu.memory_space<hbm>> -> memref<128xi32, #tpu.memory_space<hbm>>
          %dma_wait3A_163 = tpu.memref_slice %arg3[%add3A, %mul3A_160] : memref<32x10112xi32, #tpu.memory_space<hbm>> -> memref<1x128xi32, #tpu.memory_space<hbm>>
          %dma_wait3A_164 = tpu.memref_squeeze %dma_wait3A_163 : memref<1x128xi32, #tpu.memory_space<hbm>> -> memref<128xi32, #tpu.memory_space<hbm>>
          tpu.wait_dma2 semaphore(%arg20 : memref<!tpu.dma_semaphore, #tpu.memory_space<semaphore_mem>>) src(%dma_wait3A_164 : memref<128xi32, #tpu.memory_space<hbm>>) dst(%arg9 : memref<128xi32, #tpu.memory_space<vmem>>)
          %dma_start3A = arith.constant 0 : i32
          %dma_start3A_165 = arith.constant 0 : i32
          %dma_start3A_166 = tpu.memref_slice %arg2[%dma_start3A, %dma_start3A_165] : memref<10000x128xf32, #tpu.memory_space<hbm>> -> memref<10000x128xf32, #tpu.memory_space<hbm>>
          tpu.enqueue_indirect_dma source(%dma_start3A_166 : memref<10000x128xf32, #tpu.memory_space<hbm>>) target(%arg13 : memref<128x128xf32, #tpu.memory_space<vmem>>) offsets(%arg9 : memref<128xi32, #tpu.memory_space<vmem>>) semaphore(%arg18 : memref<!tpu.dma_semaphore, #tpu.memory_space<semaphore_mem>>)
        } else {
        }
        %dma_wait3A = arith.constant 0 : i32
        %dma_wait3A_143 = arith.constant 0 : i32
        %dma_wait3A_144 = tpu.memref_slice %arg2[%dma_wait3A, %dma_wait3A_143] : memref<10000x128xf32, #tpu.memory_space<hbm>> -> memref<10000x128xf32, #tpu.memory_space<hbm>>
        tpu.wait_indirect_dma semaphore(%arg17 : memref<!tpu.dma_semaphore, #tpu.memory_space<semaphore_mem>>) src(%dma_wait3A_144 : memref<10000x128xf32, #tpu.memory_space<hbm>>) dst(%arg12 : memref<128x128xf32, #tpu.memory_space<vmem>>)
        %mul3A_145 = arith.constant 128 : i32
        %mul3A_146 = arith.muli %add3A_125, %mul3A_145 : i32
        %dma_wait3A_147 = tpu.memref_slice %arg4[%add3A, %mul3A_146] : memref<32x10112xi32, #tpu.memory_space<hbm>> -> memref<1x128xi32, #tpu.memory_space<hbm>>
        %dma_wait3A_148 = tpu.memref_squeeze %dma_wait3A_147 : memref<1x128xi32, #tpu.memory_space<hbm>> -> memref<128xi32, #tpu.memory_space<hbm>>
        %dma_wait3A_149 = tpu.memref_slice %arg4[%add3A, %mul3A_146] : memref<32x10112xi32, #tpu.memory_space<hbm>> -> memref<1x128xi32, #tpu.memory_space<hbm>>
        %dma_wait3A_150 = tpu.memref_squeeze %dma_wait3A_149 : memref<1x128xi32, #tpu.memory_space<hbm>> -> memref<128xi32, #tpu.memory_space<hbm>>
        tpu.wait_dma2 semaphore(%arg21 : memref<!tpu.dma_semaphore, #tpu.memory_space<semaphore_mem>>) src(%dma_wait3A_150 : memref<128xi32, #tpu.memory_space<hbm>>) dst(%arg10 : memref<128xi32, #tpu.memory_space<vmem>>)
        "tpu.region"() ({
          %run_scoped3A = tpu.sem_alloc : memref<!tpu.dma_semaphore, #tpu.memory_space<semaphore_mem>>
          %dma_start3A = arith.constant 0 : i32
          %dma_start3A_157 = arith.constant 0 : i32
          %dma_start3A_158 = tpu.memref_slice %arg16[%dma_start3A, %dma_start3A_157] : memref<10112x128xf32, #tpu.memory_space<vmem_shared>> -> memref<10112x128xf32, #tpu.memory_space<vmem_shared>>
          tpu.enqueue_indirect_dma source(%arg12 : memref<128x128xf32, #tpu.memory_space<vmem>>) target(%dma_start3A_158 : memref<10112x128xf32, #tpu.memory_space<vmem_shared>>) offsets(%arg10 : memref<128xi32, #tpu.memory_space<vmem>>) semaphore(%run_scoped3A : memref<!tpu.dma_semaphore, #tpu.memory_space<semaphore_mem>>) {add = true}
          %dma_wait3A_159 = arith.constant 0 : i32
          %dma_wait3A_160 = arith.constant 0 : i32
          %dma_wait3A_161 = tpu.memref_slice %arg16[%dma_wait3A_159, %dma_wait3A_160] : memref<10112x128xf32, #tpu.memory_space<vmem_shared>> -> memref<10112x128xf32, #tpu.memory_space<vmem_shared>>
          tpu.wait_indirect_dma semaphore(%run_scoped3A : memref<!tpu.dma_semaphore, #tpu.memory_space<semaphore_mem>>) src(%arg12 : memref<128x128xf32, #tpu.memory_space<vmem>>) dst(%dma_wait3A_161 : memref<10112x128xf32, #tpu.memory_space<vmem_shared>>)
          tpu.yield
        }) : () -> ()
        %add3A_151 = arith.constant 2 : i32
        %add3A_152 = arith.addi %add3A_125, %add3A_151 : i32
        %lt3A_153 = arith.cmpi slt, %add3A_152, %select_n3A_61 : i32
        %convert_element_type3A_154 = arith.extui %lt3A_153 : i1 to i32
        %cond3A_155 = arith.constant 0 : i32
        %cond3A_156 = arith.cmpi ne, %convert_element_type3A_154, %cond3A_155 : i32
        scf.if %cond3A_156 {
          %add3A_157 = arith.constant 2 : i32
          %add3A_158 = arith.addi %add3A_125, %add3A_157 : i32
          %mul3A_159 = arith.constant 128 : i32
          %mul3A_160 = arith.muli %add3A_158, %mul3A_159 : i32
          %dma_start3A = tpu.memref_slice %arg4[%add3A, %mul3A_160] : memref<32x10112xi32, #tpu.memory_space<hbm>> -> memref<1x128xi32, #tpu.memory_space<hbm>>
          %dma_start3A_161 = tpu.memref_squeeze %dma_start3A : memref<1x128xi32, #tpu.memory_space<hbm>> -> memref<128xi32, #tpu.memory_space<hbm>>
          %dma_start3A_162 = tpu.memref_slice %arg4[%add3A, %mul3A_160] : memref<32x10112xi32, #tpu.memory_space<hbm>> -> memref<1x128xi32, #tpu.memory_space<hbm>>
          %dma_start3A_163 = tpu.memref_squeeze %dma_start3A_162 : memref<1x128xi32, #tpu.memory_space<hbm>> -> memref<128xi32, #tpu.memory_space<hbm>>
          tpu.enqueue_dma source(%dma_start3A_163 : memref<128xi32, #tpu.memory_space<hbm>>) target(%arg10 : memref<128xi32, #tpu.memory_space<vmem>>) target_semaphore(%arg21 : memref<!tpu.dma_semaphore, #tpu.memory_space<semaphore_mem>>)
          %add3A_164 = arith.constant 2 : i32
          %add3A_165 = arith.addi %add3A_125, %add3A_164 : i32
          %mul3A_166 = arith.constant 128 : i32
          %mul3A_167 = arith.muli %add3A_165, %mul3A_166 : i32
          %dma_start3A_168 = tpu.memref_slice %arg3[%add3A, %mul3A_167] : memref<32x10112xi32, #tpu.memory_space<hbm>> -> memref<1x128xi32, #tpu.memory_space<hbm>>
          %dma_start3A_169 = tpu.memref_squeeze %dma_start3A_168 : memref<1x128xi32, #tpu.memory_space<hbm>> -> memref<128xi32, #tpu.memory_space<hbm>>
          %dma_start3A_170 = tpu.memref_slice %arg3[%add3A, %mul3A_167] : memref<32x10112xi32, #tpu.memory_space<hbm>> -> memref<1x128xi32, #tpu.memory_space<hbm>>
          %dma_start3A_171 = tpu.memref_squeeze %dma_start3A_170 : memref<1x128xi32, #tpu.memory_space<hbm>> -> memref<128xi32, #tpu.memory_space<hbm>>
          tpu.enqueue_dma source(%dma_start3A_171 : memref<128xi32, #tpu.memory_space<hbm>>) target(%arg8 : memref<128xi32, #tpu.memory_space<vmem>>) target_semaphore(%arg19 : memref<!tpu.dma_semaphore, #tpu.memory_space<semaphore_mem>>)
        } else {
        }
      } else {
      }
      %mul3A_129 = arith.constant 2 : i32
      %mul3A_130 = arith.muli %mul3A_129, %while3A_121 : i32
      %add3A_131 = arith.constant 1 : i32
      %add3A_132 = arith.addi %mul3A_130, %add3A_131 : i32
      %lt3A_133 = arith.cmpi slt, %add3A_132, %select_n3A_61 : i32
      %convert_element_type3A_134 = arith.extui %lt3A_133 : i1 to i32
      %cond3A_135 = arith.constant 0 : i32
      %cond3A_136 = arith.cmpi ne, %convert_element_type3A_134, %cond3A_135 : i32
      scf.if %cond3A_136 {
        %add3A_137 = arith.constant 1 : i32
        %add3A_138 = arith.addi %add3A_132, %add3A_137 : i32
        %lt3A_139 = arith.cmpi slt, %add3A_138, %select_n3A_61 : i32
        %convert_element_type3A_140 = arith.extui %lt3A_139 : i1 to i32
        %cond3A_141 = arith.constant 0 : i32
        %cond3A_142 = arith.cmpi ne, %convert_element_type3A_140, %cond3A_141 : i32
        scf.if %cond3A_142 {
          %add3A_157 = arith.constant 1 : i32
          %add3A_158 = arith.addi %add3A_132, %add3A_157 : i32
          %mul3A_159 = arith.constant 128 : i32
          %mul3A_160 = arith.muli %add3A_158, %mul3A_159 : i32
          %dma_wait3A_161 = tpu.memref_slice %arg3[%add3A, %mul3A_160] : memref<32x10112xi32, #tpu.memory_space<hbm>> -> memref<1x128xi32, #tpu.memory_space<hbm>>
          %dma_wait3A_162 = tpu.memref_squeeze %dma_wait3A_161 : memref<1x128xi32, #tpu.memory_space<hbm>> -> memref<128xi32, #tpu.memory_space<hbm>>
          %dma_wait3A_163 = tpu.memref_slice %arg3[%add3A, %mul3A_160] : memref<32x10112xi32, #tpu.memory_space<hbm>> -> memref<1x128xi32, #tpu.memory_space<hbm>>
          %dma_wait3A_164 = tpu.memref_squeeze %dma_wait3A_163 : memref<1x128xi32, #tpu.memory_space<hbm>> -> memref<128xi32, #tpu.memory_space<hbm>>
          tpu.wait_dma2 semaphore(%arg19 : memref<!tpu.dma_semaphore, #tpu.memory_space<semaphore_mem>>) src(%dma_wait3A_164 : memref<128xi32, #tpu.memory_space<hbm>>) dst(%arg8 : memref<128xi32, #tpu.memory_space<vmem>>)
          %dma_start3A = arith.constant 0 : i32
          %dma_start3A_165 = arith.constant 0 : i32
          %dma_start3A_166 = tpu.memref_slice %arg2[%dma_start3A, %dma_start3A_165] : memref<10000x128xf32, #tpu.memory_space<hbm>> -> memref<10000x128xf32, #tpu.memory_space<hbm>>
          tpu.enqueue_indirect_dma source(%dma_start3A_166 : memref<10000x128xf32, #tpu.memory_space<hbm>>) target(%arg12 : memref<128x128xf32, #tpu.memory_space<vmem>>) offsets(%arg8 : memref<128xi32, #tpu.memory_space<vmem>>) semaphore(%arg17 : memref<!tpu.dma_semaphore, #tpu.memory_space<semaphore_mem>>)
        } else {
        }
        %dma_wait3A = arith.constant 0 : i32
        %dma_wait3A_143 = arith.constant 0 : i32
        %dma_wait3A_144 = tpu.memref_slice %arg2[%dma_wait3A, %dma_wait3A_143] : memref<10000x128xf32, #tpu.memory_space<hbm>> -> memref<10000x128xf32, #tpu.memory_space<hbm>>
        tpu.wait_indirect_dma semaphore(%arg18 : memref<!tpu.dma_semaphore, #tpu.memory_space<semaphore_mem>>) src(%dma_wait3A_144 : memref<10000x128xf32, #tpu.memory_space<hbm>>) dst(%arg13 : memref<128x128xf32, #tpu.memory_space<vmem>>)
        %mul3A_145 = arith.constant 128 : i32
        %mul3A_146 = arith.muli %add3A_132, %mul3A_145 : i32
        %dma_wait3A_147 = tpu.memref_slice %arg4[%add3A, %mul3A_146] : memref<32x10112xi32, #tpu.memory_space<hbm>> -> memref<1x128xi32, #tpu.memory_space<hbm>>
        %dma_wait3A_148 = tpu.memref_squeeze %dma_wait3A_147 : memref<1x128xi32, #tpu.memory_space<hbm>> -> memref<128xi32, #tpu.memory_space<hbm>>
        %dma_wait3A_149 = tpu.memref_slice %arg4[%add3A, %mul3A_146] : memref<32x10112xi32, #tpu.memory_space<hbm>> -> memref<1x128xi32, #tpu.memory_space<hbm>>
        %dma_wait3A_150 = tpu.memref_squeeze %dma_wait3A_149 : memref<1x128xi32, #tpu.memory_space<hbm>> -> memref<128xi32, #tpu.memory_space<hbm>>
        tpu.wait_dma2 semaphore(%arg22 : memref<!tpu.dma_semaphore, #tpu.memory_space<semaphore_mem>>) src(%dma_wait3A_150 : memref<128xi32, #tpu.memory_space<hbm>>) dst(%arg11 : memref<128xi32, #tpu.memory_space<vmem>>)
        "tpu.region"() ({
          %run_scoped3A = tpu.sem_alloc : memref<!tpu.dma_semaphore, #tpu.memory_space<semaphore_mem>>
          %dma_start3A = arith.constant 0 : i32
          %dma_start3A_157 = arith.constant 0 : i32
          %dma_start3A_158 = tpu.memref_slice %arg16[%dma_start3A, %dma_start3A_157] : memref<10112x128xf32, #tpu.memory_space<vmem_shared>> -> memref<10112x128xf32, #tpu.memory_space<vmem_shared>>
          tpu.enqueue_indirect_dma source(%arg13 : memref<128x128xf32, #tpu.memory_space<vmem>>) target(%dma_start3A_158 : memref<10112x128xf32, #tpu.memory_space<vmem_shared>>) offsets(%arg11 : memref<128xi32, #tpu.memory_space<vmem>>) semaphore(%run_scoped3A : memref<!tpu.dma_semaphore, #tpu.memory_space<semaphore_mem>>) {add = true}
          %dma_wait3A_159 = arith.constant 0 : i32
          %dma_wait3A_160 = arith.constant 0 : i32
          %dma_wait3A_161 = tpu.memref_slice %arg16[%dma_wait3A_159, %dma_wait3A_160] : memref<10112x128xf32, #tpu.memory_space<vmem_shared>> -> memref<10112x128xf32, #tpu.memory_space<vmem_shared>>
          tpu.wait_indirect_dma semaphore(%run_scoped3A : memref<!tpu.dma_semaphore, #tpu.memory_space<semaphore_mem>>) src(%arg13 : memref<128x128xf32, #tpu.memory_space<vmem>>) dst(%dma_wait3A_161 : memref<10112x128xf32, #tpu.memory_space<vmem_shared>>)
          tpu.yield
        }) : () -> ()
        %add3A_151 = arith.constant 2 : i32
        %add3A_152 = arith.addi %add3A_132, %add3A_151 : i32
        %lt3A_153 = arith.cmpi slt, %add3A_152, %select_n3A_61 : i32
        %convert_element_type3A_154 = arith.extui %lt3A_153 : i1 to i32
        %cond3A_155 = arith.constant 0 : i32
        %cond3A_156 = arith.cmpi ne, %convert_element_type3A_154, %cond3A_155 : i32
        scf.if %cond3A_156 {
          %add3A_157 = arith.constant 2 : i32
          %add3A_158 = arith.addi %add3A_132, %add3A_157 : i32
          %mul3A_159 = arith.constant 128 : i32
          %mul3A_160 = arith.muli %add3A_158, %mul3A_159 : i32
          %dma_start3A = tpu.memref_slice %arg4[%add3A, %mul3A_160] : memref<32x10112xi32, #tpu.memory_space<hbm>> -> memref<1x128xi32, #tpu.memory_space<hbm>>
          %dma_start3A_161 = tpu.memref_squeeze %dma_start3A : memref<1x128xi32, #tpu.memory_space<hbm>> -> memref<128xi32, #tpu.memory_space<hbm>>
          %dma_start3A_162 = tpu.memref_slice %arg4[%add3A, %mul3A_160] : memref<32x10112xi32, #tpu.memory_space<hbm>> -> memref<1x128xi32, #tpu.memory_space<hbm>>
          %dma_start3A_163 = tpu.memref_squeeze %dma_start3A_162 : memref<1x128xi32, #tpu.memory_space<hbm>> -> memref<128xi32, #tpu.memory_space<hbm>>
          tpu.enqueue_dma source(%dma_start3A_163 : memref<128xi32, #tpu.memory_space<hbm>>) target(%arg11 : memref<128xi32, #tpu.memory_space<vmem>>) target_semaphore(%arg22 : memref<!tpu.dma_semaphore, #tpu.memory_space<semaphore_mem>>)
          %add3A_164 = arith.constant 2 : i32
          %add3A_165 = arith.addi %add3A_132, %add3A_164 : i32
          %mul3A_166 = arith.constant 128 : i32
          %mul3A_167 = arith.muli %add3A_165, %mul3A_166 : i32
          %dma_start3A_168 = tpu.memref_slice %arg3[%add3A, %mul3A_167] : memref<32x10112xi32, #tpu.memory_space<hbm>> -> memref<1x128xi32, #tpu.memory_space<hbm>>
          %dma_start3A_169 = tpu.memref_squeeze %dma_start3A_168 : memref<1x128xi32, #tpu.memory_space<hbm>> -> memref<128xi32, #tpu.memory_space<hbm>>
          %dma_start3A_170 = tpu.memref_slice %arg3[%add3A, %mul3A_167] : memref<32x10112xi32, #tpu.memory_space<hbm>> -> memref<1x128xi32, #tpu.memory_space<hbm>>
          %dma_start3A_171 = tpu.memref_squeeze %dma_start3A_170 : memref<1x128xi32, #tpu.memory_space<hbm>> -> memref<128xi32, #tpu.memory_space<hbm>>
          tpu.enqueue_dma source(%dma_start3A_171 : memref<128xi32, #tpu.memory_space<hbm>>) target(%arg9 : memref<128xi32, #tpu.memory_space<vmem>>) target_semaphore(%arg20 : memref<!tpu.dma_semaphore, #tpu.memory_space<semaphore_mem>>)
        } else {
        }
      } else {
      }
    }
    %while3A_109 = arith.constant 1 : i32
    scf.for %while3A_121 = %while3A_107 to %while3A_103 step %while3A_109  : i32 {
      %mul3A_122 = arith.constant 2 : i32
      %mul3A_123 = arith.muli %mul3A_122, %while3A_121 : i32
      %add3A_124 = arith.constant 0 : i32
      %add3A_125 = arith.addi %mul3A_123, %add3A_124 : i32
      %lt3A = arith.cmpi slt, %add3A_125, %select_n3A_61 : i32
      %convert_element_type3A_126 = arith.extui %lt3A : i1 to i32
      %cond3A_127 = arith.constant 0 : i32
      %cond3A_128 = arith.cmpi ne, %convert_element_type3A_126, %cond3A_127 : i32
      scf.if %cond3A_128 {
        %add3A_137 = arith.constant 1 : i32
        %add3A_138 = arith.addi %add3A_125, %add3A_137 : i32
        %lt3A_139 = arith.cmpi slt, %add3A_138, %select_n3A_61 : i32
        %convert_element_type3A_140 = arith.extui %lt3A_139 : i1 to i32
        %cond3A_141 = arith.constant 0 : i32
        %cond3A_142 = arith.cmpi ne, %convert_element_type3A_140, %cond3A_141 : i32
        scf.if %cond3A_142 {
          %add3A_157 = arith.constant 1 : i32
          %add3A_158 = arith.addi %add3A_125, %add3A_157 : i32
          %mul3A_159 = arith.constant 128 : i32
          %mul3A_160 = arith.muli %add3A_158, %mul3A_159 : i32
          %dma_wait3A_161 = tpu.memref_slice %arg3[%add3A, %mul3A_160] : memref<32x10112xi32, #tpu.memory_space<hbm>> -> memref<1x128xi32, #tpu.memory_space<hbm>>
          %dma_wait3A_162 = tpu.memref_squeeze %dma_wait3A_161 : memref<1x128xi32, #tpu.memory_space<hbm>> -> memref<128xi32, #tpu.memory_space<hbm>>
          %dma_wait3A_163 = tpu.memref_slice %arg3[%add3A, %mul3A_160] : memref<32x10112xi32, #tpu.memory_space<hbm>> -> memref<1x128xi32, #tpu.memory_space<hbm>>
          %dma_wait3A_164 = tpu.memref_squeeze %dma_wait3A_163 : memref<1x128xi32, #tpu.memory_space<hbm>> -> memref<128xi32, #tpu.memory_space<hbm>>
          tpu.wait_dma2 semaphore(%arg20 : memref<!tpu.dma_semaphore, #tpu.memory_space<semaphore_mem>>) src(%dma_wait3A_164 : memref<128xi32, #tpu.memory_space<hbm>>) dst(%arg9 : memref<128xi32, #tpu.memory_space<vmem>>)
          %dma_start3A = arith.constant 0 : i32
          %dma_start3A_165 = arith.constant 0 : i32
          %dma_start3A_166 = tpu.memref_slice %arg2[%dma_start3A, %dma_start3A_165] : memref<10000x128xf32, #tpu.memory_space<hbm>> -> memref<10000x128xf32, #tpu.memory_space<hbm>>
          tpu.enqueue_indirect_dma source(%dma_start3A_166 : memref<10000x128xf32, #tpu.memory_space<hbm>>) target(%arg13 : memref<128x128xf32, #tpu.memory_space<vmem>>) offsets(%arg9 : memref<128xi32, #tpu.memory_space<vmem>>) semaphore(%arg18 : memref<!tpu.dma_semaphore, #tpu.memory_space<semaphore_mem>>)
        } else {
        }
        %dma_wait3A = arith.constant 0 : i32
        %dma_wait3A_143 = arith.constant 0 : i32
        %dma_wait3A_144 = tpu.memref_slice %arg2[%dma_wait3A, %dma_wait3A_143] : memref<10000x128xf32, #tpu.memory_space<hbm>> -> memref<10000x128xf32, #tpu.memory_space<hbm>>
        tpu.wait_indirect_dma semaphore(%arg17 : memref<!tpu.dma_semaphore, #tpu.memory_space<semaphore_mem>>) src(%dma_wait3A_144 : memref<10000x128xf32, #tpu.memory_space<hbm>>) dst(%arg12 : memref<128x128xf32, #tpu.memory_space<vmem>>)
        %mul3A_145 = arith.constant 128 : i32
        %mul3A_146 = arith.muli %add3A_125, %mul3A_145 : i32
        %dma_wait3A_147 = tpu.memref_slice %arg4[%add3A, %mul3A_146] : memref<32x10112xi32, #tpu.memory_space<hbm>> -> memref<1x128xi32, #tpu.memory_space<hbm>>
        %dma_wait3A_148 = tpu.memref_squeeze %dma_wait3A_147 : memref<1x128xi32, #tpu.memory_space<hbm>> -> memref<128xi32, #tpu.memory_space<hbm>>
        %dma_wait3A_149 = tpu.memref_slice %arg4[%add3A, %mul3A_146] : memref<32x10112xi32, #tpu.memory_space<hbm>> -> memref<1x128xi32, #tpu.memory_space<hbm>>
        %dma_wait3A_150 = tpu.memref_squeeze %dma_wait3A_149 : memref<1x128xi32, #tpu.memory_space<hbm>> -> memref<128xi32, #tpu.memory_space<hbm>>
        tpu.wait_dma2 semaphore(%arg21 : memref<!tpu.dma_semaphore, #tpu.memory_space<semaphore_mem>>) src(%dma_wait3A_150 : memref<128xi32, #tpu.memory_space<hbm>>) dst(%arg10 : memref<128xi32, #tpu.memory_space<vmem>>)
        "tpu.region"() ({
          %run_scoped3A = tpu.sem_alloc : memref<!tpu.dma_semaphore, #tpu.memory_space<semaphore_mem>>
          %dma_start3A = arith.constant 0 : i32
          %dma_start3A_157 = arith.constant 0 : i32
          %dma_start3A_158 = tpu.memref_slice %arg16[%dma_start3A, %dma_start3A_157] : memref<10112x128xf32, #tpu.memory_space<vmem_shared>> -> memref<10112x128xf32, #tpu.memory_space<vmem_shared>>
          tpu.enqueue_indirect_dma source(%arg12 : memref<128x128xf32, #tpu.memory_space<vmem>>) target(%dma_start3A_158 : memref<10112x128xf32, #tpu.memory_space<vmem_shared>>) offsets(%arg10 : memref<128xi32, #tpu.memory_space<vmem>>) semaphore(%run_scoped3A : memref<!tpu.dma_semaphore, #tpu.memory_space<semaphore_mem>>) {add = true}
          %dma_wait3A_159 = arith.constant 0 : i32
          %dma_wait3A_160 = arith.constant 0 : i32
          %dma_wait3A_161 = tpu.memref_slice %arg16[%dma_wait3A_159, %dma_wait3A_160] : memref<10112x128xf32, #tpu.memory_space<vmem_shared>> -> memref<10112x128xf32, #tpu.memory_space<vmem_shared>>
          tpu.wait_indirect_dma semaphore(%run_scoped3A : memref<!tpu.dma_semaphore, #tpu.memory_space<semaphore_mem>>) src(%arg12 : memref<128x128xf32, #tpu.memory_space<vmem>>) dst(%dma_wait3A_161 : memref<10112x128xf32, #tpu.memory_space<vmem_shared>>)
          tpu.yield
        }) : () -> ()
        %add3A_151 = arith.constant 2 : i32
        %add3A_152 = arith.addi %add3A_125, %add3A_151 : i32
        %lt3A_153 = arith.cmpi slt, %add3A_152, %select_n3A_61 : i32
        %convert_element_type3A_154 = arith.extui %lt3A_153 : i1 to i32
        %cond3A_155 = arith.constant 0 : i32
        %cond3A_156 = arith.cmpi ne, %convert_element_type3A_154, %cond3A_155 : i32
        scf.if %cond3A_156 {
          %add3A_157 = arith.constant 2 : i32
          %add3A_158 = arith.addi %add3A_125, %add3A_157 : i32
          %mul3A_159 = arith.constant 128 : i32
          %mul3A_160 = arith.muli %add3A_158, %mul3A_159 : i32
          %dma_start3A = tpu.memref_slice %arg4[%add3A, %mul3A_160] : memref<32x10112xi32, #tpu.memory_space<hbm>> -> memref<1x128xi32, #tpu.memory_space<hbm>>
          %dma_start3A_161 = tpu.memref_squeeze %dma_start3A : memref<1x128xi32, #tpu.memory_space<hbm>> -> memref<128xi32, #tpu.memory_space<hbm>>
          %dma_start3A_162 = tpu.memref_slice %arg4[%add3A, %mul3A_160] : memref<32x10112xi32, #tpu.memory_space<hbm>> -> memref<1x128xi32, #tpu.memory_space<hbm>>
          %dma_start3A_163 = tpu.memref_squeeze %dma_start3A_162 : memref<1x128xi32, #tpu.memory_space<hbm>> -> memref<128xi32, #tpu.memory_space<hbm>>
          tpu.enqueue_dma source(%dma_start3A_163 : memref<128xi32, #tpu.memory_space<hbm>>) target(%arg10 : memref<128xi32, #tpu.memory_space<vmem>>) target_semaphore(%arg21 : memref<!tpu.dma_semaphore, #tpu.memory_space<semaphore_mem>>)
          %add3A_164 = arith.constant 2 : i32
          %add3A_165 = arith.addi %add3A_125, %add3A_164 : i32
          %mul3A_166 = arith.constant 128 : i32
          %mul3A_167 = arith.muli %add3A_165, %mul3A_166 : i32
          %dma_start3A_168 = tpu.memref_slice %arg3[%add3A, %mul3A_167] : memref<32x10112xi32, #tpu.memory_space<hbm>> -> memref<1x128xi32, #tpu.memory_space<hbm>>
          %dma_start3A_169 = tpu.memref_squeeze %dma_start3A_168 : memref<1x128xi32, #tpu.memory_space<hbm>> -> memref<128xi32, #tpu.memory_space<hbm>>
          %dma_start3A_170 = tpu.memref_slice %arg3[%add3A, %mul3A_167] : memref<32x10112xi32, #tpu.memory_space<hbm>> -> memref<1x128xi32, #tpu.memory_space<hbm>>
          %dma_start3A_171 = tpu.memref_squeeze %dma_start3A_170 : memref<1x128xi32, #tpu.memory_space<hbm>> -> memref<128xi32, #tpu.memory_space<hbm>>
          tpu.enqueue_dma source(%dma_start3A_171 : memref<128xi32, #tpu.memory_space<hbm>>) target(%arg8 : memref<128xi32, #tpu.memory_space<vmem>>) target_semaphore(%arg19 : memref<!tpu.dma_semaphore, #tpu.memory_space<semaphore_mem>>)
        } else {
        }
      } else {
      }
      %mul3A_129 = arith.constant 2 : i32
      %mul3A_130 = arith.muli %mul3A_129, %while3A_121 : i32
      %add3A_131 = arith.constant 1 : i32
      %add3A_132 = arith.addi %mul3A_130, %add3A_131 : i32
      %lt3A_133 = arith.cmpi slt, %add3A_132, %select_n3A_61 : i32
      %convert_element_type3A_134 = arith.extui %lt3A_133 : i1 to i32
      %cond3A_135 = arith.constant 0 : i32
      %cond3A_136 = arith.cmpi ne, %convert_element_type3A_134, %cond3A_135 : i32
      scf.if %cond3A_136 {
        %add3A_137 = arith.constant 1 : i32
        %add3A_138 = arith.addi %add3A_132, %add3A_137 : i32
        %lt3A_139 = arith.cmpi slt, %add3A_138, %select_n3A_61 : i32
        %convert_element_type3A_140 = arith.extui %lt3A_139 : i1 to i32
        %cond3A_141 = arith.constant 0 : i32
        %cond3A_142 = arith.cmpi ne, %convert_element_type3A_140, %cond3A_141 : i32
        scf.if %cond3A_142 {
          %add3A_157 = arith.constant 1 : i32
          %add3A_158 = arith.addi %add3A_132, %add3A_157 : i32
          %mul3A_159 = arith.constant 128 : i32
          %mul3A_160 = arith.muli %add3A_158, %mul3A_159 : i32
          %dma_wait3A_161 = tpu.memref_slice %arg3[%add3A, %mul3A_160] : memref<32x10112xi32, #tpu.memory_space<hbm>> -> memref<1x128xi32, #tpu.memory_space<hbm>>
          %dma_wait3A_162 = tpu.memref_squeeze %dma_wait3A_161 : memref<1x128xi32, #tpu.memory_space<hbm>> -> memref<128xi32, #tpu.memory_space<hbm>>
          %dma_wait3A_163 = tpu.memref_slice %arg3[%add3A, %mul3A_160] : memref<32x10112xi32, #tpu.memory_space<hbm>> -> memref<1x128xi32, #tpu.memory_space<hbm>>
          %dma_wait3A_164 = tpu.memref_squeeze %dma_wait3A_163 : memref<1x128xi32, #tpu.memory_space<hbm>> -> memref<128xi32, #tpu.memory_space<hbm>>
          tpu.wait_dma2 semaphore(%arg19 : memref<!tpu.dma_semaphore, #tpu.memory_space<semaphore_mem>>) src(%dma_wait3A_164 : memref<128xi32, #tpu.memory_space<hbm>>) dst(%arg8 : memref<128xi32, #tpu.memory_space<vmem>>)
          %dma_start3A = arith.constant 0 : i32
          %dma_start3A_165 = arith.constant 0 : i32
          %dma_start3A_166 = tpu.memref_slice %arg2[%dma_start3A, %dma_start3A_165] : memref<10000x128xf32, #tpu.memory_space<hbm>> -> memref<10000x128xf32, #tpu.memory_space<hbm>>
          tpu.enqueue_indirect_dma source(%dma_start3A_166 : memref<10000x128xf32, #tpu.memory_space<hbm>>) target(%arg12 : memref<128x128xf32, #tpu.memory_space<vmem>>) offsets(%arg8 : memref<128xi32, #tpu.memory_space<vmem>>) semaphore(%arg17 : memref<!tpu.dma_semaphore, #tpu.memory_space<semaphore_mem>>)
        } else {
        }
        %dma_wait3A = arith.constant 0 : i32
        %dma_wait3A_143 = arith.constant 0 : i32
        %dma_wait3A_144 = tpu.memref_slice %arg2[%dma_wait3A, %dma_wait3A_143] : memref<10000x128xf32, #tpu.memory_space<hbm>> -> memref<10000x128xf32, #tpu.memory_space<hbm>>
        tpu.wait_indirect_dma semaphore(%arg18 : memref<!tpu.dma_semaphore, #tpu.memory_space<semaphore_mem>>) src(%dma_wait3A_144 : memref<10000x128xf32, #tpu.memory_space<hbm>>) dst(%arg13 : memref<128x128xf32, #tpu.memory_space<vmem>>)
        %mul3A_145 = arith.constant 128 : i32
        %mul3A_146 = arith.muli %add3A_132, %mul3A_145 : i32
        %dma_wait3A_147 = tpu.memref_slice %arg4[%add3A, %mul3A_146] : memref<32x10112xi32, #tpu.memory_space<hbm>> -> memref<1x128xi32, #tpu.memory_space<hbm>>
        %dma_wait3A_148 = tpu.memref_squeeze %dma_wait3A_147 : memref<1x128xi32, #tpu.memory_space<hbm>> -> memref<128xi32, #tpu.memory_space<hbm>>
        %dma_wait3A_149 = tpu.memref_slice %arg4[%add3A, %mul3A_146] : memref<32x10112xi32, #tpu.memory_space<hbm>> -> memref<1x128xi32, #tpu.memory_space<hbm>>
        %dma_wait3A_150 = tpu.memref_squeeze %dma_wait3A_149 : memref<1x128xi32, #tpu.memory_space<hbm>> -> memref<128xi32, #tpu.memory_space<hbm>>
        tpu.wait_dma2 semaphore(%arg22 : memref<!tpu.dma_semaphore, #tpu.memory_space<semaphore_mem>>) src(%dma_wait3A_150 : memref<128xi32, #tpu.memory_space<hbm>>) dst(%arg11 : memref<128xi32, #tpu.memory_space<vmem>>)
        "tpu.region"() ({
          %run_scoped3A = tpu.sem_alloc : memref<!tpu.dma_semaphore, #tpu.memory_space<semaphore_mem>>
          %dma_start3A = arith.constant 0 : i32
          %dma_start3A_157 = arith.constant 0 : i32
          %dma_start3A_158 = tpu.memref_slice %arg16[%dma_start3A, %dma_start3A_157] : memref<10112x128xf32, #tpu.memory_space<vmem_shared>> -> memref<10112x128xf32, #tpu.memory_space<vmem_shared>>
          tpu.enqueue_indirect_dma source(%arg13 : memref<128x128xf32, #tpu.memory_space<vmem>>) target(%dma_start3A_158 : memref<10112x128xf32, #tpu.memory_space<vmem_shared>>) offsets(%arg11 : memref<128xi32, #tpu.memory_space<vmem>>) semaphore(%run_scoped3A : memref<!tpu.dma_semaphore, #tpu.memory_space<semaphore_mem>>) {add = true}
          %dma_wait3A_159 = arith.constant 0 : i32
          %dma_wait3A_160 = arith.constant 0 : i32
          %dma_wait3A_161 = tpu.memref_slice %arg16[%dma_wait3A_159, %dma_wait3A_160] : memref<10112x128xf32, #tpu.memory_space<vmem_shared>> -> memref<10112x128xf32, #tpu.memory_space<vmem_shared>>
          tpu.wait_indirect_dma semaphore(%run_scoped3A : memref<!tpu.dma_semaphore, #tpu.memory_space<semaphore_mem>>) src(%arg13 : memref<128x128xf32, #tpu.memory_space<vmem>>) dst(%dma_wait3A_161 : memref<10112x128xf32, #tpu.memory_space<vmem_shared>>)
          tpu.yield
        }) : () -> ()
        %add3A_151 = arith.constant 2 : i32
        %add3A_152 = arith.addi %add3A_132, %add3A_151 : i32
        %lt3A_153 = arith.cmpi slt, %add3A_152, %select_n3A_61 : i32
        %convert_element_type3A_154 = arith.extui %lt3A_153 : i1 to i32
        %cond3A_155 = arith.constant 0 : i32
        %cond3A_156 = arith.cmpi ne, %convert_element_type3A_154, %cond3A_155 : i32
        scf.if %cond3A_156 {
          %add3A_157 = arith.constant 2 : i32
          %add3A_158 = arith.addi %add3A_132, %add3A_157 : i32
          %mul3A_159 = arith.constant 128 : i32
          %mul3A_160 = arith.muli %add3A_158, %mul3A_159 : i32
          %dma_start3A = tpu.memref_slice %arg4[%add3A, %mul3A_160] : memref<32x10112xi32, #tpu.memory_space<hbm>> -> memref<1x128xi32, #tpu.memory_space<hbm>>
          %dma_start3A_161 = tpu.memref_squeeze %dma_start3A : memref<1x128xi32, #tpu.memory_space<hbm>> -> memref<128xi32, #tpu.memory_space<hbm>>
          %dma_start3A_162 = tpu.memref_slice %arg4[%add3A, %mul3A_160] : memref<32x10112xi32, #tpu.memory_space<hbm>> -> memref<1x128xi32, #tpu.memory_space<hbm>>
          %dma_start3A_163 = tpu.memref_squeeze %dma_start3A_162 : memref<1x128xi32, #tpu.memory_space<hbm>> -> memref<128xi32, #tpu.memory_space<hbm>>
          tpu.enqueue_dma source(%dma_start3A_163 : memref<128xi32, #tpu.memory_space<hbm>>) target(%arg11 : memref<128xi32, #tpu.memory_space<vmem>>) target_semaphore(%arg22 : memref<!tpu.dma_semaphore, #tpu.memory_space<semaphore_mem>>)
          %add3A_164 = arith.constant 2 : i32
          %add3A_165 = arith.addi %add3A_132, %add3A_164 : i32
          %mul3A_166 = arith.constant 128 : i32
          %mul3A_167 = arith.muli %add3A_165, %mul3A_166 : i32
          %dma_start3A_168 = tpu.memref_slice %arg3[%add3A, %mul3A_167] : memref<32x10112xi32, #tpu.memory_space<hbm>> -> memref<1x128xi32, #tpu.memory_space<hbm>>
          %dma_start3A_169 = tpu.memref_squeeze %dma_start3A_168 : memref<1x128xi32, #tpu.memory_space<hbm>> -> memref<128xi32, #tpu.memory_space<hbm>>
          %dma_start3A_170 = tpu.memref_slice %arg3[%add3A, %mul3A_167] : memref<32x10112xi32, #tpu.memory_space<hbm>> -> memref<1x128xi32, #tpu.memory_space<hbm>>
          %dma_start3A_171 = tpu.memref_squeeze %dma_start3A_170 : memref<1x128xi32, #tpu.memory_space<hbm>> -> memref<128xi32, #tpu.memory_space<hbm>>
          tpu.enqueue_dma source(%dma_start3A_171 : memref<128xi32, #tpu.memory_space<hbm>>) target(%arg9 : memref<128xi32, #tpu.memory_space<vmem>>) target_semaphore(%arg20 : memref<!tpu.dma_semaphore, #tpu.memory_space<semaphore_mem>>)
        } else {
        }
      } else {
      }
    }
    %barrier3A_110 = arith.constant 0 : index
    tpu.barrier barrier_id(%barrier3A_110)
    %while3A_111 = arith.constant 0 : i32
    %while3A_112 = arith.constant 0 : i32
    %while3A_113 = arith.subi %select_n3A, %while3A_112 : i32
    %while3A_114 = arith.addi %while3A_112, %while3A_113 : i32
    %while3A_115 = arith.constant 1 : i32
    %while3A_116 = arith.divsi %while3A_113, %while3A_115 : i32
    %while3A_117 = arith.muli %while3A_116, %while3A_115 : i32
    %while3A_118 = arith.addi %while3A_112, %while3A_117 : i32
    %while3A_119 = arith.constant 1 : i32
    scf.for %while3A_121 = %while3A_112 to %while3A_118 step %while3A_119  : i32 {
      %mul3A_122 = arith.constant 16 : i32
      %mul3A_123 = arith.muli %while3A_121, %mul3A_122 : i32
      %add3A_124 = arith.addi %arg1, %mul3A_123 : i32
      %mul3A_125 = arith.constant 128 : i32
      %mul3A_126 = arith.muli %add3A_124, %mul3A_125 : i32
      "tpu.region"() ({
        %run_scoped3A = tpu.sem_alloc : memref<!tpu.dma_semaphore, #tpu.memory_space<semaphore_mem>>
        %dma_start3A = arith.constant 0 : i32
        %dma_start3A_127 = tpu.memref_slice %arg16[%mul3A_126, %dma_start3A] : memref<10112x128xf32, #tpu.memory_space<vmem_shared>> -> memref<128x128xf32, #tpu.memory_space<vmem_shared>>
        %dma_start3A_128 = arith.constant 0 : i32
        %dma_start3A_129 = tpu.memref_slice %arg16[%mul3A_126, %dma_start3A_128] : memref<10112x128xf32, #tpu.memory_space<vmem_shared>> -> memref<128x128xf32, #tpu.memory_space<vmem_shared>>
        tpu.enqueue_dma source(%dma_start3A_129 : memref<128x128xf32, #tpu.memory_space<vmem_shared>>) target(%arg15 : memref<128x128xf32, #tpu.memory_space<vmem>>) target_semaphore(%run_scoped3A : memref<!tpu.dma_semaphore, #tpu.memory_space<semaphore_mem>>)
        %dma_wait3A = arith.constant 0 : i32
        %dma_wait3A_130 = tpu.memref_slice %arg16[%mul3A_126, %dma_wait3A] : memref<10112x128xf32, #tpu.memory_space<vmem_shared>> -> memref<128x128xf32, #tpu.memory_space<vmem_shared>>
        %dma_wait3A_131 = arith.constant 0 : i32
        %dma_wait3A_132 = tpu.memref_slice %arg16[%mul3A_126, %dma_wait3A_131] : memref<10112x128xf32, #tpu.memory_space<vmem_shared>> -> memref<128x128xf32, #tpu.memory_space<vmem_shared>>
        tpu.wait_dma2 semaphore(%run_scoped3A : memref<!tpu.dma_semaphore, #tpu.memory_space<semaphore_mem>>) src(%dma_wait3A_132 : memref<128x128xf32, #tpu.memory_space<vmem_shared>>) dst(%arg15 : memref<128x128xf32, #tpu.memory_space<vmem>>)
        tpu.yield
      }) : () -> ()
      "tpu.region"() ({
        %run_scoped3A = tpu.sem_alloc : memref<!tpu.dma_semaphore, #tpu.memory_space<semaphore_mem>>
        %dma_start3A = arith.constant 0 : i32
        %dma_start3A_127 = tpu.memref_slice %arg7[%arg0, %mul3A_126, %dma_start3A] : memref<2x10112x128xf32, #tpu.memory_space<hbm>> -> memref<1x128x128xf32, #tpu.memory_space<hbm>>
        %dma_start3A_128 = tpu.memref_squeeze %dma_start3A_127 : memref<1x128x128xf32, #tpu.memory_space<hbm>> -> memref<128x128xf32, #tpu.memory_space<hbm>>
        %dma_start3A_129 = arith.constant 0 : i32
        %dma_start3A_130 = tpu.memref_slice %arg7[%arg0, %mul3A_126, %dma_start3A_129] : memref<2x10112x128xf32, #tpu.memory_space<hbm>> -> memref<1x128x128xf32, #tpu.memory_space<hbm>>
        %dma_start3A_131 = tpu.memref_squeeze %dma_start3A_130 : memref<1x128x128xf32, #tpu.memory_space<hbm>> -> memref<128x128xf32, #tpu.memory_space<hbm>>
        tpu.enqueue_dma source(%arg15 : memref<128x128xf32, #tpu.memory_space<vmem>>) target(%dma_start3A_131 : memref<128x128xf32, #tpu.memory_space<hbm>>) target_semaphore(%run_scoped3A : memref<!tpu.dma_semaphore, #tpu.memory_space<semaphore_mem>>)
        %dma_wait3A = arith.constant 0 : i32
        %dma_wait3A_132 = tpu.memref_slice %arg7[%arg0, %mul3A_126, %dma_wait3A] : memref<2x10112x128xf32, #tpu.memory_space<hbm>> -> memref<1x128x128xf32, #tpu.memory_space<hbm>>
        %dma_wait3A_133 = tpu.memref_squeeze %dma_wait3A_132 : memref<1x128x128xf32, #tpu.memory_space<hbm>> -> memref<128x128xf32, #tpu.memory_space<hbm>>
        %dma_wait3A_134 = arith.constant 0 : i32
        %dma_wait3A_135 = tpu.memref_slice %arg7[%arg0, %mul3A_126, %dma_wait3A_134] : memref<2x10112x128xf32, #tpu.memory_space<hbm>> -> memref<1x128x128xf32, #tpu.memory_space<hbm>>
        %dma_wait3A_136 = tpu.memref_squeeze %dma_wait3A_135 : memref<1x128x128xf32, #tpu.memory_space<hbm>> -> memref<128x128xf32, #tpu.memory_space<hbm>>
        tpu.wait_dma2 semaphore(%run_scoped3A : memref<!tpu.dma_semaphore, #tpu.memory_space<semaphore_mem>>) src(%arg15 : memref<128x128xf32, #tpu.memory_space<vmem>>) dst(%dma_wait3A_136 : memref<128x128xf32, #tpu.memory_space<hbm>>)
        tpu.yield
      }) : () -> ()
    }
    %while3A_120 = arith.constant 1 : i32
    scf.for %while3A_121 = %while3A_118 to %while3A_114 step %while3A_120  : i32 {
      %mul3A_122 = arith.constant 16 : i32
      %mul3A_123 = arith.muli %while3A_121, %mul3A_122 : i32
      %add3A_124 = arith.addi %arg1, %mul3A_123 : i32
      %mul3A_125 = arith.constant 128 : i32
      %mul3A_126 = arith.muli %add3A_124, %mul3A_125 : i32
      "tpu.region"() ({
        %run_scoped3A = tpu.sem_alloc : memref<!tpu.dma_semaphore, #tpu.memory_space<semaphore_mem>>
        %dma_start3A = arith.constant 0 : i32
        %dma_start3A_127 = tpu.memref_slice %arg16[%mul3A_126, %dma_start3A] : memref<10112x128xf32, #tpu.memory_space<vmem_shared>> -> memref<128x128xf32, #tpu.memory_space<vmem_shared>>
        %dma_start3A_128 = arith.constant 0 : i32
        %dma_start3A_129 = tpu.memref_slice %arg16[%mul3A_126, %dma_start3A_128] : memref<10112x128xf32, #tpu.memory_space<vmem_shared>> -> memref<128x128xf32, #tpu.memory_space<vmem_shared>>
        tpu.enqueue_dma source(%dma_start3A_129 : memref<128x128xf32, #tpu.memory_space<vmem_shared>>) target(%arg15 : memref<128x128xf32, #tpu.memory_space<vmem>>) target_semaphore(%run_scoped3A : memref<!tpu.dma_semaphore, #tpu.memory_space<semaphore_mem>>)
        %dma_wait3A = arith.constant 0 : i32
        %dma_wait3A_130 = tpu.memref_slice %arg16[%mul3A_126, %dma_wait3A] : memref<10112x128xf32, #tpu.memory_space<vmem_shared>> -> memref<128x128xf32, #tpu.memory_space<vmem_shared>>
        %dma_wait3A_131 = arith.constant 0 : i32
        %dma_wait3A_132 = tpu.memref_slice %arg16[%mul3A_126, %dma_wait3A_131] : memref<10112x128xf32, #tpu.memory_space<vmem_shared>> -> memref<128x128xf32, #tpu.memory_space<vmem_shared>>
        tpu.wait_dma2 semaphore(%run_scoped3A : memref<!tpu.dma_semaphore, #tpu.memory_space<semaphore_mem>>) src(%dma_wait3A_132 : memref<128x128xf32, #tpu.memory_space<vmem_shared>>) dst(%arg15 : memref<128x128xf32, #tpu.memory_space<vmem>>)
        tpu.yield
      }) : () -> ()
      "tpu.region"() ({
        %run_scoped3A = tpu.sem_alloc : memref<!tpu.dma_semaphore, #tpu.memory_space<semaphore_mem>>
        %dma_start3A = arith.constant 0 : i32
        %dma_start3A_127 = tpu.memref_slice %arg7[%arg0, %mul3A_126, %dma_start3A] : memref<2x10112x128xf32, #tpu.memory_space<hbm>> -> memref<1x128x128xf32, #tpu.memory_space<hbm>>
        %dma_start3A_128 = tpu.memref_squeeze %dma_start3A_127 : memref<1x128x128xf32, #tpu.memory_space<hbm>> -> memref<128x128xf32, #tpu.memory_space<hbm>>
        %dma_start3A_129 = arith.constant 0 : i32
        %dma_start3A_130 = tpu.memref_slice %arg7[%arg0, %mul3A_126, %dma_start3A_129] : memref<2x10112x128xf32, #tpu.memory_space<hbm>> -> memref<1x128x128xf32, #tpu.memory_space<hbm>>
        %dma_start3A_131 = tpu.memref_squeeze %dma_start3A_130 : memref<1x128x128xf32, #tpu.memory_space<hbm>> -> memref<128x128xf32, #tpu.memory_space<hbm>>
        tpu.enqueue_dma source(%arg15 : memref<128x128xf32, #tpu.memory_space<vmem>>) target(%dma_start3A_131 : memref<128x128xf32, #tpu.memory_space<hbm>>) target_semaphore(%run_scoped3A : memref<!tpu.dma_semaphore, #tpu.memory_space<semaphore_mem>>)
        %dma_wait3A = arith.constant 0 : i32
        %dma_wait3A_132 = tpu.memref_slice %arg7[%arg0, %mul3A_126, %dma_wait3A] : memref<2x10112x128xf32, #tpu.memory_space<hbm>> -> memref<1x128x128xf32, #tpu.memory_space<hbm>>
        %dma_wait3A_133 = tpu.memref_squeeze %dma_wait3A_132 : memref<1x128x128xf32, #tpu.memory_space<hbm>> -> memref<128x128xf32, #tpu.memory_space<hbm>>
        %dma_wait3A_134 = arith.constant 0 : i32
        %dma_wait3A_135 = tpu.memref_slice %arg7[%arg0, %mul3A_126, %dma_wait3A_134] : memref<2x10112x128xf32, #tpu.memory_space<hbm>> -> memref<1x128x128xf32, #tpu.memory_space<hbm>>
        %dma_wait3A_136 = tpu.memref_squeeze %dma_wait3A_135 : memref<1x128x128xf32, #tpu.memory_space<hbm>> -> memref<128x128xf32, #tpu.memory_space<hbm>>
        tpu.wait_dma2 semaphore(%run_scoped3A : memref<!tpu.dma_semaphore, #tpu.memory_space<semaphore_mem>>) src(%arg15 : memref<128x128xf32, #tpu.memory_space<vmem>>) dst(%dma_wait3A_136 : memref<128x128xf32, #tpu.memory_space<hbm>>)
        tpu.yield
      }) : () -> ()
    }
    return
  }
}

module attributes {stable_mosaic.version = 14 : i64} {
  func.func @_tc2_body(%arg0: memref<10000x128xf32, #tpu.memory_space<vmem>>, %arg1: memref<2x10112x128xf32, #tpu.memory_space<vmem>>, %arg2: memref<1x1xf32, #tpu.memory_space<vmem>>, %arg3: memref<128x128xf32, #tpu.memory_space<vmem>>, %arg4: memref<1x128xf32, #tpu.memory_space<vmem>>, %arg5: memref<128x128xf32, #tpu.memory_space<vmem>>, %arg6: memref<1x128xf32, #tpu.memory_space<vmem>>, %arg7: memref<10000x128xf32, #tpu.memory_space<vmem>>, %arg8: memref<10000x1xf32, #tpu.memory_space<vmem>>) attributes {dimension_semantics = [], scalar_prefetch = 0 : i64, scratch_operands = 0 : i64, tpu.core_type = #tpu.core_type<tc>} {
    %get3A = arith.constant 0 : index
    %get3A_0 = arith.constant 0 : index
    %get3A_1 = vector.load %arg0[%get3A, %get3A_0] : memref<10000x128xf32, #tpu.memory_space<vmem>>, vector<10000x128xf32>
    %get3A_2 = arith.constant 0 : index
    %get3A_3 = arith.constant 0 : index
    %get3A_4 = arith.constant 0 : index
    %get3A_5 = vector.load %arg1[%get3A_2, %get3A_3, %get3A_4] : memref<2x10112x128xf32, #tpu.memory_space<vmem>>, vector<1x10000x128xf32>
    %get3A_6 = vector.shape_cast %get3A_5 : vector<1x10000x128xf32> to vector<10000x128xf32>
    %add3A = arith.addf %get3A_1, %get3A_6 : vector<10000x128xf32>
    %get3A_7 = arith.constant 1 : index
    %get3A_8 = arith.constant 0 : index
    %get3A_9 = arith.constant 0 : index
    %get3A_10 = vector.load %arg1[%get3A_7, %get3A_8, %get3A_9] : memref<2x10112x128xf32, #tpu.memory_space<vmem>>, vector<1x10000x128xf32>
    %get3A_11 = vector.shape_cast %get3A_10 : vector<1x10000x128xf32> to vector<10000x128xf32>
    %add3A_12 = arith.addf %add3A, %get3A_11 : vector<10000x128xf32>
    %get3A_13 = arith.constant 0 : index
    %get3A_14 = arith.constant 0 : index
    %get3A_15 = vector.load %arg3[%get3A_13, %get3A_14] : memref<128x128xf32, #tpu.memory_space<vmem>>, vector<128x128xf32>
    %dot_general3A = arith.constant dense<0.000000e+00> : vector<10000x128xf32>
    %dot_general3A_16 = tpu.matmul %add3A_12, %get3A_15, %dot_general3A {dimension_numbers = #tpu.dot_dimension_numbers<[1], [0], [0], [1], [0, 0, 1, 1], [], []>, transpose_lhs_hint = false} : vector<10000x128xf32>, vector<128x128xf32>, vector<10000x128xf32> -> vector<10000x128xf32>
    %get3A_17 = arith.constant 0 : index
    %get3A_18 = arith.constant 0 : index
    %get3A_19 = vector.load %arg4[%get3A_17, %get3A_18] : memref<1x128xf32, #tpu.memory_space<vmem>>, vector<1x128xf32>
    %add3A_20 = vector.broadcast %get3A_19 : vector<1x128xf32> to vector<10000x128xf32>
    %add3A_21 = arith.addf %dot_general3A_16, %add3A_20 : vector<10000x128xf32>
    %max3A = arith.constant 0.000000e+00 : f32
    %max3A_22 = vector.broadcast %max3A : f32 to vector<10000x128xf32>
    %max3A_23 = arith.maximumf %add3A_21, %max3A_22 : vector<10000x128xf32>
    %get3A_24 = arith.constant 0 : index
    %get3A_25 = arith.constant 0 : index
    %get3A_26 = vector.load %arg5[%get3A_24, %get3A_25] : memref<128x128xf32, #tpu.memory_space<vmem>>, vector<128x128xf32>
    %dot_general3A_27 = arith.constant dense<0.000000e+00> : vector<10000x128xf32>
    %dot_general3A_28 = tpu.matmul %max3A_23, %get3A_26, %dot_general3A_27 {dimension_numbers = #tpu.dot_dimension_numbers<[1], [0], [0], [1], [0, 0, 1, 1], [], []>, transpose_lhs_hint = false} : vector<10000x128xf32>, vector<128x128xf32>, vector<10000x128xf32> -> vector<10000x128xf32>
    %get3A_29 = arith.constant 0 : index
    %get3A_30 = arith.constant 0 : index
    %get3A_31 = vector.load %arg6[%get3A_29, %get3A_30] : memref<1x128xf32, #tpu.memory_space<vmem>>, vector<1x128xf32>
    %add3A_32 = vector.broadcast %get3A_31 : vector<1x128xf32> to vector<10000x128xf32>
    %add3A_33 = arith.addf %dot_general3A_28, %add3A_32 : vector<10000x128xf32>
    %max3A_34 = arith.constant 0.000000e+00 : f32
    %max3A_35 = vector.broadcast %max3A_34 : f32 to vector<10000x128xf32>
    %max3A_36 = arith.maximumf %add3A_33, %max3A_35 : vector<10000x128xf32>
    %reduce_sum3A = arith.constant dense<0.000000e+00> : vector<10000xf32>
    %reduce_sum3A_37 = vector.multi_reduction <add>, %max3A_36, %reduce_sum3A [1] : vector<10000x128xf32> to vector<10000xf32>
    %broadcast_in_dim3A = vector.shape_cast %reduce_sum3A_37 : vector<10000xf32> to vector<10000x1xf32>
    %swap3A = arith.constant 0 : index
    %swap3A_38 = arith.constant 0 : index
    %swap3A_39 = vector.load %arg8[%swap3A, %swap3A_38] : memref<10000x1xf32, #tpu.memory_space<vmem>>, vector<10000x1xf32>
    tpu.vector_store %arg8[%swap3A, %swap3A_38], %broadcast_in_dim3A {strides = array<i32>} : memref<10000x1xf32, #tpu.memory_space<vmem>>, vector<10000x1xf32>,
    %get3A_40 = arith.constant 0 : index
    %get3A_41 = arith.constant 0 : index
    %get3A_42 = vector.load %arg2[%get3A_40, %get3A_41] : memref<1x1xf32, #tpu.memory_space<vmem>>, vector<1x1xf32>
    %get3A_43 = vector.extract %get3A_42[0, 0] : f32 from vector<1x1xf32>
    %abs3A = math.absf %get3A_43 : f32
    %div3A = arith.divf %get3A_43, %abs3A : f32
    %mul3A = vector.broadcast %div3A : f32 to vector<10000x1xf32>
    %mul3A_44 = arith.mulf %broadcast_in_dim3A, %mul3A : vector<10000x1xf32>
    %tanh3A = math.tanh %mul3A_44 : vector<10000x1xf32>
    %mul3A_45 = vector.broadcast %tanh3A : vector<10000x1xf32> to vector<10000x128xf32>
    %mul3A_46 = arith.mulf %max3A_36, %mul3A_45 : vector<10000x128xf32>
    %swap3A_47 = arith.constant 0 : index
    %swap3A_48 = arith.constant 0 : index
    %swap3A_49 = vector.load %arg7[%swap3A_47, %swap3A_48] : memref<10000x128xf32, #tpu.memory_space<vmem>>, vector<10000x128xf32>
    tpu.vector_store %arg7[%swap3A_47, %swap3A_48], %mul3A_46 {strides = array<i32>} : memref<10000x128xf32, #tpu.memory_space<vmem>>, vector<10000x128xf32>,
    return
  }
}

module attributes {stable_mosaic.version = 14 : i64} {
  func.func @_tc1_body(%arg0: memref<32x10112xf32, #tpu.memory_space<vmem>>, %arg1: memref<1x128xf32, #tpu.memory_space<vmem>>, %arg2: memref<1x128xf32, #tpu.memory_space<vmem>>, %arg3: memref<128x128xf32, #tpu.memory_space<vmem>>, %arg4: memref<1x128xf32, #tpu.memory_space<vmem>>, %arg5: memref<10000x128xf32, #tpu.memory_space<vmem>>) attributes {dimension_semantics = [], scalar_prefetch = 0 : i64, scratch_operands = 0 : i64, tpu.core_type = #tpu.core_type<tc>} {
    %get3A = arith.constant 0 : index
    %get3A_0 = arith.constant 0 : index
    %get3A_1 = vector.load %arg0[%get3A, %get3A_0] : memref<32x10112xf32, #tpu.memory_space<vmem>>, vector<32x10112xf32>
    %reduce_sum3A = arith.constant dense<0.000000e+00> : vector<10112xf32>
    %reduce_sum3A_2 = vector.multi_reduction <add>, %get3A_1, %reduce_sum3A [0] : vector<32x10112xf32> to vector<10112xf32>
    %broadcast_in_dim3A = vector.shape_cast %reduce_sum3A_2 : vector<10112xf32> to vector<1x10112xf32>
    %slice3A = vector.extract_strided_slice %broadcast_in_dim3A {offsets = [0, 0], sizes = [1, 10000], strides = [1, 1]} : vector<1x10112xf32> to vector<1x10000xf32>
    %add3A = arith.constant 1.000000e+00 : f32
    %add3A_3 = vector.broadcast %add3A : f32 to vector<1x10000xf32>
    %add3A_4 = arith.addf %slice3A, %add3A_3 : vector<1x10000xf32>
    %get3A_5 = arith.constant 0 : index
    %get3A_6 = arith.constant 0 : index
    %get3A_7 = vector.load %arg1[%get3A_5, %get3A_6] : memref<1x128xf32, #tpu.memory_space<vmem>>, vector<1x128xf32>
    %dot_general3A = arith.constant dense<0.000000e+00> : vector<10000x128xf32>
    %dot_general3A_8 = tpu.matmul %add3A_4, %get3A_7, %dot_general3A {dimension_numbers = #tpu.dot_dimension_numbers<[0], [0], [1], [1], [0, 1, 1, 1], [], []>, transpose_lhs_hint = false} : vector<1x10000xf32>, vector<1x128xf32>, vector<10000x128xf32> -> vector<10000x128xf32>
    %get3A_9 = arith.constant 0 : index
    %get3A_10 = arith.constant 0 : index
    %get3A_11 = vector.load %arg2[%get3A_9, %get3A_10] : memref<1x128xf32, #tpu.memory_space<vmem>>, vector<1x128xf32>
    %add3A_12 = vector.broadcast %get3A_11 : vector<1x128xf32> to vector<10000x128xf32>
    %add3A_13 = arith.addf %dot_general3A_8, %add3A_12 : vector<10000x128xf32>
    %max3A = arith.constant 0.000000e+00 : f32
    %max3A_14 = vector.broadcast %max3A : f32 to vector<10000x128xf32>
    %max3A_15 = arith.maximumf %add3A_13, %max3A_14 : vector<10000x128xf32>
    %get3A_16 = arith.constant 0 : index
    %get3A_17 = arith.constant 0 : index
    %get3A_18 = vector.load %arg3[%get3A_16, %get3A_17] : memref<128x128xf32, #tpu.memory_space<vmem>>, vector<128x128xf32>
    %dot_general3A_19 = arith.constant dense<0.000000e+00> : vector<10000x128xf32>
    %dot_general3A_20 = tpu.matmul %max3A_15, %get3A_18, %dot_general3A_19 {dimension_numbers = #tpu.dot_dimension_numbers<[1], [0], [0], [1], [0, 0, 1, 1], [], []>, transpose_lhs_hint = false} : vector<10000x128xf32>, vector<128x128xf32>, vector<10000x128xf32> -> vector<10000x128xf32>
    %get3A_21 = arith.constant 0 : index
    %get3A_22 = arith.constant 0 : index
    %get3A_23 = vector.load %arg4[%get3A_21, %get3A_22] : memref<1x128xf32, #tpu.memory_space<vmem>>, vector<1x128xf32>
    %add3A_24 = vector.broadcast %get3A_23 : vector<1x128xf32> to vector<10000x128xf32>
    %add3A_25 = arith.addf %dot_general3A_20, %add3A_24 : vector<10000x128xf32>
    %max3A_26 = arith.constant 0.000000e+00 : f32
    %max3A_27 = vector.broadcast %max3A_26 : f32 to vector<10000x128xf32>
    %max3A_28 = arith.maximumf %add3A_25, %max3A_27 : vector<10000x128xf32>
    %swap3A = arith.constant 0 : index
    %swap3A_29 = arith.constant 0 : index
    %swap3A_30 = vector.load %arg5[%swap3A, %swap3A_29] : memref<10000x128xf32, #tpu.memory_space<vmem>>, vector<10000x128xf32>
    tpu.vector_store %arg5[%swap3A, %swap3A_29], %max3A_28 {strides = array<i32>} : memref<10000x128xf32, #tpu.memory_space<vmem>>, vector<10000x128xf32>,
    return
  }
}

module attributes {stable_mosaic.version = 14 : i64} {
  func.func @_tcsel_body(%arg0: memref<10000x1xf32, #tpu.memory_space<vmem>>, %arg1: memref<1x10000xi32, #tpu.memory_space<vmem>>, %arg2: memref<1x1xf32, #tpu.memory_space<vmem>>, %arg3: memref<10000x1xf32, #tpu.memory_space<vmem>>) attributes {dimension_semantics = [], scalar_prefetch = 0 : i64, scratch_operands = 0 : i64, tpu.core_type = #tpu.core_type<tc>} {
    %get3A = arith.constant 0 : index
    %get3A_0 = arith.constant 0 : index
    %get3A_1 = vector.load %arg2[%get3A, %get3A_0] : memref<1x1xf32, #tpu.memory_space<vmem>>, vector<1x1xf32>
    %get3A_2 = vector.extract %get3A_1[0, 0] : f32 from vector<1x1xf32>
    %get3A_3 = arith.constant 0 : index
    %get3A_4 = arith.constant 0 : index
    %get3A_5 = vector.load %arg0[%get3A_3, %get3A_4] : memref<10000x1xf32, #tpu.memory_space<vmem>>, vector<10000x1xf32>
    %abs3A = math.absf %get3A_2 : f32
    %div3A = arith.divf %get3A_2, %abs3A : f32
    %mul3A = vector.broadcast %div3A : f32 to vector<10000x1xf32>
    %mul3A_6 = arith.mulf %get3A_5, %mul3A : vector<10000x1xf32>
    %tanh3A = math.tanh %mul3A_6 : vector<10000x1xf32>
    %get3A_7 = arith.constant 0 : index
    %get3A_8 = arith.constant 0 : index
    %get3A_9 = vector.load %arg1[%get3A_7, %get3A_8] : memref<1x10000xi32, #tpu.memory_space<vmem>>, vector<1x10000xi32>
    %iota3A = tpu.iota {dimensions = array<i32: 0>} : vector<64x1xi32>
    %eq3A = vector.broadcast %get3A_9 : vector<1x10000xi32> to vector<64x10000xi32>
    %eq3A_10 = vector.broadcast %iota3A : vector<64x1xi32> to vector<64x10000xi32>
    %eq3A_11 = arith.cmpi eq, %eq3A, %eq3A_10 : vector<64x10000xi32>
    %convert_element_type3A = arith.extui %eq3A_11 : vector<64x10000xi1> to vector<64x10000xi32>
    %convert_element_type3A_12 = arith.sitofp %convert_element_type3A : vector<64x10000xi32> to vector<64x10000xf32>
    %reduce_sum3A = arith.constant dense<0.000000e+00> : vector<64xf32>
    %reduce_sum3A_13 = vector.multi_reduction <add>, %convert_element_type3A_12, %reduce_sum3A [1] : vector<64x10000xf32> to vector<64xf32>
    %broadcast_in_dim3A = vector.shape_cast %reduce_sum3A_13 : vector<64xf32> to vector<64x1xf32>
    %transpose3A = tpu.transpose %broadcast_in_dim3A, [1, 0] : vector<64x1xf32> -> vector<1x64xf32>
    %iota3A_14 = tpu.iota {dimensions = array<i32: 0>} : vector<64x64xi32>
    %iota3A_15 = tpu.iota {dimensions = array<i32: 1>} : vector<64x64xi32>
    %le3A = arith.cmpi sle, %iota3A_14, %iota3A_15 : vector<64x64xi32>
    %convert_element_type3A_16 = arith.extui %le3A : vector<64x64xi1> to vector<64x64xi32>
    %convert_element_type3A_17 = arith.sitofp %convert_element_type3A_16 : vector<64x64xi32> to vector<64x64xf32>
    %dot_general3A = arith.constant dense<0.000000e+00> : vector<1x64xf32>
    %dot_general3A_18 = tpu.matmul %transpose3A, %convert_element_type3A_17, %dot_general3A {dimension_numbers = #tpu.dot_dimension_numbers<[1], [0], [0], [1], [0, 0, 1, 1], [], []>, transpose_lhs_hint = false} : vector<1x64xf32>, vector<64x64xf32>, vector<1x64xf32> -> vector<1x64xf32>
    %sub3A = arith.subf %dot_general3A_18, %transpose3A : vector<1x64xf32>
    %iota3A_19 = tpu.iota {dimensions = array<i32: 0>} : vector<10000x1xi32>
    %convert_element_type3A_20 = arith.sitofp %iota3A_19 : vector<10000x1xi32> to vector<10000x1xf32>
    %ge3A = vector.broadcast %convert_element_type3A_20 : vector<10000x1xf32> to vector<10000x64xf32>
    %ge3A_21 = vector.broadcast %sub3A : vector<1x64xf32> to vector<10000x64xf32>
    %ge3A_22 = arith.cmpf oge, %ge3A, %ge3A_21 : vector<10000x64xf32>
    %lt3A = vector.broadcast %convert_element_type3A_20 : vector<10000x1xf32> to vector<10000x64xf32>
    %lt3A_23 = vector.broadcast %dot_general3A_18 : vector<1x64xf32> to vector<10000x64xf32>
    %lt3A_24 = arith.cmpf olt, %lt3A, %lt3A_23 : vector<10000x64xf32>
    %and3A = arith.andi %ge3A_22, %lt3A_24 : vector<10000x64xi1>
    %mul3A_25 = arith.constant 5.000000e-01 : f32
    %mul3A_26 = vector.broadcast %mul3A_25 : f32 to vector<1x64xf32>
    %mul3A_27 = arith.mulf %mul3A_26, %transpose3A : vector<1x64xf32>
    %ceil3A = math.ceil %mul3A_27 : vector<1x64xf32>
    %iota3A_28 = tpu.iota {dimensions = array<i32: 1>} : vector<1x64xi32>
    %convert_element_type3A_29 = arith.sitofp %iota3A_28 : vector<1x64xi32> to vector<1x64xf32>
    %convert_element_type3A_30 = arith.extui %and3A : vector<10000x64xi1> to vector<10000x64xi32>
    %convert_element_type3A_31 = arith.sitofp %convert_element_type3A_30 : vector<10000x64xi32> to vector<10000x64xf32>
    %mul3A_32 = vector.broadcast %convert_element_type3A_29 : vector<1x64xf32> to vector<10000x64xf32>
    %mul3A_33 = arith.mulf %convert_element_type3A_31, %mul3A_32 : vector<10000x64xf32>
    %reduce_sum3A_34 = arith.constant dense<0.000000e+00> : vector<10000xf32>
    %reduce_sum3A_35 = vector.multi_reduction <add>, %mul3A_33, %reduce_sum3A_34 [1] : vector<10000x64xf32> to vector<10000xf32>
    %broadcast_in_dim3A_36 = vector.shape_cast %reduce_sum3A_35 : vector<10000xf32> to vector<10000x1xf32>
    %mul3A_37 = arith.constant 4.000000e+00 : f32
    %mul3A_38 = vector.broadcast %mul3A_37 : f32 to vector<10000x1xf32>
    %mul3A_39 = arith.mulf %broadcast_in_dim3A_36, %mul3A_38 : vector<10000x1xf32>
    %sub3A_40 = arith.subf %mul3A_39, %tanh3A : vector<10000x1xf32>
    %bitcast_convert_type3A = tpu.bitcast %sub3A_40 : vector<10000x1xf32> -> vector<10000x1xi32>
    %shift_right_logical3A = arith.constant 31 : i32
    %shift_right_logical3A_41 = vector.broadcast %shift_right_logical3A : i32 to vector<10000x1xi32>
    %shift_right_logical3A_42 = arith.shrui %bitcast_convert_type3A, %shift_right_logical3A_41 : vector<10000x1xi32>
    %gt3A = arith.constant 0 : i32
    %gt3A_43 = vector.broadcast %gt3A : i32 to vector<10000x1xi32>
    %gt3A_44 = arith.cmpi ugt, %shift_right_logical3A_42, %gt3A_43 : vector<10000x1xi32>
    %not3A = arith.constant dense<-1> : vector<10000x1xi32>
    %not3A_45 = arith.xori %bitcast_convert_type3A, %not3A : vector<10000x1xi32>
    %or3A = arith.constant -2147483648 : i32
    %or3A_46 = vector.broadcast %or3A : i32 to vector<10000x1xi32>
    %or3A_47 = arith.ori %bitcast_convert_type3A, %or3A_46 : vector<10000x1xi32>
    %select_n3A = arith.select %gt3A_44, %not3A_45, %or3A_47 : vector<10000x1xi1>, vector<10000x1xi32>
    %not3A_48 = arith.constant dense<-1> : vector<10000x1xi32>
    %not3A_49 = arith.xori %select_n3A, %not3A_48 : vector<10000x1xi32>
    %iota3A_50 = tpu.iota {dimensions = array<i32: 1>} : vector<1x256xi32>
    %convert_element_type3A_51 = arith.sitofp %iota3A_50 : vector<1x256xi32> to vector<1x256xf32>
    %iota3A_52 = tpu.iota {dimensions = array<i32: 0>} : vector<256x256xi32>
    %iota3A_53 = tpu.iota {dimensions = array<i32: 1>} : vector<256x256xi32>
    %ge3A_54 = arith.cmpi sge, %iota3A_52, %iota3A_53 : vector<256x256xi32>
    %convert_element_type3A_55 = arith.extui %ge3A_54 : vector<256x256xi1> to vector<256x256xi32>
    %convert_element_type3A_56 = arith.sitofp %convert_element_type3A_55 : vector<256x256xi32> to vector<256x256xf32>
    %transpose3A_57 = tpu.transpose %ceil3A, [1, 0] : vector<1x64xf32> -> vector<64x1xf32>
    %broadcast_in_dim3A_58 = arith.constant 1.000000e+00 : f32
    %broadcast_in_dim3A_59 = vector.broadcast %broadcast_in_dim3A_58 : f32 to vector<10000x1xf32>
    %broadcast_in_dim3A_60 = arith.constant 0.000000e+00 : f32
    %broadcast_in_dim3A_61 = vector.broadcast %broadcast_in_dim3A_60 : f32 to vector<10000x1xf32>
    %shift_right_logical3A_62 = arith.constant 24 : i32
    %shift_right_logical3A_63 = vector.broadcast %shift_right_logical3A_62 : i32 to vector<10000x1xi32>
    %shift_right_logical3A_64 = arith.shrui %not3A_49, %shift_right_logical3A_63 : vector<10000x1xi32>
    %and3A_65 = arith.constant 255 : i32
    %and3A_66 = vector.broadcast %and3A_65 : i32 to vector<10000x1xi32>
    %and3A_67 = arith.andi %shift_right_logical3A_64, %and3A_66 : vector<10000x1xi32>
    %convert_element_type3A_68 = arith.uitofp %and3A_67 : vector<10000x1xi32> to vector<10000x1xf32>
    %eq3A_69 = vector.broadcast %convert_element_type3A_68 : vector<10000x1xf32> to vector<10000x256xf32>
    %eq3A_70 = vector.broadcast %convert_element_type3A_51 : vector<1x256xf32> to vector<10000x256xf32>
    %eq3A_71 = arith.cmpf oeq, %eq3A_69, %eq3A_70 : vector<10000x256xf32>
    %convert_element_type3A_72 = arith.extui %eq3A_71 : vector<10000x256xi1> to vector<10000x256xi32>
    %convert_element_type3A_73 = arith.sitofp %convert_element_type3A_72 : vector<10000x256xi32> to vector<10000x256xf32>
    %mul3A_74 = vector.broadcast %broadcast_in_dim3A_59 : vector<10000x1xf32> to vector<10000x256xf32>
    %mul3A_75 = arith.mulf %convert_element_type3A_73, %mul3A_74 : vector<10000x256xf32>
    %dot_general3A_76 = arith.constant dense<0.000000e+00> : vector<64x256xf32>
    %dot_general3A_77 = tpu.matmul %convert_element_type3A_31, %mul3A_75, %dot_general3A_76 {dimension_numbers = #tpu.dot_dimension_numbers<[0], [0], [1], [1], [0, 1, 1, 1], [], []>, transpose_lhs_hint = false} : vector<10000x64xf32>, vector<10000x256xf32>, vector<64x256xf32> -> vector<64x256xf32>
    %dot_general3A_78 = arith.constant dense<0.000000e+00> : vector<64x256xf32>
    %dot_general3A_79 = tpu.matmul %dot_general3A_77, %convert_element_type3A_56, %dot_general3A_78 {dimension_numbers = #tpu.dot_dimension_numbers<[1], [0], [0], [1], [0, 0, 1, 1], [], []>, transpose_lhs_hint = false} : vector<64x256xf32>, vector<256x256xf32>, vector<64x256xf32> -> vector<64x256xf32>
    %ge3A_80 = vector.broadcast %transpose3A_57 : vector<64x1xf32> to vector<64x256xf32>
    %ge3A_81 = arith.cmpf oge, %dot_general3A_79, %ge3A_80 : vector<64x256xf32>
    %convert_element_type3A_82 = arith.extui %ge3A_81 : vector<64x256xi1> to vector<64x256xi32>
    %convert_element_type3A_83 = arith.sitofp %convert_element_type3A_82 : vector<64x256xi32> to vector<64x256xf32>
    %reduce_sum3A_84 = arith.constant dense<0.000000e+00> : vector<64xf32>
    %reduce_sum3A_85 = vector.multi_reduction <add>, %convert_element_type3A_83, %reduce_sum3A_84 [1] : vector<64x256xf32> to vector<64xf32>
    %broadcast_in_dim3A_86 = vector.shape_cast %reduce_sum3A_85 : vector<64xf32> to vector<64x1xf32>
    %sub3A_87 = arith.constant 1.000000e+00 : f32
    %sub3A_88 = vector.broadcast %sub3A_87 : f32 to vector<64x1xf32>
    %sub3A_89 = arith.subf %broadcast_in_dim3A_86, %sub3A_88 : vector<64x1xf32>
    %eq3A_90 = vector.broadcast %convert_element_type3A_51 : vector<1x256xf32> to vector<64x256xf32>
    %eq3A_91 = vector.broadcast %sub3A_89 : vector<64x1xf32> to vector<64x256xf32>
    %eq3A_92 = arith.cmpf oeq, %eq3A_90, %eq3A_91 : vector<64x256xf32>
    %convert_element_type3A_93 = arith.extui %eq3A_92 : vector<64x256xi1> to vector<64x256xi32>
    %convert_element_type3A_94 = arith.sitofp %convert_element_type3A_93 : vector<64x256xi32> to vector<64x256xf32>
    %mul3A_95 = arith.mulf %dot_general3A_79, %convert_element_type3A_94 : vector<64x256xf32>
    %reduce_sum3A_96 = arith.constant dense<0.000000e+00> : vector<64xf32>
    %reduce_sum3A_97 = vector.multi_reduction <add>, %mul3A_95, %reduce_sum3A_96 [1] : vector<64x256xf32> to vector<64xf32>
    %broadcast_in_dim3A_98 = vector.shape_cast %reduce_sum3A_97 : vector<64xf32> to vector<64x1xf32>
    %mul3A_99 = arith.mulf %dot_general3A_77, %convert_element_type3A_94 : vector<64x256xf32>
    %reduce_sum3A_100 = arith.constant dense<0.000000e+00> : vector<64xf32>
    %reduce_sum3A_101 = vector.multi_reduction <add>, %mul3A_99, %reduce_sum3A_100 [1] : vector<64x256xf32> to vector<64xf32>
    %broadcast_in_dim3A_102 = vector.shape_cast %reduce_sum3A_101 : vector<64xf32> to vector<64x1xf32>
    %sub3A_103 = arith.subf %broadcast_in_dim3A_98, %broadcast_in_dim3A_102 : vector<64x1xf32>
    %sub3A_104 = arith.subf %transpose3A_57, %sub3A_103 : vector<64x1xf32>
    %dot_general3A_105 = arith.constant dense<0.000000e+00> : vector<10000x1xf32>
    %dot_general3A_106 = tpu.matmul %convert_element_type3A_31, %sub3A_89, %dot_general3A_105 {dimension_numbers = #tpu.dot_dimension_numbers<[1], [0], [0], [1], [0, 0, 1, 1], [], []>, transpose_lhs_hint = false} : vector<10000x64xf32>, vector<64x1xf32>, vector<10000x1xf32> -> vector<10000x1xf32>
    %gt3A_107 = arith.cmpf ogt, %convert_element_type3A_68, %dot_general3A_106 : vector<10000x1xf32>
    %convert_element_type3A_108 = arith.extui %gt3A_107 : vector<10000x1xi1> to vector<10000x1xi32>
    %convert_element_type3A_109 = arith.sitofp %convert_element_type3A_108 : vector<10000x1xi32> to vector<10000x1xf32>
    %mul3A_110 = arith.mulf %broadcast_in_dim3A_59, %convert_element_type3A_109 : vector<10000x1xf32>
    %max3A = arith.maximumf %broadcast_in_dim3A_61, %mul3A_110 : vector<10000x1xf32>
    %eq3A_111 = arith.cmpf oeq, %convert_element_type3A_68, %dot_general3A_106 : vector<10000x1xf32>
    %convert_element_type3A_112 = arith.extui %eq3A_111 : vector<10000x1xi1> to vector<10000x1xi32>
    %convert_element_type3A_113 = arith.sitofp %convert_element_type3A_112 : vector<10000x1xi32> to vector<10000x1xf32>
    %mul3A_114 = arith.mulf %broadcast_in_dim3A_59, %convert_element_type3A_113 : vector<10000x1xf32>
    %shift_right_logical3A_115 = arith.constant 16 : i32
    %shift_right_logical3A_116 = vector.broadcast %shift_right_logical3A_115 : i32 to vector<10000x1xi32>
    %shift_right_logical3A_117 = arith.shrui %not3A_49, %shift_right_logical3A_116 : vector<10000x1xi32>
    %and3A_118 = arith.constant 255 : i32
    %and3A_119 = vector.broadcast %and3A_118 : i32 to vector<10000x1xi32>
    %and3A_120 = arith.andi %shift_right_logical3A_117, %and3A_119 : vector<10000x1xi32>
    %convert_element_type3A_121 = arith.uitofp %and3A_120 : vector<10000x1xi32> to vector<10000x1xf32>
    %eq3A_122 = vector.broadcast %convert_element_type3A_121 : vector<10000x1xf32> to vector<10000x256xf32>
    %eq3A_123 = vector.broadcast %convert_element_type3A_51 : vector<1x256xf32> to vector<10000x256xf32>
    %eq3A_124 = arith.cmpf oeq, %eq3A_122, %eq3A_123 : vector<10000x256xf32>
    %convert_element_type3A_125 = arith.extui %eq3A_124 : vector<10000x256xi1> to vector<10000x256xi32>
    %convert_element_type3A_126 = arith.sitofp %convert_element_type3A_125 : vector<10000x256xi32> to vector<10000x256xf32>
    %mul3A_127 = vector.broadcast %mul3A_114 : vector<10000x1xf32> to vector<10000x256xf32>
    %mul3A_128 = arith.mulf %convert_element_type3A_126, %mul3A_127 : vector<10000x256xf32>
    %dot_general3A_129 = arith.constant dense<0.000000e+00> : vector<64x256xf32>
    %dot_general3A_130 = tpu.matmul %convert_element_type3A_31, %mul3A_128, %dot_general3A_129 {dimension_numbers = #tpu.dot_dimension_numbers<[0], [0], [1], [1], [0, 1, 1, 1], [], []>, transpose_lhs_hint = false} : vector<10000x64xf32>, vector<10000x256xf32>, vector<64x256xf32> -> vector<64x256xf32>
    %dot_general3A_131 = arith.constant dense<0.000000e+00> : vector<64x256xf32>
    %dot_general3A_132 = tpu.matmul %dot_general3A_130, %convert_element_type3A_56, %dot_general3A_131 {dimension_numbers = #tpu.dot_dimension_numbers<[1], [0], [0], [1], [0, 0, 1, 1], [], []>, transpose_lhs_hint = false} : vector<64x256xf32>, vector<256x256xf32>, vector<64x256xf32> -> vector<64x256xf32>
    %ge3A_133 = vector.broadcast %sub3A_104 : vector<64x1xf32> to vector<64x256xf32>
    %ge3A_134 = arith.cmpf oge, %dot_general3A_132, %ge3A_133 : vector<64x256xf32>
    %convert_element_type3A_135 = arith.extui %ge3A_134 : vector<64x256xi1> to vector<64x256xi32>
    %convert_element_type3A_136 = arith.sitofp %convert_element_type3A_135 : vector<64x256xi32> to vector<64x256xf32>
    %reduce_sum3A_137 = arith.constant dense<0.000000e+00> : vector<64xf32>
    %reduce_sum3A_138 = vector.multi_reduction <add>, %convert_element_type3A_136, %reduce_sum3A_137 [1] : vector<64x256xf32> to vector<64xf32>
    %broadcast_in_dim3A_139 = vector.shape_cast %reduce_sum3A_138 : vector<64xf32> to vector<64x1xf32>
    %sub3A_140 = arith.constant 1.000000e+00 : f32
    %sub3A_141 = vector.broadcast %sub3A_140 : f32 to vector<64x1xf32>
    %sub3A_142 = arith.subf %broadcast_in_dim3A_139, %sub3A_141 : vector<64x1xf32>
    %eq3A_143 = vector.broadcast %convert_element_type3A_51 : vector<1x256xf32> to vector<64x256xf32>
    %eq3A_144 = vector.broadcast %sub3A_142 : vector<64x1xf32> to vector<64x256xf32>
    %eq3A_145 = arith.cmpf oeq, %eq3A_143, %eq3A_144 : vector<64x256xf32>
    %convert_element_type3A_146 = arith.extui %eq3A_145 : vector<64x256xi1> to vector<64x256xi32>
    %convert_element_type3A_147 = arith.sitofp %convert_element_type3A_146 : vector<64x256xi32> to vector<64x256xf32>
    %mul3A_148 = arith.mulf %dot_general3A_132, %convert_element_type3A_147 : vector<64x256xf32>
    %reduce_sum3A_149 = arith.constant dense<0.000000e+00> : vector<64xf32>
    %reduce_sum3A_150 = vector.multi_reduction <add>, %mul3A_148, %reduce_sum3A_149 [1] : vector<64x256xf32> to vector<64xf32>
    %broadcast_in_dim3A_151 = vector.shape_cast %reduce_sum3A_150 : vector<64xf32> to vector<64x1xf32>
    %mul3A_152 = arith.mulf %dot_general3A_130, %convert_element_type3A_147 : vector<64x256xf32>
    %reduce_sum3A_153 = arith.constant dense<0.000000e+00> : vector<64xf32>
    %reduce_sum3A_154 = vector.multi_reduction <add>, %mul3A_152, %reduce_sum3A_153 [1] : vector<64x256xf32> to vector<64xf32>
    %broadcast_in_dim3A_155 = vector.shape_cast %reduce_sum3A_154 : vector<64xf32> to vector<64x1xf32>
    %sub3A_156 = arith.subf %broadcast_in_dim3A_151, %broadcast_in_dim3A_155 : vector<64x1xf32>
    %sub3A_157 = arith.subf %sub3A_104, %sub3A_156 : vector<64x1xf32>
    %dot_general3A_158 = arith.constant dense<0.000000e+00> : vector<10000x1xf32>
    %dot_general3A_159 = tpu.matmul %convert_element_type3A_31, %sub3A_142, %dot_general3A_158 {dimension_numbers = #tpu.dot_dimension_numbers<[1], [0], [0], [1], [0, 0, 1, 1], [], []>, transpose_lhs_hint = false} : vector<10000x64xf32>, vector<64x1xf32>, vector<10000x1xf32> -> vector<10000x1xf32>
    %gt3A_160 = arith.cmpf ogt, %convert_element_type3A_121, %dot_general3A_159 : vector<10000x1xf32>
    %convert_element_type3A_161 = arith.extui %gt3A_160 : vector<10000x1xi1> to vector<10000x1xi32>
    %convert_element_type3A_162 = arith.sitofp %convert_element_type3A_161 : vector<10000x1xi32> to vector<10000x1xf32>
    %mul3A_163 = arith.mulf %mul3A_114, %convert_element_type3A_162 : vector<10000x1xf32>
    %max3A_164 = arith.maximumf %max3A, %mul3A_163 : vector<10000x1xf32>
    %eq3A_165 = arith.cmpf oeq, %convert_element_type3A_121, %dot_general3A_159 : vector<10000x1xf32>
    %convert_element_type3A_166 = arith.extui %eq3A_165 : vector<10000x1xi1> to vector<10000x1xi32>
    %convert_element_type3A_167 = arith.sitofp %convert_element_type3A_166 : vector<10000x1xi32> to vector<10000x1xf32>
    %mul3A_168 = arith.mulf %mul3A_114, %convert_element_type3A_167 : vector<10000x1xf32>
    %shift_right_logical3A_169 = arith.constant 8 : i32
    %shift_right_logical3A_170 = vector.broadcast %shift_right_logical3A_169 : i32 to vector<10000x1xi32>
    %shift_right_logical3A_171 = arith.shrui %not3A_49, %shift_right_logical3A_170 : vector<10000x1xi32>
    %and3A_172 = arith.constant 255 : i32
    %and3A_173 = vector.broadcast %and3A_172 : i32 to vector<10000x1xi32>
    %and3A_174 = arith.andi %shift_right_logical3A_171, %and3A_173 : vector<10000x1xi32>
    %convert_element_type3A_175 = arith.uitofp %and3A_174 : vector<10000x1xi32> to vector<10000x1xf32>
    %eq3A_176 = vector.broadcast %convert_element_type3A_175 : vector<10000x1xf32> to vector<10000x256xf32>
    %eq3A_177 = vector.broadcast %convert_element_type3A_51 : vector<1x256xf32> to vector<10000x256xf32>
    %eq3A_178 = arith.cmpf oeq, %eq3A_176, %eq3A_177 : vector<10000x256xf32>
    %convert_element_type3A_179 = arith.extui %eq3A_178 : vector<10000x256xi1> to vector<10000x256xi32>
    %convert_element_type3A_180 = arith.sitofp %convert_element_type3A_179 : vector<10000x256xi32> to vector<10000x256xf32>
    %mul3A_181 = vector.broadcast %mul3A_168 : vector<10000x1xf32> to vector<10000x256xf32>
    %mul3A_182 = arith.mulf %convert_element_type3A_180, %mul3A_181 : vector<10000x256xf32>
    %dot_general3A_183 = arith.constant dense<0.000000e+00> : vector<64x256xf32>
    %dot_general3A_184 = tpu.matmul %convert_element_type3A_31, %mul3A_182, %dot_general3A_183 {dimension_numbers = #tpu.dot_dimension_numbers<[0], [0], [1], [1], [0, 1, 1, 1], [], []>, transpose_lhs_hint = false} : vector<10000x64xf32>, vector<10000x256xf32>, vector<64x256xf32> -> vector<64x256xf32>
    %dot_general3A_185 = arith.constant dense<0.000000e+00> : vector<64x256xf32>
    %dot_general3A_186 = tpu.matmul %dot_general3A_184, %convert_element_type3A_56, %dot_general3A_185 {dimension_numbers = #tpu.dot_dimension_numbers<[1], [0], [0], [1], [0, 0, 1, 1], [], []>, transpose_lhs_hint = false} : vector<64x256xf32>, vector<256x256xf32>, vector<64x256xf32> -> vector<64x256xf32>
    %ge3A_187 = vector.broadcast %sub3A_157 : vector<64x1xf32> to vector<64x256xf32>
    %ge3A_188 = arith.cmpf oge, %dot_general3A_186, %ge3A_187 : vector<64x256xf32>
    %convert_element_type3A_189 = arith.extui %ge3A_188 : vector<64x256xi1> to vector<64x256xi32>
    %convert_element_type3A_190 = arith.sitofp %convert_element_type3A_189 : vector<64x256xi32> to vector<64x256xf32>
    %reduce_sum3A_191 = arith.constant dense<0.000000e+00> : vector<64xf32>
    %reduce_sum3A_192 = vector.multi_reduction <add>, %convert_element_type3A_190, %reduce_sum3A_191 [1] : vector<64x256xf32> to vector<64xf32>
    %broadcast_in_dim3A_193 = vector.shape_cast %reduce_sum3A_192 : vector<64xf32> to vector<64x1xf32>
    %sub3A_194 = arith.constant 1.000000e+00 : f32
    %sub3A_195 = vector.broadcast %sub3A_194 : f32 to vector<64x1xf32>
    %sub3A_196 = arith.subf %broadcast_in_dim3A_193, %sub3A_195 : vector<64x1xf32>
    %eq3A_197 = vector.broadcast %convert_element_type3A_51 : vector<1x256xf32> to vector<64x256xf32>
    %eq3A_198 = vector.broadcast %sub3A_196 : vector<64x1xf32> to vector<64x256xf32>
    %eq3A_199 = arith.cmpf oeq, %eq3A_197, %eq3A_198 : vector<64x256xf32>
    %convert_element_type3A_200 = arith.extui %eq3A_199 : vector<64x256xi1> to vector<64x256xi32>
    %convert_element_type3A_201 = arith.sitofp %convert_element_type3A_200 : vector<64x256xi32> to vector<64x256xf32>
    %mul3A_202 = arith.mulf %dot_general3A_186, %convert_element_type3A_201 : vector<64x256xf32>
    %reduce_sum3A_203 = arith.constant dense<0.000000e+00> : vector<64xf32>
    %reduce_sum3A_204 = vector.multi_reduction <add>, %mul3A_202, %reduce_sum3A_203 [1] : vector<64x256xf32> to vector<64xf32>
    %broadcast_in_dim3A_205 = vector.shape_cast %reduce_sum3A_204 : vector<64xf32> to vector<64x1xf32>
    %mul3A_206 = arith.mulf %dot_general3A_184, %convert_element_type3A_201 : vector<64x256xf32>
    %reduce_sum3A_207 = arith.constant dense<0.000000e+00> : vector<64xf32>
    %reduce_sum3A_208 = vector.multi_reduction <add>, %mul3A_206, %reduce_sum3A_207 [1] : vector<64x256xf32> to vector<64xf32>
    %broadcast_in_dim3A_209 = vector.shape_cast %reduce_sum3A_208 : vector<64xf32> to vector<64x1xf32>
    %sub3A_210 = arith.subf %broadcast_in_dim3A_205, %broadcast_in_dim3A_209 : vector<64x1xf32>
    %sub3A_211 = arith.subf %sub3A_157, %sub3A_210 : vector<64x1xf32>
    %dot_general3A_212 = arith.constant dense<0.000000e+00> : vector<10000x1xf32>
    %dot_general3A_213 = tpu.matmul %convert_element_type3A_31, %sub3A_196, %dot_general3A_212 {dimension_numbers = #tpu.dot_dimension_numbers<[1], [0], [0], [1], [0, 0, 1, 1], [], []>, transpose_lhs_hint = false} : vector<10000x64xf32>, vector<64x1xf32>, vector<10000x1xf32> -> vector<10000x1xf32>
    %gt3A_214 = arith.cmpf ogt, %convert_element_type3A_175, %dot_general3A_213 : vector<10000x1xf32>
    %convert_element_type3A_215 = arith.extui %gt3A_214 : vector<10000x1xi1> to vector<10000x1xi32>
    %convert_element_type3A_216 = arith.sitofp %convert_element_type3A_215 : vector<10000x1xi32> to vector<10000x1xf32>
    %mul3A_217 = arith.mulf %mul3A_168, %convert_element_type3A_216 : vector<10000x1xf32>
    %max3A_218 = arith.maximumf %max3A_164, %mul3A_217 : vector<10000x1xf32>
    %eq3A_219 = arith.cmpf oeq, %convert_element_type3A_175, %dot_general3A_213 : vector<10000x1xf32>
    %convert_element_type3A_220 = arith.extui %eq3A_219 : vector<10000x1xi1> to vector<10000x1xi32>
    %convert_element_type3A_221 = arith.sitofp %convert_element_type3A_220 : vector<10000x1xi32> to vector<10000x1xf32>
    %mul3A_222 = arith.mulf %mul3A_168, %convert_element_type3A_221 : vector<10000x1xf32>
    %shift_right_logical3A_223 = arith.constant 0 : i32
    %shift_right_logical3A_224 = vector.broadcast %shift_right_logical3A_223 : i32 to vector<10000x1xi32>
    %shift_right_logical3A_225 = arith.shrui %not3A_49, %shift_right_logical3A_224 : vector<10000x1xi32>
    %and3A_226 = arith.constant 255 : i32
    %and3A_227 = vector.broadcast %and3A_226 : i32 to vector<10000x1xi32>
    %and3A_228 = arith.andi %shift_right_logical3A_225, %and3A_227 : vector<10000x1xi32>
    %convert_element_type3A_229 = arith.uitofp %and3A_228 : vector<10000x1xi32> to vector<10000x1xf32>
    %eq3A_230 = vector.broadcast %convert_element_type3A_229 : vector<10000x1xf32> to vector<10000x256xf32>
    %eq3A_231 = vector.broadcast %convert_element_type3A_51 : vector<1x256xf32> to vector<10000x256xf32>
    %eq3A_232 = arith.cmpf oeq, %eq3A_230, %eq3A_231 : vector<10000x256xf32>
    %convert_element_type3A_233 = arith.extui %eq3A_232 : vector<10000x256xi1> to vector<10000x256xi32>
    %convert_element_type3A_234 = arith.sitofp %convert_element_type3A_233 : vector<10000x256xi32> to vector<10000x256xf32>
    %mul3A_235 = vector.broadcast %mul3A_222 : vector<10000x1xf32> to vector<10000x256xf32>
    %mul3A_236 = arith.mulf %convert_element_type3A_234, %mul3A_235 : vector<10000x256xf32>
    %dot_general3A_237 = arith.constant dense<0.000000e+00> : vector<64x256xf32>
    %dot_general3A_238 = tpu.matmul %convert_element_type3A_31, %mul3A_236, %dot_general3A_237 {dimension_numbers = #tpu.dot_dimension_numbers<[0], [0], [1], [1], [0, 1, 1, 1], [], []>, transpose_lhs_hint = false} : vector<10000x64xf32>, vector<10000x256xf32>, vector<64x256xf32> -> vector<64x256xf32>
    %dot_general3A_239 = arith.constant dense<0.000000e+00> : vector<64x256xf32>
    %dot_general3A_240 = tpu.matmul %dot_general3A_238, %convert_element_type3A_56, %dot_general3A_239 {dimension_numbers = #tpu.dot_dimension_numbers<[1], [0], [0], [1], [0, 0, 1, 1], [], []>, transpose_lhs_hint = false} : vector<64x256xf32>, vector<256x256xf32>, vector<64x256xf32> -> vector<64x256xf32>
    %ge3A_241 = vector.broadcast %sub3A_211 : vector<64x1xf32> to vector<64x256xf32>
    %ge3A_242 = arith.cmpf oge, %dot_general3A_240, %ge3A_241 : vector<64x256xf32>
    %convert_element_type3A_243 = arith.extui %ge3A_242 : vector<64x256xi1> to vector<64x256xi32>
    %convert_element_type3A_244 = arith.sitofp %convert_element_type3A_243 : vector<64x256xi32> to vector<64x256xf32>
    %reduce_sum3A_245 = arith.constant dense<0.000000e+00> : vector<64xf32>
    %reduce_sum3A_246 = vector.multi_reduction <add>, %convert_element_type3A_244, %reduce_sum3A_245 [1] : vector<64x256xf32> to vector<64xf32>
    %broadcast_in_dim3A_247 = vector.shape_cast %reduce_sum3A_246 : vector<64xf32> to vector<64x1xf32>
    %sub3A_248 = arith.constant 1.000000e+00 : f32
    %sub3A_249 = vector.broadcast %sub3A_248 : f32 to vector<64x1xf32>
    %sub3A_250 = arith.subf %broadcast_in_dim3A_247, %sub3A_249 : vector<64x1xf32>
    %eq3A_251 = vector.broadcast %convert_element_type3A_51 : vector<1x256xf32> to vector<64x256xf32>
    %eq3A_252 = vector.broadcast %sub3A_250 : vector<64x1xf32> to vector<64x256xf32>
    %eq3A_253 = arith.cmpf oeq, %eq3A_251, %eq3A_252 : vector<64x256xf32>
    %convert_element_type3A_254 = arith.extui %eq3A_253 : vector<64x256xi1> to vector<64x256xi32>
    %convert_element_type3A_255 = arith.sitofp %convert_element_type3A_254 : vector<64x256xi32> to vector<64x256xf32>
    %mul3A_256 = arith.mulf %dot_general3A_240, %convert_element_type3A_255 : vector<64x256xf32>
    %reduce_sum3A_257 = arith.constant dense<0.000000e+00> : vector<64xf32>
    %reduce_sum3A_258 = vector.multi_reduction <add>, %mul3A_256, %reduce_sum3A_257 [1] : vector<64x256xf32> to vector<64xf32>
    %broadcast_in_dim3A_259 = vector.shape_cast %reduce_sum3A_258 : vector<64xf32> to vector<64x1xf32>
    %mul3A_260 = arith.mulf %dot_general3A_238, %convert_element_type3A_255 : vector<64x256xf32>
    %reduce_sum3A_261 = arith.constant dense<0.000000e+00> : vector<64xf32>
    %reduce_sum3A_262 = vector.multi_reduction <add>, %mul3A_260, %reduce_sum3A_261 [1] : vector<64x256xf32> to vector<64xf32>
    %broadcast_in_dim3A_263 = vector.shape_cast %reduce_sum3A_262 : vector<64xf32> to vector<64x1xf32>
    %sub3A_264 = arith.subf %broadcast_in_dim3A_259, %broadcast_in_dim3A_263 : vector<64x1xf32>
    %sub3A_265 = arith.subf %sub3A_211, %sub3A_264 : vector<64x1xf32>
    %dot_general3A_266 = arith.constant dense<0.000000e+00> : vector<10000x1xf32>
    %dot_general3A_267 = tpu.matmul %convert_element_type3A_31, %sub3A_250, %dot_general3A_266 {dimension_numbers = #tpu.dot_dimension_numbers<[1], [0], [0], [1], [0, 0, 1, 1], [], []>, transpose_lhs_hint = false} : vector<10000x64xf32>, vector<64x1xf32>, vector<10000x1xf32> -> vector<10000x1xf32>
    %gt3A_268 = arith.cmpf ogt, %convert_element_type3A_229, %dot_general3A_267 : vector<10000x1xf32>
    %convert_element_type3A_269 = arith.extui %gt3A_268 : vector<10000x1xi1> to vector<10000x1xi32>
    %convert_element_type3A_270 = arith.sitofp %convert_element_type3A_269 : vector<10000x1xi32> to vector<10000x1xf32>
    %mul3A_271 = arith.mulf %mul3A_222, %convert_element_type3A_270 : vector<10000x1xf32>
    %max3A_272 = arith.maximumf %max3A_218, %mul3A_271 : vector<10000x1xf32>
    %eq3A_273 = arith.cmpf oeq, %convert_element_type3A_229, %dot_general3A_267 : vector<10000x1xf32>
    %convert_element_type3A_274 = arith.extui %eq3A_273 : vector<10000x1xi1> to vector<10000x1xi32>
    %convert_element_type3A_275 = arith.sitofp %convert_element_type3A_274 : vector<10000x1xi32> to vector<10000x1xf32>
    %mul3A_276 = arith.mulf %mul3A_222, %convert_element_type3A_275 : vector<10000x1xf32>
    %iota3A_277 = tpu.iota {dimensions = array<i32: 0>} : vector<10000x1xi32>
    %sub3A_278 = arith.constant 10000 : i32
    %sub3A_279 = vector.broadcast %sub3A_278 : i32 to vector<10000x1xi32>
    %sub3A_280 = arith.subi %sub3A_279, %iota3A_277 : vector<10000x1xi32>
    %broadcast_in_dim3A_281 = arith.constant 0.000000e+00 : f32
    %broadcast_in_dim3A_282 = vector.broadcast %broadcast_in_dim3A_281 : f32 to vector<10000x1xf32>
    %shift_right_logical3A_283 = arith.constant 8 : i32
    %shift_right_logical3A_284 = vector.broadcast %shift_right_logical3A_283 : i32 to vector<10000x1xi32>
    %shift_right_logical3A_285 = arith.shrui %sub3A_280, %shift_right_logical3A_284 : vector<10000x1xi32>
    %and3A_286 = arith.constant 255 : i32
    %and3A_287 = vector.broadcast %and3A_286 : i32 to vector<10000x1xi32>
    %and3A_288 = arith.andi %shift_right_logical3A_285, %and3A_287 : vector<10000x1xi32>
    %convert_element_type3A_289 = arith.uitofp %and3A_288 : vector<10000x1xi32> to vector<10000x1xf32>
    %eq3A_290 = vector.broadcast %convert_element_type3A_289 : vector<10000x1xf32> to vector<10000x256xf32>
    %eq3A_291 = vector.broadcast %convert_element_type3A_51 : vector<1x256xf32> to vector<10000x256xf32>
    %eq3A_292 = arith.cmpf oeq, %eq3A_290, %eq3A_291 : vector<10000x256xf32>
    %convert_element_type3A_293 = arith.extui %eq3A_292 : vector<10000x256xi1> to vector<10000x256xi32>
    %convert_element_type3A_294 = arith.sitofp %convert_element_type3A_293 : vector<10000x256xi32> to vector<10000x256xf32>
    %mul3A_295 = vector.broadcast %mul3A_276 : vector<10000x1xf32> to vector<10000x256xf32>
    %mul3A_296 = arith.mulf %convert_element_type3A_294, %mul3A_295 : vector<10000x256xf32>
    %dot_general3A_297 = arith.constant dense<0.000000e+00> : vector<64x256xf32>
    %dot_general3A_298 = tpu.matmul %convert_element_type3A_31, %mul3A_296, %dot_general3A_297 {dimension_numbers = #tpu.dot_dimension_numbers<[0], [0], [1], [1], [0, 1, 1, 1], [], []>, transpose_lhs_hint = false} : vector<10000x64xf32>, vector<10000x256xf32>, vector<64x256xf32> -> vector<64x256xf32>
    %dot_general3A_299 = arith.constant dense<0.000000e+00> : vector<64x256xf32>
    %dot_general3A_300 = tpu.matmul %dot_general3A_298, %convert_element_type3A_56, %dot_general3A_299 {dimension_numbers = #tpu.dot_dimension_numbers<[1], [0], [0], [1], [0, 0, 1, 1], [], []>, transpose_lhs_hint = false} : vector<64x256xf32>, vector<256x256xf32>, vector<64x256xf32> -> vector<64x256xf32>
    %ge3A_301 = vector.broadcast %sub3A_265 : vector<64x1xf32> to vector<64x256xf32>
    %ge3A_302 = arith.cmpf oge, %dot_general3A_300, %ge3A_301 : vector<64x256xf32>
    %convert_element_type3A_303 = arith.extui %ge3A_302 : vector<64x256xi1> to vector<64x256xi32>
    %convert_element_type3A_304 = arith.sitofp %convert_element_type3A_303 : vector<64x256xi32> to vector<64x256xf32>
    %reduce_sum3A_305 = arith.constant dense<0.000000e+00> : vector<64xf32>
    %reduce_sum3A_306 = vector.multi_reduction <add>, %convert_element_type3A_304, %reduce_sum3A_305 [1] : vector<64x256xf32> to vector<64xf32>
    %broadcast_in_dim3A_307 = vector.shape_cast %reduce_sum3A_306 : vector<64xf32> to vector<64x1xf32>
    %sub3A_308 = arith.constant 1.000000e+00 : f32
    %sub3A_309 = vector.broadcast %sub3A_308 : f32 to vector<64x1xf32>
    %sub3A_310 = arith.subf %broadcast_in_dim3A_307, %sub3A_309 : vector<64x1xf32>
    %eq3A_311 = vector.broadcast %convert_element_type3A_51 : vector<1x256xf32> to vector<64x256xf32>
    %eq3A_312 = vector.broadcast %sub3A_310 : vector<64x1xf32> to vector<64x256xf32>
    %eq3A_313 = arith.cmpf oeq, %eq3A_311, %eq3A_312 : vector<64x256xf32>
    %convert_element_type3A_314 = arith.extui %eq3A_313 : vector<64x256xi1> to vector<64x256xi32>
    %convert_element_type3A_315 = arith.sitofp %convert_element_type3A_314 : vector<64x256xi32> to vector<64x256xf32>
    %mul3A_316 = arith.mulf %dot_general3A_300, %convert_element_type3A_315 : vector<64x256xf32>
    %reduce_sum3A_317 = arith.constant dense<0.000000e+00> : vector<64xf32>
    %reduce_sum3A_318 = vector.multi_reduction <add>, %mul3A_316, %reduce_sum3A_317 [1] : vector<64x256xf32> to vector<64xf32>
    %broadcast_in_dim3A_319 = vector.shape_cast %reduce_sum3A_318 : vector<64xf32> to vector<64x1xf32>
    %mul3A_320 = arith.mulf %dot_general3A_298, %convert_element_type3A_315 : vector<64x256xf32>
    %reduce_sum3A_321 = arith.constant dense<0.000000e+00> : vector<64xf32>
    %reduce_sum3A_322 = vector.multi_reduction <add>, %mul3A_320, %reduce_sum3A_321 [1] : vector<64x256xf32> to vector<64xf32>
    %broadcast_in_dim3A_323 = vector.shape_cast %reduce_sum3A_322 : vector<64xf32> to vector<64x1xf32>
    %sub3A_324 = arith.subf %broadcast_in_dim3A_319, %broadcast_in_dim3A_323 : vector<64x1xf32>
    %sub3A_325 = arith.subf %sub3A_265, %sub3A_324 : vector<64x1xf32>
    %dot_general3A_326 = arith.constant dense<0.000000e+00> : vector<10000x1xf32>
    %dot_general3A_327 = tpu.matmul %convert_element_type3A_31, %sub3A_310, %dot_general3A_326 {dimension_numbers = #tpu.dot_dimension_numbers<[1], [0], [0], [1], [0, 0, 1, 1], [], []>, transpose_lhs_hint = false} : vector<10000x64xf32>, vector<64x1xf32>, vector<10000x1xf32> -> vector<10000x1xf32>
    %gt3A_328 = arith.cmpf ogt, %convert_element_type3A_289, %dot_general3A_327 : vector<10000x1xf32>
    %convert_element_type3A_329 = arith.extui %gt3A_328 : vector<10000x1xi1> to vector<10000x1xi32>
    %convert_element_type3A_330 = arith.sitofp %convert_element_type3A_329 : vector<10000x1xi32> to vector<10000x1xf32>
    %mul3A_331 = arith.mulf %mul3A_276, %convert_element_type3A_330 : vector<10000x1xf32>
    %max3A_332 = arith.maximumf %broadcast_in_dim3A_282, %mul3A_331 : vector<10000x1xf32>
    %eq3A_333 = arith.cmpf oeq, %convert_element_type3A_289, %dot_general3A_327 : vector<10000x1xf32>
    %convert_element_type3A_334 = arith.extui %eq3A_333 : vector<10000x1xi1> to vector<10000x1xi32>
    %convert_element_type3A_335 = arith.sitofp %convert_element_type3A_334 : vector<10000x1xi32> to vector<10000x1xf32>
    %mul3A_336 = arith.mulf %mul3A_276, %convert_element_type3A_335 : vector<10000x1xf32>
    %shift_right_logical3A_337 = arith.constant 0 : i32
    %shift_right_logical3A_338 = vector.broadcast %shift_right_logical3A_337 : i32 to vector<10000x1xi32>
    %shift_right_logical3A_339 = arith.shrui %sub3A_280, %shift_right_logical3A_338 : vector<10000x1xi32>
    %and3A_340 = arith.constant 255 : i32
    %and3A_341 = vector.broadcast %and3A_340 : i32 to vector<10000x1xi32>
    %and3A_342 = arith.andi %shift_right_logical3A_339, %and3A_341 : vector<10000x1xi32>
    %convert_element_type3A_343 = arith.uitofp %and3A_342 : vector<10000x1xi32> to vector<10000x1xf32>
    %eq3A_344 = vector.broadcast %convert_element_type3A_343 : vector<10000x1xf32> to vector<10000x256xf32>
    %eq3A_345 = vector.broadcast %convert_element_type3A_51 : vector<1x256xf32> to vector<10000x256xf32>
    %eq3A_346 = arith.cmpf oeq, %eq3A_344, %eq3A_345 : vector<10000x256xf32>
    %convert_element_type3A_347 = arith.extui %eq3A_346 : vector<10000x256xi1> to vector<10000x256xi32>
    %convert_element_type3A_348 = arith.sitofp %convert_element_type3A_347 : vector<10000x256xi32> to vector<10000x256xf32>
    %mul3A_349 = vector.broadcast %mul3A_336 : vector<10000x1xf32> to vector<10000x256xf32>
    %mul3A_350 = arith.mulf %convert_element_type3A_348, %mul3A_349 : vector<10000x256xf32>
    %dot_general3A_351 = arith.constant dense<0.000000e+00> : vector<64x256xf32>
    %dot_general3A_352 = tpu.matmul %convert_element_type3A_31, %mul3A_350, %dot_general3A_351 {dimension_numbers = #tpu.dot_dimension_numbers<[0], [0], [1], [1], [0, 1, 1, 1], [], []>, transpose_lhs_hint = false} : vector<10000x64xf32>, vector<10000x256xf32>, vector<64x256xf32> -> vector<64x256xf32>
    %dot_general3A_353 = arith.constant dense<0.000000e+00> : vector<64x256xf32>
    %dot_general3A_354 = tpu.matmul %dot_general3A_352, %convert_element_type3A_56, %dot_general3A_353 {dimension_numbers = #tpu.dot_dimension_numbers<[1], [0], [0], [1], [0, 0, 1, 1], [], []>, transpose_lhs_hint = false} : vector<64x256xf32>, vector<256x256xf32>, vector<64x256xf32> -> vector<64x256xf32>
    %ge3A_355 = vector.broadcast %sub3A_325 : vector<64x1xf32> to vector<64x256xf32>
    %ge3A_356 = arith.cmpf oge, %dot_general3A_354, %ge3A_355 : vector<64x256xf32>
    %convert_element_type3A_357 = arith.extui %ge3A_356 : vector<64x256xi1> to vector<64x256xi32>
    %convert_element_type3A_358 = arith.sitofp %convert_element_type3A_357 : vector<64x256xi32> to vector<64x256xf32>
    %reduce_sum3A_359 = arith.constant dense<0.000000e+00> : vector<64xf32>
    %reduce_sum3A_360 = vector.multi_reduction <add>, %convert_element_type3A_358, %reduce_sum3A_359 [1] : vector<64x256xf32> to vector<64xf32>
    %broadcast_in_dim3A_361 = vector.shape_cast %reduce_sum3A_360 : vector<64xf32> to vector<64x1xf32>
    %sub3A_362 = arith.constant 1.000000e+00 : f32
    %sub3A_363 = vector.broadcast %sub3A_362 : f32 to vector<64x1xf32>
    %sub3A_364 = arith.subf %broadcast_in_dim3A_361, %sub3A_363 : vector<64x1xf32>
    %dot_general3A_365 = arith.constant dense<0.000000e+00> : vector<10000x1xf32>
    %dot_general3A_366 = tpu.matmul %convert_element_type3A_31, %sub3A_364, %dot_general3A_365 {dimension_numbers = #tpu.dot_dimension_numbers<[1], [0], [0], [1], [0, 0, 1, 1], [], []>, transpose_lhs_hint = false} : vector<10000x64xf32>, vector<64x1xf32>, vector<10000x1xf32> -> vector<10000x1xf32>
    %gt3A_367 = arith.cmpf ogt, %convert_element_type3A_343, %dot_general3A_366 : vector<10000x1xf32>
    %convert_element_type3A_368 = arith.extui %gt3A_367 : vector<10000x1xi1> to vector<10000x1xi32>
    %convert_element_type3A_369 = arith.sitofp %convert_element_type3A_368 : vector<10000x1xi32> to vector<10000x1xf32>
    %mul3A_370 = arith.mulf %mul3A_336, %convert_element_type3A_369 : vector<10000x1xf32>
    %max3A_371 = arith.maximumf %max3A_332, %mul3A_370 : vector<10000x1xf32>
    %eq3A_372 = arith.cmpf oeq, %convert_element_type3A_343, %dot_general3A_366 : vector<10000x1xf32>
    %convert_element_type3A_373 = arith.extui %eq3A_372 : vector<10000x1xi1> to vector<10000x1xi32>
    %convert_element_type3A_374 = arith.sitofp %convert_element_type3A_373 : vector<10000x1xi32> to vector<10000x1xf32>
    %mul3A_375 = arith.mulf %mul3A_336, %convert_element_type3A_374 : vector<10000x1xf32>
    %add3A = arith.addf %max3A_272, %max3A_371 : vector<10000x1xf32>
    %add3A_376 = arith.addf %add3A, %mul3A_375 : vector<10000x1xf32>
    %min3A = arith.constant 1.000000e+00 : f32
    %min3A_377 = vector.broadcast %min3A : f32 to vector<10000x1xf32>
    %min3A_378 = arith.minimumf %add3A_376, %min3A_377 : vector<10000x1xf32>
    %swap3A = arith.constant 0 : index
    %swap3A_379 = arith.constant 0 : index
    %swap3A_380 = vector.load %arg3[%swap3A, %swap3A_379] : memref<10000x1xf32, #tpu.memory_space<vmem>>, vector<10000x1xf32>
    tpu.vector_store %arg3[%swap3A, %swap3A_379], %min3A_378 {strides = array<i32>} : memref<10000x1xf32, #tpu.memory_space<vmem>>, vector<10000x1xf32>,
    return
  }
}

module attributes {stable_mosaic.version = 14 : i64} {
  func.func @_tc3_body(%arg0: memref<10000x128xf32, #tpu.memory_space<vmem>>, %arg1: memref<2x10112x128xf32, #tpu.memory_space<vmem>>, %arg2: memref<10000x1xf32, #tpu.memory_space<vmem>>, %arg3: memref<128x128xf32, #tpu.memory_space<vmem>>, %arg4: memref<1x128xf32, #tpu.memory_space<vmem>>, %arg5: memref<128x128xf32, #tpu.memory_space<vmem>>, %arg6: memref<1x128xf32, #tpu.memory_space<vmem>>, %arg7: memref<10000x128xf32, #tpu.memory_space<vmem>>) attributes {dimension_semantics = [], scalar_prefetch = 0 : i64, scratch_operands = 0 : i64, tpu.core_type = #tpu.core_type<tc>} {
    %get3A = arith.constant 0 : index
    %get3A_0 = arith.constant 0 : index
    %get3A_1 = vector.load %arg0[%get3A, %get3A_0] : memref<10000x128xf32, #tpu.memory_space<vmem>>, vector<10000x128xf32>
    %get3A_2 = arith.constant 0 : index
    %get3A_3 = arith.constant 0 : index
    %get3A_4 = vector.load %arg2[%get3A_2, %get3A_3] : memref<10000x1xf32, #tpu.memory_space<vmem>>, vector<10000x1xf32>
    %mul3A = vector.broadcast %get3A_4 : vector<10000x1xf32> to vector<10000x128xf32>
    %mul3A_5 = arith.mulf %get3A_1, %mul3A : vector<10000x128xf32>
    %get3A_6 = arith.constant 0 : index
    %get3A_7 = arith.constant 0 : index
    %get3A_8 = arith.constant 0 : index
    %get3A_9 = vector.load %arg1[%get3A_6, %get3A_7, %get3A_8] : memref<2x10112x128xf32, #tpu.memory_space<vmem>>, vector<1x10000x128xf32>
    %get3A_10 = vector.shape_cast %get3A_9 : vector<1x10000x128xf32> to vector<10000x128xf32>
    %add3A = arith.addf %mul3A_5, %get3A_10 : vector<10000x128xf32>
    %get3A_11 = arith.constant 1 : index
    %get3A_12 = arith.constant 0 : index
    %get3A_13 = arith.constant 0 : index
    %get3A_14 = vector.load %arg1[%get3A_11, %get3A_12, %get3A_13] : memref<2x10112x128xf32, #tpu.memory_space<vmem>>, vector<1x10000x128xf32>
    %get3A_15 = vector.shape_cast %get3A_14 : vector<1x10000x128xf32> to vector<10000x128xf32>
    %add3A_16 = arith.addf %add3A, %get3A_15 : vector<10000x128xf32>
    %get3A_17 = arith.constant 0 : index
    %get3A_18 = arith.constant 0 : index
    %get3A_19 = vector.load %arg3[%get3A_17, %get3A_18] : memref<128x128xf32, #tpu.memory_space<vmem>>, vector<128x128xf32>
    %dot_general3A = arith.constant dense<0.000000e+00> : vector<10000x128xf32>
    %dot_general3A_20 = tpu.matmul %add3A_16, %get3A_19, %dot_general3A {dimension_numbers = #tpu.dot_dimension_numbers<[1], [0], [0], [1], [0, 0, 1, 1], [], []>, transpose_lhs_hint = false} : vector<10000x128xf32>, vector<128x128xf32>, vector<10000x128xf32> -> vector<10000x128xf32>
    %get3A_21 = arith.constant 0 : index
    %get3A_22 = arith.constant 0 : index
    %get3A_23 = vector.load %arg4[%get3A_21, %get3A_22] : memref<1x128xf32, #tpu.memory_space<vmem>>, vector<1x128xf32>
    %add3A_24 = vector.broadcast %get3A_23 : vector<1x128xf32> to vector<10000x128xf32>
    %add3A_25 = arith.addf %dot_general3A_20, %add3A_24 : vector<10000x128xf32>
    %max3A = arith.constant 0.000000e+00 : f32
    %max3A_26 = vector.broadcast %max3A : f32 to vector<10000x128xf32>
    %max3A_27 = arith.maximumf %add3A_25, %max3A_26 : vector<10000x128xf32>
    %get3A_28 = arith.constant 0 : index
    %get3A_29 = arith.constant 0 : index
    %get3A_30 = vector.load %arg5[%get3A_28, %get3A_29] : memref<128x128xf32, #tpu.memory_space<vmem>>, vector<128x128xf32>
    %dot_general3A_31 = arith.constant dense<0.000000e+00> : vector<10000x128xf32>
    %dot_general3A_32 = tpu.matmul %max3A_27, %get3A_30, %dot_general3A_31 {dimension_numbers = #tpu.dot_dimension_numbers<[1], [0], [0], [1], [0, 0, 1, 1], [], []>, transpose_lhs_hint = false} : vector<10000x128xf32>, vector<128x128xf32>, vector<10000x128xf32> -> vector<10000x128xf32>
    %get3A_33 = arith.constant 0 : index
    %get3A_34 = arith.constant 0 : index
    %get3A_35 = vector.load %arg6[%get3A_33, %get3A_34] : memref<1x128xf32, #tpu.memory_space<vmem>>, vector<1x128xf32>
    %add3A_36 = vector.broadcast %get3A_35 : vector<1x128xf32> to vector<10000x128xf32>
    %add3A_37 = arith.addf %dot_general3A_32, %add3A_36 : vector<10000x128xf32>
    %max3A_38 = arith.constant 0.000000e+00 : f32
    %max3A_39 = vector.broadcast %max3A_38 : f32 to vector<10000x128xf32>
    %max3A_40 = arith.maximumf %add3A_37, %max3A_39 : vector<10000x128xf32>
    %get3A_41 = arith.constant 0 : index
    %get3A_42 = arith.constant 0 : index
    %get3A_43 = vector.load %arg2[%get3A_41, %get3A_42] : memref<10000x1xf32, #tpu.memory_space<vmem>>, vector<10000x1xf32>
    %mul3A_44 = vector.broadcast %get3A_43 : vector<10000x1xf32> to vector<10000x128xf32>
    %mul3A_45 = arith.mulf %max3A_40, %mul3A_44 : vector<10000x128xf32>
    %swap3A = arith.constant 0 : index
    %swap3A_46 = arith.constant 0 : index
    %swap3A_47 = vector.load %arg7[%swap3A, %swap3A_46] : memref<10000x128xf32, #tpu.memory_space<vmem>>, vector<10000x128xf32>
    tpu.vector_store %arg7[%swap3A, %swap3A_46], %mul3A_45 {strides = array<i32>} : memref<10000x128xf32, #tpu.memory_space<vmem>>, vector<10000x128xf32>,
    return
  }
}

module attributes {stable_mosaic.version = 14 : i64} {
  func.func @_tc4_body(%arg0: memref<10000x128xf32, #tpu.memory_space<vmem>>, %arg1: memref<2x10112x128xf32, #tpu.memory_space<vmem>>, %arg2: memref<10000x1xf32, #tpu.memory_space<vmem>>, %arg3: memref<1x10000xi32, #tpu.memory_space<vmem>>, %arg4: memref<128x128xf32, #tpu.memory_space<vmem>>, %arg5: memref<1x128xf32, #tpu.memory_space<vmem>>, %arg6: memref<128x128xf32, #tpu.memory_space<vmem>>, %arg7: memref<1x128xf32, #tpu.memory_space<vmem>>, %arg8: memref<128x128xf32, #tpu.memory_space<vmem>>, %arg9: memref<1x128xf32, #tpu.memory_space<vmem>>, %arg10: memref<128x128xf32, #tpu.memory_space<vmem>>, %arg11: memref<1x128xf32, #tpu.memory_space<vmem>>, %arg12: memref<64x128xf32, #tpu.memory_space<vmem>>) attributes {dimension_semantics = [], scalar_prefetch = 0 : i64, scratch_operands = 0 : i64, tpu.core_type = #tpu.core_type<tc>} {
    %get3A = arith.constant 0 : index
    %get3A_0 = arith.constant 0 : index
    %get3A_1 = vector.load %arg0[%get3A, %get3A_0] : memref<10000x128xf32, #tpu.memory_space<vmem>>, vector<10000x128xf32>
    %get3A_2 = arith.constant 0 : index
    %get3A_3 = arith.constant 0 : index
    %get3A_4 = arith.constant 0 : index
    %get3A_5 = vector.load %arg1[%get3A_2, %get3A_3, %get3A_4] : memref<2x10112x128xf32, #tpu.memory_space<vmem>>, vector<1x10000x128xf32>
    %get3A_6 = vector.shape_cast %get3A_5 : vector<1x10000x128xf32> to vector<10000x128xf32>
    %add3A = arith.addf %get3A_1, %get3A_6 : vector<10000x128xf32>
    %get3A_7 = arith.constant 1 : index
    %get3A_8 = arith.constant 0 : index
    %get3A_9 = arith.constant 0 : index
    %get3A_10 = vector.load %arg1[%get3A_7, %get3A_8, %get3A_9] : memref<2x10112x128xf32, #tpu.memory_space<vmem>>, vector<1x10000x128xf32>
    %get3A_11 = vector.shape_cast %get3A_10 : vector<1x10000x128xf32> to vector<10000x128xf32>
    %add3A_12 = arith.addf %add3A, %get3A_11 : vector<10000x128xf32>
    %get3A_13 = arith.constant 0 : index
    %get3A_14 = arith.constant 0 : index
    %get3A_15 = vector.load %arg4[%get3A_13, %get3A_14] : memref<128x128xf32, #tpu.memory_space<vmem>>, vector<128x128xf32>
    %dot_general3A = arith.constant dense<0.000000e+00> : vector<10000x128xf32>
    %dot_general3A_16 = tpu.matmul %add3A_12, %get3A_15, %dot_general3A {dimension_numbers = #tpu.dot_dimension_numbers<[1], [0], [0], [1], [0, 0, 1, 1], [], []>, transpose_lhs_hint = false} : vector<10000x128xf32>, vector<128x128xf32>, vector<10000x128xf32> -> vector<10000x128xf32>
    %get3A_17 = arith.constant 0 : index
    %get3A_18 = arith.constant 0 : index
    %get3A_19 = vector.load %arg5[%get3A_17, %get3A_18] : memref<1x128xf32, #tpu.memory_space<vmem>>, vector<1x128xf32>
    %add3A_20 = vector.broadcast %get3A_19 : vector<1x128xf32> to vector<10000x128xf32>
    %add3A_21 = arith.addf %dot_general3A_16, %add3A_20 : vector<10000x128xf32>
    %max3A = arith.constant 0.000000e+00 : f32
    %max3A_22 = vector.broadcast %max3A : f32 to vector<10000x128xf32>
    %max3A_23 = arith.maximumf %add3A_21, %max3A_22 : vector<10000x128xf32>
    %get3A_24 = arith.constant 0 : index
    %get3A_25 = arith.constant 0 : index
    %get3A_26 = vector.load %arg6[%get3A_24, %get3A_25] : memref<128x128xf32, #tpu.memory_space<vmem>>, vector<128x128xf32>
    %dot_general3A_27 = arith.constant dense<0.000000e+00> : vector<10000x128xf32>
    %dot_general3A_28 = tpu.matmul %max3A_23, %get3A_26, %dot_general3A_27 {dimension_numbers = #tpu.dot_dimension_numbers<[1], [0], [0], [1], [0, 0, 1, 1], [], []>, transpose_lhs_hint = false} : vector<10000x128xf32>, vector<128x128xf32>, vector<10000x128xf32> -> vector<10000x128xf32>
    %get3A_29 = arith.constant 0 : index
    %get3A_30 = arith.constant 0 : index
    %get3A_31 = vector.load %arg7[%get3A_29, %get3A_30] : memref<1x128xf32, #tpu.memory_space<vmem>>, vector<1x128xf32>
    %add3A_32 = vector.broadcast %get3A_31 : vector<1x128xf32> to vector<10000x128xf32>
    %add3A_33 = arith.addf %dot_general3A_28, %add3A_32 : vector<10000x128xf32>
    %max3A_34 = arith.constant 0.000000e+00 : f32
    %max3A_35 = vector.broadcast %max3A_34 : f32 to vector<10000x128xf32>
    %max3A_36 = arith.maximumf %add3A_33, %max3A_35 : vector<10000x128xf32>
    %get3A_37 = arith.constant 0 : index
    %get3A_38 = arith.constant 0 : index
    %get3A_39 = vector.load %arg2[%get3A_37, %get3A_38] : memref<10000x1xf32, #tpu.memory_space<vmem>>, vector<10000x1xf32>
    %mul3A = vector.broadcast %get3A_39 : vector<10000x1xf32> to vector<10000x128xf32>
    %mul3A_40 = arith.mulf %max3A_36, %mul3A : vector<10000x128xf32>
    %get3A_41 = arith.constant 0 : index
    %get3A_42 = arith.constant 0 : index
    %get3A_43 = vector.load %arg3[%get3A_41, %get3A_42] : memref<1x10000xi32, #tpu.memory_space<vmem>>, vector<1x10000xi32>
    %iota3A = tpu.iota {dimensions = array<i32: 0>} : vector<64x1xi32>
    %eq3A = vector.broadcast %get3A_43 : vector<1x10000xi32> to vector<64x10000xi32>
    %eq3A_44 = vector.broadcast %iota3A : vector<64x1xi32> to vector<64x10000xi32>
    %eq3A_45 = arith.cmpi eq, %eq3A, %eq3A_44 : vector<64x10000xi32>
    %convert_element_type3A = arith.extui %eq3A_45 : vector<64x10000xi1> to vector<64x10000xi32>
    %convert_element_type3A_46 = arith.sitofp %convert_element_type3A : vector<64x10000xi32> to vector<64x10000xf32>
    %reduce_sum3A = arith.constant dense<0.000000e+00> : vector<64xf32>
    %reduce_sum3A_47 = vector.multi_reduction <add>, %convert_element_type3A_46, %reduce_sum3A [1] : vector<64x10000xf32> to vector<64xf32>
    %broadcast_in_dim3A = vector.shape_cast %reduce_sum3A_47 : vector<64xf32> to vector<64x1xf32>
    %transpose3A = tpu.transpose %broadcast_in_dim3A, [1, 0] : vector<64x1xf32> -> vector<1x64xf32>
    %iota3A_48 = tpu.iota {dimensions = array<i32: 0>} : vector<64x64xi32>
    %iota3A_49 = tpu.iota {dimensions = array<i32: 1>} : vector<64x64xi32>
    %le3A = arith.cmpi sle, %iota3A_48, %iota3A_49 : vector<64x64xi32>
    %convert_element_type3A_50 = arith.extui %le3A : vector<64x64xi1> to vector<64x64xi32>
    %convert_element_type3A_51 = arith.sitofp %convert_element_type3A_50 : vector<64x64xi32> to vector<64x64xf32>
    %dot_general3A_52 = arith.constant dense<0.000000e+00> : vector<1x64xf32>
    %dot_general3A_53 = tpu.matmul %transpose3A, %convert_element_type3A_51, %dot_general3A_52 {dimension_numbers = #tpu.dot_dimension_numbers<[1], [0], [0], [1], [0, 0, 1, 1], [], []>, transpose_lhs_hint = false} : vector<1x64xf32>, vector<64x64xf32>, vector<1x64xf32> -> vector<1x64xf32>
    %sub3A = arith.subf %dot_general3A_53, %transpose3A : vector<1x64xf32>
    %iota3A_54 = tpu.iota {dimensions = array<i32: 0>} : vector<10000x1xi32>
    %convert_element_type3A_55 = arith.sitofp %iota3A_54 : vector<10000x1xi32> to vector<10000x1xf32>
    %ge3A = vector.broadcast %convert_element_type3A_55 : vector<10000x1xf32> to vector<10000x64xf32>
    %ge3A_56 = vector.broadcast %sub3A : vector<1x64xf32> to vector<10000x64xf32>
    %ge3A_57 = arith.cmpf oge, %ge3A, %ge3A_56 : vector<10000x64xf32>
    %lt3A = vector.broadcast %convert_element_type3A_55 : vector<10000x1xf32> to vector<10000x64xf32>
    %lt3A_58 = vector.broadcast %dot_general3A_53 : vector<1x64xf32> to vector<10000x64xf32>
    %lt3A_59 = arith.cmpf olt, %lt3A, %lt3A_58 : vector<10000x64xf32>
    %and3A = arith.andi %ge3A_57, %lt3A_59 : vector<10000x64xi1>
    %convert_element_type3A_60 = arith.extui %and3A : vector<10000x64xi1> to vector<10000x64xi32>
    %convert_element_type3A_61 = arith.sitofp %convert_element_type3A_60 : vector<10000x64xi32> to vector<10000x64xf32>
    %dot_general3A_62 = arith.constant dense<0.000000e+00> : vector<64x128xf32>
    %dot_general3A_63 = tpu.matmul %convert_element_type3A_61, %mul3A_40, %dot_general3A_62 {dimension_numbers = #tpu.dot_dimension_numbers<[0], [0], [1], [1], [0, 1, 1, 1], [], []>, transpose_lhs_hint = false} : vector<10000x64xf32>, vector<10000x128xf32>, vector<64x128xf32> -> vector<64x128xf32>
    %get3A_64 = arith.constant 0 : index
    %get3A_65 = arith.constant 0 : index
    %get3A_66 = vector.load %arg8[%get3A_64, %get3A_65] : memref<128x128xf32, #tpu.memory_space<vmem>>, vector<128x128xf32>
    %dot_general3A_67 = arith.constant dense<0.000000e+00> : vector<64x128xf32>
    %dot_general3A_68 = tpu.matmul %dot_general3A_63, %get3A_66, %dot_general3A_67 {dimension_numbers = #tpu.dot_dimension_numbers<[1], [0], [0], [1], [0, 0, 1, 1], [], []>, transpose_lhs_hint = false} : vector<64x128xf32>, vector<128x128xf32>, vector<64x128xf32> -> vector<64x128xf32>
    %get3A_69 = arith.constant 0 : index
    %get3A_70 = arith.constant 0 : index
    %get3A_71 = vector.load %arg9[%get3A_69, %get3A_70] : memref<1x128xf32, #tpu.memory_space<vmem>>, vector<1x128xf32>
    %add3A_72 = vector.broadcast %get3A_71 : vector<1x128xf32> to vector<64x128xf32>
    %add3A_73 = arith.addf %dot_general3A_68, %add3A_72 : vector<64x128xf32>
    %max3A_74 = arith.constant 0.000000e+00 : f32
    %max3A_75 = vector.broadcast %max3A_74 : f32 to vector<64x128xf32>
    %max3A_76 = arith.maximumf %add3A_73, %max3A_75 : vector<64x128xf32>
    %get3A_77 = arith.constant 0 : index
    %get3A_78 = arith.constant 0 : index
    %get3A_79 = vector.load %arg10[%get3A_77, %get3A_78] : memref<128x128xf32, #tpu.memory_space<vmem>>, vector<128x128xf32>
    %dot_general3A_80 = arith.constant dense<0.000000e+00> : vector<64x128xf32>
    %dot_general3A_81 = tpu.matmul %max3A_76, %get3A_79, %dot_general3A_80 {dimension_numbers = #tpu.dot_dimension_numbers<[1], [0], [0], [1], [0, 0, 1, 1], [], []>, transpose_lhs_hint = false} : vector<64x128xf32>, vector<128x128xf32>, vector<64x128xf32> -> vector<64x128xf32>
    %get3A_82 = arith.constant 0 : index
    %get3A_83 = arith.constant 0 : index
    %get3A_84 = vector.load %arg11[%get3A_82, %get3A_83] : memref<1x128xf32, #tpu.memory_space<vmem>>, vector<1x128xf32>
    %add3A_85 = vector.broadcast %get3A_84 : vector<1x128xf32> to vector<64x128xf32>
    %add3A_86 = arith.addf %dot_general3A_81, %add3A_85 : vector<64x128xf32>
    %swap3A = arith.constant 0 : index
    %swap3A_87 = arith.constant 0 : index
    %swap3A_88 = vector.load %arg12[%swap3A, %swap3A_87] : memref<64x128xf32, #tpu.memory_space<vmem>>, vector<64x128xf32>
    tpu.vector_store %arg12[%swap3A, %swap3A_87], %add3A_86 {strides = array<i32>} : memref<64x128xf32, #tpu.memory_space<vmem>>, vector<64x128xf32>,
    return
  }
}

</mosaic_0001>

<sc_bundles>
// kernel: sc_compact.3.cloned.1.call-start
scs
__scs_entry_jumppad:
0x0: {  	(pc) =	sbr.rel $0x88, $3  }
0x1: {  	(tag) =	ssettag $0x0;
	lr =	simm.s32 $0x1  }
0x2: {  	[smem:$0x3F8A] =	sst lr;
	_ =	strace $0xD0000000  }
0x3: {  	_ = 	snop  }
0x4: {  	_ = 	snop  }
0x5: {  	_ = 	snop  }
0x6: {  	_ = 	snop  }
0x7: {  	_ = 	snop  }
__scs_overlays_trampoline_lowered:
0x8: {  	[smem:$0x3F99] =	sst s0  }
0x9: {  	[smem:$0x3F9A] =	sst s1  }
0xa: {  	[smem:$0x3F9B] =	sst s2  }
0xb: {  	[smem:$0x3F9C] =	sst s3  }
0xc: {  	[smem:$0x3F9D] =	sst s4  }
0xd: {  	[smem:$0x3F9E] =	sst s5  }
0xe: {  	[smem:$0x3F9F] =	sst s6  }
0xf: {  	[smem:$0x3FA0] =	sst s7  }
0x10: {  	[smem:$0x3FA1] =	sst s8  }
0x11: {  	[smem:$0x3FA2] =	sst s9;
	s0 =	simm.s32 @!p0 $0x0  }
0x12: {  	s1 =	sld [smem:$0x3F88];
	s0 =	simm.s32 @p0 $0x1  }
0x13: {  	[smem:$0x3FA3] =	sst s0;
	s0 =	simm.s32 @!p1 $0x0  }
0x14: {  	s2 =	sld [smem:$0x3F87];
	s0 =	simm.s32 @p1 $0x1  }
0x15: {  	[smem:$0x3FA4] =	sst s0;
	s0 =	simm.s32 @!p2 $0x0  }
0x16: {  	s3 =	sld [smem:$0x3FDB];
	s0 =	simm.s32 @p2 $0x1  }
0x17: {  	s4 =	simm.s32 $0x1BF5;
	[smem:$0x3FA6] =	sst s0  }
0x18: {  	s0 =	sld [smem:$0x3F89];
	_ =	swait.ge [sflag:s4], $0x0  }
0x19: {  	s7 =	sld [smem:$0x3F8A]  }
0x1a: {  	s8 =	sadd.s32 $0xFFFFE003, lr  }
0x1b: {  	s9 =	sadd.s32 $0xFFFFFEF7, lr;
	s5 =	simm.s32 $0xFFFFFFFF;
	p2 =	slt.u32 s8, $0xFFFFF086  }
0x1c: {  	p1 =	slt.u32 s9, $0xF7A;
	s5 =	simm.s32 @!p2 $0x0  }
0x1d: {  	s5 =	simm.s32 @p1 $0x1;
	p0 =	seq.s32 s7, s2  }
0x1e: {  	s7 =	smul.u32 @!p0 $0xF7A, s2;
	p2 =	seq.s32 @!p0 s5, $0x0  }
0x1f: {  	s9 =	smul.u32 $0xF7A, s1;
	s8 =	simm.s32 @!p0 $0x1BF5;
	p2 =	por !p2, p0  }
0x20: {  	[sflag:s8] =	ssyncset.s32 @!p0 $0xFFFFF086;
	s6 =	sadd.s32 @!p0 s3, s7;
	s7 =	simm.s32 @!p0 $0x108  }
0x21: {  	s3 =	sadd.s32 s3, s9;
	s6 =	sadd.s32 @!p0 $0x88, s6;
	s7 =	simm.s32 @p2 $0x1082  }
0x22: {  	[simem:s7], [sflag:s8] =	dma.local @!p0 [hbm:s6], $0xF7A  }
0x23: {  	s9 =	sor.u32 $0xD0000000, s2;
	s6 =	simm.s32 $0x108;
	_ =	swait.ge @!p0 [sflag:s8], $0x0  }
0x24: {  	s3 =	sadd.s32 $0x88, s3;
	s6 =	simm.s32 @!p1 $0x1082;
	[sflag:s4] =	ssyncset.s32 $0xFFFFF086  }
0x25: {  	[simem:s6], [sflag:s4] =	dma.local [hbm:s3], $0xF7A  }
0x26: {  	[smem:$0x3F8A] =	sst s1;
	(tag) =	ssettag s2;
	_ =	strace s9  }
0x27: {  	s1 =	sld [smem:$0x3F9A]  }
0x28: {  	s2 =	sld [smem:$0x3F9B]  }
0x29: {  	s4 =	sld [smem:$0x3F9D]  }
0x2a: {  	p0 =	seq.s32 s5, $0x0;
	s5 =	sld [smem:$0x3F9E]  }
0x2b: {  	s6 =	sld [smem:$0x3F9F]  }
0x2c: {  	s7 =	sld [smem:$0x3FA0]  }
0x2d: {  	s3 =	simm.s32 $0x108;
	s8 =	sld [smem:$0x3FA1]  }
0x2e: {  	s3 =	simm.s32 @!p0 $0x1082;
	s9 =	sld [smem:$0x3FA2]  }
0x2f: {  	lr =	sadd.s32 s0, s3;
	s0 =	sld [smem:$0x3F99]  }
0x30: {  	s3 =	sld [smem:$0x3F9C]  }
0x31: {  	[smem:$0x3FA5] =	sst s10  }
0x32: {  	s10 =	sld [smem:$0x3FA3];
	_ =	sdelay $0x3  }
0x33: {  	p0 =	seq.s32 s10, $0x1;
	s10 =	sld [smem:$0x3FA5];
	_ =	sdelay $0x3  }
0x34: {  	[smem:$0x3FA5] =	sst s10  }
0x35: {  	s10 =	sld [smem:$0x3FA4];
	_ =	sdelay $0x3  }
0x36: {  	p1 =	seq.s32 s10, $0x1;
	s10 =	sld [smem:$0x3FA5];
	_ =	sdelay $0x3  }
0x37: {  	[smem:$0x3FA5] =	sst s10  }
0x38: {  	s10 =	sld [smem:$0x3FA6]  }
0x39: {  	_ = 	snop;
	(pc) =	sbr.ind lr, $3  }
0x3a: {  	_ = 	snop  }
0x3b: {  	_ = 	snop  }
0x3c: {  	p2 =	seq.s32 s10, $0x1;
	s10 =	sld [smem:$0x3FA5]  }
0x3d: {  	_ =	shalt  }
0x3e: {  	_ =	shalt  }
0x3f: {  	_ =	shalt  }
0x40: {  	_ =	shalt  }
0x41: {  	_ =	shalt  }
0x42: {  	_ =	shalt  }
0x43: {  	_ =	shalt  }
0x44: {  	_ =	shalt  }
0x45: {  	_ =	shalt  }
0x46: {  	_ =	shalt  }
0x47: {  	_ =	shalt  }
0x48: {  	_ =	shalt  }
0x49: {  	_ =	shalt  }
0x4a: {  	_ =	shalt  }
0x4b: {  	_ =	shalt  }
0x4c: {  	_ =	shalt  }
0x4d: {  	_ =	shalt  }
0x4e: {  	_ =	shalt  }
0x4f: {  	_ =	shalt  }
0x50: {  	_ =	shalt  }
0x51: {  	_ =	shalt  }
0x52: {  	_ =	shalt  }
0x53: {  	_ =	shalt  }
0x54: {  	_ =	shalt  }
0x55: {  	_ =	shalt  }
0x56: {  	_ =	shalt  }
0x57: {  	_ =	shalt  }
0x58: {  	_ =	shalt  }
0x59: {  	_ =	shalt  }
0x5a: {  	_ =	shalt  }
0x5b: {  	_ =	shalt  }
0x5c: {  	_ =	shalt  }
0x5d: {  	_ =	shalt  }
0x5e: {  	_ =	shalt  }
0x5f: {  	_ =	shalt  }
0x60: {  	_ =	shalt  }
0x61: {  	_ =	shalt  }
0x62: {  	_ =	shalt  }
0x63: {  	_ =	shalt  }
0x64: {  	_ =	shalt  }
0x65: {  	_ =	shalt  }
0x66: {  	_ =	shalt  }
0x67: {  	_ =	shalt  }
0x68: {  	_ =	shalt  }
0x69: {  	_ =	shalt  }
0x6a: {  	_ =	shalt  }
0x6b: {  	_ =	shalt  }
0x6c: {  	_ =	shalt  }
0x6d: {  	_ =	shalt  }
0x6e: {  	_ =	shalt  }
0x6f: {  	_ =	shalt  }
0x70: {  	_ =	shalt  }
0x71: {  	_ =	shalt  }
0x72: {  	_ =	shalt  }
0x73: {  	_ =	shalt  }
0x74: {  	_ =	shalt  }
0x75: {  	_ =	shalt  }
0x76: {  	_ =	shalt  }
0x77: {  	_ =	shalt  }
0x78: {  	_ =	shalt  }
0x79: {  	_ =	shalt  }
0x7a: {  	_ =	shalt  }
0x7b: {  	_ =	shalt  }
0x7c: {  	_ =	shalt  }
0x7d: {  	_ =	shalt  }
0x7e: {  	_ =	shalt  }
0x7f: {  	_ =	shalt  }
0x80: {  	_ =	shalt  }
0x81: {  	_ =	shalt  }
0x82: {  	_ =	shalt  }
0x83: {  	_ =	shalt  }
0x84: {  	_ =	shalt  }
0x85: {  	_ =	shalt  }
0x86: {  	_ =	shalt  }
0x87: {  	_ =	shalt  }
.Lfunc_end0:
.L_simem_size_0:
called_computation.2_lowered:
.L_overlay_start_0:
0x88: {  	s2 =	sld [smem:$0x3FD9]  }
0x89: {  	s3 =	sld [smem:$0x3FFE];
	_ =	sdelay $0x1  }
0x8a: {  	s1 =	srdreg.scid  }
0x8b: {  	s0 =	sand.u32 $0x1, s1  }
0x8c: {  	s17 =	sshll.u32 s0, $0xA;
	s2 =	sadd.s32 s3, s2  }
0x8d: {  	s2 =	sadd.s32 s2, s17  }
0x8e: {  	[smem:$0x3FB1] =	sst s2  }
0x8f: {  	_ = 	snop  }
0x90: {  	s2 =	sld [smem:$0x3FC9]  }
0x91: {  	s18 =	sld [smem:$0x3FD0];
	(tm) =	ssettm $0x1  }
0x92: {  	s4 =	sld [smem:$0x3FFB];
	_ =	sdelay $0x3  }
0x93: {  	_ =	strace s4  }
0x94: {  	s4 =	sld [smem:$0x3FFC];
	_ =	sdelay $0x3  }
0x95: {  	_ =	strace s4  }
0x96: {  	s4 =	sld [smem:$0x3FFD];
	_ =	sdelay $0x3  }
0x97: {  	_ =	strace s4  }
0x98: {  	_ =	strace $0x8FFFFFFF  }
0x99: {  	s19 =	sld [smem:$0x3FDB];
	_ =	sdelay $0x1  }
0x9a: {  	s5 =	simm.s32 $_scs_section_size  }
0x9b: {  	s6 =	simm.s32 $_size__tile_overlayer_lowered;
	s7 =	simm.s32 $_tile_overlayer_lowered  }
0x9c: {  	s22 =	simm.s32 $0x1BFF;
	s21 =	sshll.u32 s7, $0x1;
	s4 =	sadd.s32 s5, s19  }
0x9d: {  	s8 =	simm.s32 $0x0;
	s20 =	sshll.u32 s6, $0x1;
	s6 =	sadd.s32 s21, s4  }
0x9e: {  	[timem:s8], [sflag:s22] =	dma.local [hbm:s6], s20  }
0x9f: {  	_ =	swait.ge [sflag:s22], s20  }
0xa0: {  	s5 =	ssub.s32 $0x0, s20;
	[sflag:s22] =	ssyncset.done $0x0  }
0xa1: {  	[sflag:s22] =	ssyncadd.s32 s5;
	_ =	sdelay $0x1  }
0xa2: {  	s23 =	simm.s32 $0x1B8B  }
0xa3: {  	_ =	swait.ge [sflag:s23], $0x1  }
0xa4: {  	[sflag:s23] =	ssyncset.done $0x0  }
0xa5: {  	s25 =	simm.s32 $0x1B8E;
	s24 =	sld [smem:$0x3FFE];
	[sflag:s23] =	ssyncadd.s32 $0xFFFFFFFF  }
0xa6: {  	s26 =	simm.s32 $execute0_lowered;
	[smem:$0x3FD2] =	sst s25  }
0xa7: {  	s6 =	sshll.u32 s26, $0x1;
	_ =	strace $0x8000004C;
	[dreg:$0x1] =	wrdreg $0xFFFFFFFF  }
0xa8: {  	s28 =	simm.s32 $_size_execute0_lowered;
	s4 =	sadd.s32 s4, s6;
	[dreg:$0x0] =	wrdreg $0x0  }
0xa9: {  	s6 =	sshll.u32 s28, $0x1;
	[dreg:$0x2] =	wrdreg s4  }
0xaa: {  	[dreg:$0x3] =	wrdreg s6  }
0xab: {  	[dreg:$0x4] =	wrdreg $0xC0  }
0xac: {  	_ =	task [dreg:s8], $0x5FFFF  }
0xad: {  	[dreg:$0x1] =	wrdreg $0xFFFFFFFF  }
0xae: {  	[dreg:$0x0] =	wrdreg $0x60  }
0xaf: {  	[dreg:$0x2] =	wrdreg s2  }
0xb0: {  	[dreg:$0x3] =	wrdreg s24  }
0xb1: {  	[dreg:$0x4] =	wrdreg s18  }
0xb2: {  	[dreg:$0x5] =	wrdreg $0x9  }
0xb3: {  	_ =	task.clear_ibuf [dreg:s8], $0x6FFFF;
	_ =	strace $0x9000004C  }
0xb4: {  	s29 =	simm.s32 $0x9;
	_ =	strace $0x8000004E  }
0xb5: {  	_ =	swait.ge [sflag:s29], $0x1  }
0xb6: {  	[sflag:s29] =	ssyncadd.s32 $0xFFFFFFFF  }
0xb7: {  	_ =	strace $0x9000004E  }
0xb8: {  	_ =	sfence  }
0xb9: {  	s30 =	sld [smem:$0x0];
	_ =	sdelay $0x2  }
0xba: {  	s31 =	sshll.u32 s1, $0xD;
	s1 =	sshrl.u32 s1, $0x2  }
0xbb: {  	s3 =	sand.u32 $0x4000, s31;
	s1 =	sadd.s32 s1, s30  }
0xbc: {  	s0 =	sor.u32 s3, s0;
	s1 =	sshll.u32 s1, $0x11  }
0xbd: {  	s0 =	sor.u32 s1, s0  }
0xbe: {  	s0 =	sadd.s32 $0x8F2B, s0  }
0xbf: {  	[sflag:s0] =	ssyncadd.remote.s32 $0x1  }
0xc0: {  	_ =	sfence.sel $0xFFFF  }
0xc1: {  	[dreg:$0x0] =	wrdreg $0xFFFFFFFF;
	(pc) =	sbr.abs _section_cstart, $3  }
0xc2: {  	[dreg:$0x1] =	wrdreg $0xFFFFFFFF  }
0xc3: {  	_ =	task.clear_ibuf [dreg:s8], $0x2FFFF;
	_ =	strace $0x9FFFFFFF  }
0xc4: {  	(tm) =	ssettm $0x7FFFFFFF  }
0xc5: {  	_ =	shalt  }
tec
execute0_lowered:
.L_overlay_start_1:
0x0: {  	(tag) =	ssettag $0x1  }
0x1: {  	s2 =	rddreg [dreg:$0x0]  }
0x2: {  	s0 =	rddreg [dreg:$0x1]  }
0x3: {  	s1 =	rddreg [dreg:$0x2]  }
0x4: {  	s3 =	srdreg.scid;
	s18 =	stileid.u32;
	s28 =	simm.s32 $0x3  }
0x5: {  	s29 =	simm.s32 $0x2;
	s30 =	simm.s32 $0x4;
	s31 =	simm.s32 $0x400  }
0x6: {  	s4 =	sand.u32 $0x1, s3;
	s5 =	sshll.u32 s18, $0x1;
	s3 =	simm.s32 $0x0  }
0x7: {  	s12 =	sshrl.u32 s18, $0x2;
	s8 =	sadd.s32 $0x29000, s0;
	s19 =	sadd.s32 $0x29C00, s0  }
0x8: {  	s21 =	sadd.s32 $0x29600, s0;
	s15 =	sshll.u32 s18, $0x9;
	p0 =	sgt.u32 s18, $0x1  }
0x9: {  	s7 =	sor.u32 s4, s5;
	[smem:$0x7FF] =	sst s3;
	s6 =	smul.u32 $0x13C00, s12  }
0xa: {  	s9 =	ssub.s32 $0x2, s4;
	_ =	strace $0x8000004D;
	[dreg:$0x4] =	wrdreg s8  }
0xb: {  	s14 =	sshll.u32 s12, $0xA;
	s4 =	sshll.u32 s4, $0x8;
	[dreg:$0x5] =	wrdreg s19  }
0xc: {  	s5 =	sshll.u32 s7, $0x7;
	[dreg:$0x6] =	wrdreg s21;
	s10 =	sshrl.u32 s9, $0x1  }
0xd: {  	s22 =	sshll.u32 s7, $0x5;
	s23 =	ssub.s32 $0x9E3, s7;
	s4 =	sor.u32 s4, s15  }
0xe: {  	s19 =	simm.s32 $0x200;
	s21 =	simm.s32 $0x2980;
	s13 =	sand.u32 $0x380, s5  }
0xf: {  	s16 =	ssub.s32 s9, s10;
	s7 =	sadd.s32 s2, s22;
	s9 =	sshrl.u32 s23, $0x5  }
0x10: {  	s17 =	sor.u32 $0x6000, s4;
	s20 =	sor.u32 s6, s13;
	s11 =	sadd.s32 $0x400, s7  }
0x11: {  	s12 =	sadd.s32 $0x410, s7;
	s14 =	sor.u32 s14, s13;
	s26 =	sshrl.u32 s17, $0x3  }
0x12: {  	s16 =	smax.u32 s16, $0x1;
	s8 =	sshrl.u32 s20, $0x3;
	s25 =	sshrl.u32 s14, $0x3  }
.Ltmp0:
0x13: {  	s20 =	simm.s32 $0x5;
	s0 =	sadd.s32 s8, s0;
	(pc) =	sbr.rel .LBB2_1-.Ltmp0, $4  }
0x14: {  	s8 =	sadd.s32 $0x10, s2;
	s15 =	sadd.s32 s1, s25;
	s25 =	sor.u32 $0x4000, s4  }
0x15: {  	s1 =	simm.s32 $0x0;
	s24 =	sadd.s32 s22, s8;
	s13 =	sadd.s32 $0x5A000, s0  }
0x16: {  	s14 =	sadd.s32 $0x63E00, s0;
	s23 =	sadd.s32 s26, s8;
	s22 =	simm.s32 $0x5100  }
0x17: {  	s26 =	simm.s32 $0x1;
	[dreg:$0x7] =	wrdreg s24;
	s24 =	simm.s32 $0x80  }
.LBB2_5:
0x18: {  	v0 =	vmov s4  }
0x19: {  	[tilespmem:$0x7880] =	vst v0  }
0x1a: {  	[tilespmem:$0x7890] =	vst v0  }
0x1b: {  	[tilespmem:$0x78A0] =	vst v0  }
0x1c: {  	[tilespmem:$0x78B0] =	vst v0  }
0x1d: {  	[tilespmem:$0x78C0] =	vst v0  }
0x1e: {  	[tilespmem:$0x78D0] =	vst v0  }
0x1f: {  	[tilespmem:$0x78E0] =	vst v0  }
0x20: {  	[tilespmem:$0x78F0] =	vst v0  }
0x21: {  	[hbm4b:s13+s24] =	stream.strided.scatter [tilespmem:s21], [sflag:$0x5], $0x2780, s31, s24, $0x38;
	[tilespmem:$0x7900] =	vst v63  }
0x22: {  	_ =	swait.ge [sflag:s20], $0x2780  }
0x23: {  	[sflag:s20] =	ssyncset.done $0x0  }
0x24: {  	[sflag:s20] =	ssyncadd.s32 $0xFFFFD880  }
0x25: {  	[hbm4b:s14+s24] =	stream.strided.scatter [tilespmem:s22], [sflag:$0x5], $0x2780, s31, s24, $0x38;
	[tilespmem:$0x7900] =	vst v63  }
0x26: {  	s1 =	sadd.s32 $0x1, s1;
	_ =	swait.ge [sflag:s20], $0x2780  }
0x27: {  	p1 =	sne.s32 s1, s16;
	[sflag:s20] =	ssyncset.done $0x0  }
.Ltmp1:
0x28: {  	s0 =	simm.s32 $0x7880;
	[sflag:s20] =	ssyncadd.s32 $0xFFFFD880;
	(pc) =	sbr.rel @!p1 .LBB2_6-.Ltmp1, $4  }
0x29: {  	[hbm4b:s15+s3] =	stream.linear.scatter [tilespmem:s0], [sflag:$0x5], $0x80, $0x38;
	[tilespmem:$0x7900] =	vst v63  }
0x2a: {  	_ =	swait.ge [sflag:s20], $0x80  }
0x2b: {  	[sflag:s20] =	ssyncset.done $0x0  }
0x2c: {  	[sflag:s20] =	ssyncadd.s32 $0xFFFFFF80  }
.LBB2_1:
0x2d: {  	s0 =	rddreg [dreg:$0x4]  }
0x2e: {  	[tilespmem:s19], [sflag:$0x5] =	stream.linear.gather [hbm4b:s0+s3], $0x2780, $0x38;
	[tilespmem:$0x7900] =	vst v63  }
0x2f: {  	_ =	swait.ge [sflag:s20], $0x2780  }
0x30: {  	[sflag:s20] =	ssyncset.done $0x0  }
0x31: {  	s6 =	rddreg [dreg:$0x5];
	[sflag:s20] =	ssyncadd.s32 $0xFFFFD880  }
0x32: {  	[tilespmem:s21], [sflag:$0x5] =	stream.linear.gather [hbm4b:s6+s3], $0x2780, $0x38;
	[tilespmem:$0x7900] =	vst v63  }
0x33: {  	_ =	swait.ge [sflag:s20], $0x2780  }
0x34: {  	[sflag:s20] =	ssyncset.done $0x0  }
0x35: {  	s10 =	rddreg [dreg:$0x6];
	[sflag:s20] =	ssyncadd.s32 $0xFFFFD880  }
0x36: {  	[tilespmem:s22], [sflag:$0x5] =	stream.linear.gather [hbm4b:s10+s3], $0x2780, $0x38;
	[tilespmem:$0x7900] =	vst v63  }
0x37: {  	_ =	swait.ge [sflag:s20], $0x2780  }
0x38: {  	[sflag:s20] =	ssyncset.done $0x0  }
0x39: {  	[sflag:s20] =	ssyncadd.s32 $0xFFFFD880  }
0x3a: {  	[tilespmem:s3], [sflag:$0x1] =	stream.linear.gather [hbm4b:s7+s3], $0x80, $0x38;
	[tilespmem:$0x7900] =	vst v63  }
0x3b: {  	s4 =	simm.s32 $0x100;
	s17 =	rddreg [dreg:$0x7]  }
0x3c: {  	[tilespmem:s4], [sflag:$0x3] =	stream.linear.gather [hbm4b:s17+s3], $0x80, $0x38;
	[tilespmem:$0x7900] =	vst v63  }
0x3d: {  	_ = 	snop  }
0x3e: {  	[tilespmem:s24], [sflag:$0x2] =	stream.linear.gather [hbm4b:s11+s3], $0x80, $0x38;
	[tilespmem:$0x7900] =	vst v63  }
0x3f: {  	s18 =	simm.s32 $0x180;
	s0 =	simm.s32 $0x3  }
0x40: {  	[tilespmem:s18], [sflag:$0x4] =	stream.linear.gather [hbm4b:s12+s3], $0x80, $0x38;
	[tilespmem:$0x7900] =	vst v63  }
0x41: {  	s17 =	smov.u32 s25;
	s4 =	simm.s32 $0x0;
	s18 =	smov.u32 s23  }
.LBB2_2:
0x42: {  	_ =	swait.ge [sflag:s26], $0x80  }
0x43: {  	[sflag:s26] =	ssyncset.done $0x0  }
0x44: {  	[sflag:s26] =	ssyncadd.s32 $0xFFFFFF80  }
0x45: {  	_ =	swait.ge [sflag:s28], $0x80  }
0x46: {  	[sflag:s28] =	ssyncset.done $0x0  }
0x47: {  	[sflag:s28] =	ssyncadd.s32 $0xFFFFFF80  }
0x48: {  	v0 =	vld [tilespmem:$0x0]  }
0x49: {  	v1 =	vld [tilespmem:$0x100];
	_ =	sdelay $0x6  }
0x4a: {  	v2 =	vld.idx.msk [tilespmem:v0+s19+$0x0], $0xffff  }
0x4b: {  	v3 =	vld.idx.msk [tilespmem:v1+s19+$0x0], $0xffff;
	_ =	sdelay $0x4  }
0x4c: {  	v2 =	vmul.f32 v3, v2;
	_ =	sdelay $0x1  }
0x4d: {  	vm0 =	vgt.f32 v2, $0.0e+00  }
0x4e: {  	[tilespmem:s4+$0x2980] =	vst.msk vm0, v0;
	v7 =	vmpcnt.ones.xlane vm0  }
0x4f: {  	[tilespmem:s4+$0x5100] =	vst.msk vm0, v1  }
0x50: {  	(v2sf) =	vpush v7, $0x0;
	v8 =	vld [tilespmem:$0x10]  }
0x51: {  	v1 =	vld [tilespmem:$0x110];
	_ =	sdelay $0x6  }
0x52: {  	v9 =	vld.idx.msk [tilespmem:v8+s19+$0x0], $0xffff  }
0x53: {  	v10 =	vld.idx.msk [tilespmem:v1+s19+$0x0], $0xffff;
	_ =	sdelay $0x4  }
0x54: {  	v2 =	vmul.f32 v10, v9  }
0x55: {  	s5 =	spop (v2sf)  }
0x56: {  	vm13 =	vgt.f32 v2, $0.0e+00;
	s5 =	sadd.s32 s4, s5  }
0x57: {  	v11 =	vmpcnt.ones.xlane vm13;
	[tilespmem:s5+$0x2980] =	vst.msk vm13, v8  }
0x58: {  	[tilespmem:s5+$0x5100] =	vst.msk vm13, v1  }
0x59: {  	(v2sf) =	vpush v11, $0x0;
	v12 =	vld [tilespmem:$0x20]  }
0x5a: {  	v1 =	vld [tilespmem:$0x120];
	_ =	sdelay $0x6  }
0x5b: {  	v13 =	vld.idx.msk [tilespmem:v12+s19+$0x0], $0xffff  }
0x5c: {  	v14 =	vld.idx.msk [tilespmem:v1+s19+$0x0], $0xffff;
	_ =	sdelay $0x4  }
0x5d: {  	v2 =	vmul.f32 v14, v13  }
0x5e: {  	s6 =	spop (v2sf)  }
0x5f: {  	s4 =	sadd.s32 s5, s6;
	vm14 =	vgt.f32 v2, $0.0e+00  }
0x60: {  	[tilespmem:s4+$0x2980] =	vst.msk vm14, v12;
	v15 =	vmpcnt.ones.xlane vm14  }
0x61: {  	[tilespmem:s4+$0x5100] =	vst.msk vm14, v1  }
0x62: {  	(v2sf) =	vpush v15, $0x0;
	v16 =	vld [tilespmem:$0x30]  }
0x63: {  	v1 =	vld [tilespmem:$0x130];
	_ =	sdelay $0x6  }
0x64: {  	v17 =	vld.idx.msk [tilespmem:v16+s19+$0x0], $0xffff  }
0x65: {  	v18 =	vld.idx.msk [tilespmem:v1+s19+$0x0], $0xffff;
	_ =	sdelay $0x4  }
0x66: {  	v2 =	vmul.f32 v18, v17  }
0x67: {  	s10 =	spop (v2sf)  }
0x68: {  	vm15 =	vgt.f32 v2, $0.0e+00;
	s4 =	sadd.s32 s4, s10  }
0x69: {  	v19 =	vmpcnt.ones.xlane vm15;
	[tilespmem:s4+$0x2980] =	vst.msk vm15, v16  }
0x6a: {  	[tilespmem:s4+$0x5100] =	vst.msk vm15, v1  }
0x6b: {  	(v2sf) =	vpush v19, $0x0;
	v20 =	vld [tilespmem:$0x40]  }
0x6c: {  	v1 =	vld [tilespmem:$0x140];
	_ =	sdelay $0x6  }
0x6d: {  	v21 =	vld.idx.msk [tilespmem:v20+s19+$0x0], $0xffff  }
0x6e: {  	v22 =	vld.idx.msk [tilespmem:v1+s19+$0x0], $0xffff;
	_ =	sdelay $0x4  }
0x6f: {  	v2 =	vmul.f32 v22, v21  }
0x70: {  	s6 =	spop (v2sf)  }
0x71: {  	s4 =	sadd.s32 s4, s6;
	vm4 =	vgt.f32 v2, $0.0e+00  }
0x72: {  	[tilespmem:s4+$0x2980] =	vst.msk vm4, v20;
	v23 =	vmpcnt.ones.xlane vm4  }
0x73: {  	[tilespmem:s4+$0x5100] =	vst.msk vm4, v1  }
0x74: {  	(v2sf) =	vpush v23, $0x0;
	v24 =	vld [tilespmem:$0x50]  }
0x75: {  	v1 =	vld [tilespmem:$0x150];
	_ =	sdelay $0x6  }
0x76: {  	v25 =	vld.idx.msk [tilespmem:v24+s19+$0x0], $0xffff  }
0x77: {  	v26 =	vld.idx.msk [tilespmem:v1+s19+$0x0], $0xffff;
	_ =	sdelay $0x4  }
0x78: {  	v2 =	vmul.f32 v26, v25  }
0x79: {  	s10 =	spop (v2sf)  }
0x7a: {  	vm5 =	vgt.f32 v2, $0.0e+00;
	s4 =	sadd.s32 s4, s10  }
0x7b: {  	v27 =	vmpcnt.ones.xlane vm5;
	[tilespmem:s4+$0x2980] =	vst.msk vm5, v24  }
0x7c: {  	[tilespmem:s4+$0x5100] =	vst.msk vm5, v1  }
0x7d: {  	(v2sf) =	vpush v27, $0x0;
	v28 =	vld [tilespmem:$0x60]  }
0x7e: {  	v1 =	vld [tilespmem:$0x160];
	_ =	sdelay $0x6  }
0x7f: {  	v29 =	vld.idx.msk [tilespmem:v28+s19+$0x0], $0xffff  }
0x80: {  	v30 =	vld.idx.msk [tilespmem:v1+s19+$0x0], $0xffff;
	_ =	sdelay $0x4  }
0x81: {  	v2 =	vmul.f32 v30, v29  }
0x82: {  	s6 =	spop (v2sf)  }
0x83: {  	s4 =	sadd.s32 s4, s6;
	vm6 =	vgt.f32 v2, $0.0e+00  }
0x84: {  	[tilespmem:s4+$0x2980] =	vst.msk vm6, v28  }
0x85: {  	[tilespmem:s4+$0x5100] =	vst.msk vm6, v1  }
0x86: {  	v0 =	vld [tilespmem:$0x70]  }
0x87: {  	v1 =	vld [tilespmem:$0x170];
	_ =	sdelay $0x6  }
0x88: {  	v31 =	vld.idx.msk [tilespmem:v0+s19+$0x0], $0xffff  }
0x89: {  	v32 =	vld.idx.msk [tilespmem:v1+s19+$0x0], $0xffff  }
0x8a: {  	v4 =	vmpcnt.ones.xlane vm6;
	_ =	sdelay $0x1  }
0x8b: {  	(v2sf) =	vpush v4, $0x0;
	_ =	sdelay $0x1  }
0x8c: {  	v2 =	vmul.f32 v32, v31;
	_ =	sdelay $0x1  }
0x8d: {  	vm7 =	vgt.f32 v2, $0.0e+00  }
0x8e: {  	v2 =	vmpcnt.ones.xlane vm7;
	_ =	sdelay $0x1  }
0x8f: {  	(v2sf) =	vpush v2, $0x0;
	_ =	sdelay $0x7  }
0x90: {  	s6 =	sadd.s32 $0xFFFFFFFF, s0;
	s10 =	spop (v2sf)  }
0x91: {  	p1 =	sge.u32 s6, s9;
	s4 =	sadd.s32 s4, s10  }
0x92: {  	s5 =	sshrl.u32 @!p1 s17, $0x3;
	[tilespmem:s4+$0x2980] =	vst.msk vm7, v0  }
0x93: {  	s6 =	sadd.s32 @!p1 s2, s5;
	s10 =	simm.s32 @!p1 $0x0;
	[tilespmem:s4+$0x5100] =	vst.msk vm7, v1  }
0x94: {  	[tilespmem:s10], [sflag:$0x1] =	stream.linear.gather @!p1 [hbm4b:s6+s10], $0x80, $0x38;
	[tilespmem:$0x7900] =	vst v63  }
0x95: {  	s5 =	sadd.s32 @!p1 s5, s8;
	s6 =	simm.s32 @!p1 $0x100  }
0x96: {  	[tilespmem:s6], [sflag:$0x3] =	stream.linear.gather @!p1 [hbm4b:s5+s10], $0x80, $0x38;
	[tilespmem:$0x7900] =	vst v63  }
0x97: {  	s10 =	spop (v2sf)  }
0x98: {  	_ =	swait.ge [sflag:s29], $0x80  }
0x99: {  	[sflag:s29] =	ssyncset.done $0x0  }
0x9a: {  	[sflag:s29] =	ssyncadd.s32 $0xFFFFFF80  }
0x9b: {  	_ =	swait.ge [sflag:s30], $0x80  }
0x9c: {  	[sflag:s30] =	ssyncset.done $0x0  }
0x9d: {  	[sflag:s30] =	ssyncadd.s32 $0xFFFFFF80  }
0x9e: {  	v33 =	vld [tilespmem:$0x80]  }
0x9f: {  	v34 =	vld [tilespmem:$0x180];
	_ =	sdelay $0x6  }
0xa0: {  	v35 =	vld.idx.msk [tilespmem:v33+s19+$0x0], $0xffff  }
0xa1: {  	v36 =	vld.idx.msk [tilespmem:v34+s19+$0x0], $0xffff;
	_ =	sdelay $0x4  }
0xa2: {  	v2 =	vmul.f32 v36, v35;
	_ =	sdelay $0x1  }
0xa3: {  	s4 =	sadd.s32 s4, s10;
	vm8 =	vgt.f32 v2, $0.0e+00  }
0xa4: {  	[tilespmem:s4+$0x2980] =	vst.msk vm8, v33;
	v37 =	vmpcnt.ones.xlane vm8  }
0xa5: {  	[tilespmem:s4+$0x5100] =	vst.msk vm8, v34  }
0xa6: {  	(v2sf) =	vpush v37, $0x0;
	v38 =	vld [tilespmem:$0x90]  }
0xa7: {  	v1 =	vld [tilespmem:$0x190];
	_ =	sdelay $0x6  }
0xa8: {  	v39 =	vld.idx.msk [tilespmem:v38+s19+$0x0], $0xffff  }
0xa9: {  	v40 =	vld.idx.msk [tilespmem:v1+s19+$0x0], $0xffff;
	_ =	sdelay $0x4  }
0xaa: {  	v2 =	vmul.f32 v40, v39  }
0xab: {  	s6 =	spop (v2sf)  }
0xac: {  	vm9 =	vgt.f32 v2, $0.0e+00;
	s4 =	sadd.s32 s4, s6  }
0xad: {  	v41 =	vmpcnt.ones.xlane vm9;
	[tilespmem:s4+$0x2980] =	vst.msk vm9, v38  }
0xae: {  	[tilespmem:s4+$0x5100] =	vst.msk vm9, v1  }
0xaf: {  	(v2sf) =	vpush v41, $0x0;
	v42 =	vld [tilespmem:$0xA0]  }
0xb0: {  	v1 =	vld [tilespmem:$0x1A0];
	_ =	sdelay $0x6  }
0xb1: {  	v43 =	vld.idx.msk [tilespmem:v42+s19+$0x0], $0xffff  }
0xb2: {  	v44 =	vld.idx.msk [tilespmem:v1+s19+$0x0], $0xffff;
	_ =	sdelay $0x4  }
0xb3: {  	v2 =	vmul.f32 v44, v43  }
0xb4: {  	s10 =	spop (v2sf)  }
0xb5: {  	s4 =	sadd.s32 s4, s10;
	vm10 =	vgt.f32 v2, $0.0e+00  }
0xb6: {  	[tilespmem:s4+$0x2980] =	vst.msk vm10, v42;
	v45 =	vmpcnt.ones.xlane vm10  }
0xb7: {  	[tilespmem:s4+$0x5100] =	vst.msk vm10, v1  }
0xb8: {  	(v2sf) =	vpush v45, $0x0;
	v46 =	vld [tilespmem:$0xB0]  }
0xb9: {  	v1 =	vld [tilespmem:$0x1B0];
	_ =	sdelay $0x6  }
0xba: {  	v47 =	vld.idx.msk [tilespmem:v46+s19+$0x0], $0xffff  }
0xbb: {  	v48 =	vld.idx.msk [tilespmem:v1+s19+$0x0], $0xffff;
	_ =	sdelay $0x4  }
0xbc: {  	v2 =	vmul.f32 v48, v47  }
0xbd: {  	s6 =	spop (v2sf)  }
0xbe: {  	vm11 =	vgt.f32 v2, $0.0e+00;
	s4 =	sadd.s32 s4, s6  }
0xbf: {  	v49 =	vmpcnt.ones.xlane vm11;
	[tilespmem:s4+$0x2980] =	vst.msk vm11, v46  }
0xc0: {  	[tilespmem:s4+$0x5100] =	vst.msk vm11, v1  }
0xc1: {  	(v2sf) =	vpush v49, $0x0;
	v50 =	vld [tilespmem:$0xC0]  }
0xc2: {  	v1 =	vld [tilespmem:$0x1C0];
	_ =	sdelay $0x6  }
0xc3: {  	v51 =	vld.idx.msk [tilespmem:v50+s19+$0x0], $0xffff  }
0xc4: {  	v52 =	vld.idx.msk [tilespmem:v1+s19+$0x0], $0xffff;
	_ =	sdelay $0x4  }
0xc5: {  	v2 =	vmul.f32 v52, v51  }
0xc6: {  	s10 =	spop (v2sf)  }
0xc7: {  	s4 =	sadd.s32 s4, s10;
	vm12 =	vgt.f32 v2, $0.0e+00  }
0xc8: {  	[tilespmem:s4+$0x2980] =	vst.msk vm12, v50;
	v53 =	vmpcnt.ones.xlane vm12  }
0xc9: {  	[tilespmem:s4+$0x5100] =	vst.msk vm12, v1  }
0xca: {  	(v2sf) =	vpush v53, $0x0;
	v54 =	vld [tilespmem:$0xD0]  }
0xcb: {  	v1 =	vld [tilespmem:$0x1D0];
	_ =	sdelay $0x6  }
0xcc: {  	v55 =	vld.idx.msk [tilespmem:v54+s19+$0x0], $0xffff  }
0xcd: {  	v56 =	vld.idx.msk [tilespmem:v1+s19+$0x0], $0xffff;
	_ =	sdelay $0x4  }
0xce: {  	v2 =	vmul.f32 v56, v55  }
0xcf: {  	s6 =	spop (v2sf)  }
0xd0: {  	vm13 =	vgt.f32 v2, $0.0e+00;
	s4 =	sadd.s32 s4, s6  }
0xd1: {  	v57 =	vmpcnt.ones.xlane vm13;
	[tilespmem:s4+$0x2980] =	vst.msk vm13, v54  }
0xd2: {  	[tilespmem:s4+$0x5100] =	vst.msk vm13, v1  }
0xd3: {  	(v2sf) =	vpush v57, $0x0;
	v58 =	vld [tilespmem:$0xE0]  }
0xd4: {  	v1 =	vld [tilespmem:$0x1E0];
	_ =	sdelay $0x6  }
0xd5: {  	v59 =	vld.idx.msk [tilespmem:v58+s19+$0x0], $0xffff  }
0xd6: {  	v60 =	vld.idx.msk [tilespmem:v1+s19+$0x0], $0xffff;
	_ =	sdelay $0x4  }
0xd7: {  	v2 =	vmul.f32 v60, v59  }
0xd8: {  	s10 =	spop (v2sf)  }
0xd9: {  	s4 =	sadd.s32 s4, s10;
	vm14 =	vgt.f32 v2, $0.0e+00  }
0xda: {  	[tilespmem:s4+$0x2980] =	vst.msk vm14, v58  }
0xdb: {  	[tilespmem:s4+$0x5100] =	vst.msk vm14, v1  }
0xdc: {  	v0 =	vld [tilespmem:$0xF0]  }
0xdd: {  	v1 =	vld [tilespmem:$0x1F0];
	_ =	sdelay $0x4  }
0xde: {  	v62 =	vmpcnt.ones.xlane vm14;
	_ =	sdelay $0x1  }
0xdf: {  	(v2sf) =	vpush v62, $0x0;
	v61 =	vld.idx.msk [tilespmem:v0+s19+$0x0], $0xffff  }
0xe0: {  	v63 =	vld.idx.msk [tilespmem:v1+s19+$0x0], $0xffff;
	_ =	sdelay $0x4  }
0xe1: {  	v2 =	vmul.f32 v63, v61;
	_ =	sdelay $0x1  }
0xe2: {  	vm15 =	vgt.f32 v2, $0.0e+00  }
0xe3: {  	v2 =	vmpcnt.ones.xlane vm15;
	_ =	sdelay $0x1  }
0xe4: {  	(v2sf) =	vpush v2, $0x0;
	_ =	sdelay $0x3  }
0xe5: {  	s6 =	spop (v2sf)  }
0xe6: {  	s4 =	sadd.s32 s4, s6  }
0xe7: {  	p1 =	sge.u32 s0, s9;
	[tilespmem:s4+$0x2980] =	vst.msk vm15, v0  }
0xe8: {  	s5 =	sadd.s32 @!p1 $0xFFFFFFF0, s18;
	s10 =	simm.s32 @!p1 $0x80;
	s6 =	simm.s32 @!p1 $0x0;
	[tilespmem:s4+$0x5100] =	vst.msk vm15, v1  }
0xe9: {  	[tilespmem:s10], [sflag:$0x2] =	stream.linear.gather @!p1 [hbm4b:s5+s6], $0x80, $0x38;
	[tilespmem:$0x7900] =	vst v63  }
0xea: {  	s0 =	sadd.s32 $0x2, s0;
	s5 =	simm.s32 @!p1 $0x180  }
0xeb: {  	[tilespmem:s5], [sflag:$0x4] =	stream.linear.gather @!p1 [hbm4b:s18+s6], $0x80, $0x38;
	[tilespmem:$0x7900] =	vst v63  }
0xec: {  	p1 =	sne.s32 s0, $0x51  }
.Ltmp2:
0xed: {  	_ = 	snop;
	(pc) =	sbr.rel @p1 .LBB2_2-.Ltmp2, $3  }
0xee: {  	_ =	sdelay $0x1  }
0xef: {  	s10 =	spop (v2sf)  }
0xf0: {  	s17 =	sadd.s32 $0x4000, s17;
	s18 =	sadd.s32 $0x800, s18;
	s4 =	sadd.s32 s4, s10  }
.Ltmp3:
0xf1: {  	(pc) =	sbr.rel @p0 .LBB2_5-.Ltmp3, $1  }
0xf2: {  	_ =	sdelay $0x3  }
0xf3: {  	_ =	swait.ge [sflag:s26], $0x80  }
0xf4: {  	[sflag:s26] =	ssyncset.done $0x0  }
0xf5: {  	[sflag:s26] =	ssyncadd.s32 $0xFFFFFF80  }
0xf6: {  	_ =	swait.ge [sflag:s28], $0x80  }
0xf7: {  	[sflag:s28] =	ssyncset.done $0x0  }
0xf8: {  	[sflag:s28] =	ssyncadd.s32 $0xFFFFFF80  }
0xf9: {  	v0 =	vld [tilespmem:$0x0]  }
0xfa: {  	v1 =	vld [tilespmem:$0x100];
	_ =	sdelay $0x6  }
0xfb: {  	v2 =	vld.idx.msk [tilespmem:v0+s19+$0x0], $0xffff  }
0xfc: {  	v3 =	vld.idx.msk [tilespmem:v1+s19+$0x0], $0xffff;
	_ =	sdelay $0x4  }
0xfd: {  	v2 =	vmul.f32 v3, v2;
	_ =	sdelay $0x1  }
0xfe: {  	vm0 =	vgt.f32 v2, $0.0e+00  }
0xff: {  	[tilespmem:s4+$0x2980] =	vst.msk vm0, v0;
	v37 =	vmpcnt.ones.xlane vm0  }
0x100: {  	[tilespmem:s4+$0x5100] =	vst.msk vm0, v1  }
0x101: {  	(v2sf) =	vpush v37, $0x0;
	v38 =	vld [tilespmem:$0x10]  }
0x102: {  	v1 =	vld [tilespmem:$0x110];
	_ =	sdelay $0x6  }
0x103: {  	v39 =	vld.idx.msk [tilespmem:v38+s19+$0x0], $0xffff  }
0x104: {  	v40 =	vld.idx.msk [tilespmem:v1+s19+$0x0], $0xffff;
	_ =	sdelay $0x4  }
0x105: {  	v2 =	vmul.f32 v40, v39  }
0x106: {  	s0 =	spop (v2sf)  }
0x107: {  	vm9 =	vgt.f32 v2, $0.0e+00;
	s0 =	sadd.s32 s4, s0  }
0x108: {  	v41 =	vmpcnt.ones.xlane vm9;
	[tilespmem:s0+$0x2980] =	vst.msk vm9, v38  }
0x109: {  	[tilespmem:s0+$0x5100] =	vst.msk vm9, v1  }
0x10a: {  	(v2sf) =	vpush v41, $0x0;
	v42 =	vld [tilespmem:$0x20]  }
0x10b: {  	v1 =	vld [tilespmem:$0x120];
	_ =	sdelay $0x6  }
0x10c: {  	v43 =	vld.idx.msk [tilespmem:v42+s19+$0x0], $0xffff  }
0x10d: {  	v44 =	vld.idx.msk [tilespmem:v1+s19+$0x0], $0xffff;
	_ =	sdelay $0x4  }
0x10e: {  	v2 =	vmul.f32 v44, v43  }
0x10f: {  	s17 =	spop (v2sf)  }
0x110: {  	s0 =	sadd.s32 s0, s17;
	vm10 =	vgt.f32 v2, $0.0e+00  }
0x111: {  	[tilespmem:s0+$0x2980] =	vst.msk vm10, v42;
	v45 =	vmpcnt.ones.xlane vm10  }
0x112: {  	[tilespmem:s0+$0x5100] =	vst.msk vm10, v1  }
0x113: {  	(v2sf) =	vpush v45, $0x0;
	v46 =	vld [tilespmem:$0x30]  }
0x114: {  	v1 =	vld [tilespmem:$0x130];
	_ =	sdelay $0x6  }
0x115: {  	v47 =	vld.idx.msk [tilespmem:v46+s19+$0x0], $0xffff  }
0x116: {  	v48 =	vld.idx.msk [tilespmem:v1+s19+$0x0], $0xffff;
	_ =	sdelay $0x4  }
0x117: {  	v2 =	vmul.f32 v48, v47  }
0x118: {  	s18 =	spop (v2sf)  }
0x119: {  	vm11 =	vgt.f32 v2, $0.0e+00;
	s0 =	sadd.s32 s0, s18  }
0x11a: {  	v49 =	vmpcnt.ones.xlane vm11;
	[tilespmem:s0+$0x2980] =	vst.msk vm11, v46  }
0x11b: {  	[tilespmem:s0+$0x5100] =	vst.msk vm11, v1  }
0x11c: {  	(v2sf) =	vpush v49, $0x0;
	v50 =	vld [tilespmem:$0x40]  }
0x11d: {  	v1 =	vld [tilespmem:$0x140];
	_ =	sdelay $0x6  }
0x11e: {  	v51 =	vld.idx.msk [tilespmem:v50+s19+$0x0], $0xffff  }
0x11f: {  	v52 =	vld.idx.msk [tilespmem:v1+s19+$0x0], $0xffff;
	_ =	sdelay $0x4  }
0x120: {  	v2 =	vmul.f32 v52, v51  }
0x121: {  	s5 =	spop (v2sf)  }
0x122: {  	s0 =	sadd.s32 s0, s5;
	vm12 =	vgt.f32 v2, $0.0e+00  }
0x123: {  	[tilespmem:s0+$0x2980] =	vst.msk vm12, v50;
	v53 =	vmpcnt.ones.xlane vm12  }
0x124: {  	[tilespmem:s0+$0x5100] =	vst.msk vm12, v1  }
0x125: {  	(v2sf) =	vpush v53, $0x0;
	v54 =	vld [tilespmem:$0x50]  }
0x126: {  	v1 =	vld [tilespmem:$0x150];
	_ =	sdelay $0x6  }
0x127: {  	v55 =	vld.idx.msk [tilespmem:v54+s19+$0x0], $0xffff  }
0x128: {  	v56 =	vld.idx.msk [tilespmem:v1+s19+$0x0], $0xffff;
	_ =	sdelay $0x4  }
0x129: {  	v2 =	vmul.f32 v56, v55  }
0x12a: {  	s6 =	spop (v2sf)  }
0x12b: {  	vm13 =	vgt.f32 v2, $0.0e+00;
	s0 =	sadd.s32 s0, s6  }
0x12c: {  	v57 =	vmpcnt.ones.xlane vm13;
	[tilespmem:s0+$0x2980] =	vst.msk vm13, v54  }
0x12d: {  	[tilespmem:s0+$0x5100] =	vst.msk vm13, v1  }
0x12e: {  	(v2sf) =	vpush v57, $0x0;
	v58 =	vld [tilespmem:$0x60]  }
0x12f: {  	v1 =	vld [tilespmem:$0x160];
	_ =	sdelay $0x6  }
0x130: {  	v59 =	vld.idx.msk [tilespmem:v58+s19+$0x0], $0xffff  }
0x131: {  	v60 =	vld.idx.msk [tilespmem:v1+s19+$0x0], $0xffff;
	_ =	sdelay $0x4  }
0x132: {  	v2 =	vmul.f32 v60, v59  }
0x133: {  	s10 =	spop (v2sf)  }
0x134: {  	s0 =	sadd.s32 s0, s10;
	vm14 =	vgt.f32 v2, $0.0e+00  }
0x135: {  	[tilespmem:s0+$0x2980] =	vst.msk vm14, v58  }
0x136: {  	[tilespmem:s0+$0x5100] =	vst.msk vm14, v1  }
0x137: {  	v0 =	vld [tilespmem:$0x70]  }
0x138: {  	v1 =	vld [tilespmem:$0x170];
	_ =	sdelay $0x6  }
0x139: {  	v61 =	vld.idx.msk [tilespmem:v0+s19+$0x0], $0xffff  }
0x13a: {  	v62 =	vld.idx.msk [tilespmem:v1+s19+$0x0], $0xffff;
	_ =	sdelay $0x4  }
0x13b: {  	v2 =	vmul.f32 v62, v61  }
0x13c: {  	v63 =	vmpcnt.ones.xlane vm14  }
0x13d: {  	vm15 =	vgt.f32 v2, $0.0e+00  }
0x13e: {  	(v2sf) =	vpush v63, $0x0;
	v2 =	vmpcnt.ones.xlane vm15;
	_ =	sdelay $0x1  }
0x13f: {  	(v2sf) =	vpush v2, $0x0;
	_ =	sdelay $0xb  }
.Ltmp4:
0x140: {  	_ = 	snop;
	(pc) =	sbr.rel .LBB2_5-.Ltmp4, $4  }
0x141: {  	s17 =	spop (v2sf)  }
0x142: {  	s0 =	sadd.s32 s0, s17  }
0x143: {  	[tilespmem:s0+$0x2980] =	vst.msk vm15, v0;
	s18 =	spop (v2sf)  }
0x144: {  	[tilespmem:s0+$0x5100] =	vst.msk vm15, v1;
	s4 =	sadd.s32 s0, s18  }
.LBB2_6:
0x145: {  	_ =	sfence.sel $0x180000  }
0x146: {  	[bflag:$0x0] =	sbarrier.arrive $0xFFFF  }
0x147: {  	_ =	strace $0x9000004D  }
0x148: {  	s0 =	stileid.u32;
	[bflag:$0x2] =	sbarrier.arrive $0xFFFF  }
0x149: {  	p0 =	sne.s32 s0, $0x0;
	s0 =	rddreg [dreg:$0x3]  }
0x14a: {  	s0 =	sadd.s32 @!p0 $0x100000, s0  }
0x14b: {  	[sflag:s0] =	ssyncadd.tile.s32 @!p0 $0x1;
	_ =	shalt  }
.Lfunc_end2:
_tile_overlayer_lowered:
.L_overlay_start_2:
0x14c: {  	(tag) =	ssettag $0x2  }
0x14d: {  	s0 =	rddreg [dreg:$0x0];
	s2 =	stileid.u32  }
0x14e: {  	s1 =	rddreg [dreg:$0x1];
	p0 =	sne.s32 s2, $0x0  }
0x14f: {  	s3 =	rddreg [dreg:$0x2];
	[bflag:$0x3] =	sbarrier.arrive $0xFFFF;
	s2 =	simm.s32 @!p0 $0x1C05  }
0x150: {  	[timem:s3], [sflag:s2] =	dma.local @!p0 [hbm:s0], s1  }
0x151: {  	s0 =	simm.s32 @!p0 $0x5  }
0x152: {  	_ =	swait.ge @!p0 [sflag:s0], s1  }
0x153: {  	s1 =	ssub.s32 @!p0 $0x0, s1;
	[sflag:s0] =	ssyncset.done @!p0 $0x0  }
0x154: {  	[sflag:s0] =	ssyncadd.s32 @!p0 s1  }
0x155: {  	[bflag:$0x3] =	sbarrier.arrive $0xFFFF  }
0x156: {  	_ =	shalt  }

// kernel: sc_deg.3.cloned.1.call-start
scs
__scs_entry_jumppad:
0x0: {  	(pc) =	sbr.rel $0x88, $3  }
0x1: {  	(tag) =	ssettag $0x0;
	lr =	simm.s32 $0x1  }
0x2: {  	[smem:$0x3F8A] =	sst lr;
	_ =	strace $0xD0000000  }
0x3: {  	_ = 	snop  }
0x4: {  	_ = 	snop  }
0x5: {  	_ = 	snop  }
0x6: {  	_ = 	snop  }
0x7: {  	_ = 	snop  }
__scs_overlays_trampoline_lowered:
0x8: {  	[smem:$0x3F99] =	sst s0  }
0x9: {  	[smem:$0x3F9A] =	sst s1  }
0xa: {  	[smem:$0x3F9B] =	sst s2  }
0xb: {  	[smem:$0x3F9C] =	sst s3  }
0xc: {  	[smem:$0x3F9D] =	sst s4  }
0xd: {  	[smem:$0x3F9E] =	sst s5  }
0xe: {  	[smem:$0x3F9F] =	sst s6  }
0xf: {  	[smem:$0x3FA0] =	sst s7  }
0x10: {  	[smem:$0x3FA1] =	sst s8  }
0x11: {  	[smem:$0x3FA2] =	sst s9;
	s0 =	simm.s32 @!p0 $0x0  }
0x12: {  	s1 =	sld [smem:$0x3F88];
	s0 =	simm.s32 @p0 $0x1  }
0x13: {  	[smem:$0x3FA3] =	sst s0;
	s0 =	simm.s32 @!p1 $0x0  }
0x14: {  	s2 =	sld [smem:$0x3F87];
	s0 =	simm.s32 @p1 $0x1  }
0x15: {  	[smem:$0x3FA4] =	sst s0;
	s0 =	simm.s32 @!p2 $0x0  }
0x16: {  	s3 =	sld [smem:$0x3FDB];
	s0 =	simm.s32 @p2 $0x1  }
0x17: {  	s4 =	simm.s32 $0x1BF5;
	[smem:$0x3FA6] =	sst s0  }
0x18: {  	s0 =	sld [smem:$0x3F89];
	_ =	swait.ge [sflag:s4], $0x0  }
0x19: {  	s7 =	sld [smem:$0x3F8A]  }
0x1a: {  	s8 =	sadd.s32 $0xFFFFE003, lr  }
0x1b: {  	s9 =	sadd.s32 $0xFFFFFEF7, lr;
	s5 =	simm.s32 $0xFFFFFFFF;
	p2 =	slt.u32 s8, $0xFFFFF086  }
0x1c: {  	p1 =	slt.u32 s9, $0xF7A;
	s5 =	simm.s32 @!p2 $0x0  }
0x1d: {  	s5 =	simm.s32 @p1 $0x1;
	p0 =	seq.s32 s7, s2  }
0x1e: {  	s7 =	smul.u32 @!p0 $0xF7A, s2;
	p2 =	seq.s32 @!p0 s5, $0x0  }
0x1f: {  	s9 =	smul.u32 $0xF7A, s1;
	s8 =	simm.s32 @!p0 $0x1BF5;
	p2 =	por !p2, p0  }
0x20: {  	[sflag:s8] =	ssyncset.s32 @!p0 $0xFFFFF086;
	s6 =	sadd.s32 @!p0 s3, s7;
	s7 =	simm.s32 @!p0 $0x108  }
0x21: {  	s3 =	sadd.s32 s3, s9;
	s6 =	sadd.s32 @!p0 $0x88, s6;
	s7 =	simm.s32 @p2 $0x1082  }
0x22: {  	[simem:s7], [sflag:s8] =	dma.local @!p0 [hbm:s6], $0xF7A  }
0x23: {  	s9 =	sor.u32 $0xD0000000, s2;
	s6 =	simm.s32 $0x108;
	_ =	swait.ge @!p0 [sflag:s8], $0x0  }
0x24: {  	s3 =	sadd.s32 $0x88, s3;
	s6 =	simm.s32 @!p1 $0x1082;
	[sflag:s4] =	ssyncset.s32 $0xFFFFF086  }
0x25: {  	[simem:s6], [sflag:s4] =	dma.local [hbm:s3], $0xF7A  }
0x26: {  	[smem:$0x3F8A] =	sst s1;
	(tag) =	ssettag s2;
	_ =	strace s9  }
0x27: {  	s1 =	sld [smem:$0x3F9A]  }
0x28: {  	s2 =	sld [smem:$0x3F9B]  }
0x29: {  	s4 =	sld [smem:$0x3F9D]  }
0x2a: {  	p0 =	seq.s32 s5, $0x0;
	s5 =	sld [smem:$0x3F9E]  }
0x2b: {  	s6 =	sld [smem:$0x3F9F]  }
0x2c: {  	s7 =	sld [smem:$0x3FA0]  }
0x2d: {  	s3 =	simm.s32 $0x108;
	s8 =	sld [smem:$0x3FA1]  }
0x2e: {  	s3 =	simm.s32 @!p0 $0x1082;
	s9 =	sld [smem:$0x3FA2]  }
0x2f: {  	lr =	sadd.s32 s0, s3;
	s0 =	sld [smem:$0x3F99]  }
0x30: {  	s3 =	sld [smem:$0x3F9C]  }
0x31: {  	[smem:$0x3FA5] =	sst s10  }
0x32: {  	s10 =	sld [smem:$0x3FA3];
	_ =	sdelay $0x3  }
0x33: {  	p0 =	seq.s32 s10, $0x1;
	s10 =	sld [smem:$0x3FA5];
	_ =	sdelay $0x3  }
0x34: {  	[smem:$0x3FA5] =	sst s10  }
0x35: {  	s10 =	sld [smem:$0x3FA4];
	_ =	sdelay $0x3  }
0x36: {  	p1 =	seq.s32 s10, $0x1;
	s10 =	sld [smem:$0x3FA5];
	_ =	sdelay $0x3  }
0x37: {  	[smem:$0x3FA5] =	sst s10  }
0x38: {  	s10 =	sld [smem:$0x3FA6]  }
0x39: {  	_ = 	snop;
	(pc) =	sbr.ind lr, $3  }
0x3a: {  	_ = 	snop  }
0x3b: {  	_ = 	snop  }
0x3c: {  	p2 =	seq.s32 s10, $0x1;
	s10 =	sld [smem:$0x3FA5]  }
0x3d: {  	_ =	shalt  }
0x3e: {  	_ =	shalt  }
0x3f: {  	_ =	shalt  }
0x40: {  	_ =	shalt  }
0x41: {  	_ =	shalt  }
0x42: {  	_ =	shalt  }
0x43: {  	_ =	shalt  }
0x44: {  	_ =	shalt  }
0x45: {  	_ =	shalt  }
0x46: {  	_ =	shalt  }
0x47: {  	_ =	shalt  }
0x48: {  	_ =	shalt  }
0x49: {  	_ =	shalt  }
0x4a: {  	_ =	shalt  }
0x4b: {  	_ =	shalt  }
0x4c: {  	_ =	shalt  }
0x4d: {  	_ =	shalt  }
0x4e: {  	_ =	shalt  }
0x4f: {  	_ =	shalt  }
0x50: {  	_ =	shalt  }
0x51: {  	_ =	shalt  }
0x52: {  	_ =	shalt  }
0x53: {  	_ =	shalt  }
0x54: {  	_ =	shalt  }
0x55: {  	_ =	shalt  }
0x56: {  	_ =	shalt  }
0x57: {  	_ =	shalt  }
0x58: {  	_ =	shalt  }
0x59: {  	_ =	shalt  }
0x5a: {  	_ =	shalt  }
0x5b: {  	_ =	shalt  }
0x5c: {  	_ =	shalt  }
0x5d: {  	_ =	shalt  }
0x5e: {  	_ =	shalt  }
0x5f: {  	_ =	shalt  }
0x60: {  	_ =	shalt  }
0x61: {  	_ =	shalt  }
0x62: {  	_ =	shalt  }
0x63: {  	_ =	shalt  }
0x64: {  	_ =	shalt  }
0x65: {  	_ =	shalt  }
0x66: {  	_ =	shalt  }
0x67: {  	_ =	shalt  }
0x68: {  	_ =	shalt  }
0x69: {  	_ =	shalt  }
0x6a: {  	_ =	shalt  }
0x6b: {  	_ =	shalt  }
0x6c: {  	_ =	shalt  }
0x6d: {  	_ =	shalt  }
0x6e: {  	_ =	shalt  }
0x6f: {  	_ =	shalt  }
0x70: {  	_ =	shalt  }
0x71: {  	_ =	shalt  }
0x72: {  	_ =	shalt  }
0x73: {  	_ =	shalt  }
0x74: {  	_ =	shalt  }
0x75: {  	_ =	shalt  }
0x76: {  	_ =	shalt  }
0x77: {  	_ =	shalt  }
0x78: {  	_ =	shalt  }
0x79: {  	_ =	shalt  }
0x7a: {  	_ =	shalt  }
0x7b: {  	_ =	shalt  }
0x7c: {  	_ =	shalt  }
0x7d: {  	_ =	shalt  }
0x7e: {  	_ =	shalt  }
0x7f: {  	_ =	shalt  }
0x80: {  	_ =	shalt  }
0x81: {  	_ =	shalt  }
0x82: {  	_ =	shalt  }
0x83: {  	_ =	shalt  }
0x84: {  	_ =	shalt  }
0x85: {  	_ =	shalt  }
0x86: {  	_ =	shalt  }
0x87: {  	_ =	shalt  }
.Lfunc_end0:
.L_simem_size_0:
called_computation_lowered:
.L_overlay_start_0:
0x88: {  	s2 =	sld [smem:$0x3FD9]  }
0x89: {  	s3 =	sld [smem:$0x3FFE];
	_ =	sdelay $0x1  }
0x8a: {  	s1 =	srdreg.scid  }
0x8b: {  	s0 =	sand.u32 $0x1, s1  }
0x8c: {  	s17 =	sshll.u32 s0, $0xA;
	s2 =	sadd.s32 s3, s2  }
0x8d: {  	s2 =	sadd.s32 s2, s17  }
0x8e: {  	[smem:$0x3FB1] =	sst s2  }
0x8f: {  	_ = 	snop  }
0x90: {  	s2 =	sld [smem:$0x3FC9];
	(tm) =	ssettm $0x1  }
0x91: {  	s18 =	sld [smem:$0x3FFB];
	_ =	sdelay $0x3  }
0x92: {  	_ =	strace s18  }
0x93: {  	s3 =	sld [smem:$0x3FFC];
	_ =	sdelay $0x3  }
0x94: {  	_ =	strace s3  }
0x95: {  	s3 =	sld [smem:$0x3FFD];
	_ =	sdelay $0x3  }
0x96: {  	_ =	strace s3  }
0x97: {  	_ =	strace $0x8FFFFFFF  }
0x98: {  	s19 =	sld [smem:$0x3FDB];
	_ =	sdelay $0x1  }
0x99: {  	s4 =	simm.s32 $_scs_section_size  }
0x9a: {  	s5 =	simm.s32 $_size__tile_overlayer_lowered;
	s6 =	simm.s32 $_tile_overlayer_lowered  }
0x9b: {  	s22 =	simm.s32 $0x1BFF;
	s21 =	sshll.u32 s6, $0x1;
	s3 =	sadd.s32 s4, s19  }
0x9c: {  	s7 =	simm.s32 $0x0;
	s20 =	sshll.u32 s5, $0x1;
	s5 =	sadd.s32 s21, s3  }
0x9d: {  	[timem:s7], [sflag:s22] =	dma.local [hbm:s5], s20  }
0x9e: {  	_ =	swait.ge [sflag:s22], s20  }
0x9f: {  	s4 =	ssub.s32 $0x0, s20;
	[sflag:s22] =	ssyncset.done $0x0  }
0xa0: {  	[sflag:s22] =	ssyncadd.s32 s4;
	_ =	sdelay $0x1  }
0xa1: {  	s23 =	simm.s32 $0x1B8B  }
0xa2: {  	_ =	swait.ge [sflag:s23], $0x1  }
0xa3: {  	[sflag:s23] =	ssyncset.done $0x0  }
0xa4: {  	s25 =	simm.s32 $0x1B8E;
	s24 =	sld [smem:$0x3FFE];
	[sflag:s23] =	ssyncadd.s32 $0xFFFFFFFF  }
0xa5: {  	s26 =	simm.s32 $execute0_lowered;
	[smem:$0x3FD2] =	sst s25  }
0xa6: {  	s5 =	sshll.u32 s26, $0x1;
	_ =	strace $0x80000046;
	[dreg:$0x1] =	wrdreg $0xFFFFFFFF  }
0xa7: {  	s28 =	simm.s32 $_size_execute0_lowered;
	s3 =	sadd.s32 s3, s5;
	[dreg:$0x0] =	wrdreg $0x0  }
0xa8: {  	s5 =	sshll.u32 s28, $0x1;
	[dreg:$0x2] =	wrdreg s3  }
0xa9: {  	[dreg:$0x3] =	wrdreg s5  }
0xaa: {  	[dreg:$0x4] =	wrdreg $0xC0  }
0xab: {  	_ =	task [dreg:s7], $0x5FFFF  }
0xac: {  	[dreg:$0x1] =	wrdreg $0xFFFFFFFF  }
0xad: {  	[dreg:$0x0] =	wrdreg $0x60  }
0xae: {  	[dreg:$0x2] =	wrdreg s2  }
0xaf: {  	[dreg:$0x3] =	wrdreg s24  }
0xb0: {  	[dreg:$0x4] =	wrdreg $0x9  }
0xb1: {  	_ =	task.clear_ibuf [dreg:s7], $0x5FFFF;
	_ =	strace $0x90000046  }
0xb2: {  	s29 =	simm.s32 $0x9;
	_ =	strace $0x80000048  }
0xb3: {  	_ =	swait.ge [sflag:s29], $0x1  }
0xb4: {  	[sflag:s29] =	ssyncadd.s32 $0xFFFFFFFF  }
0xb5: {  	_ =	strace $0x90000048  }
0xb6: {  	_ =	sfence  }
0xb7: {  	s30 =	sld [smem:$0x0];
	_ =	sdelay $0x2  }
0xb8: {  	s31 =	sshll.u32 s1, $0xD;
	s1 =	sshrl.u32 s1, $0x2  }
0xb9: {  	s3 =	sand.u32 $0x4000, s31;
	s1 =	sadd.s32 s1, s30  }
0xba: {  	s0 =	sor.u32 s3, s0;
	s1 =	sshll.u32 s1, $0x11  }
0xbb: {  	s0 =	sor.u32 s1, s0  }
0xbc: {  	s0 =	sadd.s32 $0x8F2B, s0  }
0xbd: {  	[sflag:s0] =	ssyncadd.remote.s32 $0x1  }
0xbe: {  	_ =	sfence.sel $0xFFFF  }
0xbf: {  	[dreg:$0x0] =	wrdreg $0xFFFFFFFF;
	(pc) =	sbr.abs _section_cstart, $3  }
0xc0: {  	[dreg:$0x1] =	wrdreg $0xFFFFFFFF  }
0xc1: {  	_ =	task.clear_ibuf [dreg:s7], $0x2FFFF;
	_ =	strace $0x9FFFFFFF  }
0xc2: {  	(tm) =	ssettm $0x7FFFFFFF  }
0xc3: {  	_ =	shalt  }
tec
execute0_lowered:
.L_overlay_start_1:
0x0: {  	(tag) =	ssettag $0x1  }
0x1: {  	s1 =	srdreg.scid;
	s7 =	rddreg [dreg:$0x0]  }
0x2: {  	s0 =	stileid.u32;
	s5 =	rddreg [dreg:$0x1]  }
0x3: {  	s2 =	simm.s32 $0x0;
	s15 =	simm.s32 $0x80;
	s16 =	simm.s32 $0x400  }
0x4: {  	s17 =	simm.s32 $0x0;
	s10 =	sand.u32 $0x1, s1;
	s1 =	rddreg [dreg:$0x2]  }
0x5: {  	s24 =	sshll.u32 s0, $0x1;
	s25 =	sshrl.u32 s0, $0x2;
	[smem:$0x7FF] =	sst s2  }
0x6: {  	s13 =	sshll.u32 s0, $0x9;
	s4 =	sor.u32 s10, s24;
	s3 =	smul.u32 $0x13C00, s25  }
0x7: {  	s26 =	ssub.s32 $0x2, s10;
	_ =	strace $0x80000047;
	s14 =	sshll.u32 s10, $0x8  }
0x8: {  	s6 =	sshll.u32 s4, $0x7;
	s9 =	sshrl.u32 s26, $0x1;
	s28 =	ssub.s32 $0x9E3, s4  }
0x9: {  	s29 =	sshll.u32 s4, $0x5;
	s4 =	sadd.s32 $0x10, s7;
	s31 =	sor.u32 s14, s13  }
0xa: {  	s13 =	simm.s32 $0x100;
	s14 =	simm.s32 $0x3;
	s6 =	sand.u32 $0x380, s6  }
0xb: {  	s12 =	ssub.s32 s26, s9;
	s7 =	sadd.s32 s29, s7;
	s3 =	sor.u32 s3, s6  }
0xc: {  	s6 =	sadd.s32 s29, s4;
	s7 =	sadd.s32 $0x410, s7;
	s8 =	sshrl.u32 s3, $0x3  }
0xd: {  	s3 =	sadd.s32 $0x1800, s5;
	s11 =	sadd.s32 s8, s5;
	s5 =	sshrl.u32 s28, $0x5  }
0xe: {  	s10 =	smax.u32 s12, $0x1;
	s12 =	sor.u32 $0x6000, s31;
	s30 =	sadd.s32 $0x1, s5  }
0xf: {  	s8 =	sadd.s32 $0xFFFFFFFF, s5;
	s9 =	sadd.s32 $0x1E00, s11;
	s11 =	sand.u32 $0x5E, s30  }
.LBB2_1:
0x10: {  	[tilespmem:s13], [sflag:$0x3] =	stream.linear.gather [hbm4b:s3+s2], $0x2780, $0x38;
	[tilespmem:$0x2880] =	vst v63  }
0x11: {  	_ =	swait.ge [sflag:s14], $0x2780  }
0x12: {  	[sflag:s14] =	ssyncset.done $0x0  }
0x13: {  	[sflag:s14] =	ssyncadd.s32 $0xFFFFD880  }
0x14: {  	[tilespmem:s2], [sflag:$0x1] =	stream.linear.gather [hbm4b:s6+s2], $0x80, $0x38;
	[tilespmem:$0x2880] =	vst v63  }
0x15: {  	s18 =	smov.u32 s12;
	s19 =	simm.s32 $0x0  }
0x16: {  	[tilespmem:s15], [sflag:$0x2] =	stream.linear.gather [hbm4b:s7+s2], $0x80, $0x38;
	[tilespmem:$0x2880] =	vst v63  }
.LBB2_2:
0x17: {  	p0 =	sge.u32 s19, s5  }
0x18: {  	s20 =	simm.s32 @!p0 $0x1  }
0x19: {  	_ =	swait.ge @!p0 [sflag:s20], $0x80  }
0x1a: {  	[sflag:s20] =	ssyncset.done @!p0 $0x0  }
0x1b: {  	[sflag:s20] =	ssyncadd.s32 @!p0 $0xFFFFFF80  }
0x1c: {  	v0 =	vld @!p0 [tilespmem:$0x0];
	_ =	sdelay $0x6  }
0x1d: {  	v1 =	vimm.f32 @!p0 $1.000000000e+00;
	s20 =	simm.s32 @!p0 $0x100  }
0x1e: {  	[tilespmem:v0+s20+$0x0] =	vst.idx.add.f32.msk @!p0 $0xffff, v1  }
0x1f: {  	v0 =	vld @!p0 [tilespmem:$0x10];
	_ =	sdelay $0x7  }
0x20: {  	[tilespmem:v0+s20+$0x0] =	vst.idx.add.f32.msk @!p0 $0xffff, v1  }
0x21: {  	v0 =	vld @!p0 [tilespmem:$0x20];
	_ =	sdelay $0x7  }
0x22: {  	[tilespmem:v0+s20+$0x0] =	vst.idx.add.f32.msk @!p0 $0xffff, v1  }
0x23: {  	v0 =	vld @!p0 [tilespmem:$0x30];
	_ =	sdelay $0x7  }
0x24: {  	[tilespmem:v0+s20+$0x0] =	vst.idx.add.f32.msk @!p0 $0xffff, v1  }
0x25: {  	v0 =	vld @!p0 [tilespmem:$0x40];
	_ =	sdelay $0x7  }
0x26: {  	[tilespmem:v0+s20+$0x0] =	vst.idx.add.f32.msk @!p0 $0xffff, v1  }
0x27: {  	v0 =	vld @!p0 [tilespmem:$0x50];
	_ =	sdelay $0x7  }
0x28: {  	[tilespmem:v0+s20+$0x0] =	vst.idx.add.f32.msk @!p0 $0xffff, v1  }
0x29: {  	v0 =	vld @!p0 [tilespmem:$0x60];
	_ =	sdelay $0x7  }
0x2a: {  	[tilespmem:v0+s20+$0x0] =	vst.idx.add.f32.msk @!p0 $0xffff, v1  }
0x2b: {  	v0 =	vld @!p0 [tilespmem:$0x70];
	_ =	sdelay $0x2  }
0x2c: {  	s21 =	sadd.s32 @!p0 $0x2, s19  }
0x2d: {  	p1 =	sge.u32 @!p0 s21, s5  }
0x2e: {  	p1 =	por p1, p0  }
0x2f: {  	s21 =	sadd.s32 @!p1 $0xFFFFE000, s18  }
0x30: {  	s21 =	sshrl.u32 @!p1 s21, $0x3  }
0x31: {  	[tilespmem:v0+s20+$0x0] =	vst.idx.add.f32.msk @!p0 $0xffff, v1;
	s20 =	sadd.s32 @!p1 s21, s4;
	s21 =	simm.s32 @!p1 $0x0;
	p0 =	sge.u32 s19, s8  }
0x32: {  	[tilespmem:s21], [sflag:$0x1] =	stream.linear.gather @!p1 [hbm4b:s20+s21], $0x80, $0x38;
	[tilespmem:$0x2880] =	vst v63  }
0x33: {  	s20 =	simm.s32 @!p0 $0x2  }
0x34: {  	_ =	swait.ge @!p0 [sflag:s20], $0x80  }
0x35: {  	[sflag:s20] =	ssyncset.done @!p0 $0x0  }
0x36: {  	[sflag:s20] =	ssyncadd.s32 @!p0 $0xFFFFFF80  }
0x37: {  	v0 =	vld @!p0 [tilespmem:$0x80];
	_ =	sdelay $0x6  }
0x38: {  	v1 =	vimm.f32 @!p0 $1.000000000e+00;
	s20 =	simm.s32 @!p0 $0x100  }
0x39: {  	[tilespmem:v0+s20+$0x0] =	vst.idx.add.f32.msk @!p0 $0xffff, v1  }
0x3a: {  	v0 =	vld @!p0 [tilespmem:$0x90];
	_ =	sdelay $0x7  }
0x3b: {  	[tilespmem:v0+s20+$0x0] =	vst.idx.add.f32.msk @!p0 $0xffff, v1  }
0x3c: {  	v0 =	vld @!p0 [tilespmem:$0xA0];
	_ =	sdelay $0x7  }
0x3d: {  	[tilespmem:v0+s20+$0x0] =	vst.idx.add.f32.msk @!p0 $0xffff, v1  }
0x3e: {  	v0 =	vld @!p0 [tilespmem:$0xB0];
	_ =	sdelay $0x7  }
0x3f: {  	[tilespmem:v0+s20+$0x0] =	vst.idx.add.f32.msk @!p0 $0xffff, v1  }
0x40: {  	v0 =	vld @!p0 [tilespmem:$0xC0];
	_ =	sdelay $0x7  }
0x41: {  	[tilespmem:v0+s20+$0x0] =	vst.idx.add.f32.msk @!p0 $0xffff, v1  }
0x42: {  	v0 =	vld @!p0 [tilespmem:$0xD0];
	_ =	sdelay $0x7  }
0x43: {  	[tilespmem:v0+s20+$0x0] =	vst.idx.add.f32.msk @!p0 $0xffff, v1  }
0x44: {  	v0 =	vld @!p0 [tilespmem:$0xE0];
	_ =	sdelay $0x7  }
0x45: {  	[tilespmem:v0+s20+$0x0] =	vst.idx.add.f32.msk @!p0 $0xffff, v1  }
0x46: {  	v0 =	vld @!p0 [tilespmem:$0xF0];
	_ =	sdelay $0x5  }
0x47: {  	s21 =	sadd.s32 @!p0 $0x3, s19  }
0x48: {  	s19 =	sadd.s32 $0x2, s19;
	p1 =	sge.u32 @!p0 s21, s5  }
0x49: {  	p1 =	por p1, p0;
	[tilespmem:v0+s20+$0x0] =	vst.idx.add.f32.msk @!p0 $0xffff, v1;
	p0 =	sne.s32 s11, s19  }
.Ltmp0:
0x4a: {  	_ = 	snop;
	(pc) =	sbr.rel @p0 .LBB2_2-.Ltmp0, $4  }
0x4b: {  	_ = 	snop  }
0x4c: {  	s21 =	sshrl.u32 @!p1 s18, $0x3;
	s22 =	simm.s32 @!p1 $0x80  }
0x4d: {  	s18 =	sadd.s32 $0x4000, s18;
	s20 =	sadd.s32 @!p1 s21, s4;
	s21 =	simm.s32 @!p1 $0x0  }
0x4e: {  	[tilespmem:s22], [sflag:$0x2] =	stream.linear.gather @!p1 [hbm4b:s20+s21], $0x80, $0x38;
	[tilespmem:$0x2880] =	vst v63  }
0x4f: {  	s17 =	sadd.s32 $0x1, s17  }
0x50: {  	p0 =	sne.s32 s17, s10  }
.Ltmp1:
0x51: {  	_ = 	snop;
	(pc) =	sbr.rel @p0 .LBB2_1-.Ltmp1, $4  }
0x52: {  	[hbm4b:s9+s15] =	stream.strided.scatter [tilespmem:s13], [sflag:$0x3], $0x2780, s16, s15, $0x38;
	[tilespmem:$0x2880] =	vst v63  }
0x53: {  	_ =	swait.ge [sflag:s14], $0x2780  }
0x54: {  	[sflag:s14] =	ssyncset.done $0x0  }
0x55: {  	[sflag:s14] =	ssyncadd.s32 $0xFFFFD880  }
0x56: {  	_ =	sfence.sel $0x180000  }
0x57: {  	[bflag:$0x0] =	sbarrier.arrive $0xFFFF  }
0x58: {  	p0 =	sne.s32 s0, $0x0;
	_ =	strace $0x90000047  }
0x59: {  	s0 =	sadd.s32 @!p0 $0x100000, s1;
	[bflag:$0x2] =	sbarrier.arrive $0xFFFF  }
0x5a: {  	[sflag:s0] =	ssyncadd.tile.s32 @!p0 $0x1;
	_ =	shalt  }
.Lfunc_end2:
_tile_overlayer_lowered:
.L_overlay_start_2:
0x5b: {  	(tag) =	ssettag $0x2  }
0x5c: {  	s0 =	rddreg [dreg:$0x0];
	s2 =	stileid.u32  }
0x5d: {  	s1 =	rddreg [dreg:$0x1];
	p0 =	sne.s32 s2, $0x0  }
0x5e: {  	s3 =	rddreg [dreg:$0x2];
	[bflag:$0x3] =	sbarrier.arrive $0xFFFF;
	s2 =	simm.s32 @!p0 $0x1C03  }
0x5f: {  	[timem:s3], [sflag:s2] =	dma.local @!p0 [hbm:s0], s1  }
0x60: {  	s0 =	simm.s32 @!p0 $0x3  }
0x61: {  	_ =	swait.ge @!p0 [sflag:s0], s1  }
0x62: {  	s1 =	ssub.s32 @!p0 $0x0, s1;
	[sflag:s0] =	ssyncset.done @!p0 $0x0  }
0x63: {  	[sflag:s0] =	ssyncadd.s32 @!p0 s1  }
0x64: {  	[bflag:$0x3] =	sbarrier.arrive $0xFFFF  }
0x65: {  	_ =	shalt  }

// kernel: sc_seg_sum.3.cloned.1.call-start
scs
__scs_entry_jumppad:
0x0: {  	(pc) =	sbr.rel $0x88, $3  }
0x1: {  	(tag) =	ssettag $0x0;
	lr =	simm.s32 $0x1  }
0x2: {  	[smem:$0x3F8A] =	sst lr;
	_ =	strace $0xD0000000  }
0x3: {  	_ = 	snop  }
0x4: {  	_ = 	snop  }
0x5: {  	_ = 	snop  }
0x6: {  	_ = 	snop  }
0x7: {  	_ = 	snop  }
__scs_overlays_trampoline_lowered:
0x8: {  	[smem:$0x3F99] =	sst s0  }
0x9: {  	[smem:$0x3F9A] =	sst s1  }
0xa: {  	[smem:$0x3F9B] =	sst s2  }
0xb: {  	[smem:$0x3F9C] =	sst s3  }
0xc: {  	[smem:$0x3F9D] =	sst s4  }
0xd: {  	[smem:$0x3F9E] =	sst s5  }
0xe: {  	[smem:$0x3F9F] =	sst s6  }
0xf: {  	[smem:$0x3FA0] =	sst s7  }
0x10: {  	[smem:$0x3FA1] =	sst s8  }
0x11: {  	[smem:$0x3FA2] =	sst s9;
	s0 =	simm.s32 @!p0 $0x0  }
0x12: {  	s1 =	sld [smem:$0x3F88];
	s0 =	simm.s32 @p0 $0x1  }
0x13: {  	[smem:$0x3FA3] =	sst s0;
	s0 =	simm.s32 @!p1 $0x0  }
0x14: {  	s2 =	sld [smem:$0x3F87];
	s0 =	simm.s32 @p1 $0x1  }
0x15: {  	[smem:$0x3FA4] =	sst s0;
	s0 =	simm.s32 @!p2 $0x0  }
0x16: {  	s3 =	sld [smem:$0x3FDB];
	s0 =	simm.s32 @p2 $0x1  }
0x17: {  	s4 =	simm.s32 $0x1BF5;
	[smem:$0x3FA6] =	sst s0  }
0x18: {  	s0 =	sld [smem:$0x3F89];
	_ =	swait.ge [sflag:s4], $0x0  }
0x19: {  	s7 =	sld [smem:$0x3F8A]  }
0x1a: {  	s8 =	sadd.s32 $0xFFFFE003, lr  }
0x1b: {  	s9 =	sadd.s32 $0xFFFFFEF7, lr;
	s5 =	simm.s32 $0xFFFFFFFF;
	p2 =	slt.u32 s8, $0xFFFFF086  }
0x1c: {  	p1 =	slt.u32 s9, $0xF7A;
	s5 =	simm.s32 @!p2 $0x0  }
0x1d: {  	s5 =	simm.s32 @p1 $0x1;
	p0 =	seq.s32 s7, s2  }
0x1e: {  	s7 =	smul.u32 @!p0 $0xF7A, s2;
	p2 =	seq.s32 @!p0 s5, $0x0  }
0x1f: {  	s9 =	smul.u32 $0xF7A, s1;
	s8 =	simm.s32 @!p0 $0x1BF5;
	p2 =	por !p2, p0  }
0x20: {  	[sflag:s8] =	ssyncset.s32 @!p0 $0xFFFFF086;
	s6 =	sadd.s32 @!p0 s3, s7;
	s7 =	simm.s32 @!p0 $0x108  }
0x21: {  	s3 =	sadd.s32 s3, s9;
	s6 =	sadd.s32 @!p0 $0x88, s6;
	s7 =	simm.s32 @p2 $0x1082  }
0x22: {  	[simem:s7], [sflag:s8] =	dma.local @!p0 [hbm:s6], $0xF7A  }
0x23: {  	s9 =	sor.u32 $0xD0000000, s2;
	s6 =	simm.s32 $0x108;
	_ =	swait.ge @!p0 [sflag:s8], $0x0  }
0x24: {  	s3 =	sadd.s32 $0x88, s3;
	s6 =	simm.s32 @!p1 $0x1082;
	[sflag:s4] =	ssyncset.s32 $0xFFFFF086  }
0x25: {  	[simem:s6], [sflag:s4] =	dma.local [hbm:s3], $0xF7A  }
0x26: {  	[smem:$0x3F8A] =	sst s1;
	(tag) =	ssettag s2;
	_ =	strace s9  }
0x27: {  	s1 =	sld [smem:$0x3F9A]  }
0x28: {  	s2 =	sld [smem:$0x3F9B]  }
0x29: {  	s4 =	sld [smem:$0x3F9D]  }
0x2a: {  	p0 =	seq.s32 s5, $0x0;
	s5 =	sld [smem:$0x3F9E]  }
0x2b: {  	s6 =	sld [smem:$0x3F9F]  }
0x2c: {  	s7 =	sld [smem:$0x3FA0]  }
0x2d: {  	s3 =	simm.s32 $0x108;
	s8 =	sld [smem:$0x3FA1]  }
0x2e: {  	s3 =	simm.s32 @!p0 $0x1082;
	s9 =	sld [smem:$0x3FA2]  }
0x2f: {  	lr =	sadd.s32 s0, s3;
	s0 =	sld [smem:$0x3F99]  }
0x30: {  	s3 =	sld [smem:$0x3F9C]  }
0x31: {  	[smem:$0x3FA5] =	sst s10  }
0x32: {  	s10 =	sld [smem:$0x3FA3];
	_ =	sdelay $0x3  }
0x33: {  	p0 =	seq.s32 s10, $0x1;
	s10 =	sld [smem:$0x3FA5];
	_ =	sdelay $0x3  }
0x34: {  	[smem:$0x3FA5] =	sst s10  }
0x35: {  	s10 =	sld [smem:$0x3FA4];
	_ =	sdelay $0x3  }
0x36: {  	p1 =	seq.s32 s10, $0x1;
	s10 =	sld [smem:$0x3FA5];
	_ =	sdelay $0x3  }
0x37: {  	[smem:$0x3FA5] =	sst s10  }
0x38: {  	s10 =	sld [smem:$0x3FA6]  }
0x39: {  	_ = 	snop;
	(pc) =	sbr.ind lr, $3  }
0x3a: {  	_ = 	snop  }
0x3b: {  	_ = 	snop  }
0x3c: {  	p2 =	seq.s32 s10, $0x1;
	s10 =	sld [smem:$0x3FA5]  }
0x3d: {  	_ =	shalt  }
0x3e: {  	_ =	shalt  }
0x3f: {  	_ =	shalt  }
0x40: {  	_ =	shalt  }
0x41: {  	_ =	shalt  }
0x42: {  	_ =	shalt  }
0x43: {  	_ =	shalt  }
0x44: {  	_ =	shalt  }
0x45: {  	_ =	shalt  }
0x46: {  	_ =	shalt  }
0x47: {  	_ =	shalt  }
0x48: {  	_ =	shalt  }
0x49: {  	_ =	shalt  }
0x4a: {  	_ =	shalt  }
0x4b: {  	_ =	shalt  }
0x4c: {  	_ =	shalt  }
0x4d: {  	_ =	shalt  }
0x4e: {  	_ =	shalt  }
0x4f: {  	_ =	shalt  }
0x50: {  	_ =	shalt  }
0x51: {  	_ =	shalt  }
0x52: {  	_ =	shalt  }
0x53: {  	_ =	shalt  }
0x54: {  	_ =	shalt  }
0x55: {  	_ =	shalt  }
0x56: {  	_ =	shalt  }
0x57: {  	_ =	shalt  }
0x58: {  	_ =	shalt  }
0x59: {  	_ =	shalt  }
0x5a: {  	_ =	shalt  }
0x5b: {  	_ =	shalt  }
0x5c: {  	_ =	shalt  }
0x5d: {  	_ =	shalt  }
0x5e: {  	_ =	shalt  }
0x5f: {  	_ =	shalt  }
0x60: {  	_ =	shalt  }
0x61: {  	_ =	shalt  }
0x62: {  	_ =	shalt  }
0x63: {  	_ =	shalt  }
0x64: {  	_ =	shalt  }
0x65: {  	_ =	shalt  }
0x66: {  	_ =	shalt  }
0x67: {  	_ =	shalt  }
0x68: {  	_ =	shalt  }
0x69: {  	_ =	shalt  }
0x6a: {  	_ =	shalt  }
0x6b: {  	_ =	shalt  }
0x6c: {  	_ =	shalt  }
0x6d: {  	_ =	shalt  }
0x6e: {  	_ =	shalt  }
0x6f: {  	_ =	shalt  }
0x70: {  	_ =	shalt  }
0x71: {  	_ =	shalt  }
0x72: {  	_ =	shalt  }
0x73: {  	_ =	shalt  }
0x74: {  	_ =	shalt  }
0x75: {  	_ =	shalt  }
0x76: {  	_ =	shalt  }
0x77: {  	_ =	shalt  }
0x78: {  	_ =	shalt  }
0x79: {  	_ =	shalt  }
0x7a: {  	_ =	shalt  }
0x7b: {  	_ =	shalt  }
0x7c: {  	_ =	shalt  }
0x7d: {  	_ =	shalt  }
0x7e: {  	_ =	shalt  }
0x7f: {  	_ =	shalt  }
0x80: {  	_ =	shalt  }
0x81: {  	_ =	shalt  }
0x82: {  	_ =	shalt  }
0x83: {  	_ =	shalt  }
0x84: {  	_ =	shalt  }
0x85: {  	_ =	shalt  }
0x86: {  	_ =	shalt  }
0x87: {  	_ =	shalt  }
.Lfunc_end0:
.L_simem_size_0:
called_computation.1_lowered:
.L_overlay_start_0:
0x88: {  	s2 =	sld [smem:$0x3FD9]  }
0x89: {  	s3 =	sld [smem:$0x3FFE];
	_ =	sdelay $0x1  }
0x8a: {  	s1 =	srdreg.scid  }
0x8b: {  	s0 =	sand.u32 $0x1, s1  }
0x8c: {  	s17 =	sshll.u32 s0, $0xA;
	s2 =	sadd.s32 s3, s2  }
0x8d: {  	s2 =	sadd.s32 s2, s17  }
0x8e: {  	[smem:$0x3FB1] =	sst s2  }
0x8f: {  	_ = 	snop  }
0x90: {  	s2 =	sld [smem:$0x3FC9];
	(tm) =	ssettm $0x1  }
0x91: {  	s18 =	sld [smem:$0x3FFB];
	_ =	sdelay $0x3  }
0x92: {  	_ =	strace s18  }
0x93: {  	s3 =	sld [smem:$0x3FFC];
	_ =	sdelay $0x3  }
0x94: {  	_ =	strace s3  }
0x95: {  	s3 =	sld [smem:$0x3FFD];
	_ =	sdelay $0x3  }
0x96: {  	_ =	strace s3  }
0x97: {  	_ =	strace $0x8FFFFFFF  }
0x98: {  	s19 =	sld [smem:$0x3FDB];
	_ =	sdelay $0x1  }
0x99: {  	s4 =	simm.s32 $_scs_section_size  }
0x9a: {  	s5 =	simm.s32 $_size__tile_overlayer_lowered;
	s6 =	simm.s32 $_tile_overlayer_lowered  }
0x9b: {  	s22 =	simm.s32 $0x1BFF;
	s21 =	sshll.u32 s6, $0x1;
	s3 =	sadd.s32 s4, s19  }
0x9c: {  	s7 =	simm.s32 $0x0;
	s20 =	sshll.u32 s5, $0x1;
	s5 =	sadd.s32 s21, s3  }
0x9d: {  	[timem:s7], [sflag:s22] =	dma.local [hbm:s5], s20  }
0x9e: {  	_ =	swait.ge [sflag:s22], s20  }
0x9f: {  	s4 =	ssub.s32 $0x0, s20;
	[sflag:s22] =	ssyncset.done $0x0  }
0xa0: {  	[sflag:s22] =	ssyncadd.s32 s4;
	_ =	sdelay $0x1  }
0xa1: {  	s23 =	simm.s32 $0x1B8B  }
0xa2: {  	_ =	swait.ge [sflag:s23], $0x1  }
0xa3: {  	[sflag:s23] =	ssyncset.done $0x0  }
0xa4: {  	s25 =	simm.s32 $0x1B8E;
	s24 =	sld [smem:$0x3FFE];
	[sflag:s23] =	ssyncadd.s32 $0xFFFFFFFF  }
0xa5: {  	s26 =	simm.s32 $execute0_lowered;
	[smem:$0x3FD2] =	sst s25  }
0xa6: {  	s5 =	sshll.u32 s26, $0x1;
	_ =	strace $0x80000049;
	[dreg:$0x1] =	wrdreg $0xFFFFFFFF  }
0xa7: {  	s28 =	simm.s32 $_size_execute0_lowered;
	s3 =	sadd.s32 s3, s5;
	[dreg:$0x0] =	wrdreg $0x0  }
0xa8: {  	s5 =	sshll.u32 s28, $0x1;
	[dreg:$0x2] =	wrdreg s3  }
0xa9: {  	[dreg:$0x3] =	wrdreg s5  }
0xaa: {  	[dreg:$0x4] =	wrdreg $0xC0  }
0xab: {  	_ =	task [dreg:s7], $0x5FFFF  }
0xac: {  	[dreg:$0x1] =	wrdreg $0xFFFFFFFF  }
0xad: {  	[dreg:$0x0] =	wrdreg $0x60  }
0xae: {  	[dreg:$0x2] =	wrdreg s24  }
0xaf: {  	[dreg:$0x3] =	wrdreg s2  }
0xb0: {  	[dreg:$0x4] =	wrdreg $0xC2000  }
0xb1: {  	[dreg:$0x5] =	wrdreg $0x9  }
0xb2: {  	_ =	task.clear_ibuf [dreg:s7], $0x6FFFF;
	_ =	strace $0x90000049  }
0xb3: {  	s29 =	simm.s32 $0x9;
	_ =	strace $0x8000004B  }
0xb4: {  	_ =	swait.ge [sflag:s29], $0x1  }
0xb5: {  	[sflag:s29] =	ssyncadd.s32 $0xFFFFFFFF  }
0xb6: {  	_ =	strace $0x9000004B  }
0xb7: {  	_ =	sfence  }
0xb8: {  	s30 =	sld [smem:$0x0];
	_ =	sdelay $0x2  }
0xb9: {  	s31 =	sshll.u32 s1, $0xD;
	s1 =	sshrl.u32 s1, $0x2  }
0xba: {  	s3 =	sand.u32 $0x4000, s31;
	s1 =	sadd.s32 s1, s30  }
0xbb: {  	s0 =	sor.u32 s3, s0;
	s1 =	sshll.u32 s1, $0x11  }
0xbc: {  	s0 =	sor.u32 s1, s0  }
0xbd: {  	s0 =	sadd.s32 $0x8F2B, s0  }
0xbe: {  	[sflag:s0] =	ssyncadd.remote.s32 $0x1  }
0xbf: {  	_ =	sfence.sel $0xFFFF  }
0xc0: {  	[dreg:$0x0] =	wrdreg $0xFFFFFFFF;
	(pc) =	sbr.abs _section_cstart, $3  }
0xc1: {  	[dreg:$0x1] =	wrdreg $0xFFFFFFFF  }
0xc2: {  	_ =	task.clear_ibuf [dreg:s7], $0x2FFFF;
	_ =	strace $0x9FFFFFFF  }
0xc3: {  	(tm) =	ssettm $0x7FFFFFFF  }
tec
execute0_lowered:
.L_overlay_start_1:
0x0: {  	(tag) =	ssettag $0x1  }
0x1: {  	s7 =	rddreg [dreg:$0x0]  }
0x2: {  	s1 =	rddreg [dreg:$0x1]  }
0x3: {  	s2 =	rddreg [dreg:$0x2];
	s3 =	srdreg.scid  }
0x4: {  	s4 =	simm.s32 $0x0;
	s0 =	stileid.u32;
	s22 =	simm.s32 $0x180  }
0x5: {  	s23 =	simm.s32 $0x80;
	s24 =	simm.s32 $0x3;
	s25 =	simm.s32 $0x200  }
0x6: {  	s16 =	sand.u32 $0x1, s3;
	[smem:$0x7FF] =	sst s4;
	s8 =	sshll.u32 s0, $0xE  }
0x7: {  	s5 =	sadd.s32 $0xBC00, s7;
	s28 =	sshll.u32 s0, $0x1;
	s6 =	smul.u32 $0x13C000, s16  }
0x8: {  	s29 =	ssub.s32 $0x5E, s0;
	s21 =	sshll.u32 s0, $0x9;
	s10 =	ssub.s32 $0x2, s16  }
0x9: {  	_ =	strace $0x8000004A;
	s26 =	sshrl.u32 s10, $0x1;
	s9 =	sadd.s32 s8, s6  }
0xa: {  	s6 =	sadd.s32 $0x32E00, s7;
	s17 =	ssub.s32 s10, s26;
	s9 =	sshrl.u32 s9, $0x3  }
0xb: {  	s8 =	sadd.s32 s8, s2;
	s26 =	simm.s32 $0x0;
	s18 =	sadd.s32 s9, s7  }
0xc: {  	s9 =	sor.u32 s16, s28;
	s7 =	sshrl.u32 s29, $0x4;
	s16 =	sshll.u32 s16, $0x8  }
0xd: {  	s12 =	sshll.u32 s9, $0x5;
	s11 =	ssub.s32 $0x9E3, s9;
	s9 =	sadd.s32 $0x10, s1  }
0xe: {  	s31 =	sor.u32 s16, s21;
	s16 =	smax.u32 s17, $0x1;
	s18 =	sadd.s32 $0x5A000, s18  }
0xf: {  	s21 =	simm.s32 $0x100;
	s10 =	sadd.s32 s1, s12;
	s11 =	sshrl.u32 s11, $0x5  }
0x10: {  	s12 =	sadd.s32 s12, s9;
	s17 =	sor.u32 $0x6000, s31;
	s13 =	sadd.s32 $0x410, s10  }
0x11: {  	s14 =	sadd.s32 $0x400, s10;
	s19 =	sadd.s32 $0xFFFFFFFE, s11;
	s20 =	sadd.s32 $0x1, s11  }
0x12: {  	s15 =	sadd.s32 $0xFFFFFFFF, s11;
	[dreg:$0x4] =	wrdreg s19;
	s30 =	sand.u32 $0x5E, s20  }
0x13: {  	s19 =	simm.s32 $0x8200;
	s20 =	simm.s32 $0x7;
	[dreg:$0x5] =	wrdreg s30  }
.LBB2_1:
0x14: {  	[tilespmem:s19], [sflag:$0x7] =	stream.linear.gather [hbm4b:s6+s4], $0x4000, $0x38;
	[tilespmem:$0x1FE00] =	vst v63  }
0x15: {  	p0 =	sne.s32 s7, $0x1;
	_ =	swait.ge [sflag:s20], $0x4000  }
.Ltmp0:
0x16: {  	[sflag:s20] =	ssyncset.done $0x0;
	(pc) =	sbr.rel @!p0 .LBB2_3-.Ltmp0, $4  }
0x17: {  	[sflag:s20] =	ssyncadd.s32 $0xFFFFC000  }
0x18: {  	[spmem:s8] =	stream.linear.scatter [tilespmem:s19], [sflag:$0x7], $0x4000, $0x38;
	[tilespmem:$0x1FE00] =	vst v63  }
0x19: {  	_ =	swait.ge [sflag:s20], $0x4000  }
0x1a: {  	s28 =	sadd.s32 $0xFFFFFFFF, s7;
	s29 =	smov.u32 s8;
	[sflag:s20] =	ssyncset.done $0x0  }
.LBB2_2:
0x1b: {  	p1 =	sne.s32 s28, $0x1;
	[sflag:s20] =	ssyncadd.s32 $0xFFFFC000;
	s29 =	sadd.s32 $0x40000, s29  }
.Ltmp1:
0x1c: {  	s28 =	sadd.s32 $0xFFFFFFFF, s28;
	(pc) =	sbr.rel @p1 .LBB2_2-.Ltmp1, $4  }
0x1d: {  	_ = 	snop  }
0x1e: {  	[spmem:s29] =	stream.linear.scatter [tilespmem:s19], [sflag:$0x7], $0x4000, $0x38;
	[tilespmem:$0x1FE00] =	vst v63  }
0x1f: {  	_ =	swait.ge [sflag:s20], $0x4000  }
0x20: {  	[sflag:s20] =	ssyncset.done $0x0  }
.LBB2_3:
0x21: {  	[sflag:s20] =	ssyncadd.s32 $0xFFFFC000  }
0x22: {  	s28 =	simm.s32 $0x0;
	[bflag:$0x0] =	sbarrier.arrive $0xFFFF  }
0x23: {  	[tilespmem:s21], [sflag:$0x5] =	stream.linear.gather [hbm4b:s12+s28], $0x80, $0x38;
	[tilespmem:$0x1FE00] =	vst v63  }
0x24: {  	_ = 	snop  }
0x25: {  	[tilespmem:s28], [sflag:$0x3] =	stream.linear.gather [hbm4b:s10+s28], $0x80, $0x38;
	[tilespmem:$0x1FE00] =	vst v63  }
0x26: {  	_ = 	snop  }
0x27: {  	[tilespmem:s22], [sflag:$0x6] =	stream.linear.gather [hbm4b:s13+s28], $0x80, $0x38;
	[tilespmem:$0x1FE00] =	vst v63  }
0x28: {  	_ = 	snop  }
0x29: {  	[tilespmem:s23], [sflag:$0x4] =	stream.linear.gather [hbm4b:s14+s28], $0x80, $0x38;
	[tilespmem:$0x1FE00] =	vst v63  }
0x2a: {  	_ =	swait.ge [sflag:s24], $0x80  }
0x2b: {  	[sflag:s24] =	ssyncset.done $0x0  }
0x2c: {  	s29 =	smov.u32 s17;
	[sflag:s24] =	ssyncadd.s32 $0xFFFFFF80  }
0x2d: {  	[tilespmem:s25], [sflag:$0x1] =	stream.indirect.gather [hbm4b:s5+s23], $0x80, s28, s23, $0xb8;
	[tilespmem:$0x1FE00] =	vst v63  }
.LBB2_4:
0x2e: {  	p1 =	sge.u32 s28, s11  }
0x2f: {  	p2 =	sge.u32 @!p1 s28, s15  }
0x30: {  	p2 =	por p2, p1  }
0x31: {  	s30 =	simm.s32 @!p2 $0x4  }
0x32: {  	_ =	swait.ge @!p2 [sflag:s30], $0x80  }
0x33: {  	[sflag:s30] =	ssyncset.done @!p2 $0x0  }
0x34: {  	s31 =	simm.s32 @!p2 $0x4200;
	[sflag:s30] =	ssyncadd.s32 @!p2 $0xFFFFFF80;
	s30 =	simm.s32 @!p2 $0x80  }
0x35: {  	[tilespmem:s31], [sflag:$0x2] =	stream.indirect.gather @!p2 [hbm4b:s5+s30], $0x80, s30, s30, $0xb8;
	[tilespmem:$0x1FE00] =	vst v63  }
0x36: {  	s30 =	simm.s32 @!p1 $0x1  }
0x37: {  	_ =	swait.ge @!p1 [sflag:s30], $0x4000  }
0x38: {  	[sflag:s30] =	ssyncset.done @!p1 $0x0  }
0x39: {  	[sflag:s30] =	ssyncadd.s32 @!p1 $0xFFFFC000;
	s30 =	simm.s32 @!p1 $0x5  }
0x3a: {  	_ =	swait.ge @!p1 [sflag:s30], $0x80  }
0x3b: {  	s0 =	simm.s32 @!p1 $0x200;
	[sflag:s30] =	ssyncset.done @!p1 $0x0  }
0x3c: {  	s31 =	simm.s32 @!p1 $0x100;
	[sflag:s30] =	ssyncadd.s32 @!p1 $0xFFFFFF80;
	s30 =	simm.s32 @!p1 $0x80  }
0x3d: {  	[spmem:s2] =	stream.indirect.scatter.add.f32 @!p1 [tilespmem:s0], [sflag:$0x7], $0x80, s31, s30, $0xb8;
	[tilespmem:$0x1FE00] =	vst v63  }
0x3e: {  	s0 =	sadd.s32 @!p1 $0x2, s28  }
0x3f: {  	s30 =	simm.s32 @!p1 $0x7;
	p2 =	sge.u32 @!p1 s0, s11  }
0x40: {  	_ =	swait.ge @!p1 [sflag:s30], $0x4000;
	p2 =	por p2, p1  }
0x41: {  	[sflag:s30] =	ssyncset.done @!p1 $0x0;
	s0 =	sadd.s32 @!p2 $0xFFFFE000, s29  }
0x42: {  	[sflag:s30] =	ssyncadd.s32 @!p1 $0xFFFFC000;
	s0 =	sshrl.u32 @!p2 s0, $0x3  }
0x43: {  	s31 =	simm.s32 @!p2 $0x0;
	s3 =	simm.s32 @!p2 $0x100;
	s30 =	sadd.s32 @!p2 s0, s9  }
0x44: {  	[tilespmem:s3], [sflag:$0x5] =	stream.linear.gather @!p2 [hbm4b:s30+s31], $0x80, $0x38;
	[tilespmem:$0x1FE00] =	vst v63  }
0x45: {  	p1 =	sge.u32 s28, s15;
	s0 =	sadd.s32 @!p2 s1, s0;
	s3 =	rddreg [dreg:$0x4]  }
0x46: {  	[tilespmem:s31], [sflag:$0x3] =	stream.linear.gather @!p2 [hbm4b:s0+s31], $0x80, $0x38;
	[tilespmem:$0x1FE00] =	vst v63  }
0x47: {  	p2 =	sge.u32 @!p1 s28, s3  }
0x48: {  	p2 =	por p2, p1  }
0x49: {  	s0 =	simm.s32 @!p2 $0x3  }
0x4a: {  	_ =	swait.ge @!p2 [sflag:s0], $0x80  }
0x4b: {  	s3 =	simm.s32 @!p2 $0x0;
	[sflag:s0] =	ssyncset.done @!p2 $0x0  }
0x4c: {  	s30 =	simm.s32 @!p2 $0x200;
	[sflag:s0] =	ssyncadd.s32 @!p2 $0xFFFFFF80;
	s0 =	simm.s32 @!p2 $0x80  }
0x4d: {  	[tilespmem:s30], [sflag:$0x1] =	stream.indirect.gather @!p2 [hbm4b:s5+s0], $0x80, s3, s0, $0xb8;
	[tilespmem:$0x1FE00] =	vst v63  }
0x4e: {  	s0 =	simm.s32 @!p1 $0x2  }
0x4f: {  	_ =	swait.ge @!p1 [sflag:s0], $0x4000  }
0x50: {  	[sflag:s0] =	ssyncset.done @!p1 $0x0  }
0x51: {  	[sflag:s0] =	ssyncadd.s32 @!p1 $0xFFFFC000;
	s0 =	simm.s32 @!p1 $0x6  }
0x52: {  	_ =	swait.ge @!p1 [sflag:s0], $0x80  }
0x53: {  	s3 =	simm.s32 @!p1 $0x180;
	[sflag:s0] =	ssyncset.done @!p1 $0x0  }
0x54: {  	s30 =	simm.s32 @!p1 $0x4200;
	[sflag:s0] =	ssyncadd.s32 @!p1 $0xFFFFFF80;
	s0 =	simm.s32 @!p1 $0x80  }
0x55: {  	[spmem:s2] =	stream.indirect.scatter.add.f32 @!p1 [tilespmem:s30], [sflag:$0x7], $0x80, s3, s0, $0xb8;
	[tilespmem:$0x1FE00] =	vst v63  }
0x56: {  	s0 =	simm.s32 @!p1 $0x7;
	s3 =	sadd.s32 @!p1 $0x3, s28  }
0x57: {  	_ =	swait.ge @!p1 [sflag:s0], $0x4000;
	p2 =	sge.u32 @!p1 s3, s11  }
0x58: {  	[sflag:s0] =	ssyncset.done @!p1 $0x0;
	p2 =	por p2, p1  }
0x59: {  	[sflag:s0] =	ssyncadd.s32 @!p1 $0xFFFFC000;
	s0 =	sshrl.u32 @!p2 s29, $0x3  }
0x5a: {  	s30 =	simm.s32 @!p2 $0x0;
	s31 =	simm.s32 @!p2 $0x180;
	s3 =	sadd.s32 @!p2 s0, s9  }
0x5b: {  	[tilespmem:s31], [sflag:$0x6] =	stream.linear.gather @!p2 [hbm4b:s3+s30], $0x80, $0x38;
	[tilespmem:$0x1FE00] =	vst v63  }
0x5c: {  	s28 =	sadd.s32 $0x2, s28;
	s31 =	rddreg [dreg:$0x5]  }
0x5d: {  	p1 =	sne.s32 s31, s28  }
.Ltmp2:
0x5e: {  	_ = 	snop;
	(pc) =	sbr.rel @p1 .LBB2_4-.Ltmp2, $3  }
0x5f: {  	_ =	sdelay $0x1  }
0x60: {  	s29 =	sadd.s32 $0x4000, s29;
	s0 =	sadd.s32 @!p2 s1, s0;
	s3 =	simm.s32 @!p2 $0x80  }
0x61: {  	[tilespmem:s3], [sflag:$0x4] =	stream.linear.gather @!p2 [hbm4b:s0+s30], $0x80, $0x38;
	[tilespmem:$0x1FE00] =	vst v63  }
0x62: {  	[bflag:$0x0] =	sbarrier.arrive $0xFFFF  }
0x63: {  	[tilespmem:s19], [sflag:$0x7] =	stream.linear.gather [spmem:s8], $0x4000, $0x38;
	[tilespmem:$0x1FE00] =	vst v63  }
0x64: {  	_ =	swait.ge [sflag:s20], $0x4000  }
.Ltmp3:
0x65: {  	[sflag:s20] =	ssyncset.done $0x0;
	(pc) =	sbr.rel @!p0 .LBB2_7-.Ltmp3, $4  }
0x66: {  	[sflag:s20] =	ssyncadd.s32 $0xFFFFC000  }
0x67: {  	[hbm4b:s18+s4] =	stream.linear.scatter [tilespmem:s19], [sflag:$0x7], $0x4000, $0x38;
	[tilespmem:$0x1FE00] =	vst v63  }
0x68: {  	s28 =	sadd.s32 $0xFFFFFFFF, s7;
	_ =	swait.ge [sflag:s20], $0x4000  }
0x69: {  	s29 =	smov.u32 s18;
	s30 =	smov.u32 s8;
	[sflag:s20] =	ssyncset.done $0x0  }
.LBB2_6:
0x6a: {  	[sflag:s20] =	ssyncadd.s32 $0xFFFFC000;
	s29 =	sadd.s32 $0x8000, s29;
	s30 =	sadd.s32 $0x40000, s30  }
0x6b: {  	[tilespmem:s19], [sflag:$0x7] =	stream.linear.gather [spmem:s30], $0x4000, $0x38;
	[tilespmem:$0x1FE00] =	vst v63  }
0x6c: {  	p0 =	sne.s32 s28, $0x1;
	s28 =	sadd.s32 $0xFFFFFFFF, s28;
	_ =	swait.ge [sflag:s20], $0x4000  }
.Ltmp4:
0x6d: {  	[sflag:s20] =	ssyncset.done $0x0;
	(pc) =	sbr.rel @p0 .LBB2_6-.Ltmp4, $4  }
0x6e: {  	[sflag:s20] =	ssyncadd.s32 $0xFFFFC000  }
0x6f: {  	[hbm4b:s29+s4] =	stream.linear.scatter [tilespmem:s19], [sflag:$0x7], $0x4000, $0x38;
	[tilespmem:$0x1FE00] =	vst v63  }
0x70: {  	_ =	swait.ge [sflag:s20], $0x4000  }
0x71: {  	[sflag:s20] =	ssyncset.done $0x0  }
.LBB2_7:
0x72: {  	s26 =	sadd.s32 $0x1, s26  }
0x73: {  	p0 =	sne.s32 s26, s16  }
.Ltmp5:
0x74: {  	_ = 	snop;
	(pc) =	sbr.rel @p0 .LBB2_1-.Ltmp5, $2  }
0x75: {  	_ =	sdelay $0x2  }
0x76: {  	[sflag:s20] =	ssyncadd.s32 $0xFFFFC000  }
0x77: {  	_ =	sfence.sel $0x180000  }
0x78: {  	[bflag:$0x0] =	sbarrier.arrive $0xFFFF  }
0x79: {  	_ =	strace $0x9000004A  }
0x7a: {  	s0 =	stileid.u32;
	[bflag:$0x2] =	sbarrier.arrive $0xFFFF  }
0x7b: {  	p0 =	sne.s32 s0, $0x0;
	s0 =	rddreg [dreg:$0x3]  }
0x7c: {  	s0 =	sadd.s32 @!p0 $0x100000, s0  }
0x7d: {  	[sflag:s0] =	ssyncadd.tile.s32 @!p0 $0x1;
	_ =	shalt  }
.Lfunc_end2:
_tile_overlayer_lowered:
.L_overlay_start_2:
0x7e: {  	(tag) =	ssettag $0x2  }
0x7f: {  	s0 =	rddreg [dreg:$0x0];
	s2 =	stileid.u32  }
0x80: {  	s1 =	rddreg [dreg:$0x1];
	p0 =	sne.s32 s2, $0x0  }
0x81: {  	s3 =	rddreg [dreg:$0x2];
	[bflag:$0x3] =	sbarrier.arrive $0xFFFF;
	s2 =	simm.s32 @!p0 $0x1C07  }
0x82: {  	[timem:s3], [sflag:s2] =	dma.local @!p0 [hbm:s0], s1  }
0x83: {  	s0 =	simm.s32 @!p0 $0x7  }
0x84: {  	_ =	swait.ge @!p0 [sflag:s0], s1  }
0x85: {  	s1 =	ssub.s32 @!p0 $0x0, s1;
	[sflag:s0] =	ssyncset.done @!p0 $0x0  }
0x86: {  	[sflag:s0] =	ssyncadd.s32 @!p0 s1  }
0x87: {  	[bflag:$0x3] =	sbarrier.arrive $0xFFFF  }
0x88: {  	_ =	shalt  }

// kernel: sc_seg_sum_c.4.cloned.1.call-start
scs
__scs_entry_jumppad:
0x0: {  	(pc) =	sbr.rel $0x88, $3  }
0x1: {  	(tag) =	ssettag $0x0;
	lr =	simm.s32 $0x1  }
0x2: {  	[smem:$0x3F8A] =	sst lr;
	_ =	strace $0xD0000000  }
0x3: {  	_ = 	snop  }
0x4: {  	_ = 	snop  }
0x5: {  	_ = 	snop  }
0x6: {  	_ = 	snop  }
0x7: {  	_ = 	snop  }
__scs_overlays_trampoline_lowered:
0x8: {  	[smem:$0x3F99] =	sst s0  }
0x9: {  	[smem:$0x3F9A] =	sst s1  }
0xa: {  	[smem:$0x3F9B] =	sst s2  }
0xb: {  	[smem:$0x3F9C] =	sst s3  }
0xc: {  	[smem:$0x3F9D] =	sst s4  }
0xd: {  	[smem:$0x3F9E] =	sst s5  }
0xe: {  	[smem:$0x3F9F] =	sst s6  }
0xf: {  	[smem:$0x3FA0] =	sst s7  }
0x10: {  	[smem:$0x3FA1] =	sst s8  }
0x11: {  	[smem:$0x3FA2] =	sst s9;
	s0 =	simm.s32 @!p0 $0x0  }
0x12: {  	s1 =	sld [smem:$0x3F88];
	s0 =	simm.s32 @p0 $0x1  }
0x13: {  	[smem:$0x3FA3] =	sst s0;
	s0 =	simm.s32 @!p1 $0x0  }
0x14: {  	s2 =	sld [smem:$0x3F87];
	s0 =	simm.s32 @p1 $0x1  }
0x15: {  	[smem:$0x3FA4] =	sst s0;
	s0 =	simm.s32 @!p2 $0x0  }
0x16: {  	s3 =	sld [smem:$0x3FDB];
	s0 =	simm.s32 @p2 $0x1  }
0x17: {  	s4 =	simm.s32 $0x1BF5;
	[smem:$0x3FA6] =	sst s0  }
0x18: {  	s0 =	sld [smem:$0x3F89];
	_ =	swait.ge [sflag:s4], $0x0  }
0x19: {  	s7 =	sld [smem:$0x3F8A]  }
0x1a: {  	s8 =	sadd.s32 $0xFFFFE003, lr  }
0x1b: {  	s9 =	sadd.s32 $0xFFFFFEF7, lr;
	s5 =	simm.s32 $0xFFFFFFFF;
	p2 =	slt.u32 s8, $0xFFFFF086  }
0x1c: {  	p1 =	slt.u32 s9, $0xF7A;
	s5 =	simm.s32 @!p2 $0x0  }
0x1d: {  	s5 =	simm.s32 @p1 $0x1;
	p0 =	seq.s32 s7, s2  }
0x1e: {  	s7 =	smul.u32 @!p0 $0xF7A, s2;
	p2 =	seq.s32 @!p0 s5, $0x0  }
0x1f: {  	s9 =	smul.u32 $0xF7A, s1;
	s8 =	simm.s32 @!p0 $0x1BF5;
	p2 =	por !p2, p0  }
0x20: {  	[sflag:s8] =	ssyncset.s32 @!p0 $0xFFFFF086;
	s6 =	sadd.s32 @!p0 s3, s7;
	s7 =	simm.s32 @!p0 $0x108  }
0x21: {  	s3 =	sadd.s32 s3, s9;
	s6 =	sadd.s32 @!p0 $0x88, s6;
	s7 =	simm.s32 @p2 $0x1082  }
0x22: {  	[simem:s7], [sflag:s8] =	dma.local @!p0 [hbm:s6], $0xF7A  }
0x23: {  	s9 =	sor.u32 $0xD0000000, s2;
	s6 =	simm.s32 $0x108;
	_ =	swait.ge @!p0 [sflag:s8], $0x0  }
0x24: {  	s3 =	sadd.s32 $0x88, s3;
	s6 =	simm.s32 @!p1 $0x1082;
	[sflag:s4] =	ssyncset.s32 $0xFFFFF086  }
0x25: {  	[simem:s6], [sflag:s4] =	dma.local [hbm:s3], $0xF7A  }
0x26: {  	[smem:$0x3F8A] =	sst s1;
	(tag) =	ssettag s2;
	_ =	strace s9  }
0x27: {  	s1 =	sld [smem:$0x3F9A]  }
0x28: {  	s2 =	sld [smem:$0x3F9B]  }
0x29: {  	s4 =	sld [smem:$0x3F9D]  }
0x2a: {  	p0 =	seq.s32 s5, $0x0;
	s5 =	sld [smem:$0x3F9E]  }
0x2b: {  	s6 =	sld [smem:$0x3F9F]  }
0x2c: {  	s7 =	sld [smem:$0x3FA0]  }
0x2d: {  	s3 =	simm.s32 $0x108;
	s8 =	sld [smem:$0x3FA1]  }
0x2e: {  	s3 =	simm.s32 @!p0 $0x1082;
	s9 =	sld [smem:$0x3FA2]  }
0x2f: {  	lr =	sadd.s32 s0, s3;
	s0 =	sld [smem:$0x3F99]  }
0x30: {  	s3 =	sld [smem:$0x3F9C]  }
0x31: {  	[smem:$0x3FA5] =	sst s10  }
0x32: {  	s10 =	sld [smem:$0x3FA3];
	_ =	sdelay $0x3  }
0x33: {  	p0 =	seq.s32 s10, $0x1;
	s10 =	sld [smem:$0x3FA5];
	_ =	sdelay $0x3  }
0x34: {  	[smem:$0x3FA5] =	sst s10  }
0x35: {  	s10 =	sld [smem:$0x3FA4];
	_ =	sdelay $0x3  }
0x36: {  	p1 =	seq.s32 s10, $0x1;
	s10 =	sld [smem:$0x3FA5];
	_ =	sdelay $0x3  }
0x37: {  	[smem:$0x3FA5] =	sst s10  }
0x38: {  	s10 =	sld [smem:$0x3FA6]  }
0x39: {  	_ = 	snop;
	(pc) =	sbr.ind lr, $3  }
0x3a: {  	_ = 	snop  }
0x3b: {  	_ = 	snop  }
0x3c: {  	p2 =	seq.s32 s10, $0x1;
	s10 =	sld [smem:$0x3FA5]  }
0x3d: {  	_ =	shalt  }
0x3e: {  	_ =	shalt  }
0x3f: {  	_ =	shalt  }
0x40: {  	_ =	shalt  }
0x41: {  	_ =	shalt  }
0x42: {  	_ =	shalt  }
0x43: {  	_ =	shalt  }
0x44: {  	_ =	shalt  }
0x45: {  	_ =	shalt  }
0x46: {  	_ =	shalt  }
0x47: {  	_ =	shalt  }
0x48: {  	_ =	shalt  }
0x49: {  	_ =	shalt  }
0x4a: {  	_ =	shalt  }
0x4b: {  	_ =	shalt  }
0x4c: {  	_ =	shalt  }
0x4d: {  	_ =	shalt  }
0x4e: {  	_ =	shalt  }
0x4f: {  	_ =	shalt  }
0x50: {  	_ =	shalt  }
0x51: {  	_ =	shalt  }
0x52: {  	_ =	shalt  }
0x53: {  	_ =	shalt  }
0x54: {  	_ =	shalt  }
0x55: {  	_ =	shalt  }
0x56: {  	_ =	shalt  }
0x57: {  	_ =	shalt  }
0x58: {  	_ =	shalt  }
0x59: {  	_ =	shalt  }
0x5a: {  	_ =	shalt  }
0x5b: {  	_ =	shalt  }
0x5c: {  	_ =	shalt  }
0x5d: {  	_ =	shalt  }
0x5e: {  	_ =	shalt  }
0x5f: {  	_ =	shalt  }
0x60: {  	_ =	shalt  }
0x61: {  	_ =	shalt  }
0x62: {  	_ =	shalt  }
0x63: {  	_ =	shalt  }
0x64: {  	_ =	shalt  }
0x65: {  	_ =	shalt  }
0x66: {  	_ =	shalt  }
0x67: {  	_ =	shalt  }
0x68: {  	_ =	shalt  }
0x69: {  	_ =	shalt  }
0x6a: {  	_ =	shalt  }
0x6b: {  	_ =	shalt  }
0x6c: {  	_ =	shalt  }
0x6d: {  	_ =	shalt  }
0x6e: {  	_ =	shalt  }
0x6f: {  	_ =	shalt  }
0x70: {  	_ =	shalt  }
0x71: {  	_ =	shalt  }
0x72: {  	_ =	shalt  }
0x73: {  	_ =	shalt  }
0x74: {  	_ =	shalt  }
0x75: {  	_ =	shalt  }
0x76: {  	_ =	shalt  }
0x77: {  	_ =	shalt  }
0x78: {  	_ =	shalt  }
0x79: {  	_ =	shalt  }
0x7a: {  	_ =	shalt  }
0x7b: {  	_ =	shalt  }
0x7c: {  	_ =	shalt  }
0x7d: {  	_ =	shalt  }
0x7e: {  	_ =	shalt  }
0x7f: {  	_ =	shalt  }
0x80: {  	_ =	shalt  }
0x81: {  	_ =	shalt  }
0x82: {  	_ =	shalt  }
0x83: {  	_ =	shalt  }
0x84: {  	_ =	shalt  }
0x85: {  	_ =	shalt  }
0x86: {  	_ =	shalt  }
0x87: {  	_ =	shalt  }
.Lfunc_end0:
.L_simem_size_0:
called_computation.3_lowered:
.L_overlay_start_0:
0x88: {  	s2 =	sld [smem:$0x3FD9]  }
0x89: {  	s3 =	sld [smem:$0x3FFE];
	_ =	sdelay $0x1  }
0x8a: {  	s1 =	srdreg.scid  }
0x8b: {  	s0 =	sand.u32 $0x1, s1  }
0x8c: {  	s17 =	sshll.u32 s0, $0xA;
	s2 =	sadd.s32 s3, s2  }
0x8d: {  	s2 =	sadd.s32 s2, s17  }
0x8e: {  	[smem:$0x3FB1] =	sst s2  }
0x8f: {  	_ = 	snop  }
0x90: {  	s2 =	sld [smem:$0x3FD0];
	(tm) =	ssettm $0x1  }
0x91: {  	s18 =	sld [smem:$0x3FFB];
	_ =	sdelay $0x3  }
0x92: {  	_ =	strace s18  }
0x93: {  	s3 =	sld [smem:$0x3FFC];
	_ =	sdelay $0x3  }
0x94: {  	_ =	strace s3  }
0x95: {  	s3 =	sld [smem:$0x3FFD];
	_ =	sdelay $0x3  }
0x96: {  	_ =	strace s3  }
0x97: {  	_ =	strace $0x8FFFFFFF  }
0x98: {  	s19 =	sld [smem:$0x3FDB];
	_ =	sdelay $0x1  }
0x99: {  	s4 =	simm.s32 $_scs_section_size  }
0x9a: {  	s5 =	simm.s32 $_size__tile_overlayer_lowered;
	s6 =	simm.s32 $_tile_overlayer_lowered  }
0x9b: {  	s22 =	simm.s32 $0x1BFF;
	s21 =	sshll.u32 s6, $0x1;
	s3 =	sadd.s32 s4, s19  }
0x9c: {  	s7 =	simm.s32 $0x0;
	s20 =	sshll.u32 s5, $0x1;
	s5 =	sadd.s32 s21, s3  }
0x9d: {  	[timem:s7], [sflag:s22] =	dma.local [hbm:s5], s20  }
0x9e: {  	_ =	swait.ge [sflag:s22], s20  }
0x9f: {  	s4 =	ssub.s32 $0x0, s20;
	[sflag:s22] =	ssyncset.done $0x0  }
0xa0: {  	[sflag:s22] =	ssyncadd.s32 s4;
	_ =	sdelay $0x1  }
0xa1: {  	s23 =	simm.s32 $0x1B8B  }
0xa2: {  	_ =	swait.ge [sflag:s23], $0x1  }
0xa3: {  	[sflag:s23] =	ssyncset.done $0x0  }
0xa4: {  	s25 =	simm.s32 $0x1B8E;
	s24 =	sld [smem:$0x3FFE];
	[sflag:s23] =	ssyncadd.s32 $0xFFFFFFFF  }
0xa5: {  	s26 =	simm.s32 $execute0_lowered;
	[smem:$0x3FD2] =	sst s25  }
0xa6: {  	s5 =	sshll.u32 s26, $0x1;
	_ =	strace $0x8000004F;
	[dreg:$0x1] =	wrdreg $0xFFFFFFFF  }
0xa7: {  	s28 =	simm.s32 $_size_execute0_lowered;
	s3 =	sadd.s32 s3, s5;
	[dreg:$0x0] =	wrdreg $0x0  }
0xa8: {  	s5 =	sshll.u32 s28, $0x1;
	[dreg:$0x2] =	wrdreg s3  }
0xa9: {  	[dreg:$0x3] =	wrdreg s5  }
0xaa: {  	[dreg:$0x4] =	wrdreg $0xC0  }
0xab: {  	_ =	task [dreg:s7], $0x5FFFF  }
0xac: {  	[dreg:$0x1] =	wrdreg $0xFFFFFFFF  }
0xad: {  	[dreg:$0x0] =	wrdreg $0x60  }
0xae: {  	[dreg:$0x2] =	wrdreg s24  }
0xaf: {  	[dreg:$0x3] =	wrdreg s2  }
0xb0: {  	[dreg:$0x4] =	wrdreg $0xC2800  }
0xb1: {  	[dreg:$0x5] =	wrdreg $0x9  }
0xb2: {  	_ =	task.clear_ibuf [dreg:s7], $0x6FFFF;
	_ =	strace $0x9000004F  }
0xb3: {  	s29 =	simm.s32 $0x9;
	_ =	strace $0x80000051  }
0xb4: {  	_ =	swait.ge [sflag:s29], $0x1  }
0xb5: {  	[sflag:s29] =	ssyncadd.s32 $0xFFFFFFFF  }
0xb6: {  	_ =	strace $0x90000051  }
0xb7: {  	_ =	sfence  }
0xb8: {  	s30 =	sld [smem:$0x0];
	_ =	sdelay $0x2  }
0xb9: {  	s31 =	sshll.u32 s1, $0xD;
	s1 =	sshrl.u32 s1, $0x2  }
0xba: {  	s3 =	sand.u32 $0x4000, s31;
	s1 =	sadd.s32 s1, s30  }
0xbb: {  	s0 =	sor.u32 s3, s0;
	s1 =	sshll.u32 s1, $0x11  }
0xbc: {  	s0 =	sor.u32 s1, s0  }
0xbd: {  	s0 =	sadd.s32 $0x8F2B, s0  }
0xbe: {  	[sflag:s0] =	ssyncadd.remote.s32 $0x1  }
0xbf: {  	_ =	sfence.sel $0xFFFF  }
0xc0: {  	[dreg:$0x0] =	wrdreg $0xFFFFFFFF;
	(pc) =	sbr.abs _section_cstart, $3  }
0xc1: {  	[dreg:$0x1] =	wrdreg $0xFFFFFFFF  }
0xc2: {  	_ =	task.clear_ibuf [dreg:s7], $0x2FFFF;
	_ =	strace $0x9FFFFFFF  }
0xc3: {  	(tm) =	ssettm $0x7FFFFFFF  }
tec
execute0_lowered:
.L_overlay_start_1:
0x0: {  	(tag) =	ssettag $0x1  }
0x1: {  	s0 =	rddreg [dreg:$0x0]  }
0x2: {  	s2 =	rddreg [dreg:$0x1]  }
0x3: {  	s1 =	rddreg [dreg:$0x2];
	s3 =	simm.s32 $0x0;
	s4 =	srdreg.scid  }
0x4: {  	s13 =	stileid.u32;
	s18 =	simm.s32 $0x8280;
	s19 =	simm.s32 $0x7  }
0x5: {  	s21 =	simm.s32 $0x0;
	[smem:$0x7FF] =	sst s3;
	s8 =	sand.u32 $0x1, s4  }
0x6: {  	s4 =	sadd.s32 $0xD0200, s0;
	s9 =	sshll.u32 s13, $0xE;
	s5 =	sadd.s32 $0x5A000, s0  }
0x7: {  	s23 =	ssub.s32 $0x5E, s13;
	s24 =	sshrl.u32 s13, $0x2;
	s25 =	sshll.u32 s13, $0x8  }
0x8: {  	s6 =	smul.u32 $0x13C000, s8;
	_ =	strace $0x80000050;
	s10 =	ssub.s32 $0x2, s8  }
0x9: {  	s16 =	sshll.u32 s8, $0x7;
	s14 =	sand.u32 $0x300, s25;
	s17 =	smul.u32 $0x13C00, s24  }
0xa: {  	s8 =	sshrl.u32 s23, $0x4;
	s12 =	sshrl.u32 s10, $0x1;
	s26 =	sor.u32 s16, s14  }
0xb: {  	s7 =	sadd.s32 s9, s6;
	s6 =	sadd.s32 $0x63E00, s0;
	s15 =	ssub.s32 s10, s12  }
0xc: {  	s9 =	sadd.s32 s9, s1;
	s10 =	sor.u32 s17, s26;
	s17 =	sor.u32 s14, s17  }
0xd: {  	s11 =	sshrl.u32 s7, $0x3;
	s7 =	sadd.s32 $0x32E00, s0;
	s28 =	sshrl.u32 s10, $0x3  }
0xe: {  	s29 =	sadd.s32 $0x400, s10;
	s15 =	smax.u32 s15, $0x1;
	s31 =	sor.u32 s16, s17  }
0xf: {  	s0 =	sadd.s32 s11, s0;
	s11 =	sshll.u32 s24, $0xA;
	s30 =	sshrl.u32 s29, $0x3  }
0x10: {  	s12 =	sadd.s32 s5, s28;
	s16 =	sadd.s32 $0xC00, s31;
	s11 =	sor.u32 s11, s26  }
0x11: {  	s13 =	sadd.s32 s6, s30;
	s14 =	sadd.s32 s5, s30;
	s11 =	sshrl.u32 s11, $0x3  }
0x12: {  	s17 =	sadd.s32 $0x6DC00, s0;
	s10 =	sadd.s32 s2, s11;
	s11 =	sadd.s32 s6, s28  }
.LBB2_1:
0x13: {  	[tilespmem:s18], [sflag:$0x7] =	stream.linear.gather [hbm4b:s7+s3], $0x4000, $0x38;
	[tilespmem:$0x1FE80] =	vst v63  }
0x14: {  	p0 =	sne.s32 s8, $0x1;
	_ =	swait.ge [sflag:s19], $0x4000  }
.Ltmp0:
0x15: {  	[sflag:s19] =	ssyncset.done $0x0;
	(pc) =	sbr.rel @!p0 .LBB2_3-.Ltmp0, $4  }
0x16: {  	[sflag:s19] =	ssyncadd.s32 $0xFFFFC000  }
0x17: {  	[spmem:s9] =	stream.linear.scatter [tilespmem:s18], [sflag:$0x7], $0x4000, $0x38;
	[tilespmem:$0x1FE80] =	vst v63  }
0x18: {  	_ =	swait.ge [sflag:s19], $0x4000  }
0x19: {  	s0 =	sadd.s32 $0xFFFFFFFF, s8;
	s2 =	smov.u32 s9;
	[sflag:s19] =	ssyncset.done $0x0  }
.LBB2_2:
0x1a: {  	p1 =	sne.s32 s0, $0x1;
	[sflag:s19] =	ssyncadd.s32 $0xFFFFC000;
	s2 =	sadd.s32 $0x40000, s2  }
.Ltmp1:
0x1b: {  	s0 =	sadd.s32 $0xFFFFFFFF, s0;
	(pc) =	sbr.rel @p1 .LBB2_2-.Ltmp1, $4  }
0x1c: {  	_ = 	snop  }
0x1d: {  	[spmem:s2] =	stream.linear.scatter [tilespmem:s18], [sflag:$0x7], $0x4000, $0x38;
	[tilespmem:$0x1FE80] =	vst v63  }
0x1e: {  	_ =	swait.ge [sflag:s19], $0x4000  }
0x1f: {  	[sflag:s19] =	ssyncset.done $0x0  }
.LBB2_3:
0x20: {  	[sflag:s19] =	ssyncadd.s32 $0xFFFFC000;
	s0 =	simm.s32 $0x8200  }
0x21: {  	[tilespmem:s0], [sflag:$0x7] =	stream.linear.gather [hbm4b:s10+s3], $0x80, $0x38;
	[tilespmem:$0x1FE80] =	vst v63  }
0x22: {  	_ =	swait.ge [sflag:s19], $0x80  }
0x23: {  	[sflag:s19] =	ssyncset.done $0x0  }
0x24: {  	[sflag:s19] =	ssyncadd.s32 $0xFFFFFF80  }
0x25: {  	[bflag:$0x0] =	sbarrier.arrive $0xFFFF  }
0x26: {  	v0 =	vld [tilespmem:$0x8200];
	_ =	sdelay $0x4  }
0x27: {  	(v2sf) =	vpush v0, $0x0;
	_ =	sdelay $0xe  }
0x28: {  	s26 =	spop (v2sf)  }
0x29: {  	s0 =	sadd.s32 $0x7F, s26  }
0x2a: {  	s2 =	sand.u32 $0x7F, s0  }
0x2b: {  	s20 =	sshra.s32 s0, $0x1F;
	p1 =	slt.s32 s0, $0x1;
	p2 =	sne.s32 s2, $0x0  }
0x2c: {  	s28 =	sshrl.u32 s20, $0x19;
	p1 =	por !p1, !p2  }
0x2d: {  	s2 =	simm.s32 $0x1;
	s0 =	sadd.s32 s28, s0;
	p1 =	por !p1, !p1  }
0x2e: {  	s0 =	sshra.s32 s0, $0x7;
	s2 =	simm.s32 @!p1 $0x0  }
0x2f: {  	s22 =	ssub.s32 s0, s2  }
0x30: {  	p1 =	slt.s32 s22, $0x1  }
0x31: {  	s0 =	simm.s32 @!p1 $0x0;
	s2 =	simm.s32 @!p1 $0x100;
	p2 =	seq.s32 @!p1 s22, $0x1  }
0x32: {  	[tilespmem:s2], [sflag:$0x5] =	stream.linear.gather @!p1 [hbm4b:s11+s0], $0x80, $0x38;
	[tilespmem:$0x1FE80] =	vst v63  }
0x33: {  	p2 =	por p2, p1  }
0x34: {  	[tilespmem:s0], [sflag:$0x3] =	stream.linear.gather @!p1 [hbm4b:s12+s0], $0x80, $0x38;
	[tilespmem:$0x1FE80] =	vst v63  }
0x35: {  	s2 =	simm.s32 @!p2 $0x0;
	s20 =	simm.s32 @!p2 $0x180  }
0x36: {  	[tilespmem:s20], [sflag:$0x6] =	stream.linear.gather @!p2 [hbm4b:s13+s2], $0x80, $0x38;
	[tilespmem:$0x1FE80] =	vst v63  }
0x37: {  	s20 =	simm.s32 @!p2 $0x80  }
0x38: {  	[tilespmem:s20], [sflag:$0x4] =	stream.linear.gather @!p2 [hbm4b:s14+s2], $0x80, $0x38;
	[tilespmem:$0x1FE80] =	vst v63  }
0x39: {  	s29 =	sadd.s32 $0x1, s22;
	s2 =	simm.s32 @!p1 $0x3  }
0x3a: {  	s30 =	sand.u32 $0x1, s29;
	_ =	swait.ge @!p1 [sflag:s2], $0x80  }
0x3b: {  	p5 =	slt.s32 s22, $0x0;
	p6 =	seq.s32 s30, $0x1;
	[sflag:s2] =	ssyncset.done @!p1 $0x0  }
0x3c: {  	s20 =	simm.s32 @!p1 $0x200;
	[sflag:s2] =	ssyncadd.s32 @!p1 $0xFFFFFF80;
	s2 =	simm.s32 @!p1 $0x80  }
0x3d: {  	[tilespmem:s20], [sflag:$0x1] =	stream.indirect.gather @!p1 [hbm4b:s4+s2], $0x80, s0, s2, $0xb8;
	[tilespmem:$0x1FE80] =	vst v63  }
0x3e: {  	s31 =	sshrl.u32 s29, $0x1F;
	p1 =	por !p5, !p6  }
0x3f: {  	s0 =	sadd.s32 s31, s29;
	s2 =	simm.s32 $0x1;
	p1 =	por !p1, !p1  }
0x40: {  	s0 =	sshra.s32 s0, $0x1;
	s2 =	simm.s32 @!p1 $0x0  }
0x41: {  	s0 =	ssub.s32 s0, s2  }
0x42: {  	p1 =	slt.s32 s0, $0x1  }
.Ltmp2:
0x43: {  	_ = 	snop;
	(pc) =	sbr.rel @p1 .LBB2_9-.Ltmp2, $1  }
0x44: {  	_ =	sdelay $0x3  }
0x45: {  	s0 =	sadd.s32 $0xFFFFFFFF, s0  }
0x46: {  	p3 =	sne.s32 s0, $0x0  }
.Ltmp3:
0x47: {  	_ = 	snop;
	(pc) =	sbr.rel @!p3 .LBB2_5-.Ltmp3, $4  }
0x48: {  	_ = 	snop  }
0x49: {  	s23 =	sadd.s32 $0xFFFFFFFF, s22  }
0x4a: {  	s2 =	sadd.s32 $0xFFFFFFFE, s22;
	p1 =	sle.s32 s22, $0x0;
	s25 =	simm.s32 $0x0  }
0x4b: {  	p2 =	por $0x0, $0x0;
	[dreg:$0x4] =	wrdreg s2;
	p5 =	sle.s32 @!p1 s23, $0x0  }
0x4c: {  	p2 =	por p5, p1  }
0x4d: {  	s2 =	simm.s32 @!p2 $0x4  }
0x4e: {  	_ =	swait.ge @!p2 [sflag:s2], $0x80  }
0x4f: {  	s20 =	simm.s32 @!p1 $0x1;
	[sflag:s2] =	ssyncset.done @!p2 $0x0  }
0x50: {  	s24 =	simm.s32 @!p2 $0x4200;
	[sflag:s2] =	ssyncadd.s32 @!p2 $0xFFFFFF80;
	s2 =	simm.s32 @!p2 $0x80  }
0x51: {  	[tilespmem:s24], [sflag:$0x2] =	stream.indirect.gather @!p2 [hbm4b:s4+s2], $0x80, s2, s2, $0xb8;
	[tilespmem:$0x1FE80] =	vst v63  }
0x52: {  	s25 =	simm.s32 @!p1 $0x100;
	_ =	swait.ge @!p1 [sflag:s20], $0x4000  }
0x53: {  	s28 =	simm.s32 @!p1 $0x80;
	p3 =	sle.s32 s23, $0x0;
	[sflag:s20] =	ssyncset.done @!p1 $0x0  }
0x54: {  	s2 =	simm.s32 @!p1 $0x5;
	p2 =	sle.s32 @!p1 s22, $0x2;
	[sflag:s20] =	ssyncadd.s32 @!p1 $0xFFFFC000  }
0x55: {  	s30 =	simm.s32 @!p3 $0x6;
	p2 =	por p2, p1;
	_ =	swait.ge @!p1 [sflag:s2], $0x80  }
0x56: {  	s24 =	simm.s32 @!p1 $0x200;
	s26 =	sadd.s32 @!p2 $0xFFFFFC00, s16;
	[sflag:s2] =	ssyncset.done @!p1 $0x0  }
0x57: {  	s20 =	simm.s32 @!p1 $0x7;
	s29 =	sshrl.u32 @!p2 s26, $0x3;
	[sflag:s2] =	ssyncadd.s32 @!p1 $0xFFFFFF80  }
0x58: {  	[spmem:s1] =	stream.indirect.scatter.add.f32 @!p1 [tilespmem:s24], [sflag:$0x7], $0x80, s25, s28, $0xb8;
	[tilespmem:$0x1FE80] =	vst v63  }
0x59: {  	s26 =	sadd.s32 $0xFFFFFFFF, s0;
	s2 =	sadd.s32 @!p2 s6, s29;
	_ =	swait.ge @!p1 [sflag:s20], $0x4000  }
0x5a: {  	s24 =	simm.s32 @!p2 $0x100;
	[sflag:s20] =	ssyncset.done @!p1 $0x0;
	s25 =	rddreg [dreg:$0x4]  }
0x5b: {  	[sflag:s20] =	ssyncadd.s32 @!p1 $0xFFFFC000;
	s20 =	simm.s32 @!p2 $0x0;
	p1 =	sle.s32 @!p3 s25, $0x0  }
0x5c: {  	[tilespmem:s24], [sflag:$0x5] =	stream.linear.gather @!p2 [hbm4b:s2+s20], $0x80, $0x38;
	[tilespmem:$0x1FE80] =	vst v63  }
0x5d: {  	s0 =	sadd.s32 @!p2 s5, s29;
	p4 =	sne.s32 s26, $0x0;
	p1 =	por p1, p3  }
0x5e: {  	s29 =	simm.s32 @!p3 $0x4200;
	s28 =	simm.s32 @!p3 $0x2;
	s2 =	simm.s32 @!p1 $0x3  }
0x5f: {  	[tilespmem:s20], [sflag:$0x3] =	stream.linear.gather @!p2 [hbm4b:s0+s20], $0x80, $0x38;
	[tilespmem:$0x1FE80] =	vst v63  }
0x60: {  	s25 =	simm.s32 $0x2;
	s24 =	sadd.s32 $0x800, s16;
	_ =	swait.ge @!p1 [sflag:s2], $0x80  }
0x61: {  	p2 =	sle.s32 @!p3 s22, $0x3;
	s0 =	simm.s32 @!p1 $0x80;
	[sflag:s2] =	ssyncset.done @!p1 $0x0  }
0x62: {  	s20 =	simm.s32 @!p1 $0x0;
	[sflag:s2] =	ssyncadd.s32 @!p1 $0xFFFFFF80;
	s2 =	simm.s32 @!p1 $0x200  }
0x63: {  	[tilespmem:s2], [sflag:$0x1] =	stream.indirect.gather @!p1 [hbm4b:s4+s0], $0x80, s20, s0, $0xb8;
	[tilespmem:$0x1FE80] =	vst v63  }
.Ltmp4:
0x64: {  	p6 =	por p2, p3;
	_ =	swait.ge @!p3 [sflag:s28], $0x4000;
	(pc) =	sbr.rel @!p4 .LBB2_8-.Ltmp4, $4  }
0x65: {  	p2 =	por $0x1, $0x1;
	s0 =	simm.s32 @!p3 $0x80;
	[sflag:s28] =	ssyncset.done @!p3 $0x0  }
0x66: {  	s2 =	simm.s32 @!p3 $0x180;
	p1 =	sle.s32 s22, $0x2;
	[sflag:s28] =	ssyncadd.s32 @!p3 $0xFFFFC000  }
0x67: {  	p5 =	sle.s32 @!p1 s23, $0x2;
	s28 =	sshrl.u32 @!p6 s16, $0x3;
	_ =	swait.ge @!p3 [sflag:s30], $0x80  }
0x68: {  	s20 =	sadd.s32 @!p6 s6, s28;
	s31 =	sadd.s32 @!p6 s5, s28;
	[sflag:s30] =	ssyncset.done @!p3 $0x0  }
.LBB2_7:
0x69: {  	[sflag:s30] =	ssyncadd.s32 @!p3 $0xFFFFFF80;
	s30 =	simm.s32 @!p3 $0x7  }
0x6a: {  	[spmem:s1] =	stream.indirect.scatter.add.f32 @!p3 [tilespmem:s29], [sflag:$0x7], $0x80, s2, s0, $0xb8;
	[tilespmem:$0x1FE80] =	vst v63  }
0x6b: {  	_ =	swait.ge @!p3 [sflag:s30], $0x4000  }
0x6c: {  	p5 =	por p5, p1;
	[sflag:s30] =	ssyncset.done @!p3 $0x0  }
0x6d: {  	s0 =	simm.s32 @!p6 $0x0;
	s2 =	simm.s32 @!p6 $0x180;
	[sflag:s30] =	ssyncadd.s32 @!p3 $0xFFFFC000  }
0x6e: {  	[tilespmem:s2], [sflag:$0x6] =	stream.linear.gather @!p6 [hbm4b:s20+s0], $0x80, $0x38;
	[tilespmem:$0x1FE80] =	vst v63  }
0x6f: {  	s2 =	simm.s32 @!p5 $0x4;
	s20 =	simm.s32 @!p6 $0x80  }
0x70: {  	[tilespmem:s20], [sflag:$0x4] =	stream.linear.gather @!p6 [hbm4b:s31+s0], $0x80, $0x38;
	[tilespmem:$0x1FE80] =	vst v63  }
0x71: {  	_ =	swait.ge @!p5 [sflag:s2], $0x80  }
0x72: {  	s26 =	sadd.s32 $0xFFFFFFFF, s26;
	s30 =	simm.s32 @!p5 $0x4200;
	[sflag:s2] =	ssyncset.done @!p5 $0x0  }
0x73: {  	s20 =	simm.s32 @!p1 $0x1;
	[sflag:s2] =	ssyncadd.s32 @!p5 $0xFFFFFF80;
	s2 =	simm.s32 @!p5 $0x80  }
0x74: {  	[tilespmem:s30], [sflag:$0x2] =	stream.indirect.gather @!p5 [hbm4b:s4+s2], $0x80, s2, s2, $0xb8;
	[tilespmem:$0x1FE80] =	vst v63  }
0x75: {  	s28 =	smov.u32 s24;
	s29 =	sadd.s32 @!p1 $0x2, s25;
	_ =	swait.ge @!p1 [sflag:s20], $0x4000  }
0x76: {  	p4 =	sne.s32 s26, $0x0;
	p3 =	sge.s32 @!p1 s29, s22;
	[sflag:s20] =	ssyncset.done @!p1 $0x0  }
0x77: {  	s0 =	simm.s32 @!p1 $0x5;
	s31 =	simm.s32 @!p1 $0x100;
	[sflag:s20] =	ssyncadd.s32 @!p1 $0xFFFFC000  }
0x78: {  	s2 =	simm.s32 @!p1 $0x200;
	p5 =	por p3, p1;
	_ =	swait.ge @!p1 [sflag:s0], $0x80  }
0x79: {  	s30 =	simm.s32 @!p1 $0x7;
	s29 =	sadd.s32 @!p5 $0xFFFFFC00, s24;
	[sflag:s0] =	ssyncset.done @!p1 $0x0  }
0x7a: {  	s29 =	sshrl.u32 @!p5 s29, $0x3;
	s20 =	simm.s32 @!p1 $0x80;
	[sflag:s0] =	ssyncadd.s32 @!p1 $0xFFFFFF80  }
0x7b: {  	[spmem:s1] =	stream.indirect.scatter.add.f32 @!p1 [tilespmem:s2], [sflag:$0x7], $0x80, s31, s20, $0xb8;
	[tilespmem:$0x1FE80] =	vst v63  }
0x7c: {  	p3 =	sge.s32 s25, s23;
	s0 =	sadd.s32 @!p5 s6, s29;
	_ =	swait.ge @!p1 [sflag:s30], $0x4000  }
0x7d: {  	s2 =	simm.s32 @!p5 $0x100;
	[sflag:s30] =	ssyncset.done @!p1 $0x0;
	s20 =	rddreg [dreg:$0x4]  }
0x7e: {  	[sflag:s30] =	ssyncadd.s32 @!p1 $0xFFFFC000;
	s30 =	simm.s32 @!p5 $0x0;
	p1 =	sge.s32 @!p3 s25, s20  }
0x7f: {  	[tilespmem:s2], [sflag:$0x5] =	stream.linear.gather @!p5 [hbm4b:s0+s30], $0x80, $0x38;
	[tilespmem:$0x1FE80] =	vst v63  }
0x80: {  	s24 =	sadd.s32 $0x800, s24;
	s0 =	sadd.s32 @!p3 $0x3, s25;
	p1 =	por p1, p3  }
0x81: {  	s29 =	sadd.s32 @!p5 s5, s29;
	p6 =	sge.s32 @!p3 s0, s22;
	s0 =	simm.s32 @!p1 $0x3  }
0x82: {  	[tilespmem:s30], [sflag:$0x3] =	stream.linear.gather @!p5 [hbm4b:s29+s30], $0x80, $0x38;
	[tilespmem:$0x1FE80] =	vst v63  }
0x83: {  	s31 =	simm.s32 @!p3 $0x2;
	s25 =	sadd.s32 $0x2, s25;
	_ =	swait.ge @!p1 [sflag:s0], $0x80  }
0x84: {  	s2 =	simm.s32 @!p1 $0x80;
	s20 =	simm.s32 @!p1 $0x0;
	[sflag:s0] =	ssyncset.done @!p1 $0x0  }
0x85: {  	s30 =	simm.s32 @!p3 $0x6;
	[sflag:s0] =	ssyncadd.s32 @!p1 $0xFFFFFF80;
	s0 =	simm.s32 @!p1 $0x200  }
0x86: {  	[tilespmem:s0], [sflag:$0x1] =	stream.indirect.gather @!p1 [hbm4b:s4+s2], $0x80, s20, s2, $0xb8;
	[tilespmem:$0x1FE80] =	vst v63  }
.Ltmp5:
0x87: {  	p6 =	por p6, p3;
	_ =	swait.ge @!p3 [sflag:s31], $0x4000;
	(pc) =	sbr.rel @p4 .LBB2_7-.Ltmp5, $4  }
0x88: {  	s29 =	simm.s32 @!p3 $0x4200;
	s28 =	sshrl.u32 @!p6 s28, $0x3;
	[sflag:s31] =	ssyncset.done @!p3 $0x0  }
0x89: {  	s0 =	simm.s32 @!p3 $0x80;
	s2 =	simm.s32 @!p3 $0x180;
	[sflag:s31] =	ssyncadd.s32 @!p3 $0xFFFFC000  }
0x8a: {  	p1 =	sge.s32 s25, s22;
	s20 =	sadd.s32 @!p6 s6, s28;
	_ =	swait.ge @!p3 [sflag:s30], $0x80  }
0x8b: {  	p5 =	sge.s32 @!p1 s25, s23;
	s31 =	sadd.s32 @!p6 s5, s28;
	[sflag:s30] =	ssyncset.done @!p3 $0x0  }
.LBB2_8:
0x8c: {  	p3 =	por p3, !p2  }
0x8d: {  	[sflag:s30] =	ssyncadd.s32 @!p3 $0xFFFFFF80;
	s26 =	simm.s32 @!p3 $0x7  }
0x8e: {  	[spmem:s1] =	stream.indirect.scatter.add.f32 @!p3 [tilespmem:s29], [sflag:$0x7], $0x80, s2, s0, $0xb8;
	[tilespmem:$0x1FE80] =	vst v63  }
0x8f: {  	_ =	swait.ge @!p3 [sflag:s26], $0x4000  }
0x90: {  	p2 =	por p6, !p2;
	p4 =	por p5, p1;
	[sflag:s26] =	ssyncset.done @!p3 $0x0  }
0x91: {  	s0 =	simm.s32 @!p2 $0x0;
	s2 =	simm.s32 @!p2 $0x180;
	[sflag:s26] =	ssyncadd.s32 @!p3 $0xFFFFC000  }
0x92: {  	[tilespmem:s2], [sflag:$0x6] =	stream.linear.gather @!p2 [hbm4b:s20+s0], $0x80, $0x38;
	[tilespmem:$0x1FE80] =	vst v63  }
0x93: {  	s2 =	simm.s32 @!p4 $0x4;
	s20 =	simm.s32 @!p2 $0x80  }
0x94: {  	[tilespmem:s20], [sflag:$0x4] =	stream.linear.gather @!p2 [hbm4b:s31+s0], $0x80, $0x38;
	[tilespmem:$0x1FE80] =	vst v63  }
0x95: {  	_ =	swait.ge @!p4 [sflag:s2], $0x80  }
0x96: {  	s0 =	simm.s32 @!p1 $0x1;
	[sflag:s2] =	ssyncset.done @!p4 $0x0  }
0x97: {  	s20 =	simm.s32 @!p4 $0x4200;
	[sflag:s2] =	ssyncadd.s32 @!p4 $0xFFFFFF80;
	s2 =	simm.s32 @!p4 $0x80  }
0x98: {  	[tilespmem:s20], [sflag:$0x2] =	stream.indirect.gather @!p4 [hbm4b:s4+s2], $0x80, s2, s2, $0xb8;
	[tilespmem:$0x1FE80] =	vst v63  }
0x99: {  	_ =	swait.ge @!p1 [sflag:s0], $0x4000  }
0x9a: {  	s29 =	simm.s32 @!p1 $0x80;
	s20 =	sadd.s32 @!p1 $0x2, s25;
	[sflag:s0] =	ssyncset.done @!p1 $0x0  }
0x9b: {  	s2 =	simm.s32 @!p1 $0x5;
	p2 =	sge.s32 @!p1 s20, s22;
	[sflag:s0] =	ssyncadd.s32 @!p1 $0xFFFFC000  }
0x9c: {  	s26 =	simm.s32 @!p1 $0x200;
	p2 =	por p2, p1;
	_ =	swait.ge @!p1 [sflag:s2], $0x80  }
0x9d: {  	s20 =	simm.s32 @!p1 $0x100;
	s28 =	sadd.s32 @!p2 $0xFFFFFC00, s24;
	[sflag:s2] =	ssyncset.done @!p1 $0x0  }
0x9e: {  	s0 =	simm.s32 @!p1 $0x7;
	s28 =	sshrl.u32 @!p2 s28, $0x3;
	[sflag:s2] =	ssyncadd.s32 @!p1 $0xFFFFFF80  }
0x9f: {  	[spmem:s1] =	stream.indirect.scatter.add.f32 @!p1 [tilespmem:s26], [sflag:$0x7], $0x80, s20, s29, $0xb8;
	[tilespmem:$0x1FE80] =	vst v63  }
0xa0: {  	s2 =	sadd.s32 @!p2 s6, s28;
	_ =	swait.ge @!p1 [sflag:s0], $0x4000  }
0xa1: {  	s20 =	simm.s32 @!p2 $0x100;
	[sflag:s0] =	ssyncset.done @!p1 $0x0;
	s26 =	rddreg [dreg:$0x4]  }
0xa2: {  	[sflag:s0] =	ssyncadd.s32 @!p1 $0xFFFFC000;
	s0 =	simm.s32 @!p2 $0x0;
	p1 =	sge.s32 s25, s23  }
0xa3: {  	[tilespmem:s20], [sflag:$0x5] =	stream.linear.gather @!p2 [hbm4b:s2+s0], $0x80, $0x38;
	[tilespmem:$0x1FE80] =	vst v63  }
0xa4: {  	p3 =	sge.s32 @!p1 s25, s26  }
0xa5: {  	p3 =	por p3, p1  }
0xa6: {  	s2 =	sadd.s32 @!p2 s5, s28;
	s20 =	simm.s32 @!p3 $0x3  }
0xa7: {  	[tilespmem:s0], [sflag:$0x3] =	stream.linear.gather @!p2 [hbm4b:s2+s0], $0x80, $0x38;
	[tilespmem:$0x1FE80] =	vst v63  }
0xa8: {  	_ =	swait.ge @!p3 [sflag:s20], $0x80  }
0xa9: {  	s23 =	simm.s32 @!p1 $0x2;
	s0 =	simm.s32 @!p3 $0x80;
	[sflag:s20] =	ssyncset.done @!p3 $0x0  }
0xaa: {  	s2 =	simm.s32 @!p3 $0x0;
	[sflag:s20] =	ssyncadd.s32 @!p3 $0xFFFFFF80;
	s20 =	simm.s32 @!p3 $0x200  }
0xab: {  	[tilespmem:s20], [sflag:$0x1] =	stream.indirect.gather @!p3 [hbm4b:s4+s0], $0x80, s2, s0, $0xb8;
	[tilespmem:$0x1FE80] =	vst v63  }
0xac: {  	_ =	swait.ge @!p1 [sflag:s23], $0x4000  }
0xad: {  	[sflag:s23] =	ssyncset.done @!p1 $0x0  }
0xae: {  	s2 =	simm.s32 @!p1 $0x6;
	[sflag:s23] =	ssyncadd.s32 @!p1 $0xFFFFC000  }
0xaf: {  	s0 =	sadd.s32 @!p1 $0x3, s25;
	s20 =	simm.s32 @!p1 $0x80;
	_ =	swait.ge @!p1 [sflag:s2], $0x80  }
0xb0: {  	p2 =	sge.s32 @!p1 s0, s22;
	s0 =	simm.s32 @!p1 $0x4200;
	[sflag:s2] =	ssyncset.done @!p1 $0x0  }
0xb1: {  	s22 =	simm.s32 @!p1 $0x180;
	[sflag:s2] =	ssyncadd.s32 @!p1 $0xFFFFFF80;
	s2 =	simm.s32 @!p1 $0x7  }
0xb2: {  	[spmem:s1] =	stream.indirect.scatter.add.f32 @!p1 [tilespmem:s0], [sflag:$0x7], $0x80, s22, s20, $0xb8;
	[tilespmem:$0x1FE80] =	vst v63  }
0xb3: {  	p2 =	por p2, p1;
	_ =	swait.ge @!p1 [sflag:s2], $0x4000  }
0xb4: {  	s23 =	simm.s32 @!p2 $0x180;
	s0 =	sshrl.u32 @!p2 s24, $0x3;
	[sflag:s2] =	ssyncset.done @!p1 $0x0  }
0xb5: {  	s22 =	simm.s32 @!p2 $0x0;
	s20 =	sadd.s32 @!p2 s6, s0;
	[sflag:s2] =	ssyncadd.s32 @!p1 $0xFFFFC000  }
0xb6: {  	[tilespmem:s23], [sflag:$0x6] =	stream.linear.gather @!p2 [hbm4b:s20+s22], $0x80, $0x38;
	[tilespmem:$0x1FE80] =	vst v63  }
0xb7: {  	s0 =	sadd.s32 @!p2 s5, s0;
	s2 =	simm.s32 @!p2 $0x80  }
0xb8: {  	[tilespmem:s2], [sflag:$0x4] =	stream.linear.gather @!p2 [hbm4b:s0+s22], $0x80, $0x38;
	[tilespmem:$0x1FE80] =	vst v63  }
.LBB2_9:
0xb9: {  	[bflag:$0x0] =	sbarrier.arrive $0xFFFF  }
0xba: {  	[tilespmem:s18], [sflag:$0x7] =	stream.linear.gather [spmem:s9], $0x4000, $0x38;
	[tilespmem:$0x1FE80] =	vst v63  }
0xbb: {  	_ =	swait.ge [sflag:s19], $0x4000  }
.Ltmp6:
0xbc: {  	[sflag:s19] =	ssyncset.done $0x0;
	(pc) =	sbr.rel @!p0 .LBB2_11-.Ltmp6, $4  }
0xbd: {  	[sflag:s19] =	ssyncadd.s32 $0xFFFFC000  }
0xbe: {  	[hbm4b:s17+s3] =	stream.linear.scatter [tilespmem:s18], [sflag:$0x7], $0x4000, $0x38;
	[tilespmem:$0x1FE80] =	vst v63  }
0xbf: {  	s0 =	sadd.s32 $0xFFFFFFFF, s8;
	_ =	swait.ge [sflag:s19], $0x4000  }
0xc0: {  	s2 =	smov.u32 s17;
	s20 =	smov.u32 s9;
	[sflag:s19] =	ssyncset.done $0x0  }
.LBB2_10:
0xc1: {  	[sflag:s19] =	ssyncadd.s32 $0xFFFFC000;
	s2 =	sadd.s32 $0x8000, s2;
	s20 =	sadd.s32 $0x40000, s20  }
0xc2: {  	[tilespmem:s18], [sflag:$0x7] =	stream.linear.gather [spmem:s20], $0x4000, $0x38;
	[tilespmem:$0x1FE80] =	vst v63  }
0xc3: {  	p0 =	sne.s32 s0, $0x1;
	s0 =	sadd.s32 $0xFFFFFFFF, s0;
	_ =	swait.ge [sflag:s19], $0x4000  }
.Ltmp7:
0xc4: {  	[sflag:s19] =	ssyncset.done $0x0;
	(pc) =	sbr.rel @p0 .LBB2_10-.Ltmp7, $4  }
0xc5: {  	[sflag:s19] =	ssyncadd.s32 $0xFFFFC000  }
0xc6: {  	[hbm4b:s2+s3] =	stream.linear.scatter [tilespmem:s18], [sflag:$0x7], $0x4000, $0x38;
	[tilespmem:$0x1FE80] =	vst v63  }
0xc7: {  	_ =	swait.ge [sflag:s19], $0x4000  }
0xc8: {  	[sflag:s19] =	ssyncset.done $0x0  }
.LBB2_11:
0xc9: {  	s21 =	sadd.s32 $0x1, s21  }
0xca: {  	p0 =	sne.s32 s21, s15  }
.Ltmp8:
0xcb: {  	_ = 	snop;
	(pc) =	sbr.rel @p0 .LBB2_1-.Ltmp8, $4  }
.Ltmp9:
0xcc: {  	_ = 	snop;
	(pc) =	sbr.rel @!p0 .LBB2_12-.Ltmp9, $4  }
0xcd: {  	_ = 	snop  }
0xce: {  	_ = 	snop  }
0xcf: {  	[sflag:s19] =	ssyncadd.s32 $0xFFFFC000  }
0xd0: {  	_ = 	snop  }
.LBB2_5:
.Ltmp10:
0xd1: {  	(pc) =	sbr.rel .LBB2_8-.Ltmp10, $2  }
0xd2: {  	_ =	sdelay $0x2  }
0xd3: {  	s24 =	smov.u32 s16  }
.LBB2_12:
0xd4: {  	_ =	sfence.sel $0x180000  }
0xd5: {  	[bflag:$0x0] =	sbarrier.arrive $0xFFFF  }
0xd6: {  	_ =	strace $0x90000050  }
0xd7: {  	s0 =	stileid.u32;
	[bflag:$0x2] =	sbarrier.arrive $0xFFFF  }
0xd8: {  	p0 =	sne.s32 s0, $0x0;
	s0 =	rddreg [dreg:$0x3]  }
0xd9: {  	s0 =	sadd.s32 @!p0 $0x100000, s0  }
0xda: {  	[sflag:s0] =	ssyncadd.tile.s32 @!p0 $0x1;
	_ =	shalt  }
.Lfunc_end2:
_tile_overlayer_lowered:
.L_overlay_start_2:
0xdb: {  	(tag) =	ssettag $0x2  }
0xdc: {  	s0 =	rddreg [dreg:$0x0];
	s2 =	stileid.u32  }
0xdd: {  	s1 =	rddreg [dreg:$0x1];
	p0 =	sne.s32 s2, $0x0  }
0xde: {  	s3 =	rddreg [dreg:$0x2];
	[bflag:$0x3] =	sbarrier.arrive $0xFFFF;
	s2 =	simm.s32 @!p0 $0x1C07  }
0xdf: {  	[timem:s3], [sflag:s2] =	dma.local @!p0 [hbm:s0], s1  }
0xe0: {  	s0 =	simm.s32 @!p0 $0x7  }
0xe1: {  	_ =	swait.ge @!p0 [sflag:s0], s1  }
0xe2: {  	s1 =	ssub.s32 @!p0 $0x0, s1;
	[sflag:s0] =	ssyncset.done @!p0 $0x0  }
0xe3: {  	[sflag:s0] =	ssyncadd.s32 @!p0 s1  }
0xe4: {  	[bflag:$0x3] =	sbarrier.arrive $0xFFFF  }
0xe5: {  	_ =	shalt  }

// kernel: sc_seg_sum_c.7.cloned.1.call-start
scs
__scs_entry_jumppad:
0x0: {  	(pc) =	sbr.rel $0x88, $3  }
0x1: {  	(tag) =	ssettag $0x0;
	lr =	simm.s32 $0x1  }
0x2: {  	[smem:$0x3F8A] =	sst lr;
	_ =	strace $0xD0000000  }
0x3: {  	_ = 	snop  }
0x4: {  	_ = 	snop  }
0x5: {  	_ = 	snop  }
0x6: {  	_ = 	snop  }
0x7: {  	_ = 	snop  }
__scs_overlays_trampoline_lowered:
0x8: {  	[smem:$0x3F99] =	sst s0  }
0x9: {  	[smem:$0x3F9A] =	sst s1  }
0xa: {  	[smem:$0x3F9B] =	sst s2  }
0xb: {  	[smem:$0x3F9C] =	sst s3  }
0xc: {  	[smem:$0x3F9D] =	sst s4  }
0xd: {  	[smem:$0x3F9E] =	sst s5  }
0xe: {  	[smem:$0x3F9F] =	sst s6  }
0xf: {  	[smem:$0x3FA0] =	sst s7  }
0x10: {  	[smem:$0x3FA1] =	sst s8  }
0x11: {  	[smem:$0x3FA2] =	sst s9;
	s0 =	simm.s32 @!p0 $0x0  }
0x12: {  	s1 =	sld [smem:$0x3F88];
	s0 =	simm.s32 @p0 $0x1  }
0x13: {  	[smem:$0x3FA3] =	sst s0;
	s0 =	simm.s32 @!p1 $0x0  }
0x14: {  	s2 =	sld [smem:$0x3F87];
	s0 =	simm.s32 @p1 $0x1  }
0x15: {  	[smem:$0x3FA4] =	sst s0;
	s0 =	simm.s32 @!p2 $0x0  }
0x16: {  	s3 =	sld [smem:$0x3FDB];
	s0 =	simm.s32 @p2 $0x1  }
0x17: {  	s4 =	simm.s32 $0x1BF5;
	[smem:$0x3FA6] =	sst s0  }
0x18: {  	s0 =	sld [smem:$0x3F89];
	_ =	swait.ge [sflag:s4], $0x0  }
0x19: {  	s7 =	sld [smem:$0x3F8A]  }
0x1a: {  	s8 =	sadd.s32 $0xFFFFE003, lr  }
0x1b: {  	s9 =	sadd.s32 $0xFFFFFEF7, lr;
	s5 =	simm.s32 $0xFFFFFFFF;
	p2 =	slt.u32 s8, $0xFFFFF086  }
0x1c: {  	p1 =	slt.u32 s9, $0xF7A;
	s5 =	simm.s32 @!p2 $0x0  }
0x1d: {  	s5 =	simm.s32 @p1 $0x1;
	p0 =	seq.s32 s7, s2  }
0x1e: {  	s7 =	smul.u32 @!p0 $0xF7A, s2;
	p2 =	seq.s32 @!p0 s5, $0x0  }
0x1f: {  	s9 =	smul.u32 $0xF7A, s1;
	s8 =	simm.s32 @!p0 $0x1BF5;
	p2 =	por !p2, p0  }
0x20: {  	[sflag:s8] =	ssyncset.s32 @!p0 $0xFFFFF086;
	s6 =	sadd.s32 @!p0 s3, s7;
	s7 =	simm.s32 @!p0 $0x108  }
0x21: {  	s3 =	sadd.s32 s3, s9;
	s6 =	sadd.s32 @!p0 $0x88, s6;
	s7 =	simm.s32 @p2 $0x1082  }
0x22: {  	[simem:s7], [sflag:s8] =	dma.local @!p0 [hbm:s6], $0xF7A  }
0x23: {  	s9 =	sor.u32 $0xD0000000, s2;
	s6 =	simm.s32 $0x108;
	_ =	swait.ge @!p0 [sflag:s8], $0x0  }
0x24: {  	s3 =	sadd.s32 $0x88, s3;
	s6 =	simm.s32 @!p1 $0x1082;
	[sflag:s4] =	ssyncset.s32 $0xFFFFF086  }
0x25: {  	[simem:s6], [sflag:s4] =	dma.local [hbm:s3], $0xF7A  }
0x26: {  	[smem:$0x3F8A] =	sst s1;
	(tag) =	ssettag s2;
	_ =	strace s9  }
0x27: {  	s1 =	sld [smem:$0x3F9A]  }
0x28: {  	s2 =	sld [smem:$0x3F9B]  }
0x29: {  	s4 =	sld [smem:$0x3F9D]  }
0x2a: {  	p0 =	seq.s32 s5, $0x0;
	s5 =	sld [smem:$0x3F9E]  }
0x2b: {  	s6 =	sld [smem:$0x3F9F]  }
0x2c: {  	s7 =	sld [smem:$0x3FA0]  }
0x2d: {  	s3 =	simm.s32 $0x108;
	s8 =	sld [smem:$0x3FA1]  }
0x2e: {  	s3 =	simm.s32 @!p0 $0x1082;
	s9 =	sld [smem:$0x3FA2]  }
0x2f: {  	lr =	sadd.s32 s0, s3;
	s0 =	sld [smem:$0x3F99]  }
0x30: {  	s3 =	sld [smem:$0x3F9C]  }
0x31: {  	[smem:$0x3FA5] =	sst s10  }
0x32: {  	s10 =	sld [smem:$0x3FA3];
	_ =	sdelay $0x3  }
0x33: {  	p0 =	seq.s32 s10, $0x1;
	s10 =	sld [smem:$0x3FA5];
	_ =	sdelay $0x3  }
0x34: {  	[smem:$0x3FA5] =	sst s10  }
0x35: {  	s10 =	sld [smem:$0x3FA4];
	_ =	sdelay $0x3  }
0x36: {  	p1 =	seq.s32 s10, $0x1;
	s10 =	sld [smem:$0x3FA5];
	_ =	sdelay $0x3  }
0x37: {  	[smem:$0x3FA5] =	sst s10  }
0x38: {  	s10 =	sld [smem:$0x3FA6]  }
0x39: {  	_ = 	snop;
	(pc) =	sbr.ind lr, $3  }
0x3a: {  	_ = 	snop  }
0x3b: {  	_ = 	snop  }
0x3c: {  	p2 =	seq.s32 s10, $0x1;
	s10 =	sld [smem:$0x3FA5]  }
0x3d: {  	_ =	shalt  }
0x3e: {  	_ =	shalt  }
0x3f: {  	_ =	shalt  }
0x40: {  	_ =	shalt  }
0x41: {  	_ =	shalt  }
0x42: {  	_ =	shalt  }
0x43: {  	_ =	shalt  }
0x44: {  	_ =	shalt  }
0x45: {  	_ =	shalt  }
0x46: {  	_ =	shalt  }
0x47: {  	_ =	shalt  }
0x48: {  	_ =	shalt  }
0x49: {  	_ =	shalt  }
0x4a: {  	_ =	shalt  }
0x4b: {  	_ =	shalt  }
0x4c: {  	_ =	shalt  }
0x4d: {  	_ =	shalt  }
0x4e: {  	_ =	shalt  }
0x4f: {  	_ =	shalt  }
0x50: {  	_ =	shalt  }
0x51: {  	_ =	shalt  }
0x52: {  	_ =	shalt  }
0x53: {  	_ =	shalt  }
0x54: {  	_ =	shalt  }
0x55: {  	_ =	shalt  }
0x56: {  	_ =	shalt  }
0x57: {  	_ =	shalt  }
0x58: {  	_ =	shalt  }
0x59: {  	_ =	shalt  }
0x5a: {  	_ =	shalt  }
0x5b: {  	_ =	shalt  }
0x5c: {  	_ =	shalt  }
0x5d: {  	_ =	shalt  }
0x5e: {  	_ =	shalt  }
0x5f: {  	_ =	shalt  }
0x60: {  	_ =	shalt  }
0x61: {  	_ =	shalt  }
0x62: {  	_ =	shalt  }
0x63: {  	_ =	shalt  }
0x64: {  	_ =	shalt  }
0x65: {  	_ =	shalt  }
0x66: {  	_ =	shalt  }
0x67: {  	_ =	shalt  }
0x68: {  	_ =	shalt  }
0x69: {  	_ =	shalt  }
0x6a: {  	_ =	shalt  }
0x6b: {  	_ =	shalt  }
0x6c: {  	_ =	shalt  }
0x6d: {  	_ =	shalt  }
0x6e: {  	_ =	shalt  }
0x6f: {  	_ =	shalt  }
0x70: {  	_ =	shalt  }
0x71: {  	_ =	shalt  }
0x72: {  	_ =	shalt  }
0x73: {  	_ =	shalt  }
0x74: {  	_ =	shalt  }
0x75: {  	_ =	shalt  }
0x76: {  	_ =	shalt  }
0x77: {  	_ =	shalt  }
0x78: {  	_ =	shalt  }
0x79: {  	_ =	shalt  }
0x7a: {  	_ =	shalt  }
0x7b: {  	_ =	shalt  }
0x7c: {  	_ =	shalt  }
0x7d: {  	_ =	shalt  }
0x7e: {  	_ =	shalt  }
0x7f: {  	_ =	shalt  }
0x80: {  	_ =	shalt  }
0x81: {  	_ =	shalt  }
0x82: {  	_ =	shalt  }
0x83: {  	_ =	shalt  }
0x84: {  	_ =	shalt  }
0x85: {  	_ =	shalt  }
0x86: {  	_ =	shalt  }
0x87: {  	_ =	shalt  }
.Lfunc_end0:
.L_simem_size_0:
called_computation.4_lowered:
.L_overlay_start_0:
0x88: {  	s2 =	sld [smem:$0x3FD9]  }
0x89: {  	s3 =	sld [smem:$0x3FFE];
	_ =	sdelay $0x1  }
0x8a: {  	s1 =	srdreg.scid  }
0x8b: {  	s0 =	sand.u32 $0x1, s1  }
0x8c: {  	s17 =	sshll.u32 s0, $0xA;
	s2 =	sadd.s32 s3, s2  }
0x8d: {  	s2 =	sadd.s32 s2, s17  }
0x8e: {  	[smem:$0x3FB1] =	sst s2  }
0x8f: {  	_ = 	snop  }
0x90: {  	s2 =	sld [smem:$0x3FD0];
	(tm) =	ssettm $0x1  }
0x91: {  	s18 =	sld [smem:$0x3FFB];
	_ =	sdelay $0x3  }
0x92: {  	_ =	strace s18  }
0x93: {  	s3 =	sld [smem:$0x3FFC];
	_ =	sdelay $0x3  }
0x94: {  	_ =	strace s3  }
0x95: {  	s3 =	sld [smem:$0x3FFD];
	_ =	sdelay $0x3  }
0x96: {  	_ =	strace s3  }
0x97: {  	_ =	strace $0x8FFFFFFF  }
0x98: {  	s19 =	sld [smem:$0x3FDB];
	_ =	sdelay $0x1  }
0x99: {  	s4 =	simm.s32 $_scs_section_size  }
0x9a: {  	s5 =	simm.s32 $_size__tile_overlayer_lowered;
	s6 =	simm.s32 $_tile_overlayer_lowered  }
0x9b: {  	s22 =	simm.s32 $0x1BFF;
	s21 =	sshll.u32 s6, $0x1;
	s3 =	sadd.s32 s4, s19  }
0x9c: {  	s7 =	simm.s32 $0x0;
	s20 =	sshll.u32 s5, $0x1;
	s5 =	sadd.s32 s21, s3  }
0x9d: {  	[timem:s7], [sflag:s22] =	dma.local [hbm:s5], s20  }
0x9e: {  	_ =	swait.ge [sflag:s22], s20  }
0x9f: {  	s4 =	ssub.s32 $0x0, s20;
	[sflag:s22] =	ssyncset.done $0x0  }
0xa0: {  	[sflag:s22] =	ssyncadd.s32 s4;
	_ =	sdelay $0x1  }
0xa1: {  	s23 =	simm.s32 $0x1B8B  }
0xa2: {  	_ =	swait.ge [sflag:s23], $0x1  }
0xa3: {  	[sflag:s23] =	ssyncset.done $0x0  }
0xa4: {  	s25 =	simm.s32 $0x1B8E;
	s24 =	sld [smem:$0x3FFE];
	[sflag:s23] =	ssyncadd.s32 $0xFFFFFFFF  }
0xa5: {  	s26 =	simm.s32 $execute0_lowered;
	[smem:$0x3FD2] =	sst s25  }
0xa6: {  	s5 =	sshll.u32 s26, $0x1;
	_ =	strace $0x80000052;
	[dreg:$0x1] =	wrdreg $0xFFFFFFFF  }
0xa7: {  	s28 =	simm.s32 $_size_execute0_lowered;
	s3 =	sadd.s32 s3, s5;
	[dreg:$0x0] =	wrdreg $0x0  }
0xa8: {  	s5 =	sshll.u32 s28, $0x1;
	[dreg:$0x2] =	wrdreg s3  }
0xa9: {  	[dreg:$0x3] =	wrdreg s5  }
0xaa: {  	[dreg:$0x4] =	wrdreg $0xC0  }
0xab: {  	_ =	task [dreg:s7], $0x5FFFF  }
0xac: {  	[dreg:$0x1] =	wrdreg $0xFFFFFFFF  }
0xad: {  	[dreg:$0x0] =	wrdreg $0x60  }
0xae: {  	[dreg:$0x2] =	wrdreg s24  }
0xaf: {  	[dreg:$0x3] =	wrdreg s2  }
0xb0: {  	[dreg:$0x4] =	wrdreg $0xC2800  }
0xb1: {  	[dreg:$0x5] =	wrdreg $0x9  }
0xb2: {  	_ =	task.clear_ibuf [dreg:s7], $0x6FFFF;
	_ =	strace $0x90000052  }
0xb3: {  	s29 =	simm.s32 $0x9;
	_ =	strace $0x80000054  }
0xb4: {  	_ =	swait.ge [sflag:s29], $0x1  }
0xb5: {  	[sflag:s29] =	ssyncadd.s32 $0xFFFFFFFF  }
0xb6: {  	_ =	strace $0x90000054  }
0xb7: {  	_ =	sfence  }
0xb8: {  	s30 =	sld [smem:$0x0];
	_ =	sdelay $0x2  }
0xb9: {  	s31 =	sshll.u32 s1, $0xD;
	s1 =	sshrl.u32 s1, $0x2  }
0xba: {  	s3 =	sand.u32 $0x4000, s31;
	s1 =	sadd.s32 s1, s30  }
0xbb: {  	s0 =	sor.u32 s3, s0;
	s1 =	sshll.u32 s1, $0x11  }
0xbc: {  	s0 =	sor.u32 s1, s0  }
0xbd: {  	s0 =	sadd.s32 $0x8F2B, s0  }
0xbe: {  	[sflag:s0] =	ssyncadd.remote.s32 $0x1  }
0xbf: {  	_ =	sfence.sel $0xFFFF  }
0xc0: {  	[dreg:$0x0] =	wrdreg $0xFFFFFFFF;
	(pc) =	sbr.abs _section_cstart, $3  }
0xc1: {  	[dreg:$0x1] =	wrdreg $0xFFFFFFFF  }
0xc2: {  	_ =	task.clear_ibuf [dreg:s7], $0x2FFFF;
	_ =	strace $0x9FFFFFFF  }
0xc3: {  	(tm) =	ssettm $0x7FFFFFFF  }
tec
execute0_lowered:
.L_overlay_start_1:
0x0: {  	(tag) =	ssettag $0x1  }
0x1: {  	s0 =	rddreg [dreg:$0x0]  }
0x2: {  	s2 =	rddreg [dreg:$0x1]  }
0x3: {  	s1 =	rddreg [dreg:$0x2];
	s3 =	simm.s32 $0x0;
	s4 =	srdreg.scid  }
0x4: {  	s13 =	stileid.u32;
	s18 =	simm.s32 $0x8280;
	s19 =	simm.s32 $0x7  }
0x5: {  	s21 =	simm.s32 $0x0;
	[smem:$0x7FF] =	sst s3;
	s8 =	sand.u32 $0x1, s4  }
0x6: {  	s4 =	sadd.s32 $0xF7400, s0;
	s9 =	sshll.u32 s13, $0xE;
	s5 =	sadd.s32 $0x5A000, s0  }
0x7: {  	s23 =	ssub.s32 $0x5E, s13;
	s24 =	sshrl.u32 s13, $0x2;
	s25 =	sshll.u32 s13, $0x8  }
0x8: {  	s6 =	smul.u32 $0x13C000, s8;
	_ =	strace $0x80000053;
	s10 =	ssub.s32 $0x2, s8  }
0x9: {  	s16 =	sshll.u32 s8, $0x7;
	s14 =	sand.u32 $0x300, s25;
	s17 =	smul.u32 $0x13C00, s24  }
0xa: {  	s8 =	sshrl.u32 s23, $0x4;
	s12 =	sshrl.u32 s10, $0x1;
	s26 =	sor.u32 s16, s14  }
0xb: {  	s7 =	sadd.s32 s9, s6;
	s6 =	sadd.s32 $0x63E00, s0;
	s15 =	ssub.s32 s10, s12  }
0xc: {  	s9 =	sadd.s32 s9, s1;
	s10 =	sor.u32 s17, s26;
	s17 =	sor.u32 s14, s17  }
0xd: {  	s11 =	sshrl.u32 s7, $0x3;
	s7 =	sadd.s32 $0x32E00, s0;
	s28 =	sshrl.u32 s10, $0x3  }
0xe: {  	s29 =	sadd.s32 $0x400, s10;
	s15 =	smax.u32 s15, $0x1;
	s31 =	sor.u32 s16, s17  }
0xf: {  	s0 =	sadd.s32 s11, s0;
	s11 =	sshll.u32 s24, $0xA;
	s30 =	sshrl.u32 s29, $0x3  }
0x10: {  	s12 =	sadd.s32 s5, s28;
	s16 =	sadd.s32 $0xC00, s31;
	s11 =	sor.u32 s11, s26  }
0x11: {  	s13 =	sadd.s32 s6, s30;
	s14 =	sadd.s32 s5, s30;
	s11 =	sshrl.u32 s11, $0x3  }
0x12: {  	s17 =	sadd.s32 $0x6DC00, s0;
	s10 =	sadd.s32 s2, s11;
	s11 =	sadd.s32 s6, s28  }
.LBB2_1:
0x13: {  	[tilespmem:s18], [sflag:$0x7] =	stream.linear.gather [hbm4b:s7+s3], $0x4000, $0x38;
	[tilespmem:$0x1FE80] =	vst v63  }
0x14: {  	p0 =	sne.s32 s8, $0x1;
	_ =	swait.ge [sflag:s19], $0x4000  }
.Ltmp0:
0x15: {  	[sflag:s19] =	ssyncset.done $0x0;
	(pc) =	sbr.rel @!p0 .LBB2_3-.Ltmp0, $4  }
0x16: {  	[sflag:s19] =	ssyncadd.s32 $0xFFFFC000  }
0x17: {  	[spmem:s9] =	stream.linear.scatter [tilespmem:s18], [sflag:$0x7], $0x4000, $0x38;
	[tilespmem:$0x1FE80] =	vst v63  }
0x18: {  	_ =	swait.ge [sflag:s19], $0x4000  }
0x19: {  	s0 =	sadd.s32 $0xFFFFFFFF, s8;
	s2 =	smov.u32 s9;
	[sflag:s19] =	ssyncset.done $0x0  }
.LBB2_2:
0x1a: {  	p1 =	sne.s32 s0, $0x1;
	[sflag:s19] =	ssyncadd.s32 $0xFFFFC000;
	s2 =	sadd.s32 $0x40000, s2  }
.Ltmp1:
0x1b: {  	s0 =	sadd.s32 $0xFFFFFFFF, s0;
	(pc) =	sbr.rel @p1 .LBB2_2-.Ltmp1, $4  }
0x1c: {  	_ = 	snop  }
0x1d: {  	[spmem:s2] =	stream.linear.scatter [tilespmem:s18], [sflag:$0x7], $0x4000, $0x38;
	[tilespmem:$0x1FE80] =	vst v63  }
0x1e: {  	_ =	swait.ge [sflag:s19], $0x4000  }
0x1f: {  	[sflag:s19] =	ssyncset.done $0x0  }
.LBB2_3:
0x20: {  	[sflag:s19] =	ssyncadd.s32 $0xFFFFC000;
	s0 =	simm.s32 $0x8200  }
0x21: {  	[tilespmem:s0], [sflag:$0x7] =	stream.linear.gather [hbm4b:s10+s3], $0x80, $0x38;
	[tilespmem:$0x1FE80] =	vst v63  }
0x22: {  	_ =	swait.ge [sflag:s19], $0x80  }
0x23: {  	[sflag:s19] =	ssyncset.done $0x0  }
0x24: {  	[sflag:s19] =	ssyncadd.s32 $0xFFFFFF80  }
0x25: {  	[bflag:$0x0] =	sbarrier.arrive $0xFFFF  }
0x26: {  	v0 =	vld [tilespmem:$0x8200];
	_ =	sdelay $0x4  }
0x27: {  	(v2sf) =	vpush v0, $0x0;
	_ =	sdelay $0xe  }
0x28: {  	s26 =	spop (v2sf)  }
0x29: {  	s0 =	sadd.s32 $0x7F, s26  }
0x2a: {  	s2 =	sand.u32 $0x7F, s0  }
0x2b: {  	s20 =	sshra.s32 s0, $0x1F;
	p1 =	slt.s32 s0, $0x1;
	p2 =	sne.s32 s2, $0x0  }
0x2c: {  	s28 =	sshrl.u32 s20, $0x19;
	p1 =	por !p1, !p2  }
0x2d: {  	s2 =	simm.s32 $0x1;
	s0 =	sadd.s32 s28, s0;
	p1 =	por !p1, !p1  }
0x2e: {  	s0 =	sshra.s32 s0, $0x7;
	s2 =	simm.s32 @!p1 $0x0  }
0x2f: {  	s22 =	ssub.s32 s0, s2  }
0x30: {  	p1 =	slt.s32 s22, $0x1  }
0x31: {  	s0 =	simm.s32 @!p1 $0x0;
	s2 =	simm.s32 @!p1 $0x100;
	p2 =	seq.s32 @!p1 s22, $0x1  }
0x32: {  	[tilespmem:s2], [sflag:$0x5] =	stream.linear.gather @!p1 [hbm4b:s11+s0], $0x80, $0x38;
	[tilespmem:$0x1FE80] =	vst v63  }
0x33: {  	p2 =	por p2, p1  }
0x34: {  	[tilespmem:s0], [sflag:$0x3] =	stream.linear.gather @!p1 [hbm4b:s12+s0], $0x80, $0x38;
	[tilespmem:$0x1FE80] =	vst v63  }
0x35: {  	s2 =	simm.s32 @!p2 $0x0;
	s20 =	simm.s32 @!p2 $0x180  }
0x36: {  	[tilespmem:s20], [sflag:$0x6] =	stream.linear.gather @!p2 [hbm4b:s13+s2], $0x80, $0x38;
	[tilespmem:$0x1FE80] =	vst v63  }
0x37: {  	s20 =	simm.s32 @!p2 $0x80  }
0x38: {  	[tilespmem:s20], [sflag:$0x4] =	stream.linear.gather @!p2 [hbm4b:s14+s2], $0x80, $0x38;
	[tilespmem:$0x1FE80] =	vst v63  }
0x39: {  	s29 =	sadd.s32 $0x1, s22;
	s2 =	simm.s32 @!p1 $0x3  }
0x3a: {  	s30 =	sand.u32 $0x1, s29;
	_ =	swait.ge @!p1 [sflag:s2], $0x80  }
0x3b: {  	p5 =	slt.s32 s22, $0x0;
	p6 =	seq.s32 s30, $0x1;
	[sflag:s2] =	ssyncset.done @!p1 $0x0  }
0x3c: {  	s20 =	simm.s32 @!p1 $0x200;
	[sflag:s2] =	ssyncadd.s32 @!p1 $0xFFFFFF80;
	s2 =	simm.s32 @!p1 $0x80  }
0x3d: {  	[tilespmem:s20], [sflag:$0x1] =	stream.indirect.gather @!p1 [hbm4b:s4+s2], $0x80, s0, s2, $0xb8;
	[tilespmem:$0x1FE80] =	vst v63  }
0x3e: {  	s31 =	sshrl.u32 s29, $0x1F;
	p1 =	por !p5, !p6  }
0x3f: {  	s0 =	sadd.s32 s31, s29;
	s2 =	simm.s32 $0x1;
	p1 =	por !p1, !p1  }
0x40: {  	s0 =	sshra.s32 s0, $0x1;
	s2 =	simm.s32 @!p1 $0x0  }
0x41: {  	s0 =	ssub.s32 s0, s2  }
0x42: {  	p1 =	slt.s32 s0, $0x1  }
.Ltmp2:
0x43: {  	_ = 	snop;
	(pc) =	sbr.rel @p1 .LBB2_9-.Ltmp2, $1  }
0x44: {  	_ =	sdelay $0x3  }
0x45: {  	s0 =	sadd.s32 $0xFFFFFFFF, s0  }
0x46: {  	p3 =	sne.s32 s0, $0x0  }
.Ltmp3:
0x47: {  	_ = 	snop;
	(pc) =	sbr.rel @!p3 .LBB2_5-.Ltmp3, $4  }
0x48: {  	_ = 	snop  }
0x49: {  	s23 =	sadd.s32 $0xFFFFFFFF, s22  }
0x4a: {  	s2 =	sadd.s32 $0xFFFFFFFE, s22;
	p1 =	sle.s32 s22, $0x0;
	s25 =	simm.s32 $0x0  }
0x4b: {  	p2 =	por $0x0, $0x0;
	[dreg:$0x4] =	wrdreg s2;
	p5 =	sle.s32 @!p1 s23, $0x0  }
0x4c: {  	p2 =	por p5, p1  }
0x4d: {  	s2 =	simm.s32 @!p2 $0x4  }
0x4e: {  	_ =	swait.ge @!p2 [sflag:s2], $0x80  }
0x4f: {  	s20 =	simm.s32 @!p1 $0x1;
	[sflag:s2] =	ssyncset.done @!p2 $0x0  }
0x50: {  	s24 =	simm.s32 @!p2 $0x4200;
	[sflag:s2] =	ssyncadd.s32 @!p2 $0xFFFFFF80;
	s2 =	simm.s32 @!p2 $0x80  }
0x51: {  	[tilespmem:s24], [sflag:$0x2] =	stream.indirect.gather @!p2 [hbm4b:s4+s2], $0x80, s2, s2, $0xb8;
	[tilespmem:$0x1FE80] =	vst v63  }
0x52: {  	s25 =	simm.s32 @!p1 $0x100;
	_ =	swait.ge @!p1 [sflag:s20], $0x4000  }
0x53: {  	s28 =	simm.s32 @!p1 $0x80;
	p3 =	sle.s32 s23, $0x0;
	[sflag:s20] =	ssyncset.done @!p1 $0x0  }
0x54: {  	s2 =	simm.s32 @!p1 $0x5;
	p2 =	sle.s32 @!p1 s22, $0x2;
	[sflag:s20] =	ssyncadd.s32 @!p1 $0xFFFFC000  }
0x55: {  	s30 =	simm.s32 @!p3 $0x6;
	p2 =	por p2, p1;
	_ =	swait.ge @!p1 [sflag:s2], $0x80  }
0x56: {  	s24 =	simm.s32 @!p1 $0x200;
	s26 =	sadd.s32 @!p2 $0xFFFFFC00, s16;
	[sflag:s2] =	ssyncset.done @!p1 $0x0  }
0x57: {  	s20 =	simm.s32 @!p1 $0x7;
	s29 =	sshrl.u32 @!p2 s26, $0x3;
	[sflag:s2] =	ssyncadd.s32 @!p1 $0xFFFFFF80  }
0x58: {  	[spmem:s1] =	stream.indirect.scatter.add.f32 @!p1 [tilespmem:s24], [sflag:$0x7], $0x80, s25, s28, $0xb8;
	[tilespmem:$0x1FE80] =	vst v63  }
0x59: {  	s26 =	sadd.s32 $0xFFFFFFFF, s0;
	s2 =	sadd.s32 @!p2 s6, s29;
	_ =	swait.ge @!p1 [sflag:s20], $0x4000  }
0x5a: {  	s24 =	simm.s32 @!p2 $0x100;
	[sflag:s20] =	ssyncset.done @!p1 $0x0;
	s25 =	rddreg [dreg:$0x4]  }
0x5b: {  	[sflag:s20] =	ssyncadd.s32 @!p1 $0xFFFFC000;
	s20 =	simm.s32 @!p2 $0x0;
	p1 =	sle.s32 @!p3 s25, $0x0  }
0x5c: {  	[tilespmem:s24], [sflag:$0x5] =	stream.linear.gather @!p2 [hbm4b:s2+s20], $0x80, $0x38;
	[tilespmem:$0x1FE80] =	vst v63  }
0x5d: {  	s0 =	sadd.s32 @!p2 s5, s29;
	p4 =	sne.s32 s26, $0x0;
	p1 =	por p1, p3  }
0x5e: {  	s29 =	simm.s32 @!p3 $0x4200;
	s28 =	simm.s32 @!p3 $0x2;
	s2 =	simm.s32 @!p1 $0x3  }
0x5f: {  	[tilespmem:s20], [sflag:$0x3] =	stream.linear.gather @!p2 [hbm4b:s0+s20], $0x80, $0x38;
	[tilespmem:$0x1FE80] =	vst v63  }
0x60: {  	s25 =	simm.s32 $0x2;
	s24 =	sadd.s32 $0x800, s16;
	_ =	swait.ge @!p1 [sflag:s2], $0x80  }
0x61: {  	p2 =	sle.s32 @!p3 s22, $0x3;
	s0 =	simm.s32 @!p1 $0x80;
	[sflag:s2] =	ssyncset.done @!p1 $0x0  }
0x62: {  	s20 =	simm.s32 @!p1 $0x0;
	[sflag:s2] =	ssyncadd.s32 @!p1 $0xFFFFFF80;
	s2 =	simm.s32 @!p1 $0x200  }
0x63: {  	[tilespmem:s2], [sflag:$0x1] =	stream.indirect.gather @!p1 [hbm4b:s4+s0], $0x80, s20, s0, $0xb8;
	[tilespmem:$0x1FE80] =	vst v63  }
.Ltmp4:
0x64: {  	p6 =	por p2, p3;
	_ =	swait.ge @!p3 [sflag:s28], $0x4000;
	(pc) =	sbr.rel @!p4 .LBB2_8-.Ltmp4, $4  }
0x65: {  	p2 =	por $0x1, $0x1;
	s0 =	simm.s32 @!p3 $0x80;
	[sflag:s28] =	ssyncset.done @!p3 $0x0  }
0x66: {  	s2 =	simm.s32 @!p3 $0x180;
	p1 =	sle.s32 s22, $0x2;
	[sflag:s28] =	ssyncadd.s32 @!p3 $0xFFFFC000  }
0x67: {  	p5 =	sle.s32 @!p1 s23, $0x2;
	s28 =	sshrl.u32 @!p6 s16, $0x3;
	_ =	swait.ge @!p3 [sflag:s30], $0x80  }
0x68: {  	s20 =	sadd.s32 @!p6 s6, s28;
	s31 =	sadd.s32 @!p6 s5, s28;
	[sflag:s30] =	ssyncset.done @!p3 $0x0  }
.LBB2_7:
0x69: {  	[sflag:s30] =	ssyncadd.s32 @!p3 $0xFFFFFF80;
	s30 =	simm.s32 @!p3 $0x7  }
0x6a: {  	[spmem:s1] =	stream.indirect.scatter.add.f32 @!p3 [tilespmem:s29], [sflag:$0x7], $0x80, s2, s0, $0xb8;
	[tilespmem:$0x1FE80] =	vst v63  }
0x6b: {  	_ =	swait.ge @!p3 [sflag:s30], $0x4000  }
0x6c: {  	p5 =	por p5, p1;
	[sflag:s30] =	ssyncset.done @!p3 $0x0  }
0x6d: {  	s0 =	simm.s32 @!p6 $0x0;
	s2 =	simm.s32 @!p6 $0x180;
	[sflag:s30] =	ssyncadd.s32 @!p3 $0xFFFFC000  }
0x6e: {  	[tilespmem:s2], [sflag:$0x6] =	stream.linear.gather @!p6 [hbm4b:s20+s0], $0x80, $0x38;
	[tilespmem:$0x1FE80] =	vst v63  }
0x6f: {  	s2 =	simm.s32 @!p5 $0x4;
	s20 =	simm.s32 @!p6 $0x80  }
0x70: {  	[tilespmem:s20], [sflag:$0x4] =	stream.linear.gather @!p6 [hbm4b:s31+s0], $0x80, $0x38;
	[tilespmem:$0x1FE80] =	vst v63  }
0x71: {  	_ =	swait.ge @!p5 [sflag:s2], $0x80  }
0x72: {  	s26 =	sadd.s32 $0xFFFFFFFF, s26;
	s30 =	simm.s32 @!p5 $0x4200;
	[sflag:s2] =	ssyncset.done @!p5 $0x0  }
0x73: {  	s20 =	simm.s32 @!p1 $0x1;
	[sflag:s2] =	ssyncadd.s32 @!p5 $0xFFFFFF80;
	s2 =	simm.s32 @!p5 $0x80  }
0x74: {  	[tilespmem:s30], [sflag:$0x2] =	stream.indirect.gather @!p5 [hbm4b:s4+s2], $0x80, s2, s2, $0xb8;
	[tilespmem:$0x1FE80] =	vst v63  }
0x75: {  	s28 =	smov.u32 s24;
	s29 =	sadd.s32 @!p1 $0x2, s25;
	_ =	swait.ge @!p1 [sflag:s20], $0x4000  }
0x76: {  	p4 =	sne.s32 s26, $0x0;
	p3 =	sge.s32 @!p1 s29, s22;
	[sflag:s20] =	ssyncset.done @!p1 $0x0  }
0x77: {  	s0 =	simm.s32 @!p1 $0x5;
	s31 =	simm.s32 @!p1 $0x100;
	[sflag:s20] =	ssyncadd.s32 @!p1 $0xFFFFC000  }
0x78: {  	s2 =	simm.s32 @!p1 $0x200;
	p5 =	por p3, p1;
	_ =	swait.ge @!p1 [sflag:s0], $0x80  }
0x79: {  	s30 =	simm.s32 @!p1 $0x7;
	s29 =	sadd.s32 @!p5 $0xFFFFFC00, s24;
	[sflag:s0] =	ssyncset.done @!p1 $0x0  }
0x7a: {  	s29 =	sshrl.u32 @!p5 s29, $0x3;
	s20 =	simm.s32 @!p1 $0x80;
	[sflag:s0] =	ssyncadd.s32 @!p1 $0xFFFFFF80  }
0x7b: {  	[spmem:s1] =	stream.indirect.scatter.add.f32 @!p1 [tilespmem:s2], [sflag:$0x7], $0x80, s31, s20, $0xb8;
	[tilespmem:$0x1FE80] =	vst v63  }
0x7c: {  	p3 =	sge.s32 s25, s23;
	s0 =	sadd.s32 @!p5 s6, s29;
	_ =	swait.ge @!p1 [sflag:s30], $0x4000  }
0x7d: {  	s2 =	simm.s32 @!p5 $0x100;
	[sflag:s30] =	ssyncset.done @!p1 $0x0;
	s20 =	rddreg [dreg:$0x4]  }
0x7e: {  	[sflag:s30] =	ssyncadd.s32 @!p1 $0xFFFFC000;
	s30 =	simm.s32 @!p5 $0x0;
	p1 =	sge.s32 @!p3 s25, s20  }
0x7f: {  	[tilespmem:s2], [sflag:$0x5] =	stream.linear.gather @!p5 [hbm4b:s0+s30], $0x80, $0x38;
	[tilespmem:$0x1FE80] =	vst v63  }
0x80: {  	s24 =	sadd.s32 $0x800, s24;
	s0 =	sadd.s32 @!p3 $0x3, s25;
	p1 =	por p1, p3  }
0x81: {  	s29 =	sadd.s32 @!p5 s5, s29;
	p6 =	sge.s32 @!p3 s0, s22;
	s0 =	simm.s32 @!p1 $0x3  }
0x82: {  	[tilespmem:s30], [sflag:$0x3] =	stream.linear.gather @!p5 [hbm4b:s29+s30], $0x80, $0x38;
	[tilespmem:$0x1FE80] =	vst v63  }
0x83: {  	s31 =	simm.s32 @!p3 $0x2;
	s25 =	sadd.s32 $0x2, s25;
	_ =	swait.ge @!p1 [sflag:s0], $0x80  }
0x84: {  	s2 =	simm.s32 @!p1 $0x80;
	s20 =	simm.s32 @!p1 $0x0;
	[sflag:s0] =	ssyncset.done @!p1 $0x0  }
0x85: {  	s30 =	simm.s32 @!p3 $0x6;
	[sflag:s0] =	ssyncadd.s32 @!p1 $0xFFFFFF80;
	s0 =	simm.s32 @!p1 $0x200  }
0x86: {  	[tilespmem:s0], [sflag:$0x1] =	stream.indirect.gather @!p1 [hbm4b:s4+s2], $0x80, s20, s2, $0xb8;
	[tilespmem:$0x1FE80] =	vst v63  }
.Ltmp5:
0x87: {  	p6 =	por p6, p3;
	_ =	swait.ge @!p3 [sflag:s31], $0x4000;
	(pc) =	sbr.rel @p4 .LBB2_7-.Ltmp5, $4  }
0x88: {  	s29 =	simm.s32 @!p3 $0x4200;
	s28 =	sshrl.u32 @!p6 s28, $0x3;
	[sflag:s31] =	ssyncset.done @!p3 $0x0  }
0x89: {  	s0 =	simm.s32 @!p3 $0x80;
	s2 =	simm.s32 @!p3 $0x180;
	[sflag:s31] =	ssyncadd.s32 @!p3 $0xFFFFC000  }
0x8a: {  	p1 =	sge.s32 s25, s22;
	s20 =	sadd.s32 @!p6 s6, s28;
	_ =	swait.ge @!p3 [sflag:s30], $0x80  }
0x8b: {  	p5 =	sge.s32 @!p1 s25, s23;
	s31 =	sadd.s32 @!p6 s5, s28;
	[sflag:s30] =	ssyncset.done @!p3 $0x0  }
.LBB2_8:
0x8c: {  	p3 =	por p3, !p2  }
0x8d: {  	[sflag:s30] =	ssyncadd.s32 @!p3 $0xFFFFFF80;
	s26 =	simm.s32 @!p3 $0x7  }
0x8e: {  	[spmem:s1] =	stream.indirect.scatter.add.f32 @!p3 [tilespmem:s29], [sflag:$0x7], $0x80, s2, s0, $0xb8;
	[tilespmem:$0x1FE80] =	vst v63  }
0x8f: {  	_ =	swait.ge @!p3 [sflag:s26], $0x4000  }
0x90: {  	p2 =	por p6, !p2;
	p4 =	por p5, p1;
	[sflag:s26] =	ssyncset.done @!p3 $0x0  }
0x91: {  	s0 =	simm.s32 @!p2 $0x0;
	s2 =	simm.s32 @!p2 $0x180;
	[sflag:s26] =	ssyncadd.s32 @!p3 $0xFFFFC000  }
0x92: {  	[tilespmem:s2], [sflag:$0x6] =	stream.linear.gather @!p2 [hbm4b:s20+s0], $0x80, $0x38;
	[tilespmem:$0x1FE80] =	vst v63  }
0x93: {  	s2 =	simm.s32 @!p4 $0x4;
	s20 =	simm.s32 @!p2 $0x80  }
0x94: {  	[tilespmem:s20], [sflag:$0x4] =	stream.linear.gather @!p2 [hbm4b:s31+s0], $0x80, $0x38;
	[tilespmem:$0x1FE80] =	vst v63  }
0x95: {  	_ =	swait.ge @!p4 [sflag:s2], $0x80  }
0x96: {  	s0 =	simm.s32 @!p1 $0x1;
	[sflag:s2] =	ssyncset.done @!p4 $0x0  }
0x97: {  	s20 =	simm.s32 @!p4 $0x4200;
	[sflag:s2] =	ssyncadd.s32 @!p4 $0xFFFFFF80;
	s2 =	simm.s32 @!p4 $0x80  }
0x98: {  	[tilespmem:s20], [sflag:$0x2] =	stream.indirect.gather @!p4 [hbm4b:s4+s2], $0x80, s2, s2, $0xb8;
	[tilespmem:$0x1FE80] =	vst v63  }
0x99: {  	_ =	swait.ge @!p1 [sflag:s0], $0x4000  }
0x9a: {  	s29 =	simm.s32 @!p1 $0x80;
	s20 =	sadd.s32 @!p1 $0x2, s25;
	[sflag:s0] =	ssyncset.done @!p1 $0x0  }
0x9b: {  	s2 =	simm.s32 @!p1 $0x5;
	p2 =	sge.s32 @!p1 s20, s22;
	[sflag:s0] =	ssyncadd.s32 @!p1 $0xFFFFC000  }
0x9c: {  	s26 =	simm.s32 @!p1 $0x200;
	p2 =	por p2, p1;
	_ =	swait.ge @!p1 [sflag:s2], $0x80  }
0x9d: {  	s20 =	simm.s32 @!p1 $0x100;
	s28 =	sadd.s32 @!p2 $0xFFFFFC00, s24;
	[sflag:s2] =	ssyncset.done @!p1 $0x0  }
0x9e: {  	s0 =	simm.s32 @!p1 $0x7;
	s28 =	sshrl.u32 @!p2 s28, $0x3;
	[sflag:s2] =	ssyncadd.s32 @!p1 $0xFFFFFF80  }
0x9f: {  	[spmem:s1] =	stream.indirect.scatter.add.f32 @!p1 [tilespmem:s26], [sflag:$0x7], $0x80, s20, s29, $0xb8;
	[tilespmem:$0x1FE80] =	vst v63  }
0xa0: {  	s2 =	sadd.s32 @!p2 s6, s28;
	_ =	swait.ge @!p1 [sflag:s0], $0x4000  }
0xa1: {  	s20 =	simm.s32 @!p2 $0x100;
	[sflag:s0] =	ssyncset.done @!p1 $0x0;
	s26 =	rddreg [dreg:$0x4]  }
0xa2: {  	[sflag:s0] =	ssyncadd.s32 @!p1 $0xFFFFC000;
	s0 =	simm.s32 @!p2 $0x0;
	p1 =	sge.s32 s25, s23  }
0xa3: {  	[tilespmem:s20], [sflag:$0x5] =	stream.linear.gather @!p2 [hbm4b:s2+s0], $0x80, $0x38;
	[tilespmem:$0x1FE80] =	vst v63  }
0xa4: {  	p3 =	sge.s32 @!p1 s25, s26  }
0xa5: {  	p3 =	por p3, p1  }
0xa6: {  	s2 =	sadd.s32 @!p2 s5, s28;
	s20 =	simm.s32 @!p3 $0x3  }
0xa7: {  	[tilespmem:s0], [sflag:$0x3] =	stream.linear.gather @!p2 [hbm4b:s2+s0], $0x80, $0x38;
	[tilespmem:$0x1FE80] =	vst v63  }
0xa8: {  	_ =	swait.ge @!p3 [sflag:s20], $0x80  }
0xa9: {  	s23 =	simm.s32 @!p1 $0x2;
	s0 =	simm.s32 @!p3 $0x80;
	[sflag:s20] =	ssyncset.done @!p3 $0x0  }
0xaa: {  	s2 =	simm.s32 @!p3 $0x0;
	[sflag:s20] =	ssyncadd.s32 @!p3 $0xFFFFFF80;
	s20 =	simm.s32 @!p3 $0x200  }
0xab: {  	[tilespmem:s20], [sflag:$0x1] =	stream.indirect.gather @!p3 [hbm4b:s4+s0], $0x80, s2, s0, $0xb8;
	[tilespmem:$0x1FE80] =	vst v63  }
0xac: {  	_ =	swait.ge @!p1 [sflag:s23], $0x4000  }
0xad: {  	[sflag:s23] =	ssyncset.done @!p1 $0x0  }
0xae: {  	s2 =	simm.s32 @!p1 $0x6;
	[sflag:s23] =	ssyncadd.s32 @!p1 $0xFFFFC000  }
0xaf: {  	s0 =	sadd.s32 @!p1 $0x3, s25;
	s20 =	simm.s32 @!p1 $0x80;
	_ =	swait.ge @!p1 [sflag:s2], $0x80  }
0xb0: {  	p2 =	sge.s32 @!p1 s0, s22;
	s0 =	simm.s32 @!p1 $0x4200;
	[sflag:s2] =	ssyncset.done @!p1 $0x0  }
0xb1: {  	s22 =	simm.s32 @!p1 $0x180;
	[sflag:s2] =	ssyncadd.s32 @!p1 $0xFFFFFF80;
	s2 =	simm.s32 @!p1 $0x7  }
0xb2: {  	[spmem:s1] =	stream.indirect.scatter.add.f32 @!p1 [tilespmem:s0], [sflag:$0x7], $0x80, s22, s20, $0xb8;
	[tilespmem:$0x1FE80] =	vst v63  }
0xb3: {  	p2 =	por p2, p1;
	_ =	swait.ge @!p1 [sflag:s2], $0x4000  }
0xb4: {  	s23 =	simm.s32 @!p2 $0x180;
	s0 =	sshrl.u32 @!p2 s24, $0x3;
	[sflag:s2] =	ssyncset.done @!p1 $0x0  }
0xb5: {  	s22 =	simm.s32 @!p2 $0x0;
	s20 =	sadd.s32 @!p2 s6, s0;
	[sflag:s2] =	ssyncadd.s32 @!p1 $0xFFFFC000  }
0xb6: {  	[tilespmem:s23], [sflag:$0x6] =	stream.linear.gather @!p2 [hbm4b:s20+s22], $0x80, $0x38;
	[tilespmem:$0x1FE80] =	vst v63  }
0xb7: {  	s0 =	sadd.s32 @!p2 s5, s0;
	s2 =	simm.s32 @!p2 $0x80  }
0xb8: {  	[tilespmem:s2], [sflag:$0x4] =	stream.linear.gather @!p2 [hbm4b:s0+s22], $0x80, $0x38;
	[tilespmem:$0x1FE80] =	vst v63  }
.LBB2_9:
0xb9: {  	[bflag:$0x0] =	sbarrier.arrive $0xFFFF  }
0xba: {  	[tilespmem:s18], [sflag:$0x7] =	stream.linear.gather [spmem:s9], $0x4000, $0x38;
	[tilespmem:$0x1FE80] =	vst v63  }
0xbb: {  	_ =	swait.ge [sflag:s19], $0x4000  }
.Ltmp6:
0xbc: {  	[sflag:s19] =	ssyncset.done $0x0;
	(pc) =	sbr.rel @!p0 .LBB2_11-.Ltmp6, $4  }
0xbd: {  	[sflag:s19] =	ssyncadd.s32 $0xFFFFC000  }
0xbe: {  	[hbm4b:s17+s3] =	stream.linear.scatter [tilespmem:s18], [sflag:$0x7], $0x4000, $0x38;
	[tilespmem:$0x1FE80] =	vst v63  }
0xbf: {  	s0 =	sadd.s32 $0xFFFFFFFF, s8;
	_ =	swait.ge [sflag:s19], $0x4000  }
0xc0: {  	s2 =	smov.u32 s17;
	s20 =	smov.u32 s9;
	[sflag:s19] =	ssyncset.done $0x0  }
.LBB2_10:
0xc1: {  	[sflag:s19] =	ssyncadd.s32 $0xFFFFC000;
	s2 =	sadd.s32 $0x8000, s2;
	s20 =	sadd.s32 $0x40000, s20  }
0xc2: {  	[tilespmem:s18], [sflag:$0x7] =	stream.linear.gather [spmem:s20], $0x4000, $0x38;
	[tilespmem:$0x1FE80] =	vst v63  }
0xc3: {  	p0 =	sne.s32 s0, $0x1;
	s0 =	sadd.s32 $0xFFFFFFFF, s0;
	_ =	swait.ge [sflag:s19], $0x4000  }
.Ltmp7:
0xc4: {  	[sflag:s19] =	ssyncset.done $0x0;
	(pc) =	sbr.rel @p0 .LBB2_10-.Ltmp7, $4  }
0xc5: {  	[sflag:s19] =	ssyncadd.s32 $0xFFFFC000  }
0xc6: {  	[hbm4b:s2+s3] =	stream.linear.scatter [tilespmem:s18], [sflag:$0x7], $0x4000, $0x38;
	[tilespmem:$0x1FE80] =	vst v63  }
0xc7: {  	_ =	swait.ge [sflag:s19], $0x4000  }
0xc8: {  	[sflag:s19] =	ssyncset.done $0x0  }
.LBB2_11:
0xc9: {  	s21 =	sadd.s32 $0x1, s21  }
0xca: {  	p0 =	sne.s32 s21, s15  }
.Ltmp8:
0xcb: {  	_ = 	snop;
	(pc) =	sbr.rel @p0 .LBB2_1-.Ltmp8, $4  }
.Ltmp9:
0xcc: {  	_ = 	snop;
	(pc) =	sbr.rel @!p0 .LBB2_12-.Ltmp9, $4  }
0xcd: {  	_ = 	snop  }
0xce: {  	_ = 	snop  }
0xcf: {  	[sflag:s19] =	ssyncadd.s32 $0xFFFFC000  }
0xd0: {  	_ = 	snop  }
.LBB2_5:
.Ltmp10:
0xd1: {  	(pc) =	sbr.rel .LBB2_8-.Ltmp10, $2  }
0xd2: {  	_ =	sdelay $0x2  }
0xd3: {  	s24 =	smov.u32 s16  }
.LBB2_12:
0xd4: {  	_ =	sfence.sel $0x180000  }
0xd5: {  	[bflag:$0x0] =	sbarrier.arrive $0xFFFF  }
0xd6: {  	_ =	strace $0x90000053  }
0xd7: {  	s0 =	stileid.u32;
	[bflag:$0x2] =	sbarrier.arrive $0xFFFF  }
0xd8: {  	p0 =	sne.s32 s0, $0x0;
	s0 =	rddreg [dreg:$0x3]  }
0xd9: {  	s0 =	sadd.s32 @!p0 $0x100000, s0  }
0xda: {  	[sflag:s0] =	ssyncadd.tile.s32 @!p0 $0x1;
	_ =	shalt  }
.Lfunc_end2:
_tile_overlayer_lowered:
.L_overlay_start_2:
0xdb: {  	(tag) =	ssettag $0x2  }
0xdc: {  	s0 =	rddreg [dreg:$0x0];
	s2 =	stileid.u32  }
0xdd: {  	s1 =	rddreg [dreg:$0x1];
	p0 =	sne.s32 s2, $0x0  }
0xde: {  	s3 =	rddreg [dreg:$0x2];
	[bflag:$0x3] =	sbarrier.arrive $0xFFFF;
	s2 =	simm.s32 @!p0 $0x1C07  }
0xdf: {  	[timem:s3], [sflag:s2] =	dma.local @!p0 [hbm:s0], s1  }
0xe0: {  	s0 =	simm.s32 @!p0 $0x7  }
0xe1: {  	_ =	swait.ge @!p0 [sflag:s0], s1  }
0xe2: {  	s1 =	ssub.s32 @!p0 $0x0, s1;
	[sflag:s0] =	ssyncset.done @!p0 $0x0  }
0xe3: {  	[sflag:s0] =	ssyncadd.s32 @!p0 s1  }
0xe4: {  	[bflag:$0x3] =	sbarrier.arrive $0xFFFF  }
0xe5: {  	_ =	shalt  }

</sc_bundles>
